<compile_context>
chip_gen: v7x
topology: tpu7x:2x2x1
jax: 0.10.2.dev20260603
libtpu: 0.0.44.dev20260713+nightly
codegen_flags: <defaults>
</compile_context>

<pallas_src>
import functools

import jax
import jax.numpy as jnp
from jax import lax
from jax.experimental import pallas as pl
from jax.experimental.pallas import tpu as pltpu
from jax.experimental.pallas import tpu_sc as plsc

N = 5000
D = 128
E = 32768
BATCH = 16

NC = 2
NS = 16

ROWS_PER_TILE = 320
NPAD = ROWS_PER_TILE * NS
EPT = E // NS
CHUNK = 128
NCHUNKS = EPT // CHUNK
_sc_mesh = plsc.VectorSubcoreMesh(core_axis_name="c", subcore_axis_name="s")


def _sc_scratch(nbuf):
    return [
        pltpu.VMEM((NCHUNKS, CHUNK), jnp.int32),
        pltpu.VMEM((NCHUNKS, CHUNK), jnp.int32),
        pltpu.VMEM((nbuf, CHUNK, D), jnp.float32),
        pltpu.VMEM((ROWS_PER_TILE // 5, D), jnp.float32),
        pltpu.VMEM_SHARED((NPAD, D), jnp.float32),
        pltpu.SemaphoreType.DMA,
        pltpu.SemaphoreType.DMA,
        pltpu.SemaphoreType.DMA,
        pltpu.SemaphoreType.DMA,
    ]


def _make_sc(nbatch, boff, with_deg):
    bpc = nbatch // NC
    NBUF = 4
    if with_deg:
        out_types = [jax.ShapeDtypeStruct((nbatch, NPAD, D), jnp.float32),
                     jax.ShapeDtypeStruct((NC, NPAD, D), jnp.float32)]
    else:
        out_types = jax.ShapeDtypeStruct((nbatch, NPAD, D), jnp.float32)
    scratch = _sc_scratch(NBUF)

    @functools.partial(pl.kernel, out_type=out_types, mesh=_sc_mesh,
                       scratch_types=scratch)
    def _sc(x_hbm, src_hbm, dst_hbm, *refs):
        if with_deg:
            (agg_hbm, deg_hbm, srcv, dstv, rows, zbuf, agg_sh,
             sem0, sem1, sem2, sem3) = refs
        else:
            (agg_hbm, srcv, dstv, rows, zbuf, agg_sh,
             sem0, sem1, sem2, sem3) = refs
        c = lax.axis_index("c")
        s = lax.axis_index("s")
        my = pl.ds(s * ROWS_PER_TILE, ROWS_PER_TILE)

        zero16 = jnp.zeros((16,), jnp.float32)

        def _zrow(i, _):
            for l in range(D // 16):
                zbuf[i, pl.ds(l * 16, 16)] = zero16
            return 0

        lax.fori_loop(0, ROWS_PER_TILE // 5, _zrow, 0)

        def _zero_my_slice():
            for z in range(5):
                pltpu.sync_copy(
                    zbuf,
                    agg_sh.at[pl.ds(
                        s * ROWS_PER_TILE + z * (ROWS_PER_TILE // 5),
                        ROWS_PER_TILE // 5)])

        pltpu.sync_copy(src_hbm.at[pl.ds(s * NCHUNKS, NCHUNKS)], srcv)
        pltpu.sync_copy(dst_hbm.at[pl.ds(s * NCHUNKS, NCHUNKS)], dstv)

        if with_deg:
            one16 = jnp.full((16,), 1.0, jnp.float32)

            def _orow(i, _):
                for l in range(D // 16):
                    rows[0, i, pl.ds(l * 16, 16)] = one16
                return 0

            lax.fori_loop(0, CHUNK, _orow, 0)
            _zero_my_slice()
            plsc.subcore_barrier()
            half_chunks = NCHUNKS // 2
            dsc = [None] * half_chunks
            for jj in range(half_chunks):
                if jj - 2 >= 0:
                    dsc[jj - 2].wait()
                dsc[jj] = pltpu.async_copy(
                    rows.at[0], agg_sh.at[dstv.at[c * half_chunks + jj]],
                    (sem0, sem1)[jj % 2], add=True)
            dsc[half_chunks - 2].wait()
            dsc[half_chunks - 1].wait()
            plsc.subcore_barrier()
            pltpu.sync_copy(agg_sh.at[my], deg_hbm.at[c, my])

        base0 = (boff + c * bpc) * N

        def _shift(i, _):
            for l in range(CHUNK // 16):
                sl = pl.ds(l * 16, 16)
                srcv[i, sl] = srcv[i, sl] + base0
            return 0

        lax.fori_loop(0, NCHUNKS, _shift, 0)

        sems = (sem0, sem1, sem2, sem3)

        def _issue_gather(j):
            return pltpu.async_copy(
                x_hbm.at[srcv.at[j]], rows.at[j % NBUF], sems[j % NBUF])

        _zero_my_slice()
        for j in range(NBUF - 1):
            _issue_gather(j)

        def _batch(b, _):
            plsc.subcore_barrier()
            scat = [None] * NCHUNKS
            gat = [None] * NCHUNKS
            for j in range(NCHUNKS):
                if j - 1 >= 0:
                    scat[j - 1].wait()
                if j + NBUF - 1 < NCHUNKS:
                    jn = j + NBUF - 1
                    gat[jn] = _issue_gather(jn)
                if j < NBUF - 1:
                    pltpu.make_async_copy(
                        x_hbm.at[srcv.at[j]], rows.at[j % NBUF],
                        sems[j % NBUF]).wait()
                else:
                    gat[j].wait()
                scat[j] = pltpu.async_copy(
                    rows.at[j % NBUF], agg_sh.at[dstv.at[j]],
                    sems[j % NBUF], add=True)
            scat[NCHUNKS - 1].wait()
            plsc.subcore_barrier()

            def _bump(i, _):
                for l in range(CHUNK // 16):
                    sl = pl.ds(l * 16, 16)
                    srcv[i, sl] = srcv[i, sl] + N
                return 0

            lax.fori_loop(0, NCHUNKS, _bump, 0)

            @pl.when(b + 1 < bpc)
            def _prime_next():
                for j in range(NBUF - 1):
                    _issue_gather(j)

            bg = c * bpc + b
            pltpu.sync_copy(agg_sh.at[my], agg_hbm.at[bg, my])
            _zero_my_slice()
            return 0

        lax.fori_loop(0, bpc, _batch, 0)

    return _sc


SPLIT = 12

_sc_first = _make_sc(SPLIT, 0, True)
_sc_second = _make_sc(BATCH - SPLIT, SPLIT, False)


BN = 5000


def _dense_body(x_ref, agg_ref, deg_ref, ws_ref, wn_ref, b_ref, g_ref, be_ref,
                o_ref):
    xb = x_ref[0]
    inv = 1.0 / jnp.maximum(deg_ref[0] + deg_ref[1], 1.0)
    neigh = agg_ref[0] * inv
    out = (jnp.dot(xb, ws_ref[...], preferred_element_type=jnp.float32)
           + jnp.dot(neigh, wn_ref[...], preferred_element_type=jnp.float32)
           + b_ref[...])
    mu = jnp.mean(out, axis=-1, keepdims=True)
    var = jnp.mean((out - mu) ** 2, axis=-1, keepdims=True)
    out = (out - mu) * lax.rsqrt(var + 1e-5) * g_ref[...] + be_ref[...]
    o_ref[0] = jnp.maximum(out, 0.0)


def _dense_body_aliased(x_ref, agg_ref, deg_ref, ws_ref, wn_ref, b_ref, g_ref,
                        be_ref, prev_ref, o_ref):
    del prev_ref
    _dense_body(x_ref, agg_ref, deg_ref, ws_ref, wn_ref, b_ref, g_ref, be_ref,
                o_ref)


def _make_dense(boff, nb, aliased):
    in_specs = [
        pl.BlockSpec((1, BN, D), lambda j, b: (b + boff, j, 0)),
        pl.BlockSpec((1, BN, D), lambda j, b: (b, j, 0)),
        pl.BlockSpec((NC, BN, D), lambda j, b: (0, j, 0)),
        pl.BlockSpec((D, D), lambda j, b: (0, 0)),
        pl.BlockSpec((D, D), lambda j, b: (0, 0)),
        pl.BlockSpec((1, D), lambda j, b: (0, 0)),
        pl.BlockSpec((1, D), lambda j, b: (0, 0)),
        pl.BlockSpec((1, D), lambda j, b: (0, 0)),
    ]
    body = _dense_body
    aliases = {}
    if aliased:
        in_specs.append(pl.BlockSpec(memory_space=pl.ANY))
        body = _dense_body_aliased
        aliases = {8: 0}
    return pl.pallas_call(
        body,
        grid=(N // BN, nb),
        in_specs=in_specs,
        out_specs=pl.BlockSpec((1, BN, D), lambda j, b: (b + boff, j, 0)),
        out_shape=jax.ShapeDtypeStruct((BATCH, N, D), jnp.float32),
        input_output_aliases=aliases,
        compiler_params=pltpu.CompilerParams(
            dimension_semantics=("parallel", "parallel")),
    )


_dense_a = _make_dense(0, SPLIT, False)
_dense_b = _make_dense(SPLIT, BATCH - SPLIT, True)


def kernel(x, edge_index, batch_size, W_self, W_neigh, bias, gamma, beta):
    x_flat = x.reshape(BATCH * N, D)
    src2d = edge_index[0].reshape(E // CHUNK, CHUNK)
    dst2d = edge_index[1].reshape(E // CHUNK, CHUNK)
    b2 = bias.reshape(1, D)
    g2 = gamma.reshape(1, D)
    be2 = beta.reshape(1, D)
    agg0, deg_pad = _sc_first(x_flat, src2d, dst2d)
    agg1 = _sc_second(x_flat, src2d, dst2d)
    half0 = _dense_a(x, agg0, deg_pad, W_self, W_neigh, b2, g2, be2)
    out = _dense_b(x, agg1, deg_pad, W_self, W_neigh, b2, g2, be2, half0)
    return out

# --- scband reference (transcript-rebuilt; emitter-appended) ---
"""Pipeline reference for scband-aasistlite-37254546326041 (READ-ONLY COPY).

The authoritative reference and input builder live on the scoring server;
editing this copy changes nothing except your own understanding.
"""

import jax, jax.numpy as jnp
import numpy as np

B = 16
N = 5000
E = 32768
D = 128
OUT = 128


def setup_inputs(seed: int = 0) -> dict:
    key = jax.random.key(seed)
    ks = jax.random.split(key, 8)
    x = jax.random.normal(ks[0], (B, N, D), dtype=jnp.float32)
    edge_index = jax.random.randint(ks[1], (2, E), 0, N, dtype=jnp.int32)
    W_self = jax.random.normal(ks[2], (D, OUT), dtype=jnp.float32) * (1.0 / np.sqrt(D))
    W_neigh = jax.random.normal(ks[3], (D, OUT), dtype=jnp.float32) * (1.0 / np.sqrt(D))
    bias = jnp.zeros((OUT,), dtype=jnp.float32)
    gamma = jnp.ones((OUT,), dtype=jnp.float32)
    beta = jnp.zeros((OUT,), dtype=jnp.float32)
    return {
        'x': x,
        'edge_index': edge_index,
        'batch_size': B,
        'W_self': W_self,
        'W_neigh': W_neigh,
        'bias': bias,
        'gamma': gamma,
        'beta': beta,
    }


def reference(x, edge_index, batch_size, W_self, W_neigh, bias, gamma, beta):
    # GraphSAGELayer.forward (eval mode: dropout = identity)
    num_nodes = x.shape[1]
    src = edge_index[0]
    dst = edge_index[1]
    # _expand_edge_index: repeat edges for batched graphs with disjoint node sets
    bs = x.shape[0]
    batch_size_t = jnp.asarray(batch_size, dtype=src.dtype)
    offsets = (jnp.arange(bs, dtype=src.dtype)[:, None] + (batch_size_t - bs)) * num_nodes
    src_e = (src[None, :] + offsets).reshape(-1)
    dst_e = (dst[None, :] + offsets).reshape(-1)
    x_flat = x.reshape(bs * num_nodes, -1)
    # scatter-add aggregation (index_add_)
    agg = jnp.zeros_like(x_flat).at[dst_e].add(x_flat[src_e])
    deg = jnp.zeros((bs * num_nodes, 1), dtype=x_flat.dtype).at[dst_e].add(
        jnp.ones((dst_e.shape[0], 1), dtype=x_flat.dtype)
    )
    neigh = agg / jnp.clip(deg, 1.0, None)
    out = x_flat @ W_self + neigh @ W_neigh + bias
    # LayerNorm (eps=1e-5, biased variance)
    mu = jnp.mean(out, axis=-1, keepdims=True)
    var = jnp.var(out, axis=-1, keepdims=True)
    out = (out - mu) / jnp.sqrt(var + 1e-5) * gamma + beta
    out = jax.nn.relu(out)
    return out.reshape(bs, num_nodes, -1)

if __name__ == "__main__":
    import jax
    _d = setup_inputs()
    print(jax.jit(kernel)(*tuple(_d.values())))

</pallas_src>

<mosaic_0001>
#map = affine_map<(d0, d1) -> (0, 0)>
#map1 = affine_map<(d0, d1) -> (0, 0, 0)>
module attributes {stable_mosaic.version = 14 : i64} {
  func.func @_sc(%arg0: i32, %arg1: i32, %arg2: memref<80000x128xf32, #tpu.memory_space<hbm>>, %arg3: memref<256x128xi32, #tpu.memory_space<hbm>>, %arg4: memref<256x128xi32, #tpu.memory_space<hbm>>, %arg5: memref<12x5120x128xf32, #tpu.memory_space<hbm>>, %arg6: memref<2x5120x128xf32, #tpu.memory_space<hbm>>, %arg7: memref<16x128xi32, #tpu.memory_space<vmem>>, %arg8: memref<16x128xi32, #tpu.memory_space<vmem>>, %arg9: memref<4x128x128xf32, #tpu.memory_space<vmem>>, %arg10: memref<64x128xf32, #tpu.memory_space<vmem>>, %arg11: memref<5120x128xf32, #tpu.memory_space<vmem_shared>>, %arg12: memref<!tpu.dma_semaphore, #tpu.memory_space<semaphore_mem>>, %arg13: memref<!tpu.dma_semaphore, #tpu.memory_space<semaphore_mem>>, %arg14: memref<!tpu.dma_semaphore, #tpu.memory_space<semaphore_mem>>, %arg15: memref<!tpu.dma_semaphore, #tpu.memory_space<semaphore_mem>>) attributes {dimension_semantics = [#tpu.dimension_semantics<core_parallel>, #tpu.dimension_semantics<subcore_parallel>], iteration_bounds = array<i64: 2, 16>, scalar_prefetch = 0 : i64, scratch_operands = 9 : i64, tpu.core_type = #tpu.core_type<sc_vector_subcore>, window_params = [{transform_indices = #map}, {transform_indices = #map}, {transform_indices = #map}, {transform_indices = #map1}, {transform_indices = #map1}]} {
    %mul3A = arith.constant 320 : i32
    %mul3A_0 = arith.muli %arg1, %mul3A : i32
    %broadcast_in_dim3A = arith.constant 0.000000e+00 : f32
    %broadcast_in_dim3A_1 = vector.broadcast %broadcast_in_dim3A : f32 to vector<16xf32>
    %scan3A = arith.constant 0 : i32
    %scan3A_2 = arith.constant 0 : i32
    %scan3A_3 = arith.constant 64 : i32
    %scan3A_4 = arith.addi %scan3A_2, %scan3A_3 : i32
    %scan3A_5 = arith.constant 1 : i32
    %scan3A_6 = scf.for %scan3A_323 = %scan3A_2 to %scan3A_4 step %scan3A_5 iter_args(%scan3A_324 = %scan3A) -> (i32)  : i32 {
      %swap3A = arith.index_cast %scan3A_323 : i32 to index
      %swap3A_325 = arith.constant 0 : index
      %swap3A_326 = tpu.vector_load %arg10[%swap3A, %swap3A_325] {strides = array<i32>} : memref<64x128xf32, #tpu.memory_space<vmem>>, vector<1x16xf32>,
      %swap3A_327 = vector.shape_cast %swap3A_326 : vector<1x16xf32> to vector<16xf32>
      %swap3A_328 = vector.shape_cast %broadcast_in_dim3A_1 : vector<16xf32> to vector<1x16xf32>
      tpu.vector_store %arg10[%swap3A, %swap3A_325], %swap3A_328 {strides = array<i32>} : memref<64x128xf32, #tpu.memory_space<vmem>>, vector<1x16xf32>,
      %swap3A_329 = arith.index_cast %scan3A_323 : i32 to index
      %swap3A_330 = arith.constant 16 : index
      %swap3A_331 = tpu.vector_load %arg10[%swap3A_329, %swap3A_330] {strides = array<i32>} : memref<64x128xf32, #tpu.memory_space<vmem>>, vector<1x16xf32>,
      %swap3A_332 = vector.shape_cast %swap3A_331 : vector<1x16xf32> to vector<16xf32>
      %swap3A_333 = vector.shape_cast %broadcast_in_dim3A_1 : vector<16xf32> to vector<1x16xf32>
      tpu.vector_store %arg10[%swap3A_329, %swap3A_330], %swap3A_333 {strides = array<i32>} : memref<64x128xf32, #tpu.memory_space<vmem>>, vector<1x16xf32>,
      %swap3A_334 = arith.index_cast %scan3A_323 : i32 to index
      %swap3A_335 = arith.constant 32 : index
      %swap3A_336 = tpu.vector_load %arg10[%swap3A_334, %swap3A_335] {strides = array<i32>} : memref<64x128xf32, #tpu.memory_space<vmem>>, vector<1x16xf32>,
      %swap3A_337 = vector.shape_cast %swap3A_336 : vector<1x16xf32> to vector<16xf32>
      %swap3A_338 = vector.shape_cast %broadcast_in_dim3A_1 : vector<16xf32> to vector<1x16xf32>
      tpu.vector_store %arg10[%swap3A_334, %swap3A_335], %swap3A_338 {strides = array<i32>} : memref<64x128xf32, #tpu.memory_space<vmem>>, vector<1x16xf32>,
      %swap3A_339 = arith.index_cast %scan3A_323 : i32 to index
      %swap3A_340 = arith.constant 48 : index
      %swap3A_341 = tpu.vector_load %arg10[%swap3A_339, %swap3A_340] {strides = array<i32>} : memref<64x128xf32, #tpu.memory_space<vmem>>, vector<1x16xf32>,
      %swap3A_342 = vector.shape_cast %swap3A_341 : vector<1x16xf32> to vector<16xf32>
      %swap3A_343 = vector.shape_cast %broadcast_in_dim3A_1 : vector<16xf32> to vector<1x16xf32>
      tpu.vector_store %arg10[%swap3A_339, %swap3A_340], %swap3A_343 {strides = array<i32>} : memref<64x128xf32, #tpu.memory_space<vmem>>, vector<1x16xf32>,
      %swap3A_344 = arith.index_cast %scan3A_323 : i32 to index
      %swap3A_345 = arith.constant 64 : index
      %swap3A_346 = tpu.vector_load %arg10[%swap3A_344, %swap3A_345] {strides = array<i32>} : memref<64x128xf32, #tpu.memory_space<vmem>>, vector<1x16xf32>,
      %swap3A_347 = vector.shape_cast %swap3A_346 : vector<1x16xf32> to vector<16xf32>
      %swap3A_348 = vector.shape_cast %broadcast_in_dim3A_1 : vector<16xf32> to vector<1x16xf32>
      tpu.vector_store %arg10[%swap3A_344, %swap3A_345], %swap3A_348 {strides = array<i32>} : memref<64x128xf32, #tpu.memory_space<vmem>>, vector<1x16xf32>,
      %swap3A_349 = arith.index_cast %scan3A_323 : i32 to index
      %swap3A_350 = arith.constant 80 : index
      %swap3A_351 = tpu.vector_load %arg10[%swap3A_349, %swap3A_350] {strides = array<i32>} : memref<64x128xf32, #tpu.memory_space<vmem>>, vector<1x16xf32>,
      %swap3A_352 = vector.shape_cast %swap3A_351 : vector<1x16xf32> to vector<16xf32>
      %swap3A_353 = vector.shape_cast %broadcast_in_dim3A_1 : vector<16xf32> to vector<1x16xf32>
      tpu.vector_store %arg10[%swap3A_349, %swap3A_350], %swap3A_353 {strides = array<i32>} : memref<64x128xf32, #tpu.memory_space<vmem>>, vector<1x16xf32>,
      %swap3A_354 = arith.index_cast %scan3A_323 : i32 to index
      %swap3A_355 = arith.constant 96 : index
      %swap3A_356 = tpu.vector_load %arg10[%swap3A_354, %swap3A_355] {strides = array<i32>} : memref<64x128xf32, #tpu.memory_space<vmem>>, vector<1x16xf32>,
      %swap3A_357 = vector.shape_cast %swap3A_356 : vector<1x16xf32> to vector<16xf32>
      %swap3A_358 = vector.shape_cast %broadcast_in_dim3A_1 : vector<16xf32> to vector<1x16xf32>
      tpu.vector_store %arg10[%swap3A_354, %swap3A_355], %swap3A_358 {strides = array<i32>} : memref<64x128xf32, #tpu.memory_space<vmem>>, vector<1x16xf32>,
      %swap3A_359 = arith.index_cast %scan3A_323 : i32 to index
      %swap3A_360 = arith.constant 112 : index
      %swap3A_361 = tpu.vector_load %arg10[%swap3A_359, %swap3A_360] {strides = array<i32>} : memref<64x128xf32, #tpu.memory_space<vmem>>, vector<1x16xf32>,
      %swap3A_362 = vector.shape_cast %swap3A_361 : vector<1x16xf32> to vector<16xf32>
      %swap3A_363 = vector.shape_cast %broadcast_in_dim3A_1 : vector<16xf32> to vector<1x16xf32>
      tpu.vector_store %arg10[%swap3A_359, %swap3A_360], %swap3A_363 {strides = array<i32>} : memref<64x128xf32, #tpu.memory_space<vmem>>, vector<1x16xf32>,
      %scan3A_364 = arith.constant 0 : i32
      scf.yield %scan3A_364 : i32
    }
    %scan3A_7 = arith.constant 64 : i32
    %mul3A_8 = arith.constant 16 : i32
    %mul3A_9 = arith.muli %arg1, %mul3A_8 : i32
    "tpu.region"() ({
      %run_scoped3A = tpu.sem_alloc : memref<!tpu.dma_semaphore, #tpu.memory_space<semaphore_mem>>
      %dma_start3A_323 = arith.constant 0 : i32
      %dma_start3A_324 = tpu.memref_slice %arg3[%mul3A_9, %dma_start3A_323] : memref<256x128xi32, #tpu.memory_space<hbm>> -> memref<16x128xi32, #tpu.memory_space<hbm>>
      %dma_start3A_325 = arith.constant 0 : i32
      %dma_start3A_326 = tpu.memref_slice %arg3[%mul3A_9, %dma_start3A_325] : memref<256x128xi32, #tpu.memory_space<hbm>> -> memref<16x128xi32, #tpu.memory_space<hbm>>
      tpu.enqueue_dma source(%dma_start3A_326 : memref<16x128xi32, #tpu.memory_space<hbm>>) target(%arg7 : memref<16x128xi32, #tpu.memory_space<vmem>>) target_semaphore(%run_scoped3A : memref<!tpu.dma_semaphore, #tpu.memory_space<semaphore_mem>>)
      %dma_wait3A_327 = arith.constant 0 : i32
      %dma_wait3A_328 = tpu.memref_slice %arg3[%mul3A_9, %dma_wait3A_327] : memref<256x128xi32, #tpu.memory_space<hbm>> -> memref<16x128xi32, #tpu.memory_space<hbm>>
      %dma_wait3A_329 = arith.constant 0 : i32
      %dma_wait3A_330 = tpu.memref_slice %arg3[%mul3A_9, %dma_wait3A_329] : memref<256x128xi32, #tpu.memory_space<hbm>> -> memref<16x128xi32, #tpu.memory_space<hbm>>
      tpu.wait_dma2 semaphore(%run_scoped3A : memref<!tpu.dma_semaphore, #tpu.memory_space<semaphore_mem>>) src(%dma_wait3A_330 : memref<16x128xi32, #tpu.memory_space<hbm>>) dst(%arg7 : memref<16x128xi32, #tpu.memory_space<vmem>>)
      tpu.yield
    }) : () -> ()
    %mul3A_10 = arith.constant 16 : i32
    %mul3A_11 = arith.muli %arg1, %mul3A_10 : i32
    "tpu.region"() ({
      %run_scoped3A = tpu.sem_alloc : memref<!tpu.dma_semaphore, #tpu.memory_space<semaphore_mem>>
      %dma_start3A_323 = arith.constant 0 : i32
      %dma_start3A_324 = tpu.memref_slice %arg4[%mul3A_11, %dma_start3A_323] : memref<256x128xi32, #tpu.memory_space<hbm>> -> memref<16x128xi32, #tpu.memory_space<hbm>>
      %dma_start3A_325 = arith.constant 0 : i32
      %dma_start3A_326 = tpu.memref_slice %arg4[%mul3A_11, %dma_start3A_325] : memref<256x128xi32, #tpu.memory_space<hbm>> -> memref<16x128xi32, #tpu.memory_space<hbm>>
      tpu.enqueue_dma source(%dma_start3A_326 : memref<16x128xi32, #tpu.memory_space<hbm>>) target(%arg8 : memref<16x128xi32, #tpu.memory_space<vmem>>) target_semaphore(%run_scoped3A : memref<!tpu.dma_semaphore, #tpu.memory_space<semaphore_mem>>)
      %dma_wait3A_327 = arith.constant 0 : i32
      %dma_wait3A_328 = tpu.memref_slice %arg4[%mul3A_11, %dma_wait3A_327] : memref<256x128xi32, #tpu.memory_space<hbm>> -> memref<16x128xi32, #tpu.memory_space<hbm>>
      %dma_wait3A_329 = arith.constant 0 : i32
      %dma_wait3A_330 = tpu.memref_slice %arg4[%mul3A_11, %dma_wait3A_329] : memref<256x128xi32, #tpu.memory_space<hbm>> -> memref<16x128xi32, #tpu.memory_space<hbm>>
      tpu.wait_dma2 semaphore(%run_scoped3A : memref<!tpu.dma_semaphore, #tpu.memory_space<semaphore_mem>>) src(%dma_wait3A_330 : memref<16x128xi32, #tpu.memory_space<hbm>>) dst(%arg8 : memref<16x128xi32, #tpu.memory_space<vmem>>)
      tpu.yield
    }) : () -> ()
    %broadcast_in_dim3A_12 = arith.constant 1.000000e+00 : f32
    %broadcast_in_dim3A_13 = vector.broadcast %broadcast_in_dim3A_12 : f32 to vector<16xf32>
    %scan3A_14 = arith.constant 0 : i32
    %scan3A_15 = arith.constant 0 : i32
    %scan3A_16 = arith.constant 128 : i32
    %scan3A_17 = arith.addi %scan3A_15, %scan3A_16 : i32
    %scan3A_18 = arith.constant 1 : i32
    %scan3A_19 = scf.for %scan3A_323 = %scan3A_15 to %scan3A_17 step %scan3A_18 iter_args(%scan3A_324 = %scan3A_14) -> (i32)  : i32 {
      %swap3A = arith.constant 0 : i32
      %swap3A_325 = arith.index_cast %swap3A : i32 to index
      %swap3A_326 = arith.index_cast %scan3A_323 : i32 to index
      %swap3A_327 = arith.constant 0 : index
      %swap3A_328 = tpu.vector_load %arg9[%swap3A_325, %swap3A_326, %swap3A_327] {strides = array<i32>} : memref<4x128x128xf32, #tpu.memory_space<vmem>>, vector<1x1x16xf32>,
      %swap3A_329 = vector.shape_cast %swap3A_328 : vector<1x1x16xf32> to vector<16xf32>
      %swap3A_330 = vector.shape_cast %broadcast_in_dim3A_13 : vector<16xf32> to vector<1x1x16xf32>
      tpu.vector_store %arg9[%swap3A_325, %swap3A_326, %swap3A_327], %swap3A_330 {strides = array<i32>} : memref<4x128x128xf32, #tpu.memory_space<vmem>>, vector<1x1x16xf32>,
      %swap3A_331 = arith.constant 0 : i32
      %swap3A_332 = arith.index_cast %swap3A_331 : i32 to index
      %swap3A_333 = arith.index_cast %scan3A_323 : i32 to index
      %swap3A_334 = arith.constant 16 : index
      %swap3A_335 = tpu.vector_load %arg9[%swap3A_332, %swap3A_333, %swap3A_334] {strides = array<i32>} : memref<4x128x128xf32, #tpu.memory_space<vmem>>, vector<1x1x16xf32>,
      %swap3A_336 = vector.shape_cast %swap3A_335 : vector<1x1x16xf32> to vector<16xf32>
      %swap3A_337 = vector.shape_cast %broadcast_in_dim3A_13 : vector<16xf32> to vector<1x1x16xf32>
      tpu.vector_store %arg9[%swap3A_332, %swap3A_333, %swap3A_334], %swap3A_337 {strides = array<i32>} : memref<4x128x128xf32, #tpu.memory_space<vmem>>, vector<1x1x16xf32>,
      %swap3A_338 = arith.constant 0 : i32
      %swap3A_339 = arith.index_cast %swap3A_338 : i32 to index
      %swap3A_340 = arith.index_cast %scan3A_323 : i32 to index
      %swap3A_341 = arith.constant 32 : index
      %swap3A_342 = tpu.vector_load %arg9[%swap3A_339, %swap3A_340, %swap3A_341] {strides = array<i32>} : memref<4x128x128xf32, #tpu.memory_space<vmem>>, vector<1x1x16xf32>,
      %swap3A_343 = vector.shape_cast %swap3A_342 : vector<1x1x16xf32> to vector<16xf32>
      %swap3A_344 = vector.shape_cast %broadcast_in_dim3A_13 : vector<16xf32> to vector<1x1x16xf32>
      tpu.vector_store %arg9[%swap3A_339, %swap3A_340, %swap3A_341], %swap3A_344 {strides = array<i32>} : memref<4x128x128xf32, #tpu.memory_space<vmem>>, vector<1x1x16xf32>,
      %swap3A_345 = arith.constant 0 : i32
      %swap3A_346 = arith.index_cast %swap3A_345 : i32 to index
      %swap3A_347 = arith.index_cast %scan3A_323 : i32 to index
      %swap3A_348 = arith.constant 48 : index
      %swap3A_349 = tpu.vector_load %arg9[%swap3A_346, %swap3A_347, %swap3A_348] {strides = array<i32>} : memref<4x128x128xf32, #tpu.memory_space<vmem>>, vector<1x1x16xf32>,
      %swap3A_350 = vector.shape_cast %swap3A_349 : vector<1x1x16xf32> to vector<16xf32>
      %swap3A_351 = vector.shape_cast %broadcast_in_dim3A_13 : vector<16xf32> to vector<1x1x16xf32>
      tpu.vector_store %arg9[%swap3A_346, %swap3A_347, %swap3A_348], %swap3A_351 {strides = array<i32>} : memref<4x128x128xf32, #tpu.memory_space<vmem>>, vector<1x1x16xf32>,
      %swap3A_352 = arith.constant 0 : i32
      %swap3A_353 = arith.index_cast %swap3A_352 : i32 to index
      %swap3A_354 = arith.index_cast %scan3A_323 : i32 to index
      %swap3A_355 = arith.constant 64 : index
      %swap3A_356 = tpu.vector_load %arg9[%swap3A_353, %swap3A_354, %swap3A_355] {strides = array<i32>} : memref<4x128x128xf32, #tpu.memory_space<vmem>>, vector<1x1x16xf32>,
      %swap3A_357 = vector.shape_cast %swap3A_356 : vector<1x1x16xf32> to vector<16xf32>
      %swap3A_358 = vector.shape_cast %broadcast_in_dim3A_13 : vector<16xf32> to vector<1x1x16xf32>
      tpu.vector_store %arg9[%swap3A_353, %swap3A_354, %swap3A_355], %swap3A_358 {strides = array<i32>} : memref<4x128x128xf32, #tpu.memory_space<vmem>>, vector<1x1x16xf32>,
      %swap3A_359 = arith.constant 0 : i32
      %swap3A_360 = arith.index_cast %swap3A_359 : i32 to index
      %swap3A_361 = arith.index_cast %scan3A_323 : i32 to index
      %swap3A_362 = arith.constant 80 : index
      %swap3A_363 = tpu.vector_load %arg9[%swap3A_360, %swap3A_361, %swap3A_362] {strides = array<i32>} : memref<4x128x128xf32, #tpu.memory_space<vmem>>, vector<1x1x16xf32>,
      %swap3A_364 = vector.shape_cast %swap3A_363 : vector<1x1x16xf32> to vector<16xf32>
      %swap3A_365 = vector.shape_cast %broadcast_in_dim3A_13 : vector<16xf32> to vector<1x1x16xf32>
      tpu.vector_store %arg9[%swap3A_360, %swap3A_361, %swap3A_362], %swap3A_365 {strides = array<i32>} : memref<4x128x128xf32, #tpu.memory_space<vmem>>, vector<1x1x16xf32>,
      %swap3A_366 = arith.constant 0 : i32
      %swap3A_367 = arith.index_cast %swap3A_366 : i32 to index
      %swap3A_368 = arith.index_cast %scan3A_323 : i32 to index
      %swap3A_369 = arith.constant 96 : index
      %swap3A_370 = tpu.vector_load %arg9[%swap3A_367, %swap3A_368, %swap3A_369] {strides = array<i32>} : memref<4x128x128xf32, #tpu.memory_space<vmem>>, vector<1x1x16xf32>,
      %swap3A_371 = vector.shape_cast %swap3A_370 : vector<1x1x16xf32> to vector<16xf32>
      %swap3A_372 = vector.shape_cast %broadcast_in_dim3A_13 : vector<16xf32> to vector<1x1x16xf32>
      tpu.vector_store %arg9[%swap3A_367, %swap3A_368, %swap3A_369], %swap3A_372 {strides = array<i32>} : memref<4x128x128xf32, #tpu.memory_space<vmem>>, vector<1x1x16xf32>,
      %swap3A_373 = arith.constant 0 : i32
      %swap3A_374 = arith.index_cast %swap3A_373 : i32 to index
      %swap3A_375 = arith.index_cast %scan3A_323 : i32 to index
      %swap3A_376 = arith.constant 112 : index
      %swap3A_377 = tpu.vector_load %arg9[%swap3A_374, %swap3A_375, %swap3A_376] {strides = array<i32>} : memref<4x128x128xf32, #tpu.memory_space<vmem>>, vector<1x1x16xf32>,
      %swap3A_378 = vector.shape_cast %swap3A_377 : vector<1x1x16xf32> to vector<16xf32>
      %swap3A_379 = vector.shape_cast %broadcast_in_dim3A_13 : vector<16xf32> to vector<1x1x16xf32>
      tpu.vector_store %arg9[%swap3A_374, %swap3A_375, %swap3A_376], %swap3A_379 {strides = array<i32>} : memref<4x128x128xf32, #tpu.memory_space<vmem>>, vector<1x1x16xf32>,
      %scan3A_380 = arith.constant 0 : i32
      scf.yield %scan3A_380 : i32
    }
    %scan3A_20 = arith.constant 128 : i32
    %mul3A_21 = arith.constant 320 : i32
    %mul3A_22 = arith.muli %arg1, %mul3A_21 : i32
    %add3A = arith.constant 0 : i32
    %add3A_23 = arith.addi %mul3A_22, %add3A : i32
    "tpu.region"() ({
      %run_scoped3A = tpu.sem_alloc : memref<!tpu.dma_semaphore, #tpu.memory_space<semaphore_mem>>
      %dma_start3A_323 = arith.constant 0 : i32
      %dma_start3A_324 = tpu.memref_slice %arg11[%add3A_23, %dma_start3A_323] : memref<5120x128xf32, #tpu.memory_space<vmem_shared>> -> memref<64x128xf32, #tpu.memory_space<vmem_shared>>
      %dma_start3A_325 = arith.constant 0 : i32
      %dma_start3A_326 = tpu.memref_slice %arg11[%add3A_23, %dma_start3A_325] : memref<5120x128xf32, #tpu.memory_space<vmem_shared>> -> memref<64x128xf32, #tpu.memory_space<vmem_shared>>
      tpu.enqueue_dma source(%arg10 : memref<64x128xf32, #tpu.memory_space<vmem>>) target(%dma_start3A_326 : memref<64x128xf32, #tpu.memory_space<vmem_shared>>) target_semaphore(%run_scoped3A : memref<!tpu.dma_semaphore, #tpu.memory_space<semaphore_mem>>)
      %dma_wait3A_327 = arith.constant 0 : i32
      %dma_wait3A_328 = tpu.memref_slice %arg11[%add3A_23, %dma_wait3A_327] : memref<5120x128xf32, #tpu.memory_space<vmem_shared>> -> memref<64x128xf32, #tpu.memory_space<vmem_shared>>
      %dma_wait3A_329 = arith.constant 0 : i32
      %dma_wait3A_330 = tpu.memref_slice %arg11[%add3A_23, %dma_wait3A_329] : memref<5120x128xf32, #tpu.memory_space<vmem_shared>> -> memref<64x128xf32, #tpu.memory_space<vmem_shared>>
      tpu.wait_dma2 semaphore(%run_scoped3A : memref<!tpu.dma_semaphore, #tpu.memory_space<semaphore_mem>>) src(%arg10 : memref<64x128xf32, #tpu.memory_space<vmem>>) dst(%dma_wait3A_330 : memref<64x128xf32, #tpu.memory_space<vmem_shared>>)
      tpu.yield
    }) : () -> ()
    %mul3A_24 = arith.constant 320 : i32
    %mul3A_25 = arith.muli %arg1, %mul3A_24 : i32
    %add3A_26 = arith.constant 64 : i32
    %add3A_27 = arith.addi %mul3A_25, %add3A_26 : i32
    "tpu.region"() ({
      %run_scoped3A = tpu.sem_alloc : memref<!tpu.dma_semaphore, #tpu.memory_space<semaphore_mem>>
      %dma_start3A_323 = arith.constant 0 : i32
      %dma_start3A_324 = tpu.memref_slice %arg11[%add3A_27, %dma_start3A_323] : memref<5120x128xf32, #tpu.memory_space<vmem_shared>> -> memref<64x128xf32, #tpu.memory_space<vmem_shared>>
      %dma_start3A_325 = arith.constant 0 : i32
      %dma_start3A_326 = tpu.memref_slice %arg11[%add3A_27, %dma_start3A_325] : memref<5120x128xf32, #tpu.memory_space<vmem_shared>> -> memref<64x128xf32, #tpu.memory_space<vmem_shared>>
      tpu.enqueue_dma source(%arg10 : memref<64x128xf32, #tpu.memory_space<vmem>>) target(%dma_start3A_326 : memref<64x128xf32, #tpu.memory_space<vmem_shared>>) target_semaphore(%run_scoped3A : memref<!tpu.dma_semaphore, #tpu.memory_space<semaphore_mem>>)
      %dma_wait3A_327 = arith.constant 0 : i32
      %dma_wait3A_328 = tpu.memref_slice %arg11[%add3A_27, %dma_wait3A_327] : memref<5120x128xf32, #tpu.memory_space<vmem_shared>> -> memref<64x128xf32, #tpu.memory_space<vmem_shared>>
      %dma_wait3A_329 = arith.constant 0 : i32
      %dma_wait3A_330 = tpu.memref_slice %arg11[%add3A_27, %dma_wait3A_329] : memref<5120x128xf32, #tpu.memory_space<vmem_shared>> -> memref<64x128xf32, #tpu.memory_space<vmem_shared>>
      tpu.wait_dma2 semaphore(%run_scoped3A : memref<!tpu.dma_semaphore, #tpu.memory_space<semaphore_mem>>) src(%arg10 : memref<64x128xf32, #tpu.memory_space<vmem>>) dst(%dma_wait3A_330 : memref<64x128xf32, #tpu.memory_space<vmem_shared>>)
      tpu.yield
    }) : () -> ()
    %mul3A_28 = arith.constant 320 : i32
    %mul3A_29 = arith.muli %arg1, %mul3A_28 : i32
    %add3A_30 = arith.constant 128 : i32
    %add3A_31 = arith.addi %mul3A_29, %add3A_30 : i32
    "tpu.region"() ({
      %run_scoped3A = tpu.sem_alloc : memref<!tpu.dma_semaphore, #tpu.memory_space<semaphore_mem>>
      %dma_start3A_323 = arith.constant 0 : i32
      %dma_start3A_324 = tpu.memref_slice %arg11[%add3A_31, %dma_start3A_323] : memref<5120x128xf32, #tpu.memory_space<vmem_shared>> -> memref<64x128xf32, #tpu.memory_space<vmem_shared>>
      %dma_start3A_325 = arith.constant 0 : i32
      %dma_start3A_326 = tpu.memref_slice %arg11[%add3A_31, %dma_start3A_325] : memref<5120x128xf32, #tpu.memory_space<vmem_shared>> -> memref<64x128xf32, #tpu.memory_space<vmem_shared>>
      tpu.enqueue_dma source(%arg10 : memref<64x128xf32, #tpu.memory_space<vmem>>) target(%dma_start3A_326 : memref<64x128xf32, #tpu.memory_space<vmem_shared>>) target_semaphore(%run_scoped3A : memref<!tpu.dma_semaphore, #tpu.memory_space<semaphore_mem>>)
      %dma_wait3A_327 = arith.constant 0 : i32
      %dma_wait3A_328 = tpu.memref_slice %arg11[%add3A_31, %dma_wait3A_327] : memref<5120x128xf32, #tpu.memory_space<vmem_shared>> -> memref<64x128xf32, #tpu.memory_space<vmem_shared>>
      %dma_wait3A_329 = arith.constant 0 : i32
      %dma_wait3A_330 = tpu.memref_slice %arg11[%add3A_31, %dma_wait3A_329] : memref<5120x128xf32, #tpu.memory_space<vmem_shared>> -> memref<64x128xf32, #tpu.memory_space<vmem_shared>>
      tpu.wait_dma2 semaphore(%run_scoped3A : memref<!tpu.dma_semaphore, #tpu.memory_space<semaphore_mem>>) src(%arg10 : memref<64x128xf32, #tpu.memory_space<vmem>>) dst(%dma_wait3A_330 : memref<64x128xf32, #tpu.memory_space<vmem_shared>>)
      tpu.yield
    }) : () -> ()
    %mul3A_32 = arith.constant 320 : i32
    %mul3A_33 = arith.muli %arg1, %mul3A_32 : i32
    %add3A_34 = arith.constant 192 : i32
    %add3A_35 = arith.addi %mul3A_33, %add3A_34 : i32
    "tpu.region"() ({
      %run_scoped3A = tpu.sem_alloc : memref<!tpu.dma_semaphore, #tpu.memory_space<semaphore_mem>>
      %dma_start3A_323 = arith.constant 0 : i32
      %dma_start3A_324 = tpu.memref_slice %arg11[%add3A_35, %dma_start3A_323] : memref<5120x128xf32, #tpu.memory_space<vmem_shared>> -> memref<64x128xf32, #tpu.memory_space<vmem_shared>>
      %dma_start3A_325 = arith.constant 0 : i32
      %dma_start3A_326 = tpu.memref_slice %arg11[%add3A_35, %dma_start3A_325] : memref<5120x128xf32, #tpu.memory_space<vmem_shared>> -> memref<64x128xf32, #tpu.memory_space<vmem_shared>>
      tpu.enqueue_dma source(%arg10 : memref<64x128xf32, #tpu.memory_space<vmem>>) target(%dma_start3A_326 : memref<64x128xf32, #tpu.memory_space<vmem_shared>>) target_semaphore(%run_scoped3A : memref<!tpu.dma_semaphore, #tpu.memory_space<semaphore_mem>>)
      %dma_wait3A_327 = arith.constant 0 : i32
      %dma_wait3A_328 = tpu.memref_slice %arg11[%add3A_35, %dma_wait3A_327] : memref<5120x128xf32, #tpu.memory_space<vmem_shared>> -> memref<64x128xf32, #tpu.memory_space<vmem_shared>>
      %dma_wait3A_329 = arith.constant 0 : i32
      %dma_wait3A_330 = tpu.memref_slice %arg11[%add3A_35, %dma_wait3A_329] : memref<5120x128xf32, #tpu.memory_space<vmem_shared>> -> memref<64x128xf32, #tpu.memory_space<vmem_shared>>
      tpu.wait_dma2 semaphore(%run_scoped3A : memref<!tpu.dma_semaphore, #tpu.memory_space<semaphore_mem>>) src(%arg10 : memref<64x128xf32, #tpu.memory_space<vmem>>) dst(%dma_wait3A_330 : memref<64x128xf32, #tpu.memory_space<vmem_shared>>)
      tpu.yield
    }) : () -> ()
    %mul3A_36 = arith.constant 320 : i32
    %mul3A_37 = arith.muli %arg1, %mul3A_36 : i32
    %add3A_38 = arith.constant 256 : i32
    %add3A_39 = arith.addi %mul3A_37, %add3A_38 : i32
    "tpu.region"() ({
      %run_scoped3A = tpu.sem_alloc : memref<!tpu.dma_semaphore, #tpu.memory_space<semaphore_mem>>
      %dma_start3A_323 = arith.constant 0 : i32
      %dma_start3A_324 = tpu.memref_slice %arg11[%add3A_39, %dma_start3A_323] : memref<5120x128xf32, #tpu.memory_space<vmem_shared>> -> memref<64x128xf32, #tpu.memory_space<vmem_shared>>
      %dma_start3A_325 = arith.constant 0 : i32
      %dma_start3A_326 = tpu.memref_slice %arg11[%add3A_39, %dma_start3A_325] : memref<5120x128xf32, #tpu.memory_space<vmem_shared>> -> memref<64x128xf32, #tpu.memory_space<vmem_shared>>
      tpu.enqueue_dma source(%arg10 : memref<64x128xf32, #tpu.memory_space<vmem>>) target(%dma_start3A_326 : memref<64x128xf32, #tpu.memory_space<vmem_shared>>) target_semaphore(%run_scoped3A : memref<!tpu.dma_semaphore, #tpu.memory_space<semaphore_mem>>)
      %dma_wait3A_327 = arith.constant 0 : i32
      %dma_wait3A_328 = tpu.memref_slice %arg11[%add3A_39, %dma_wait3A_327] : memref<5120x128xf32, #tpu.memory_space<vmem_shared>> -> memref<64x128xf32, #tpu.memory_space<vmem_shared>>
      %dma_wait3A_329 = arith.constant 0 : i32
      %dma_wait3A_330 = tpu.memref_slice %arg11[%add3A_39, %dma_wait3A_329] : memref<5120x128xf32, #tpu.memory_space<vmem_shared>> -> memref<64x128xf32, #tpu.memory_space<vmem_shared>>
      tpu.wait_dma2 semaphore(%run_scoped3A : memref<!tpu.dma_semaphore, #tpu.memory_space<semaphore_mem>>) src(%arg10 : memref<64x128xf32, #tpu.memory_space<vmem>>) dst(%dma_wait3A_330 : memref<64x128xf32, #tpu.memory_space<vmem_shared>>)
      tpu.yield
    }) : () -> ()
    %barrier3A = arith.constant 0 : index
    tpu.barrier barrier_id(%barrier3A)
    %mul3A_40 = arith.constant 8 : i32
    %mul3A_41 = arith.muli %arg0, %mul3A_40 : i32
    %add3A_42 = arith.constant 0 : i32
    %add3A_43 = arith.addi %mul3A_41, %add3A_42 : i32
    %dma_start3A = arith.constant 0 : i32
    %dma_start3A_44 = arith.constant 0 : i32
    %dma_start3A_45 = arith.constant 0 : i32
    %dma_start3A_46 = tpu.memref_slice %arg9[%dma_start3A, %dma_start3A_44, %dma_start3A_45] : memref<4x128x128xf32, #tpu.memory_space<vmem>> -> memref<1x128x128xf32, #tpu.memory_space<vmem>>
    %dma_start3A_47 = tpu.memref_squeeze %dma_start3A_46 : memref<1x128x128xf32, #tpu.memory_space<vmem>> -> memref<128x128xf32, #tpu.memory_space<vmem>>
    %dma_start3A_48 = arith.constant 0 : i32
    %dma_start3A_49 = tpu.memref_slice %arg8[%add3A_43, %dma_start3A_48] : memref<16x128xi32, #tpu.memory_space<vmem>> -> memref<1x128xi32, #tpu.memory_space<vmem>>
    %dma_start3A_50 = tpu.memref_squeeze %dma_start3A_49 : memref<1x128xi32, #tpu.memory_space<vmem>> -> memref<128xi32, #tpu.memory_space<vmem>>
    %dma_start3A_51 = arith.constant 0 : i32
    %dma_start3A_52 = arith.constant 0 : i32
    %dma_start3A_53 = tpu.memref_slice %arg11[%dma_start3A_51, %dma_start3A_52] : memref<5120x128xf32, #tpu.memory_space<vmem_shared>> -> memref<5120x128xf32, #tpu.memory_space<vmem_shared>>
    tpu.enqueue_indirect_dma source(%dma_start3A_47 : memref<128x128xf32, #tpu.memory_space<vmem>>) target(%dma_start3A_53 : memref<5120x128xf32, #tpu.memory_space<vmem_shared>>) offsets(%dma_start3A_50 : memref<128xi32, #tpu.memory_space<vmem>>) semaphore(%arg12 : memref<!tpu.dma_semaphore, #tpu.memory_space<semaphore_mem>>) {add = true}
    %mul3A_54 = arith.constant 8 : i32
    %mul3A_55 = arith.muli %arg0, %mul3A_54 : i32
    %add3A_56 = arith.constant 1 : i32
    %add3A_57 = arith.addi %mul3A_55, %add3A_56 : i32
    %dma_start3A_58 = arith.constant 0 : i32
    %dma_start3A_59 = arith.constant 0 : i32
    %dma_start3A_60 = arith.constant 0 : i32
    %dma_start3A_61 = tpu.memref_slice %arg9[%dma_start3A_58, %dma_start3A_59, %dma_start3A_60] : memref<4x128x128xf32, #tpu.memory_space<vmem>> -> memref<1x128x128xf32, #tpu.memory_space<vmem>>
    %dma_start3A_62 = tpu.memref_squeeze %dma_start3A_61 : memref<1x128x128xf32, #tpu.memory_space<vmem>> -> memref<128x128xf32, #tpu.memory_space<vmem>>
    %dma_start3A_63 = arith.constant 0 : i32
    %dma_start3A_64 = tpu.memref_slice %arg8[%add3A_57, %dma_start3A_63] : memref<16x128xi32, #tpu.memory_space<vmem>> -> memref<1x128xi32, #tpu.memory_space<vmem>>
    %dma_start3A_65 = tpu.memref_squeeze %dma_start3A_64 : memref<1x128xi32, #tpu.memory_space<vmem>> -> memref<128xi32, #tpu.memory_space<vmem>>
    %dma_start3A_66 = arith.constant 0 : i32
    %dma_start3A_67 = arith.constant 0 : i32
    %dma_start3A_68 = tpu.memref_slice %arg11[%dma_start3A_66, %dma_start3A_67] : memref<5120x128xf32, #tpu.memory_space<vmem_shared>> -> memref<5120x128xf32, #tpu.memory_space<vmem_shared>>
    tpu.enqueue_indirect_dma source(%dma_start3A_62 : memref<128x128xf32, #tpu.memory_space<vmem>>) target(%dma_start3A_68 : memref<5120x128xf32, #tpu.memory_space<vmem_shared>>) offsets(%dma_start3A_65 : memref<128xi32, #tpu.memory_space<vmem>>) semaphore(%arg13 : memref<!tpu.dma_semaphore, #tpu.memory_space<semaphore_mem>>) {add = true}
    %dma_wait3A = arith.constant 0 : i32
    %dma_wait3A_69 = arith.constant 0 : i32
    %dma_wait3A_70 = arith.constant 0 : i32
    %dma_wait3A_71 = tpu.memref_slice %arg9[%dma_wait3A, %dma_wait3A_69, %dma_wait3A_70] : memref<4x128x128xf32, #tpu.memory_space<vmem>> -> memref<1x128x128xf32, #tpu.memory_space<vmem>>
    %dma_wait3A_72 = tpu.memref_squeeze %dma_wait3A_71 : memref<1x128x128xf32, #tpu.memory_space<vmem>> -> memref<128x128xf32, #tpu.memory_space<vmem>>
    %dma_wait3A_73 = arith.constant 0 : i32
    %dma_wait3A_74 = tpu.memref_slice %arg8[%add3A_43, %dma_wait3A_73] : memref<16x128xi32, #tpu.memory_space<vmem>> -> memref<1x128xi32, #tpu.memory_space<vmem>>
    %dma_wait3A_75 = tpu.memref_squeeze %dma_wait3A_74 : memref<1x128xi32, #tpu.memory_space<vmem>> -> memref<128xi32, #tpu.memory_space<vmem>>
    %dma_wait3A_76 = arith.constant 0 : i32
    %dma_wait3A_77 = arith.constant 0 : i32
    %dma_wait3A_78 = tpu.memref_slice %arg11[%dma_wait3A_76, %dma_wait3A_77] : memref<5120x128xf32, #tpu.memory_space<vmem_shared>> -> memref<5120x128xf32, #tpu.memory_space<vmem_shared>>
    tpu.wait_indirect_dma semaphore(%arg12 : memref<!tpu.dma_semaphore, #tpu.memory_space<semaphore_mem>>) src(%dma_wait3A_72 : memref<128x128xf32, #tpu.memory_space<vmem>>) dst(%dma_wait3A_78 : memref<5120x128xf32, #tpu.memory_space<vmem_shared>>)
    %mul3A_79 = arith.constant 8 : i32
    %mul3A_80 = arith.muli %arg0, %mul3A_79 : i32
    %add3A_81 = arith.constant 2 : i32
    %add3A_82 = arith.addi %mul3A_80, %add3A_81 : i32
    %dma_start3A_83 = arith.constant 0 : i32
    %dma_start3A_84 = arith.constant 0 : i32
    %dma_start3A_85 = arith.constant 0 : i32
    %dma_start3A_86 = tpu.memref_slice %arg9[%dma_start3A_83, %dma_start3A_84, %dma_start3A_85] : memref<4x128x128xf32, #tpu.memory_space<vmem>> -> memref<1x128x128xf32, #tpu.memory_space<vmem>>
    %dma_start3A_87 = tpu.memref_squeeze %dma_start3A_86 : memref<1x128x128xf32, #tpu.memory_space<vmem>> -> memref<128x128xf32, #tpu.memory_space<vmem>>
    %dma_start3A_88 = arith.constant 0 : i32
    %dma_start3A_89 = tpu.memref_slice %arg8[%add3A_82, %dma_start3A_88] : memref<16x128xi32, #tpu.memory_space<vmem>> -> memref<1x128xi32, #tpu.memory_space<vmem>>
    %dma_start3A_90 = tpu.memref_squeeze %dma_start3A_89 : memref<1x128xi32, #tpu.memory_space<vmem>> -> memref<128xi32, #tpu.memory_space<vmem>>
    %dma_start3A_91 = arith.constant 0 : i32
    %dma_start3A_92 = arith.constant 0 : i32
    %dma_start3A_93 = tpu.memref_slice %arg11[%dma_start3A_91, %dma_start3A_92] : memref<5120x128xf32, #tpu.memory_space<vmem_shared>> -> memref<5120x128xf32, #tpu.memory_space<vmem_shared>>
    tpu.enqueue_indirect_dma source(%dma_start3A_87 : memref<128x128xf32, #tpu.memory_space<vmem>>) target(%dma_start3A_93 : memref<5120x128xf32, #tpu.memory_space<vmem_shared>>) offsets(%dma_start3A_90 : memref<128xi32, #tpu.memory_space<vmem>>) semaphore(%arg12 : memref<!tpu.dma_semaphore, #tpu.memory_space<semaphore_mem>>) {add = true}
    %dma_wait3A_94 = arith.constant 0 : i32
    %dma_wait3A_95 = arith.constant 0 : i32
    %dma_wait3A_96 = arith.constant 0 : i32
    %dma_wait3A_97 = tpu.memref_slice %arg9[%dma_wait3A_94, %dma_wait3A_95, %dma_wait3A_96] : memref<4x128x128xf32, #tpu.memory_space<vmem>> -> memref<1x128x128xf32, #tpu.memory_space<vmem>>
    %dma_wait3A_98 = tpu.memref_squeeze %dma_wait3A_97 : memref<1x128x128xf32, #tpu.memory_space<vmem>> -> memref<128x128xf32, #tpu.memory_space<vmem>>
    %dma_wait3A_99 = arith.constant 0 : i32
    %dma_wait3A_100 = tpu.memref_slice %arg8[%add3A_57, %dma_wait3A_99] : memref<16x128xi32, #tpu.memory_space<vmem>> -> memref<1x128xi32, #tpu.memory_space<vmem>>
    %dma_wait3A_101 = tpu.memref_squeeze %dma_wait3A_100 : memref<1x128xi32, #tpu.memory_space<vmem>> -> memref<128xi32, #tpu.memory_space<vmem>>
    %dma_wait3A_102 = arith.constant 0 : i32
    %dma_wait3A_103 = arith.constant 0 : i32
    %dma_wait3A_104 = tpu.memref_slice %arg11[%dma_wait3A_102, %dma_wait3A_103] : memref<5120x128xf32, #tpu.memory_space<vmem_shared>> -> memref<5120x128xf32, #tpu.memory_space<vmem_shared>>
    tpu.wait_indirect_dma semaphore(%arg13 : memref<!tpu.dma_semaphore, #tpu.memory_space<semaphore_mem>>) src(%dma_wait3A_98 : memref<128x128xf32, #tpu.memory_space<vmem>>) dst(%dma_wait3A_104 : memref<5120x128xf32, #tpu.memory_space<vmem_shared>>)
    %mul3A_105 = arith.constant 8 : i32
    %mul3A_106 = arith.muli %arg0, %mul3A_105 : i32
    %add3A_107 = arith.constant 3 : i32
    %add3A_108 = arith.addi %mul3A_106, %add3A_107 : i32
    %dma_start3A_109 = arith.constant 0 : i32
    %dma_start3A_110 = arith.constant 0 : i32
    %dma_start3A_111 = arith.constant 0 : i32
    %dma_start3A_112 = tpu.memref_slice %arg9[%dma_start3A_109, %dma_start3A_110, %dma_start3A_111] : memref<4x128x128xf32, #tpu.memory_space<vmem>> -> memref<1x128x128xf32, #tpu.memory_space<vmem>>
    %dma_start3A_113 = tpu.memref_squeeze %dma_start3A_112 : memref<1x128x128xf32, #tpu.memory_space<vmem>> -> memref<128x128xf32, #tpu.memory_space<vmem>>
    %dma_start3A_114 = arith.constant 0 : i32
    %dma_start3A_115 = tpu.memref_slice %arg8[%add3A_108, %dma_start3A_114] : memref<16x128xi32, #tpu.memory_space<vmem>> -> memref<1x128xi32, #tpu.memory_space<vmem>>
    %dma_start3A_116 = tpu.memref_squeeze %dma_start3A_115 : memref<1x128xi32, #tpu.memory_space<vmem>> -> memref<128xi32, #tpu.memory_space<vmem>>
    %dma_start3A_117 = arith.constant 0 : i32
    %dma_start3A_118 = arith.constant 0 : i32
    %dma_start3A_119 = tpu.memref_slice %arg11[%dma_start3A_117, %dma_start3A_118] : memref<5120x128xf32, #tpu.memory_space<vmem_shared>> -> memref<5120x128xf32, #tpu.memory_space<vmem_shared>>
    tpu.enqueue_indirect_dma source(%dma_start3A_113 : memref<128x128xf32, #tpu.memory_space<vmem>>) target(%dma_start3A_119 : memref<5120x128xf32, #tpu.memory_space<vmem_shared>>) offsets(%dma_start3A_116 : memref<128xi32, #tpu.memory_space<vmem>>) semaphore(%arg13 : memref<!tpu.dma_semaphore, #tpu.memory_space<semaphore_mem>>) {add = true}
    %dma_wait3A_120 = arith.constant 0 : i32
    %dma_wait3A_121 = arith.constant 0 : i32
    %dma_wait3A_122 = arith.constant 0 : i32
    %dma_wait3A_123 = tpu.memref_slice %arg9[%dma_wait3A_120, %dma_wait3A_121, %dma_wait3A_122] : memref<4x128x128xf32, #tpu.memory_space<vmem>> -> memref<1x128x128xf32, #tpu.memory_space<vmem>>
    %dma_wait3A_124 = tpu.memref_squeeze %dma_wait3A_123 : memref<1x128x128xf32, #tpu.memory_space<vmem>> -> memref<128x128xf32, #tpu.memory_space<vmem>>
    %dma_wait3A_125 = arith.constant 0 : i32
    %dma_wait3A_126 = tpu.memref_slice %arg8[%add3A_82, %dma_wait3A_125] : memref<16x128xi32, #tpu.memory_space<vmem>> -> memref<1x128xi32, #tpu.memory_space<vmem>>
    %dma_wait3A_127 = tpu.memref_squeeze %dma_wait3A_126 : memref<1x128xi32, #tpu.memory_space<vmem>> -> memref<128xi32, #tpu.memory_space<vmem>>
    %dma_wait3A_128 = arith.constant 0 : i32
    %dma_wait3A_129 = arith.constant 0 : i32
    %dma_wait3A_130 = tpu.memref_slice %arg11[%dma_wait3A_128, %dma_wait3A_129] : memref<5120x128xf32, #tpu.memory_space<vmem_shared>> -> memref<5120x128xf32, #tpu.memory_space<vmem_shared>>
    tpu.wait_indirect_dma semaphore(%arg12 : memref<!tpu.dma_semaphore, #tpu.memory_space<semaphore_mem>>) src(%dma_wait3A_124 : memref<128x128xf32, #tpu.memory_space<vmem>>) dst(%dma_wait3A_130 : memref<5120x128xf32, #tpu.memory_space<vmem_shared>>)
    %mul3A_131 = arith.constant 8 : i32
    %mul3A_132 = arith.muli %arg0, %mul3A_131 : i32
    %add3A_133 = arith.constant 4 : i32
    %add3A_134 = arith.addi %mul3A_132, %add3A_133 : i32
    %dma_start3A_135 = arith.constant 0 : i32
    %dma_start3A_136 = arith.constant 0 : i32
    %dma_start3A_137 = arith.constant 0 : i32
    %dma_start3A_138 = tpu.memref_slice %arg9[%dma_start3A_135, %dma_start3A_136, %dma_start3A_137] : memref<4x128x128xf32, #tpu.memory_space<vmem>> -> memref<1x128x128xf32, #tpu.memory_space<vmem>>
    %dma_start3A_139 = tpu.memref_squeeze %dma_start3A_138 : memref<1x128x128xf32, #tpu.memory_space<vmem>> -> memref<128x128xf32, #tpu.memory_space<vmem>>
    %dma_start3A_140 = arith.constant 0 : i32
    %dma_start3A_141 = tpu.memref_slice %arg8[%add3A_134, %dma_start3A_140] : memref<16x128xi32, #tpu.memory_space<vmem>> -> memref<1x128xi32, #tpu.memory_space<vmem>>
    %dma_start3A_142 = tpu.memref_squeeze %dma_start3A_141 : memref<1x128xi32, #tpu.memory_space<vmem>> -> memref<128xi32, #tpu.memory_space<vmem>>
    %dma_start3A_143 = arith.constant 0 : i32
    %dma_start3A_144 = arith.constant 0 : i32
    %dma_start3A_145 = tpu.memref_slice %arg11[%dma_start3A_143, %dma_start3A_144] : memref<5120x128xf32, #tpu.memory_space<vmem_shared>> -> memref<5120x128xf32, #tpu.memory_space<vmem_shared>>
    tpu.enqueue_indirect_dma source(%dma_start3A_139 : memref<128x128xf32, #tpu.memory_space<vmem>>) target(%dma_start3A_145 : memref<5120x128xf32, #tpu.memory_space<vmem_shared>>) offsets(%dma_start3A_142 : memref<128xi32, #tpu.memory_space<vmem>>) semaphore(%arg12 : memref<!tpu.dma_semaphore, #tpu.memory_space<semaphore_mem>>) {add = true}
    %dma_wait3A_146 = arith.constant 0 : i32
    %dma_wait3A_147 = arith.constant 0 : i32
    %dma_wait3A_148 = arith.constant 0 : i32
    %dma_wait3A_149 = tpu.memref_slice %arg9[%dma_wait3A_146, %dma_wait3A_147, %dma_wait3A_148] : memref<4x128x128xf32, #tpu.memory_space<vmem>> -> memref<1x128x128xf32, #tpu.memory_space<vmem>>
    %dma_wait3A_150 = tpu.memref_squeeze %dma_wait3A_149 : memref<1x128x128xf32, #tpu.memory_space<vmem>> -> memref<128x128xf32, #tpu.memory_space<vmem>>
    %dma_wait3A_151 = arith.constant 0 : i32
    %dma_wait3A_152 = tpu.memref_slice %arg8[%add3A_108, %dma_wait3A_151] : memref<16x128xi32, #tpu.memory_space<vmem>> -> memref<1x128xi32, #tpu.memory_space<vmem>>
    %dma_wait3A_153 = tpu.memref_squeeze %dma_wait3A_152 : memref<1x128xi32, #tpu.memory_space<vmem>> -> memref<128xi32, #tpu.memory_space<vmem>>
    %dma_wait3A_154 = arith.constant 0 : i32
    %dma_wait3A_155 = arith.constant 0 : i32
    %dma_wait3A_156 = tpu.memref_slice %arg11[%dma_wait3A_154, %dma_wait3A_155] : memref<5120x128xf32, #tpu.memory_space<vmem_shared>> -> memref<5120x128xf32, #tpu.memory_space<vmem_shared>>
    tpu.wait_indirect_dma semaphore(%arg13 : memref<!tpu.dma_semaphore, #tpu.memory_space<semaphore_mem>>) src(%dma_wait3A_150 : memref<128x128xf32, #tpu.memory_space<vmem>>) dst(%dma_wait3A_156 : memref<5120x128xf32, #tpu.memory_space<vmem_shared>>)
    %mul3A_157 = arith.constant 8 : i32
    %mul3A_158 = arith.muli %arg0, %mul3A_157 : i32
    %add3A_159 = arith.constant 5 : i32
    %add3A_160 = arith.addi %mul3A_158, %add3A_159 : i32
    %dma_start3A_161 = arith.constant 0 : i32
    %dma_start3A_162 = arith.constant 0 : i32
    %dma_start3A_163 = arith.constant 0 : i32
    %dma_start3A_164 = tpu.memref_slice %arg9[%dma_start3A_161, %dma_start3A_162, %dma_start3A_163] : memref<4x128x128xf32, #tpu.memory_space<vmem>> -> memref<1x128x128xf32, #tpu.memory_space<vmem>>
    %dma_start3A_165 = tpu.memref_squeeze %dma_start3A_164 : memref<1x128x128xf32, #tpu.memory_space<vmem>> -> memref<128x128xf32, #tpu.memory_space<vmem>>
    %dma_start3A_166 = arith.constant 0 : i32
    %dma_start3A_167 = tpu.memref_slice %arg8[%add3A_160, %dma_start3A_166] : memref<16x128xi32, #tpu.memory_space<vmem>> -> memref<1x128xi32, #tpu.memory_space<vmem>>
    %dma_start3A_168 = tpu.memref_squeeze %dma_start3A_167 : memref<1x128xi32, #tpu.memory_space<vmem>> -> memref<128xi32, #tpu.memory_space<vmem>>
    %dma_start3A_169 = arith.constant 0 : i32
    %dma_start3A_170 = arith.constant 0 : i32
    %dma_start3A_171 = tpu.memref_slice %arg11[%dma_start3A_169, %dma_start3A_170] : memref<5120x128xf32, #tpu.memory_space<vmem_shared>> -> memref<5120x128xf32, #tpu.memory_space<vmem_shared>>
    tpu.enqueue_indirect_dma source(%dma_start3A_165 : memref<128x128xf32, #tpu.memory_space<vmem>>) target(%dma_start3A_171 : memref<5120x128xf32, #tpu.memory_space<vmem_shared>>) offsets(%dma_start3A_168 : memref<128xi32, #tpu.memory_space<vmem>>) semaphore(%arg13 : memref<!tpu.dma_semaphore, #tpu.memory_space<semaphore_mem>>) {add = true}
    %dma_wait3A_172 = arith.constant 0 : i32
    %dma_wait3A_173 = arith.constant 0 : i32
    %dma_wait3A_174 = arith.constant 0 : i32
    %dma_wait3A_175 = tpu.memref_slice %arg9[%dma_wait3A_172, %dma_wait3A_173, %dma_wait3A_174] : memref<4x128x128xf32, #tpu.memory_space<vmem>> -> memref<1x128x128xf32, #tpu.memory_space<vmem>>
    %dma_wait3A_176 = tpu.memref_squeeze %dma_wait3A_175 : memref<1x128x128xf32, #tpu.memory_space<vmem>> -> memref<128x128xf32, #tpu.memory_space<vmem>>
    %dma_wait3A_177 = arith.constant 0 : i32
    %dma_wait3A_178 = tpu.memref_slice %arg8[%add3A_134, %dma_wait3A_177] : memref<16x128xi32, #tpu.memory_space<vmem>> -> memref<1x128xi32, #tpu.memory_space<vmem>>
    %dma_wait3A_179 = tpu.memref_squeeze %dma_wait3A_178 : memref<1x128xi32, #tpu.memory_space<vmem>> -> memref<128xi32, #tpu.memory_space<vmem>>
    %dma_wait3A_180 = arith.constant 0 : i32
    %dma_wait3A_181 = arith.constant 0 : i32
    %dma_wait3A_182 = tpu.memref_slice %arg11[%dma_wait3A_180, %dma_wait3A_181] : memref<5120x128xf32, #tpu.memory_space<vmem_shared>> -> memref<5120x128xf32, #tpu.memory_space<vmem_shared>>
    tpu.wait_indirect_dma semaphore(%arg12 : memref<!tpu.dma_semaphore, #tpu.memory_space<semaphore_mem>>) src(%dma_wait3A_176 : memref<128x128xf32, #tpu.memory_space<vmem>>) dst(%dma_wait3A_182 : memref<5120x128xf32, #tpu.memory_space<vmem_shared>>)
    %mul3A_183 = arith.constant 8 : i32
    %mul3A_184 = arith.muli %arg0, %mul3A_183 : i32
    %add3A_185 = arith.constant 6 : i32
    %add3A_186 = arith.addi %mul3A_184, %add3A_185 : i32
    %dma_start3A_187 = arith.constant 0 : i32
    %dma_start3A_188 = arith.constant 0 : i32
    %dma_start3A_189 = arith.constant 0 : i32
    %dma_start3A_190 = tpu.memref_slice %arg9[%dma_start3A_187, %dma_start3A_188, %dma_start3A_189] : memref<4x128x128xf32, #tpu.memory_space<vmem>> -> memref<1x128x128xf32, #tpu.memory_space<vmem>>
    %dma_start3A_191 = tpu.memref_squeeze %dma_start3A_190 : memref<1x128x128xf32, #tpu.memory_space<vmem>> -> memref<128x128xf32, #tpu.memory_space<vmem>>
    %dma_start3A_192 = arith.constant 0 : i32
    %dma_start3A_193 = tpu.memref_slice %arg8[%add3A_186, %dma_start3A_192] : memref<16x128xi32, #tpu.memory_space<vmem>> -> memref<1x128xi32, #tpu.memory_space<vmem>>
    %dma_start3A_194 = tpu.memref_squeeze %dma_start3A_193 : memref<1x128xi32, #tpu.memory_space<vmem>> -> memref<128xi32, #tpu.memory_space<vmem>>
    %dma_start3A_195 = arith.constant 0 : i32
    %dma_start3A_196 = arith.constant 0 : i32
    %dma_start3A_197 = tpu.memref_slice %arg11[%dma_start3A_195, %dma_start3A_196] : memref<5120x128xf32, #tpu.memory_space<vmem_shared>> -> memref<5120x128xf32, #tpu.memory_space<vmem_shared>>
    tpu.enqueue_indirect_dma source(%dma_start3A_191 : memref<128x128xf32, #tpu.memory_space<vmem>>) target(%dma_start3A_197 : memref<5120x128xf32, #tpu.memory_space<vmem_shared>>) offsets(%dma_start3A_194 : memref<128xi32, #tpu.memory_space<vmem>>) semaphore(%arg12 : memref<!tpu.dma_semaphore, #tpu.memory_space<semaphore_mem>>) {add = true}
    %dma_wait3A_198 = arith.constant 0 : i32
    %dma_wait3A_199 = arith.constant 0 : i32
    %dma_wait3A_200 = arith.constant 0 : i32
    %dma_wait3A_201 = tpu.memref_slice %arg9[%dma_wait3A_198, %dma_wait3A_199, %dma_wait3A_200] : memref<4x128x128xf32, #tpu.memory_space<vmem>> -> memref<1x128x128xf32, #tpu.memory_space<vmem>>
    %dma_wait3A_202 = tpu.memref_squeeze %dma_wait3A_201 : memref<1x128x128xf32, #tpu.memory_space<vmem>> -> memref<128x128xf32, #tpu.memory_space<vmem>>
    %dma_wait3A_203 = arith.constant 0 : i32
    %dma_wait3A_204 = tpu.memref_slice %arg8[%add3A_160, %dma_wait3A_203] : memref<16x128xi32, #tpu.memory_space<vmem>> -> memref<1x128xi32, #tpu.memory_space<vmem>>
    %dma_wait3A_205 = tpu.memref_squeeze %dma_wait3A_204 : memref<1x128xi32, #tpu.memory_space<vmem>> -> memref<128xi32, #tpu.memory_space<vmem>>
    %dma_wait3A_206 = arith.constant 0 : i32
    %dma_wait3A_207 = arith.constant 0 : i32
    %dma_wait3A_208 = tpu.memref_slice %arg11[%dma_wait3A_206, %dma_wait3A_207] : memref<5120x128xf32, #tpu.memory_space<vmem_shared>> -> memref<5120x128xf32, #tpu.memory_space<vmem_shared>>
    tpu.wait_indirect_dma semaphore(%arg13 : memref<!tpu.dma_semaphore, #tpu.memory_space<semaphore_mem>>) src(%dma_wait3A_202 : memref<128x128xf32, #tpu.memory_space<vmem>>) dst(%dma_wait3A_208 : memref<5120x128xf32, #tpu.memory_space<vmem_shared>>)
    %mul3A_209 = arith.constant 8 : i32
    %mul3A_210 = arith.muli %arg0, %mul3A_209 : i32
    %add3A_211 = arith.constant 7 : i32
    %add3A_212 = arith.addi %mul3A_210, %add3A_211 : i32
    %dma_start3A_213 = arith.constant 0 : i32
    %dma_start3A_214 = arith.constant 0 : i32
    %dma_start3A_215 = arith.constant 0 : i32
    %dma_start3A_216 = tpu.memref_slice %arg9[%dma_start3A_213, %dma_start3A_214, %dma_start3A_215] : memref<4x128x128xf32, #tpu.memory_space<vmem>> -> memref<1x128x128xf32, #tpu.memory_space<vmem>>
    %dma_start3A_217 = tpu.memref_squeeze %dma_start3A_216 : memref<1x128x128xf32, #tpu.memory_space<vmem>> -> memref<128x128xf32, #tpu.memory_space<vmem>>
    %dma_start3A_218 = arith.constant 0 : i32
    %dma_start3A_219 = tpu.memref_slice %arg8[%add3A_212, %dma_start3A_218] : memref<16x128xi32, #tpu.memory_space<vmem>> -> memref<1x128xi32, #tpu.memory_space<vmem>>
    %dma_start3A_220 = tpu.memref_squeeze %dma_start3A_219 : memref<1x128xi32, #tpu.memory_space<vmem>> -> memref<128xi32, #tpu.memory_space<vmem>>
    %dma_start3A_221 = arith.constant 0 : i32
    %dma_start3A_222 = arith.constant 0 : i32
    %dma_start3A_223 = tpu.memref_slice %arg11[%dma_start3A_221, %dma_start3A_222] : memref<5120x128xf32, #tpu.memory_space<vmem_shared>> -> memref<5120x128xf32, #tpu.memory_space<vmem_shared>>
    tpu.enqueue_indirect_dma source(%dma_start3A_217 : memref<128x128xf32, #tpu.memory_space<vmem>>) target(%dma_start3A_223 : memref<5120x128xf32, #tpu.memory_space<vmem_shared>>) offsets(%dma_start3A_220 : memref<128xi32, #tpu.memory_space<vmem>>) semaphore(%arg13 : memref<!tpu.dma_semaphore, #tpu.memory_space<semaphore_mem>>) {add = true}
    %dma_wait3A_224 = arith.constant 0 : i32
    %dma_wait3A_225 = arith.constant 0 : i32
    %dma_wait3A_226 = arith.constant 0 : i32
    %dma_wait3A_227 = tpu.memref_slice %arg9[%dma_wait3A_224, %dma_wait3A_225, %dma_wait3A_226] : memref<4x128x128xf32, #tpu.memory_space<vmem>> -> memref<1x128x128xf32, #tpu.memory_space<vmem>>
    %dma_wait3A_228 = tpu.memref_squeeze %dma_wait3A_227 : memref<1x128x128xf32, #tpu.memory_space<vmem>> -> memref<128x128xf32, #tpu.memory_space<vmem>>
    %dma_wait3A_229 = arith.constant 0 : i32
    %dma_wait3A_230 = tpu.memref_slice %arg8[%add3A_186, %dma_wait3A_229] : memref<16x128xi32, #tpu.memory_space<vmem>> -> memref<1x128xi32, #tpu.memory_space<vmem>>
    %dma_wait3A_231 = tpu.memref_squeeze %dma_wait3A_230 : memref<1x128xi32, #tpu.memory_space<vmem>> -> memref<128xi32, #tpu.memory_space<vmem>>
    %dma_wait3A_232 = arith.constant 0 : i32
    %dma_wait3A_233 = arith.constant 0 : i32
    %dma_wait3A_234 = tpu.memref_slice %arg11[%dma_wait3A_232, %dma_wait3A_233] : memref<5120x128xf32, #tpu.memory_space<vmem_shared>> -> memref<5120x128xf32, #tpu.memory_space<vmem_shared>>
    tpu.wait_indirect_dma semaphore(%arg12 : memref<!tpu.dma_semaphore, #tpu.memory_space<semaphore_mem>>) src(%dma_wait3A_228 : memref<128x128xf32, #tpu.memory_space<vmem>>) dst(%dma_wait3A_234 : memref<5120x128xf32, #tpu.memory_space<vmem_shared>>)
    %dma_wait3A_235 = arith.constant 0 : i32
    %dma_wait3A_236 = arith.constant 0 : i32
    %dma_wait3A_237 = arith.constant 0 : i32
    %dma_wait3A_238 = tpu.memref_slice %arg9[%dma_wait3A_235, %dma_wait3A_236, %dma_wait3A_237] : memref<4x128x128xf32, #tpu.memory_space<vmem>> -> memref<1x128x128xf32, #tpu.memory_space<vmem>>
    %dma_wait3A_239 = tpu.memref_squeeze %dma_wait3A_238 : memref<1x128x128xf32, #tpu.memory_space<vmem>> -> memref<128x128xf32, #tpu.memory_space<vmem>>
    %dma_wait3A_240 = arith.constant 0 : i32
    %dma_wait3A_241 = tpu.memref_slice %arg8[%add3A_212, %dma_wait3A_240] : memref<16x128xi32, #tpu.memory_space<vmem>> -> memref<1x128xi32, #tpu.memory_space<vmem>>
    %dma_wait3A_242 = tpu.memref_squeeze %dma_wait3A_241 : memref<1x128xi32, #tpu.memory_space<vmem>> -> memref<128xi32, #tpu.memory_space<vmem>>
    %dma_wait3A_243 = arith.constant 0 : i32
    %dma_wait3A_244 = arith.constant 0 : i32
    %dma_wait3A_245 = tpu.memref_slice %arg11[%dma_wait3A_243, %dma_wait3A_244] : memref<5120x128xf32, #tpu.memory_space<vmem_shared>> -> memref<5120x128xf32, #tpu.memory_space<vmem_shared>>
    tpu.wait_indirect_dma semaphore(%arg13 : memref<!tpu.dma_semaphore, #tpu.memory_space<semaphore_mem>>) src(%dma_wait3A_239 : memref<128x128xf32, #tpu.memory_space<vmem>>) dst(%dma_wait3A_245 : memref<5120x128xf32, #tpu.memory_space<vmem_shared>>)
    %barrier3A_246 = arith.constant 0 : index
    tpu.barrier barrier_id(%barrier3A_246)
    "tpu.region"() ({
      %run_scoped3A = tpu.sem_alloc : memref<!tpu.dma_semaphore, #tpu.memory_space<semaphore_mem>>
      %dma_start3A_323 = arith.constant 0 : i32
      %dma_start3A_324 = tpu.memref_slice %arg6[%arg0, %mul3A_0, %dma_start3A_323] : memref<2x5120x128xf32, #tpu.memory_space<hbm>> -> memref<1x320x128xf32, #tpu.memory_space<hbm>>
      %dma_start3A_325 = tpu.memref_squeeze %dma_start3A_324 : memref<1x320x128xf32, #tpu.memory_space<hbm>> -> memref<320x128xf32, #tpu.memory_space<hbm>>
      %dma_start3A_326 = arith.constant 0 : i32
      %dma_start3A_327 = tpu.memref_slice %arg11[%mul3A_0, %dma_start3A_326] : memref<5120x128xf32, #tpu.memory_space<vmem_shared>> -> memref<320x128xf32, #tpu.memory_space<vmem_shared>>
      tpu.enqueue_dma source(%dma_start3A_327 : memref<320x128xf32, #tpu.memory_space<vmem_shared>>) target(%dma_start3A_325 : memref<320x128xf32, #tpu.memory_space<hbm>>) target_semaphore(%run_scoped3A : memref<!tpu.dma_semaphore, #tpu.memory_space<semaphore_mem>>)
      %dma_wait3A_328 = arith.constant 0 : i32
      %dma_wait3A_329 = tpu.memref_slice %arg6[%arg0, %mul3A_0, %dma_wait3A_328] : memref<2x5120x128xf32, #tpu.memory_space<hbm>> -> memref<1x320x128xf32, #tpu.memory_space<hbm>>
      %dma_wait3A_330 = tpu.memref_squeeze %dma_wait3A_329 : memref<1x320x128xf32, #tpu.memory_space<hbm>> -> memref<320x128xf32, #tpu.memory_space<hbm>>
      %dma_wait3A_331 = arith.constant 0 : i32
      %dma_wait3A_332 = tpu.memref_slice %arg11[%mul3A_0, %dma_wait3A_331] : memref<5120x128xf32, #tpu.memory_space<vmem_shared>> -> memref<320x128xf32, #tpu.memory_space<vmem_shared>>
      tpu.wait_dma2 semaphore(%run_scoped3A : memref<!tpu.dma_semaphore, #tpu.memory_space<semaphore_mem>>) src(%dma_wait3A_332 : memref<320x128xf32, #tpu.memory_space<vmem_shared>>) dst(%dma_wait3A_330 : memref<320x128xf32, #tpu.memory_space<hbm>>)
      tpu.yield
    }) : () -> ()
    %mul3A_247 = arith.constant 6 : i32
    %mul3A_248 = arith.muli %arg0, %mul3A_247 : i32
    %add3A_249 = arith.constant 0 : i32
    %add3A_250 = arith.addi %add3A_249, %mul3A_248 : i32
    %mul3A_251 = arith.constant 5000 : i32
    %mul3A_252 = arith.muli %add3A_250, %mul3A_251 : i32
    %scan3A_253 = arith.constant 0 : i32
    %scan3A_254 = arith.constant 0 : i32
    %scan3A_255 = arith.constant 16 : i32
    %scan3A_256 = arith.addi %scan3A_254, %scan3A_255 : i32
    %scan3A_257 = arith.constant 1 : i32
    %scan3A_258 = scf.for %scan3A_323 = %scan3A_254 to %scan3A_256 step %scan3A_257 iter_args(%scan3A_324 = %scan3A_253) -> (i32)  : i32 {
      %get3A = arith.index_cast %scan3A_323 : i32 to index
      %get3A_325 = arith.constant 0 : index
      %get3A_326 = tpu.vector_load %arg7[%get3A, %get3A_325] {strides = array<i32>} : memref<16x128xi32, #tpu.memory_space<vmem>>, vector<1x16xi32>,
      %get3A_327 = vector.shape_cast %get3A_326 : vector<1x16xi32> to vector<16xi32>
      %add3A_328 = vector.broadcast %mul3A_252 : i32 to vector<16xi32>
      %add3A_329 = arith.addi %get3A_327, %add3A_328 : vector<16xi32>
      %swap3A = arith.index_cast %scan3A_323 : i32 to index
      %swap3A_330 = arith.constant 0 : index
      %swap3A_331 = tpu.vector_load %arg7[%swap3A, %swap3A_330] {strides = array<i32>} : memref<16x128xi32, #tpu.memory_space<vmem>>, vector<1x16xi32>,
      %swap3A_332 = vector.shape_cast %swap3A_331 : vector<1x16xi32> to vector<16xi32>
      %swap3A_333 = vector.shape_cast %add3A_329 : vector<16xi32> to vector<1x16xi32>
      tpu.vector_store %arg7[%swap3A, %swap3A_330], %swap3A_333 {strides = array<i32>} : memref<16x128xi32, #tpu.memory_space<vmem>>, vector<1x16xi32>,
      %get3A_334 = arith.index_cast %scan3A_323 : i32 to index
      %get3A_335 = arith.constant 16 : index
      %get3A_336 = tpu.vector_load %arg7[%get3A_334, %get3A_335] {strides = array<i32>} : memref<16x128xi32, #tpu.memory_space<vmem>>, vector<1x16xi32>,
      %get3A_337 = vector.shape_cast %get3A_336 : vector<1x16xi32> to vector<16xi32>
      %add3A_338 = vector.broadcast %mul3A_252 : i32 to vector<16xi32>
      %add3A_339 = arith.addi %get3A_337, %add3A_338 : vector<16xi32>
      %swap3A_340 = arith.index_cast %scan3A_323 : i32 to index
      %swap3A_341 = arith.constant 16 : index
      %swap3A_342 = tpu.vector_load %arg7[%swap3A_340, %swap3A_341] {strides = array<i32>} : memref<16x128xi32, #tpu.memory_space<vmem>>, vector<1x16xi32>,
      %swap3A_343 = vector.shape_cast %swap3A_342 : vector<1x16xi32> to vector<16xi32>
      %swap3A_344 = vector.shape_cast %add3A_339 : vector<16xi32> to vector<1x16xi32>
      tpu.vector_store %arg7[%swap3A_340, %swap3A_341], %swap3A_344 {strides = array<i32>} : memref<16x128xi32, #tpu.memory_space<vmem>>, vector<1x16xi32>,
      %get3A_345 = arith.index_cast %scan3A_323 : i32 to index
      %get3A_346 = arith.constant 32 : index
      %get3A_347 = tpu.vector_load %arg7[%get3A_345, %get3A_346] {strides = array<i32>} : memref<16x128xi32, #tpu.memory_space<vmem>>, vector<1x16xi32>,
      %get3A_348 = vector.shape_cast %get3A_347 : vector<1x16xi32> to vector<16xi32>
      %add3A_349 = vector.broadcast %mul3A_252 : i32 to vector<16xi32>
      %add3A_350 = arith.addi %get3A_348, %add3A_349 : vector<16xi32>
      %swap3A_351 = arith.index_cast %scan3A_323 : i32 to index
      %swap3A_352 = arith.constant 32 : index
      %swap3A_353 = tpu.vector_load %arg7[%swap3A_351, %swap3A_352] {strides = array<i32>} : memref<16x128xi32, #tpu.memory_space<vmem>>, vector<1x16xi32>,
      %swap3A_354 = vector.shape_cast %swap3A_353 : vector<1x16xi32> to vector<16xi32>
      %swap3A_355 = vector.shape_cast %add3A_350 : vector<16xi32> to vector<1x16xi32>
      tpu.vector_store %arg7[%swap3A_351, %swap3A_352], %swap3A_355 {strides = array<i32>} : memref<16x128xi32, #tpu.memory_space<vmem>>, vector<1x16xi32>,
      %get3A_356 = arith.index_cast %scan3A_323 : i32 to index
      %get3A_357 = arith.constant 48 : index
      %get3A_358 = tpu.vector_load %arg7[%get3A_356, %get3A_357] {strides = array<i32>} : memref<16x128xi32, #tpu.memory_space<vmem>>, vector<1x16xi32>,
      %get3A_359 = vector.shape_cast %get3A_358 : vector<1x16xi32> to vector<16xi32>
      %add3A_360 = vector.broadcast %mul3A_252 : i32 to vector<16xi32>
      %add3A_361 = arith.addi %get3A_359, %add3A_360 : vector<16xi32>
      %swap3A_362 = arith.index_cast %scan3A_323 : i32 to index
      %swap3A_363 = arith.constant 48 : index
      %swap3A_364 = tpu.vector_load %arg7[%swap3A_362, %swap3A_363] {strides = array<i32>} : memref<16x128xi32, #tpu.memory_space<vmem>>, vector<1x16xi32>,
      %swap3A_365 = vector.shape_cast %swap3A_364 : vector<1x16xi32> to vector<16xi32>
      %swap3A_366 = vector.shape_cast %add3A_361 : vector<16xi32> to vector<1x16xi32>
      tpu.vector_store %arg7[%swap3A_362, %swap3A_363], %swap3A_366 {strides = array<i32>} : memref<16x128xi32, #tpu.memory_space<vmem>>, vector<1x16xi32>,
      %get3A_367 = arith.index_cast %scan3A_323 : i32 to index
      %get3A_368 = arith.constant 64 : index
      %get3A_369 = tpu.vector_load %arg7[%get3A_367, %get3A_368] {strides = array<i32>} : memref<16x128xi32, #tpu.memory_space<vmem>>, vector<1x16xi32>,
      %get3A_370 = vector.shape_cast %get3A_369 : vector<1x16xi32> to vector<16xi32>
      %add3A_371 = vector.broadcast %mul3A_252 : i32 to vector<16xi32>
      %add3A_372 = arith.addi %get3A_370, %add3A_371 : vector<16xi32>
      %swap3A_373 = arith.index_cast %scan3A_323 : i32 to index
      %swap3A_374 = arith.constant 64 : index
      %swap3A_375 = tpu.vector_load %arg7[%swap3A_373, %swap3A_374] {strides = array<i32>} : memref<16x128xi32, #tpu.memory_space<vmem>>, vector<1x16xi32>,
      %swap3A_376 = vector.shape_cast %swap3A_375 : vector<1x16xi32> to vector<16xi32>
      %swap3A_377 = vector.shape_cast %add3A_372 : vector<16xi32> to vector<1x16xi32>
      tpu.vector_store %arg7[%swap3A_373, %swap3A_374], %swap3A_377 {strides = array<i32>} : memref<16x128xi32, #tpu.memory_space<vmem>>, vector<1x16xi32>,
      %get3A_378 = arith.index_cast %scan3A_323 : i32 to index
      %get3A_379 = arith.constant 80 : index
      %get3A_380 = tpu.vector_load %arg7[%get3A_378, %get3A_379] {strides = array<i32>} : memref<16x128xi32, #tpu.memory_space<vmem>>, vector<1x16xi32>,
      %get3A_381 = vector.shape_cast %get3A_380 : vector<1x16xi32> to vector<16xi32>
      %add3A_382 = vector.broadcast %mul3A_252 : i32 to vector<16xi32>
      %add3A_383 = arith.addi %get3A_381, %add3A_382 : vector<16xi32>
      %swap3A_384 = arith.index_cast %scan3A_323 : i32 to index
      %swap3A_385 = arith.constant 80 : index
      %swap3A_386 = tpu.vector_load %arg7[%swap3A_384, %swap3A_385] {strides = array<i32>} : memref<16x128xi32, #tpu.memory_space<vmem>>, vector<1x16xi32>,
      %swap3A_387 = vector.shape_cast %swap3A_386 : vector<1x16xi32> to vector<16xi32>
      %swap3A_388 = vector.shape_cast %add3A_383 : vector<16xi32> to vector<1x16xi32>
      tpu.vector_store %arg7[%swap3A_384, %swap3A_385], %swap3A_388 {strides = array<i32>} : memref<16x128xi32, #tpu.memory_space<vmem>>, vector<1x16xi32>,
      %get3A_389 = arith.index_cast %scan3A_323 : i32 to index
      %get3A_390 = arith.constant 96 : index
      %get3A_391 = tpu.vector_load %arg7[%get3A_389, %get3A_390] {strides = array<i32>} : memref<16x128xi32, #tpu.memory_space<vmem>>, vector<1x16xi32>,
      %get3A_392 = vector.shape_cast %get3A_391 : vector<1x16xi32> to vector<16xi32>
      %add3A_393 = vector.broadcast %mul3A_252 : i32 to vector<16xi32>
      %add3A_394 = arith.addi %get3A_392, %add3A_393 : vector<16xi32>
      %swap3A_395 = arith.index_cast %scan3A_323 : i32 to index
      %swap3A_396 = arith.constant 96 : index
      %swap3A_397 = tpu.vector_load %arg7[%swap3A_395, %swap3A_396] {strides = array<i32>} : memref<16x128xi32, #tpu.memory_space<vmem>>, vector<1x16xi32>,
      %swap3A_398 = vector.shape_cast %swap3A_397 : vector<1x16xi32> to vector<16xi32>
      %swap3A_399 = vector.shape_cast %add3A_394 : vector<16xi32> to vector<1x16xi32>
      tpu.vector_store %arg7[%swap3A_395, %swap3A_396], %swap3A_399 {strides = array<i32>} : memref<16x128xi32, #tpu.memory_space<vmem>>, vector<1x16xi32>,
      %get3A_400 = arith.index_cast %scan3A_323 : i32 to index
      %get3A_401 = arith.constant 112 : index
      %get3A_402 = tpu.vector_load %arg7[%get3A_400, %get3A_401] {strides = array<i32>} : memref<16x128xi32, #tpu.memory_space<vmem>>, vector<1x16xi32>,
      %get3A_403 = vector.shape_cast %get3A_402 : vector<1x16xi32> to vector<16xi32>
      %add3A_404 = vector.broadcast %mul3A_252 : i32 to vector<16xi32>
      %add3A_405 = arith.addi %get3A_403, %add3A_404 : vector<16xi32>
      %swap3A_406 = arith.index_cast %scan3A_323 : i32 to index
      %swap3A_407 = arith.constant 112 : index
      %swap3A_408 = tpu.vector_load %arg7[%swap3A_406, %swap3A_407] {strides = array<i32>} : memref<16x128xi32, #tpu.memory_space<vmem>>, vector<1x16xi32>,
      %swap3A_409 = vector.shape_cast %swap3A_408 : vector<1x16xi32> to vector<16xi32>
      %swap3A_410 = vector.shape_cast %add3A_405 : vector<16xi32> to vector<1x16xi32>
      tpu.vector_store %arg7[%swap3A_406, %swap3A_407], %swap3A_410 {strides = array<i32>} : memref<16x128xi32, #tpu.memory_space<vmem>>, vector<1x16xi32>,
      %scan3A_411 = arith.constant 0 : i32
      scf.yield %scan3A_411 : i32
    }
    %scan3A_259 = arith.constant 16 : i32
    %mul3A_260 = arith.constant 320 : i32
    %mul3A_261 = arith.muli %arg1, %mul3A_260 : i32
    %add3A_262 = arith.constant 0 : i32
    %add3A_263 = arith.addi %mul3A_261, %add3A_262 : i32
    "tpu.region"() ({
      %run_scoped3A = tpu.sem_alloc : memref<!tpu.dma_semaphore, #tpu.memory_space<semaphore_mem>>
      %dma_start3A_323 = arith.constant 0 : i32
      %dma_start3A_324 = tpu.memref_slice %arg11[%add3A_263, %dma_start3A_323] : memref<5120x128xf32, #tpu.memory_space<vmem_shared>> -> memref<64x128xf32, #tpu.memory_space<vmem_shared>>
      %dma_start3A_325 = arith.constant 0 : i32
      %dma_start3A_326 = tpu.memref_slice %arg11[%add3A_263, %dma_start3A_325] : memref<5120x128xf32, #tpu.memory_space<vmem_shared>> -> memref<64x128xf32, #tpu.memory_space<vmem_shared>>
      tpu.enqueue_dma source(%arg10 : memref<64x128xf32, #tpu.memory_space<vmem>>) target(%dma_start3A_326 : memref<64x128xf32, #tpu.memory_space<vmem_shared>>) target_semaphore(%run_scoped3A : memref<!tpu.dma_semaphore, #tpu.memory_space<semaphore_mem>>)
      %dma_wait3A_327 = arith.constant 0 : i32
      %dma_wait3A_328 = tpu.memref_slice %arg11[%add3A_263, %dma_wait3A_327] : memref<5120x128xf32, #tpu.memory_space<vmem_shared>> -> memref<64x128xf32, #tpu.memory_space<vmem_shared>>
      %dma_wait3A_329 = arith.constant 0 : i32
      %dma_wait3A_330 = tpu.memref_slice %arg11[%add3A_263, %dma_wait3A_329] : memref<5120x128xf32, #tpu.memory_space<vmem_shared>> -> memref<64x128xf32, #tpu.memory_space<vmem_shared>>
      tpu.wait_dma2 semaphore(%run_scoped3A : memref<!tpu.dma_semaphore, #tpu.memory_space<semaphore_mem>>) src(%arg10 : memref<64x128xf32, #tpu.memory_space<vmem>>) dst(%dma_wait3A_330 : memref<64x128xf32, #tpu.memory_space<vmem_shared>>)
      tpu.yield
    }) : () -> ()
    %mul3A_264 = arith.constant 320 : i32
    %mul3A_265 = arith.muli %arg1, %mul3A_264 : i32
    %add3A_266 = arith.constant 64 : i32
    %add3A_267 = arith.addi %mul3A_265, %add3A_266 : i32
    "tpu.region"() ({
      %run_scoped3A = tpu.sem_alloc : memref<!tpu.dma_semaphore, #tpu.memory_space<semaphore_mem>>
      %dma_start3A_323 = arith.constant 0 : i32
      %dma_start3A_324 = tpu.memref_slice %arg11[%add3A_267, %dma_start3A_323] : memref<5120x128xf32, #tpu.memory_space<vmem_shared>> -> memref<64x128xf32, #tpu.memory_space<vmem_shared>>
      %dma_start3A_325 = arith.constant 0 : i32
      %dma_start3A_326 = tpu.memref_slice %arg11[%add3A_267, %dma_start3A_325] : memref<5120x128xf32, #tpu.memory_space<vmem_shared>> -> memref<64x128xf32, #tpu.memory_space<vmem_shared>>
      tpu.enqueue_dma source(%arg10 : memref<64x128xf32, #tpu.memory_space<vmem>>) target(%dma_start3A_326 : memref<64x128xf32, #tpu.memory_space<vmem_shared>>) target_semaphore(%run_scoped3A : memref<!tpu.dma_semaphore, #tpu.memory_space<semaphore_mem>>)
      %dma_wait3A_327 = arith.constant 0 : i32
      %dma_wait3A_328 = tpu.memref_slice %arg11[%add3A_267, %dma_wait3A_327] : memref<5120x128xf32, #tpu.memory_space<vmem_shared>> -> memref<64x128xf32, #tpu.memory_space<vmem_shared>>
      %dma_wait3A_329 = arith.constant 0 : i32
      %dma_wait3A_330 = tpu.memref_slice %arg11[%add3A_267, %dma_wait3A_329] : memref<5120x128xf32, #tpu.memory_space<vmem_shared>> -> memref<64x128xf32, #tpu.memory_space<vmem_shared>>
      tpu.wait_dma2 semaphore(%run_scoped3A : memref<!tpu.dma_semaphore, #tpu.memory_space<semaphore_mem>>) src(%arg10 : memref<64x128xf32, #tpu.memory_space<vmem>>) dst(%dma_wait3A_330 : memref<64x128xf32, #tpu.memory_space<vmem_shared>>)
      tpu.yield
    }) : () -> ()
    %mul3A_268 = arith.constant 320 : i32
    %mul3A_269 = arith.muli %arg1, %mul3A_268 : i32
    %add3A_270 = arith.constant 128 : i32
    %add3A_271 = arith.addi %mul3A_269, %add3A_270 : i32
    "tpu.region"() ({
      %run_scoped3A = tpu.sem_alloc : memref<!tpu.dma_semaphore, #tpu.memory_space<semaphore_mem>>
      %dma_start3A_323 = arith.constant 0 : i32
      %dma_start3A_324 = tpu.memref_slice %arg11[%add3A_271, %dma_start3A_323] : memref<5120x128xf32, #tpu.memory_space<vmem_shared>> -> memref<64x128xf32, #tpu.memory_space<vmem_shared>>
      %dma_start3A_325 = arith.constant 0 : i32
      %dma_start3A_326 = tpu.memref_slice %arg11[%add3A_271, %dma_start3A_325] : memref<5120x128xf32, #tpu.memory_space<vmem_shared>> -> memref<64x128xf32, #tpu.memory_space<vmem_shared>>
      tpu.enqueue_dma source(%arg10 : memref<64x128xf32, #tpu.memory_space<vmem>>) target(%dma_start3A_326 : memref<64x128xf32, #tpu.memory_space<vmem_shared>>) target_semaphore(%run_scoped3A : memref<!tpu.dma_semaphore, #tpu.memory_space<semaphore_mem>>)
      %dma_wait3A_327 = arith.constant 0 : i32
      %dma_wait3A_328 = tpu.memref_slice %arg11[%add3A_271, %dma_wait3A_327] : memref<5120x128xf32, #tpu.memory_space<vmem_shared>> -> memref<64x128xf32, #tpu.memory_space<vmem_shared>>
      %dma_wait3A_329 = arith.constant 0 : i32
      %dma_wait3A_330 = tpu.memref_slice %arg11[%add3A_271, %dma_wait3A_329] : memref<5120x128xf32, #tpu.memory_space<vmem_shared>> -> memref<64x128xf32, #tpu.memory_space<vmem_shared>>
      tpu.wait_dma2 semaphore(%run_scoped3A : memref<!tpu.dma_semaphore, #tpu.memory_space<semaphore_mem>>) src(%arg10 : memref<64x128xf32, #tpu.memory_space<vmem>>) dst(%dma_wait3A_330 : memref<64x128xf32, #tpu.memory_space<vmem_shared>>)
      tpu.yield
    }) : () -> ()
    %mul3A_272 = arith.constant 320 : i32
    %mul3A_273 = arith.muli %arg1, %mul3A_272 : i32
    %add3A_274 = arith.constant 192 : i32
    %add3A_275 = arith.addi %mul3A_273, %add3A_274 : i32
    "tpu.region"() ({
      %run_scoped3A = tpu.sem_alloc : memref<!tpu.dma_semaphore, #tpu.memory_space<semaphore_mem>>
      %dma_start3A_323 = arith.constant 0 : i32
      %dma_start3A_324 = tpu.memref_slice %arg11[%add3A_275, %dma_start3A_323] : memref<5120x128xf32, #tpu.memory_space<vmem_shared>> -> memref<64x128xf32, #tpu.memory_space<vmem_shared>>
      %dma_start3A_325 = arith.constant 0 : i32
      %dma_start3A_326 = tpu.memref_slice %arg11[%add3A_275, %dma_start3A_325] : memref<5120x128xf32, #tpu.memory_space<vmem_shared>> -> memref<64x128xf32, #tpu.memory_space<vmem_shared>>
      tpu.enqueue_dma source(%arg10 : memref<64x128xf32, #tpu.memory_space<vmem>>) target(%dma_start3A_326 : memref<64x128xf32, #tpu.memory_space<vmem_shared>>) target_semaphore(%run_scoped3A : memref<!tpu.dma_semaphore, #tpu.memory_space<semaphore_mem>>)
      %dma_wait3A_327 = arith.constant 0 : i32
      %dma_wait3A_328 = tpu.memref_slice %arg11[%add3A_275, %dma_wait3A_327] : memref<5120x128xf32, #tpu.memory_space<vmem_shared>> -> memref<64x128xf32, #tpu.memory_space<vmem_shared>>
      %dma_wait3A_329 = arith.constant 0 : i32
      %dma_wait3A_330 = tpu.memref_slice %arg11[%add3A_275, %dma_wait3A_329] : memref<5120x128xf32, #tpu.memory_space<vmem_shared>> -> memref<64x128xf32, #tpu.memory_space<vmem_shared>>
      tpu.wait_dma2 semaphore(%run_scoped3A : memref<!tpu.dma_semaphore, #tpu.memory_space<semaphore_mem>>) src(%arg10 : memref<64x128xf32, #tpu.memory_space<vmem>>) dst(%dma_wait3A_330 : memref<64x128xf32, #tpu.memory_space<vmem_shared>>)
      tpu.yield
    }) : () -> ()
    %mul3A_276 = arith.constant 320 : i32
    %mul3A_277 = arith.muli %arg1, %mul3A_276 : i32
    %add3A_278 = arith.constant 256 : i32
    %add3A_279 = arith.addi %mul3A_277, %add3A_278 : i32
    "tpu.region"() ({
      %run_scoped3A = tpu.sem_alloc : memref<!tpu.dma_semaphore, #tpu.memory_space<semaphore_mem>>
      %dma_start3A_323 = arith.constant 0 : i32
      %dma_start3A_324 = tpu.memref_slice %arg11[%add3A_279, %dma_start3A_323] : memref<5120x128xf32, #tpu.memory_space<vmem_shared>> -> memref<64x128xf32, #tpu.memory_space<vmem_shared>>
      %dma_start3A_325 = arith.constant 0 : i32
      %dma_start3A_326 = tpu.memref_slice %arg11[%add3A_279, %dma_start3A_325] : memref<5120x128xf32, #tpu.memory_space<vmem_shared>> -> memref<64x128xf32, #tpu.memory_space<vmem_shared>>
      tpu.enqueue_dma source(%arg10 : memref<64x128xf32, #tpu.memory_space<vmem>>) target(%dma_start3A_326 : memref<64x128xf32, #tpu.memory_space<vmem_shared>>) target_semaphore(%run_scoped3A : memref<!tpu.dma_semaphore, #tpu.memory_space<semaphore_mem>>)
      %dma_wait3A_327 = arith.constant 0 : i32
      %dma_wait3A_328 = tpu.memref_slice %arg11[%add3A_279, %dma_wait3A_327] : memref<5120x128xf32, #tpu.memory_space<vmem_shared>> -> memref<64x128xf32, #tpu.memory_space<vmem_shared>>
      %dma_wait3A_329 = arith.constant 0 : i32
      %dma_wait3A_330 = tpu.memref_slice %arg11[%add3A_279, %dma_wait3A_329] : memref<5120x128xf32, #tpu.memory_space<vmem_shared>> -> memref<64x128xf32, #tpu.memory_space<vmem_shared>>
      tpu.wait_dma2 semaphore(%run_scoped3A : memref<!tpu.dma_semaphore, #tpu.memory_space<semaphore_mem>>) src(%arg10 : memref<64x128xf32, #tpu.memory_space<vmem>>) dst(%dma_wait3A_330 : memref<64x128xf32, #tpu.memory_space<vmem_shared>>)
      tpu.yield
    }) : () -> ()
    %dma_start3A_280 = arith.constant 0 : i32
    %dma_start3A_281 = arith.constant 0 : i32
    %dma_start3A_282 = arith.constant 0 : i32
    %dma_start3A_283 = arith.constant 0 : i32
    %dma_start3A_284 = tpu.memref_slice %arg9[%dma_start3A_281, %dma_start3A_282, %dma_start3A_283] : memref<4x128x128xf32, #tpu.memory_space<vmem>> -> memref<1x128x128xf32, #tpu.memory_space<vmem>>
    %dma_start3A_285 = tpu.memref_squeeze %dma_start3A_284 : memref<1x128x128xf32, #tpu.memory_space<vmem>> -> memref<128x128xf32, #tpu.memory_space<vmem>>
    %dma_start3A_286 = arith.constant 0 : i32
    %dma_start3A_287 = tpu.memref_slice %arg7[%dma_start3A_280, %dma_start3A_286] : memref<16x128xi32, #tpu.memory_space<vmem>> -> memref<1x128xi32, #tpu.memory_space<vmem>>
    %dma_start3A_288 = tpu.memref_squeeze %dma_start3A_287 : memref<1x128xi32, #tpu.memory_space<vmem>> -> memref<128xi32, #tpu.memory_space<vmem>>
    %dma_start3A_289 = arith.constant 0 : i32
    %dma_start3A_290 = arith.constant 0 : i32
    %dma_start3A_291 = tpu.memref_slice %arg2[%dma_start3A_289, %dma_start3A_290] : memref<80000x128xf32, #tpu.memory_space<hbm>> -> memref<80000x128xf32, #tpu.memory_space<hbm>>
    tpu.enqueue_indirect_dma source(%dma_start3A_291 : memref<80000x128xf32, #tpu.memory_space<hbm>>) target(%dma_start3A_285 : memref<128x128xf32, #tpu.memory_space<vmem>>) offsets(%dma_start3A_288 : memref<128xi32, #tpu.memory_space<vmem>>) semaphore(%arg12 : memref<!tpu.dma_semaphore, #tpu.memory_space<semaphore_mem>>)
    %dma_start3A_292 = arith.constant 1 : i32
    %dma_start3A_293 = arith.constant 1 : i32
    %dma_start3A_294 = arith.constant 0 : i32
    %dma_start3A_295 = arith.constant 0 : i32
    %dma_start3A_296 = tpu.memref_slice %arg9[%dma_start3A_293, %dma_start3A_294, %dma_start3A_295] : memref<4x128x128xf32, #tpu.memory_space<vmem>> -> memref<1x128x128xf32, #tpu.memory_space<vmem>>
    %dma_start3A_297 = tpu.memref_squeeze %dma_start3A_296 : memref<1x128x128xf32, #tpu.memory_space<vmem>> -> memref<128x128xf32, #tpu.memory_space<vmem>>
    %dma_start3A_298 = arith.constant 0 : i32
    %dma_start3A_299 = tpu.memref_slice %arg7[%dma_start3A_292, %dma_start3A_298] : memref<16x128xi32, #tpu.memory_space<vmem>> -> memref<1x128xi32, #tpu.memory_space<vmem>>
    %dma_start3A_300 = tpu.memref_squeeze %dma_start3A_299 : memref<1x128xi32, #tpu.memory_space<vmem>> -> memref<128xi32, #tpu.memory_space<vmem>>
    %dma_start3A_301 = arith.constant 0 : i32
    %dma_start3A_302 = arith.constant 0 : i32
    %dma_start3A_303 = tpu.memref_slice %arg2[%dma_start3A_301, %dma_start3A_302] : memref<80000x128xf32, #tpu.memory_space<hbm>> -> memref<80000x128xf32, #tpu.memory_space<hbm>>
    tpu.enqueue_indirect_dma source(%dma_start3A_303 : memref<80000x128xf32, #tpu.memory_space<hbm>>) target(%dma_start3A_297 : memref<128x128xf32, #tpu.memory_space<vmem>>) offsets(%dma_start3A_300 : memref<128xi32, #tpu.memory_space<vmem>>) semaphore(%arg13 : memref<!tpu.dma_semaphore, #tpu.memory_space<semaphore_mem>>)
    %dma_start3A_304 = arith.constant 2 : i32
    %dma_start3A_305 = arith.constant 2 : i32
    %dma_start3A_306 = arith.constant 0 : i32
    %dma_start3A_307 = arith.constant 0 : i32
    %dma_start3A_308 = tpu.memref_slice %arg9[%dma_start3A_305, %dma_start3A_306, %dma_start3A_307] : memref<4x128x128xf32, #tpu.memory_space<vmem>> -> memref<1x128x128xf32, #tpu.memory_space<vmem>>
    %dma_start3A_309 = tpu.memref_squeeze %dma_start3A_308 : memref<1x128x128xf32, #tpu.memory_space<vmem>> -> memref<128x128xf32, #tpu.memory_space<vmem>>
    %dma_start3A_310 = arith.constant 0 : i32
    %dma_start3A_311 = tpu.memref_slice %arg7[%dma_start3A_304, %dma_start3A_310] : memref<16x128xi32, #tpu.memory_space<vmem>> -> memref<1x128xi32, #tpu.memory_space<vmem>>
    %dma_start3A_312 = tpu.memref_squeeze %dma_start3A_311 : memref<1x128xi32, #tpu.memory_space<vmem>> -> memref<128xi32, #tpu.memory_space<vmem>>
    %dma_start3A_313 = arith.constant 0 : i32
    %dma_start3A_314 = arith.constant 0 : i32
    %dma_start3A_315 = tpu.memref_slice %arg2[%dma_start3A_313, %dma_start3A_314] : memref<80000x128xf32, #tpu.memory_space<hbm>> -> memref<80000x128xf32, #tpu.memory_space<hbm>>
    tpu.enqueue_indirect_dma source(%dma_start3A_315 : memref<80000x128xf32, #tpu.memory_space<hbm>>) target(%dma_start3A_309 : memref<128x128xf32, #tpu.memory_space<vmem>>) offsets(%dma_start3A_312 : memref<128xi32, #tpu.memory_space<vmem>>) semaphore(%arg14 : memref<!tpu.dma_semaphore, #tpu.memory_space<semaphore_mem>>)
    %scan3A_316 = arith.constant 0 : i32
    %scan3A_317 = arith.constant 0 : i32
    %scan3A_318 = arith.constant 6 : i32
    %scan3A_319 = arith.addi %scan3A_317, %scan3A_318 : i32
    %scan3A_320 = arith.constant 1 : i32
    %scan3A_321 = scf.for %scan3A_323 = %scan3A_317 to %scan3A_319 step %scan3A_320 iter_args(%scan3A_324 = %scan3A_316) -> (i32)  : i32 {
      %barrier3A_325 = arith.constant 0 : index
      tpu.barrier barrier_id(%barrier3A_325)
      %dma_start3A_326 = arith.constant 3 : i32
      %dma_start3A_327 = arith.constant 3 : i32
      %dma_start3A_328 = arith.constant 0 : i32
      %dma_start3A_329 = arith.constant 0 : i32
      %dma_start3A_330 = tpu.memref_slice %arg9[%dma_start3A_327, %dma_start3A_328, %dma_start3A_329] : memref<4x128x128xf32, #tpu.memory_space<vmem>> -> memref<1x128x128xf32, #tpu.memory_space<vmem>>
      %dma_start3A_331 = tpu.memref_squeeze %dma_start3A_330 : memref<1x128x128xf32, #tpu.memory_space<vmem>> -> memref<128x128xf32, #tpu.memory_space<vmem>>
      %dma_start3A_332 = arith.constant 0 : i32
      %dma_start3A_333 = tpu.memref_slice %arg7[%dma_start3A_326, %dma_start3A_332] : memref<16x128xi32, #tpu.memory_space<vmem>> -> memref<1x128xi32, #tpu.memory_space<vmem>>
      %dma_start3A_334 = tpu.memref_squeeze %dma_start3A_333 : memref<1x128xi32, #tpu.memory_space<vmem>> -> memref<128xi32, #tpu.memory_space<vmem>>
      %dma_start3A_335 = arith.constant 0 : i32
      %dma_start3A_336 = arith.constant 0 : i32
      %dma_start3A_337 = tpu.memref_slice %arg2[%dma_start3A_335, %dma_start3A_336] : memref<80000x128xf32, #tpu.memory_space<hbm>> -> memref<80000x128xf32, #tpu.memory_space<hbm>>
      tpu.enqueue_indirect_dma source(%dma_start3A_337 : memref<80000x128xf32, #tpu.memory_space<hbm>>) target(%dma_start3A_331 : memref<128x128xf32, #tpu.memory_space<vmem>>) offsets(%dma_start3A_334 : memref<128xi32, #tpu.memory_space<vmem>>) semaphore(%arg15 : memref<!tpu.dma_semaphore, #tpu.memory_space<semaphore_mem>>)
      %dma_wait3A_338 = arith.constant 0 : i32
      %dma_wait3A_339 = arith.constant 0 : i32
      %dma_wait3A_340 = arith.constant 0 : i32
      %dma_wait3A_341 = arith.constant 0 : i32
      %dma_wait3A_342 = tpu.memref_slice %arg9[%dma_wait3A_339, %dma_wait3A_340, %dma_wait3A_341] : memref<4x128x128xf32, #tpu.memory_space<vmem>> -> memref<1x128x128xf32, #tpu.memory_space<vmem>>
      %dma_wait3A_343 = tpu.memref_squeeze %dma_wait3A_342 : memref<1x128x128xf32, #tpu.memory_space<vmem>> -> memref<128x128xf32, #tpu.memory_space<vmem>>
      %dma_wait3A_344 = arith.constant 0 : i32
      %dma_wait3A_345 = tpu.memref_slice %arg7[%dma_wait3A_338, %dma_wait3A_344] : memref<16x128xi32, #tpu.memory_space<vmem>> -> memref<1x128xi32, #tpu.memory_space<vmem>>
      %dma_wait3A_346 = tpu.memref_squeeze %dma_wait3A_345 : memref<1x128xi32, #tpu.memory_space<vmem>> -> memref<128xi32, #tpu.memory_space<vmem>>
      %dma_wait3A_347 = arith.constant 0 : i32
      %dma_wait3A_348 = arith.constant 0 : i32
      %dma_wait3A_349 = tpu.memref_slice %arg2[%dma_wait3A_347, %dma_wait3A_348] : memref<80000x128xf32, #tpu.memory_space<hbm>> -> memref<80000x128xf32, #tpu.memory_space<hbm>>
      tpu.wait_indirect_dma semaphore(%arg12 : memref<!tpu.dma_semaphore, #tpu.memory_space<semaphore_mem>>) src(%dma_wait3A_349 : memref<80000x128xf32, #tpu.memory_space<hbm>>) dst(%dma_wait3A_343 : memref<128x128xf32, #tpu.memory_space<vmem>>)
      %dma_start3A_350 = arith.constant 0 : i32
      %dma_start3A_351 = arith.constant 0 : i32
      %dma_start3A_352 = arith.constant 0 : i32
      %dma_start3A_353 = arith.constant 0 : i32
      %dma_start3A_354 = tpu.memref_slice %arg9[%dma_start3A_350, %dma_start3A_352, %dma_start3A_353] : memref<4x128x128xf32, #tpu.memory_space<vmem>> -> memref<1x128x128xf32, #tpu.memory_space<vmem>>
      %dma_start3A_355 = tpu.memref_squeeze %dma_start3A_354 : memref<1x128x128xf32, #tpu.memory_space<vmem>> -> memref<128x128xf32, #tpu.memory_space<vmem>>
      %dma_start3A_356 = arith.constant 0 : i32
      %dma_start3A_357 = tpu.memref_slice %arg8[%dma_start3A_351, %dma_start3A_356] : memref<16x128xi32, #tpu.memory_space<vmem>> -> memref<1x128xi32, #tpu.memory_space<vmem>>
      %dma_start3A_358 = tpu.memref_squeeze %dma_start3A_357 : memref<1x128xi32, #tpu.memory_space<vmem>> -> memref<128xi32, #tpu.memory_space<vmem>>
      %dma_start3A_359 = arith.constant 0 : i32
      %dma_start3A_360 = arith.constant 0 : i32
      %dma_start3A_361 = tpu.memref_slice %arg11[%dma_start3A_359, %dma_start3A_360] : memref<5120x128xf32, #tpu.memory_space<vmem_shared>> -> memref<5120x128xf32, #tpu.memory_space<vmem_shared>>
      tpu.enqueue_indirect_dma source(%dma_start3A_355 : memref<128x128xf32, #tpu.memory_space<vmem>>) target(%dma_start3A_361 : memref<5120x128xf32, #tpu.memory_space<vmem_shared>>) offsets(%dma_start3A_358 : memref<128xi32, #tpu.memory_space<vmem>>) semaphore(%arg12 : memref<!tpu.dma_semaphore, #tpu.memory_space<semaphore_mem>>) {add = true}
      %dma_wait3A_362 = arith.constant 0 : i32
      %dma_wait3A_363 = arith.constant 0 : i32
      %dma_wait3A_364 = arith.constant 0 : i32
      %dma_wait3A_365 = arith.constant 0 : i32
      %dma_wait3A_366 = tpu.memref_slice %arg9[%dma_wait3A_362, %dma_wait3A_364, %dma_wait3A_365] : memref<4x128x128xf32, #tpu.memory_space<vmem>> -> memref<1x128x128xf32, #tpu.memory_space<vmem>>
      %dma_wait3A_367 = tpu.memref_squeeze %dma_wait3A_366 : memref<1x128x128xf32, #tpu.memory_space<vmem>> -> memref<128x128xf32, #tpu.memory_space<vmem>>
      %dma_wait3A_368 = arith.constant 0 : i32
      %dma_wait3A_369 = tpu.memref_slice %arg8[%dma_wait3A_363, %dma_wait3A_368] : memref<16x128xi32, #tpu.memory_space<vmem>> -> memref<1x128xi32, #tpu.memory_space<vmem>>
      %dma_wait3A_370 = tpu.memref_squeeze %dma_wait3A_369 : memref<1x128xi32, #tpu.memory_space<vmem>> -> memref<128xi32, #tpu.memory_space<vmem>>
      %dma_wait3A_371 = arith.constant 0 : i32
      %dma_wait3A_372 = arith.constant 0 : i32
      %dma_wait3A_373 = tpu.memref_slice %arg11[%dma_wait3A_371, %dma_wait3A_372] : memref<5120x128xf32, #tpu.memory_space<vmem_shared>> -> memref<5120x128xf32, #tpu.memory_space<vmem_shared>>
      tpu.wait_indirect_dma semaphore(%arg12 : memref<!tpu.dma_semaphore, #tpu.memory_space<semaphore_mem>>) src(%dma_wait3A_367 : memref<128x128xf32, #tpu.memory_space<vmem>>) dst(%dma_wait3A_373 : memref<5120x128xf32, #tpu.memory_space<vmem_shared>>)
      %dma_start3A_374 = arith.constant 4 : i32
      %dma_start3A_375 = arith.constant 0 : i32
      %dma_start3A_376 = arith.constant 0 : i32
      %dma_start3A_377 = arith.constant 0 : i32
      %dma_start3A_378 = tpu.memref_slice %arg9[%dma_start3A_375, %dma_start3A_376, %dma_start3A_377] : memref<4x128x128xf32, #tpu.memory_space<vmem>> -> memref<1x128x128xf32, #tpu.memory_space<vmem>>
      %dma_start3A_379 = tpu.memref_squeeze %dma_start3A_378 : memref<1x128x128xf32, #tpu.memory_space<vmem>> -> memref<128x128xf32, #tpu.memory_space<vmem>>
      %dma_start3A_380 = arith.constant 0 : i32
      %dma_start3A_381 = tpu.memref_slice %arg7[%dma_start3A_374, %dma_start3A_380] : memref<16x128xi32, #tpu.memory_space<vmem>> -> memref<1x128xi32, #tpu.memory_space<vmem>>
      %dma_start3A_382 = tpu.memref_squeeze %dma_start3A_381 : memref<1x128xi32, #tpu.memory_space<vmem>> -> memref<128xi32, #tpu.memory_space<vmem>>
      %dma_start3A_383 = arith.constant 0 : i32
      %dma_start3A_384 = arith.constant 0 : i32
      %dma_start3A_385 = tpu.memref_slice %arg2[%dma_start3A_383, %dma_start3A_384] : memref<80000x128xf32, #tpu.memory_space<hbm>> -> memref<80000x128xf32, #tpu.memory_space<hbm>>
      tpu.enqueue_indirect_dma source(%dma_start3A_385 : memref<80000x128xf32, #tpu.memory_space<hbm>>) target(%dma_start3A_379 : memref<128x128xf32, #tpu.memory_space<vmem>>) offsets(%dma_start3A_382 : memref<128xi32, #tpu.memory_space<vmem>>) semaphore(%arg12 : memref<!tpu.dma_semaphore, #tpu.memory_space<semaphore_mem>>)
      %dma_wait3A_386 = arith.constant 1 : i32
      %dma_wait3A_387 = arith.constant 1 : i32
      %dma_wait3A_388 = arith.constant 0 : i32
      %dma_wait3A_389 = arith.constant 0 : i32
      %dma_wait3A_390 = tpu.memref_slice %arg9[%dma_wait3A_387, %dma_wait3A_388, %dma_wait3A_389] : memref<4x128x128xf32, #tpu.memory_space<vmem>> -> memref<1x128x128xf32, #tpu.memory_space<vmem>>
      %dma_wait3A_391 = tpu.memref_squeeze %dma_wait3A_390 : memref<1x128x128xf32, #tpu.memory_space<vmem>> -> memref<128x128xf32, #tpu.memory_space<vmem>>
      %dma_wait3A_392 = arith.constant 0 : i32
      %dma_wait3A_393 = tpu.memref_slice %arg7[%dma_wait3A_386, %dma_wait3A_392] : memref<16x128xi32, #tpu.memory_space<vmem>> -> memref<1x128xi32, #tpu.memory_space<vmem>>
      %dma_wait3A_394 = tpu.memref_squeeze %dma_wait3A_393 : memref<1x128xi32, #tpu.memory_space<vmem>> -> memref<128xi32, #tpu.memory_space<vmem>>
      %dma_wait3A_395 = arith.constant 0 : i32
      %dma_wait3A_396 = arith.constant 0 : i32
      %dma_wait3A_397 = tpu.memref_slice %arg2[%dma_wait3A_395, %dma_wait3A_396] : memref<80000x128xf32, #tpu.memory_space<hbm>> -> memref<80000x128xf32, #tpu.memory_space<hbm>>
      tpu.wait_indirect_dma semaphore(%arg13 : memref<!tpu.dma_semaphore, #tpu.memory_space<semaphore_mem>>) src(%dma_wait3A_397 : memref<80000x128xf32, #tpu.memory_space<hbm>>) dst(%dma_wait3A_391 : memref<128x128xf32, #tpu.memory_space<vmem>>)
      %dma_start3A_398 = arith.constant 1 : i32
      %dma_start3A_399 = arith.constant 1 : i32
      %dma_start3A_400 = arith.constant 0 : i32
      %dma_start3A_401 = arith.constant 0 : i32
      %dma_start3A_402 = tpu.memref_slice %arg9[%dma_start3A_398, %dma_start3A_400, %dma_start3A_401] : memref<4x128x128xf32, #tpu.memory_space<vmem>> -> memref<1x128x128xf32, #tpu.memory_space<vmem>>
      %dma_start3A_403 = tpu.memref_squeeze %dma_start3A_402 : memref<1x128x128xf32, #tpu.memory_space<vmem>> -> memref<128x128xf32, #tpu.memory_space<vmem>>
      %dma_start3A_404 = arith.constant 0 : i32
      %dma_start3A_405 = tpu.memref_slice %arg8[%dma_start3A_399, %dma_start3A_404] : memref<16x128xi32, #tpu.memory_space<vmem>> -> memref<1x128xi32, #tpu.memory_space<vmem>>
      %dma_start3A_406 = tpu.memref_squeeze %dma_start3A_405 : memref<1x128xi32, #tpu.memory_space<vmem>> -> memref<128xi32, #tpu.memory_space<vmem>>
      %dma_start3A_407 = arith.constant 0 : i32
      %dma_start3A_408 = arith.constant 0 : i32
      %dma_start3A_409 = tpu.memref_slice %arg11[%dma_start3A_407, %dma_start3A_408] : memref<5120x128xf32, #tpu.memory_space<vmem_shared>> -> memref<5120x128xf32, #tpu.memory_space<vmem_shared>>
      tpu.enqueue_indirect_dma source(%dma_start3A_403 : memref<128x128xf32, #tpu.memory_space<vmem>>) target(%dma_start3A_409 : memref<5120x128xf32, #tpu.memory_space<vmem_shared>>) offsets(%dma_start3A_406 : memref<128xi32, #tpu.memory_space<vmem>>) semaphore(%arg13 : memref<!tpu.dma_semaphore, #tpu.memory_space<semaphore_mem>>) {add = true}
      %dma_wait3A_410 = arith.constant 1 : i32
      %dma_wait3A_411 = arith.constant 1 : i32
      %dma_wait3A_412 = arith.constant 0 : i32
      %dma_wait3A_413 = arith.constant 0 : i32
      %dma_wait3A_414 = tpu.memref_slice %arg9[%dma_wait3A_410, %dma_wait3A_412, %dma_wait3A_413] : memref<4x128x128xf32, #tpu.memory_space<vmem>> -> memref<1x128x128xf32, #tpu.memory_space<vmem>>
      %dma_wait3A_415 = tpu.memref_squeeze %dma_wait3A_414 : memref<1x128x128xf32, #tpu.memory_space<vmem>> -> memref<128x128xf32, #tpu.memory_space<vmem>>
      %dma_wait3A_416 = arith.constant 0 : i32
      %dma_wait3A_417 = tpu.memref_slice %arg8[%dma_wait3A_411, %dma_wait3A_416] : memref<16x128xi32, #tpu.memory_space<vmem>> -> memref<1x128xi32, #tpu.memory_space<vmem>>
      %dma_wait3A_418 = tpu.memref_squeeze %dma_wait3A_417 : memref<1x128xi32, #tpu.memory_space<vmem>> -> memref<128xi32, #tpu.memory_space<vmem>>
      %dma_wait3A_419 = arith.constant 0 : i32
      %dma_wait3A_420 = arith.constant 0 : i32
      %dma_wait3A_421 = tpu.memref_slice %arg11[%dma_wait3A_419, %dma_wait3A_420] : memref<5120x128xf32, #tpu.memory_space<vmem_shared>> -> memref<5120x128xf32, #tpu.memory_space<vmem_shared>>
      tpu.wait_indirect_dma semaphore(%arg13 : memref<!tpu.dma_semaphore, #tpu.memory_space<semaphore_mem>>) src(%dma_wait3A_415 : memref<128x128xf32, #tpu.memory_space<vmem>>) dst(%dma_wait3A_421 : memref<5120x128xf32, #tpu.memory_space<vmem_shared>>)
      %dma_start3A_422 = arith.constant 5 : i32
      %dma_start3A_423 = arith.constant 1 : i32
      %dma_start3A_424 = arith.constant 0 : i32
      %dma_start3A_425 = arith.constant 0 : i32
      %dma_start3A_426 = tpu.memref_slice %arg9[%dma_start3A_423, %dma_start3A_424, %dma_start3A_425] : memref<4x128x128xf32, #tpu.memory_space<vmem>> -> memref<1x128x128xf32, #tpu.memory_space<vmem>>
      %dma_start3A_427 = tpu.memref_squeeze %dma_start3A_426 : memref<1x128x128xf32, #tpu.memory_space<vmem>> -> memref<128x128xf32, #tpu.memory_space<vmem>>
      %dma_start3A_428 = arith.constant 0 : i32
      %dma_start3A_429 = tpu.memref_slice %arg7[%dma_start3A_422, %dma_start3A_428] : memref<16x128xi32, #tpu.memory_space<vmem>> -> memref<1x128xi32, #tpu.memory_space<vmem>>
      %dma_start3A_430 = tpu.memref_squeeze %dma_start3A_429 : memref<1x128xi32, #tpu.memory_space<vmem>> -> memref<128xi32, #tpu.memory_space<vmem>>
      %dma_start3A_431 = arith.constant 0 : i32
      %dma_start3A_432 = arith.constant 0 : i32
      %dma_start3A_433 = tpu.memref_slice %arg2[%dma_start3A_431, %dma_start3A_432] : memref<80000x128xf32, #tpu.memory_space<hbm>> -> memref<80000x128xf32, #tpu.memory_space<hbm>>
      tpu.enqueue_indirect_dma source(%dma_start3A_433 : memref<80000x128xf32, #tpu.memory_space<hbm>>) target(%dma_start3A_427 : memref<128x128xf32, #tpu.memory_space<vmem>>) offsets(%dma_start3A_430 : memref<128xi32, #tpu.memory_space<vmem>>) semaphore(%arg13 : memref<!tpu.dma_semaphore, #tpu.memory_space<semaphore_mem>>)
      %dma_wait3A_434 = arith.constant 2 : i32
      %dma_wait3A_435 = arith.constant 2 : i32
      %dma_wait3A_436 = arith.constant 0 : i32
      %dma_wait3A_437 = arith.constant 0 : i32
      %dma_wait3A_438 = tpu.memref_slice %arg9[%dma_wait3A_435, %dma_wait3A_436, %dma_wait3A_437] : memref<4x128x128xf32, #tpu.memory_space<vmem>> -> memref<1x128x128xf32, #tpu.memory_space<vmem>>
      %dma_wait3A_439 = tpu.memref_squeeze %dma_wait3A_438 : memref<1x128x128xf32, #tpu.memory_space<vmem>> -> memref<128x128xf32, #tpu.memory_space<vmem>>
      %dma_wait3A_440 = arith.constant 0 : i32
      %dma_wait3A_441 = tpu.memref_slice %arg7[%dma_wait3A_434, %dma_wait3A_440] : memref<16x128xi32, #tpu.memory_space<vmem>> -> memref<1x128xi32, #tpu.memory_space<vmem>>
      %dma_wait3A_442 = tpu.memref_squeeze %dma_wait3A_441 : memref<1x128xi32, #tpu.memory_space<vmem>> -> memref<128xi32, #tpu.memory_space<vmem>>
      %dma_wait3A_443 = arith.constant 0 : i32
      %dma_wait3A_444 = arith.constant 0 : i32
      %dma_wait3A_445 = tpu.memref_slice %arg2[%dma_wait3A_443, %dma_wait3A_444] : memref<80000x128xf32, #tpu.memory_space<hbm>> -> memref<80000x128xf32, #tpu.memory_space<hbm>>
      tpu.wait_indirect_dma semaphore(%arg14 : memref<!tpu.dma_semaphore, #tpu.memory_space<semaphore_mem>>) src(%dma_wait3A_445 : memref<80000x128xf32, #tpu.memory_space<hbm>>) dst(%dma_wait3A_439 : memref<128x128xf32, #tpu.memory_space<vmem>>)
      %dma_start3A_446 = arith.constant 2 : i32
      %dma_start3A_447 = arith.constant 2 : i32
      %dma_start3A_448 = arith.constant 0 : i32
      %dma_start3A_449 = arith.constant 0 : i32
      %dma_start3A_450 = tpu.memref_slice %arg9[%dma_start3A_446, %dma_start3A_448, %dma_start3A_449] : memref<4x128x128xf32, #tpu.memory_space<vmem>> -> memref<1x128x128xf32, #tpu.memory_space<vmem>>
      %dma_start3A_451 = tpu.memref_squeeze %dma_start3A_450 : memref<1x128x128xf32, #tpu.memory_space<vmem>> -> memref<128x128xf32, #tpu.memory_space<vmem>>
      %dma_start3A_452 = arith.constant 0 : i32
      %dma_start3A_453 = tpu.memref_slice %arg8[%dma_start3A_447, %dma_start3A_452] : memref<16x128xi32, #tpu.memory_space<vmem>> -> memref<1x128xi32, #tpu.memory_space<vmem>>
      %dma_start3A_454 = tpu.memref_squeeze %dma_start3A_453 : memref<1x128xi32, #tpu.memory_space<vmem>> -> memref<128xi32, #tpu.memory_space<vmem>>
      %dma_start3A_455 = arith.constant 0 : i32
      %dma_start3A_456 = arith.constant 0 : i32
      %dma_start3A_457 = tpu.memref_slice %arg11[%dma_start3A_455, %dma_start3A_456] : memref<5120x128xf32, #tpu.memory_space<vmem_shared>> -> memref<5120x128xf32, #tpu.memory_space<vmem_shared>>
      tpu.enqueue_indirect_dma source(%dma_start3A_451 : memref<128x128xf32, #tpu.memory_space<vmem>>) target(%dma_start3A_457 : memref<5120x128xf32, #tpu.memory_space<vmem_shared>>) offsets(%dma_start3A_454 : memref<128xi32, #tpu.memory_space<vmem>>) semaphore(%arg14 : memref<!tpu.dma_semaphore, #tpu.memory_space<semaphore_mem>>) {add = true}
      %dma_wait3A_458 = arith.constant 2 : i32
      %dma_wait3A_459 = arith.constant 2 : i32
      %dma_wait3A_460 = arith.constant 0 : i32
      %dma_wait3A_461 = arith.constant 0 : i32
      %dma_wait3A_462 = tpu.memref_slice %arg9[%dma_wait3A_458, %dma_wait3A_460, %dma_wait3A_461] : memref<4x128x128xf32, #tpu.memory_space<vmem>> -> memref<1x128x128xf32, #tpu.memory_space<vmem>>
      %dma_wait3A_463 = tpu.memref_squeeze %dma_wait3A_462 : memref<1x128x128xf32, #tpu.memory_space<vmem>> -> memref<128x128xf32, #tpu.memory_space<vmem>>
      %dma_wait3A_464 = arith.constant 0 : i32
      %dma_wait3A_465 = tpu.memref_slice %arg8[%dma_wait3A_459, %dma_wait3A_464] : memref<16x128xi32, #tpu.memory_space<vmem>> -> memref<1x128xi32, #tpu.memory_space<vmem>>
      %dma_wait3A_466 = tpu.memref_squeeze %dma_wait3A_465 : memref<1x128xi32, #tpu.memory_space<vmem>> -> memref<128xi32, #tpu.memory_space<vmem>>
      %dma_wait3A_467 = arith.constant 0 : i32
      %dma_wait3A_468 = arith.constant 0 : i32
      %dma_wait3A_469 = tpu.memref_slice %arg11[%dma_wait3A_467, %dma_wait3A_468] : memref<5120x128xf32, #tpu.memory_space<vmem_shared>> -> memref<5120x128xf32, #tpu.memory_space<vmem_shared>>
      tpu.wait_indirect_dma semaphore(%arg14 : memref<!tpu.dma_semaphore, #tpu.memory_space<semaphore_mem>>) src(%dma_wait3A_463 : memref<128x128xf32, #tpu.memory_space<vmem>>) dst(%dma_wait3A_469 : memref<5120x128xf32, #tpu.memory_space<vmem_shared>>)
      %dma_start3A_470 = arith.constant 6 : i32
      %dma_start3A_471 = arith.constant 2 : i32
      %dma_start3A_472 = arith.constant 0 : i32
      %dma_start3A_473 = arith.constant 0 : i32
      %dma_start3A_474 = tpu.memref_slice %arg9[%dma_start3A_471, %dma_start3A_472, %dma_start3A_473] : memref<4x128x128xf32, #tpu.memory_space<vmem>> -> memref<1x128x128xf32, #tpu.memory_space<vmem>>
      %dma_start3A_475 = tpu.memref_squeeze %dma_start3A_474 : memref<1x128x128xf32, #tpu.memory_space<vmem>> -> memref<128x128xf32, #tpu.memory_space<vmem>>
      %dma_start3A_476 = arith.constant 0 : i32
      %dma_start3A_477 = tpu.memref_slice %arg7[%dma_start3A_470, %dma_start3A_476] : memref<16x128xi32, #tpu.memory_space<vmem>> -> memref<1x128xi32, #tpu.memory_space<vmem>>
      %dma_start3A_478 = tpu.memref_squeeze %dma_start3A_477 : memref<1x128xi32, #tpu.memory_space<vmem>> -> memref<128xi32, #tpu.memory_space<vmem>>
      %dma_start3A_479 = arith.constant 0 : i32
      %dma_start3A_480 = arith.constant 0 : i32
      %dma_start3A_481 = tpu.memref_slice %arg2[%dma_start3A_479, %dma_start3A_480] : memref<80000x128xf32, #tpu.memory_space<hbm>> -> memref<80000x128xf32, #tpu.memory_space<hbm>>
      tpu.enqueue_indirect_dma source(%dma_start3A_481 : memref<80000x128xf32, #tpu.memory_space<hbm>>) target(%dma_start3A_475 : memref<128x128xf32, #tpu.memory_space<vmem>>) offsets(%dma_start3A_478 : memref<128xi32, #tpu.memory_space<vmem>>) semaphore(%arg14 : memref<!tpu.dma_semaphore, #tpu.memory_space<semaphore_mem>>)
      %dma_wait3A_482 = arith.constant 3 : i32
      %dma_wait3A_483 = arith.constant 3 : i32
      %dma_wait3A_484 = arith.constant 0 : i32
      %dma_wait3A_485 = arith.constant 0 : i32
      %dma_wait3A_486 = tpu.memref_slice %arg9[%dma_wait3A_483, %dma_wait3A_484, %dma_wait3A_485] : memref<4x128x128xf32, #tpu.memory_space<vmem>> -> memref<1x128x128xf32, #tpu.memory_space<vmem>>
      %dma_wait3A_487 = tpu.memref_squeeze %dma_wait3A_486 : memref<1x128x128xf32, #tpu.memory_space<vmem>> -> memref<128x128xf32, #tpu.memory_space<vmem>>
      %dma_wait3A_488 = arith.constant 0 : i32
      %dma_wait3A_489 = tpu.memref_slice %arg7[%dma_wait3A_482, %dma_wait3A_488] : memref<16x128xi32, #tpu.memory_space<vmem>> -> memref<1x128xi32, #tpu.memory_space<vmem>>
      %dma_wait3A_490 = tpu.memref_squeeze %dma_wait3A_489 : memref<1x128xi32, #tpu.memory_space<vmem>> -> memref<128xi32, #tpu.memory_space<vmem>>
      %dma_wait3A_491 = arith.constant 0 : i32
      %dma_wait3A_492 = arith.constant 0 : i32
      %dma_wait3A_493 = tpu.memref_slice %arg2[%dma_wait3A_491, %dma_wait3A_492] : memref<80000x128xf32, #tpu.memory_space<hbm>> -> memref<80000x128xf32, #tpu.memory_space<hbm>>
      tpu.wait_indirect_dma semaphore(%arg15 : memref<!tpu.dma_semaphore, #tpu.memory_space<semaphore_mem>>) src(%dma_wait3A_493 : memref<80000x128xf32, #tpu.memory_space<hbm>>) dst(%dma_wait3A_487 : memref<128x128xf32, #tpu.memory_space<vmem>>)
      %dma_start3A_494 = arith.constant 3 : i32
      %dma_start3A_495 = arith.constant 3 : i32
      %dma_start3A_496 = arith.constant 0 : i32
      %dma_start3A_497 = arith.constant 0 : i32
      %dma_start3A_498 = tpu.memref_slice %arg9[%dma_start3A_494, %dma_start3A_496, %dma_start3A_497] : memref<4x128x128xf32, #tpu.memory_space<vmem>> -> memref<1x128x128xf32, #tpu.memory_space<vmem>>
      %dma_start3A_499 = tpu.memref_squeeze %dma_start3A_498 : memref<1x128x128xf32, #tpu.memory_space<vmem>> -> memref<128x128xf32, #tpu.memory_space<vmem>>
      %dma_start3A_500 = arith.constant 0 : i32
      %dma_start3A_501 = tpu.memref_slice %arg8[%dma_start3A_495, %dma_start3A_500] : memref<16x128xi32, #tpu.memory_space<vmem>> -> memref<1x128xi32, #tpu.memory_space<vmem>>
      %dma_start3A_502 = tpu.memref_squeeze %dma_start3A_501 : memref<1x128xi32, #tpu.memory_space<vmem>> -> memref<128xi32, #tpu.memory_space<vmem>>
      %dma_start3A_503 = arith.constant 0 : i32
      %dma_start3A_504 = arith.constant 0 : i32
      %dma_start3A_505 = tpu.memref_slice %arg11[%dma_start3A_503, %dma_start3A_504] : memref<5120x128xf32, #tpu.memory_space<vmem_shared>> -> memref<5120x128xf32, #tpu.memory_space<vmem_shared>>
      tpu.enqueue_indirect_dma source(%dma_start3A_499 : memref<128x128xf32, #tpu.memory_space<vmem>>) target(%dma_start3A_505 : memref<5120x128xf32, #tpu.memory_space<vmem_shared>>) offsets(%dma_start3A_502 : memref<128xi32, #tpu.memory_space<vmem>>) semaphore(%arg15 : memref<!tpu.dma_semaphore, #tpu.memory_space<semaphore_mem>>) {add = true}
      %dma_wait3A_506 = arith.constant 3 : i32
      %dma_wait3A_507 = arith.constant 3 : i32
      %dma_wait3A_508 = arith.constant 0 : i32
      %dma_wait3A_509 = arith.constant 0 : i32
      %dma_wait3A_510 = tpu.memref_slice %arg9[%dma_wait3A_506, %dma_wait3A_508, %dma_wait3A_509] : memref<4x128x128xf32, #tpu.memory_space<vmem>> -> memref<1x128x128xf32, #tpu.memory_space<vmem>>
      %dma_wait3A_511 = tpu.memref_squeeze %dma_wait3A_510 : memref<1x128x128xf32, #tpu.memory_space<vmem>> -> memref<128x128xf32, #tpu.memory_space<vmem>>
      %dma_wait3A_512 = arith.constant 0 : i32
      %dma_wait3A_513 = tpu.memref_slice %arg8[%dma_wait3A_507, %dma_wait3A_512] : memref<16x128xi32, #tpu.memory_space<vmem>> -> memref<1x128xi32, #tpu.memory_space<vmem>>
      %dma_wait3A_514 = tpu.memref_squeeze %dma_wait3A_513 : memref<1x128xi32, #tpu.memory_space<vmem>> -> memref<128xi32, #tpu.memory_space<vmem>>
      %dma_wait3A_515 = arith.constant 0 : i32
      %dma_wait3A_516 = arith.constant 0 : i32
      %dma_wait3A_517 = tpu.memref_slice %arg11[%dma_wait3A_515, %dma_wait3A_516] : memref<5120x128xf32, #tpu.memory_space<vmem_shared>> -> memref<5120x128xf32, #tpu.memory_space<vmem_shared>>
      tpu.wait_indirect_dma semaphore(%arg15 : memref<!tpu.dma_semaphore, #tpu.memory_space<semaphore_mem>>) src(%dma_wait3A_511 : memref<128x128xf32, #tpu.memory_space<vmem>>) dst(%dma_wait3A_517 : memref<5120x128xf32, #tpu.memory_space<vmem_shared>>)
      %dma_start3A_518 = arith.constant 7 : i32
      %dma_start3A_519 = arith.constant 3 : i32
      %dma_start3A_520 = arith.constant 0 : i32
      %dma_start3A_521 = arith.constant 0 : i32
      %dma_start3A_522 = tpu.memref_slice %arg9[%dma_start3A_519, %dma_start3A_520, %dma_start3A_521] : memref<4x128x128xf32, #tpu.memory_space<vmem>> -> memref<1x128x128xf32, #tpu.memory_space<vmem>>
      %dma_start3A_523 = tpu.memref_squeeze %dma_start3A_522 : memref<1x128x128xf32, #tpu.memory_space<vmem>> -> memref<128x128xf32, #tpu.memory_space<vmem>>
      %dma_start3A_524 = arith.constant 0 : i32
      %dma_start3A_525 = tpu.memref_slice %arg7[%dma_start3A_518, %dma_start3A_524] : memref<16x128xi32, #tpu.memory_space<vmem>> -> memref<1x128xi32, #tpu.memory_space<vmem>>
      %dma_start3A_526 = tpu.memref_squeeze %dma_start3A_525 : memref<1x128xi32, #tpu.memory_space<vmem>> -> memref<128xi32, #tpu.memory_space<vmem>>
      %dma_start3A_527 = arith.constant 0 : i32
      %dma_start3A_528 = arith.constant 0 : i32
      %dma_start3A_529 = tpu.memref_slice %arg2[%dma_start3A_527, %dma_start3A_528] : memref<80000x128xf32, #tpu.memory_space<hbm>> -> memref<80000x128xf32, #tpu.memory_space<hbm>>
      tpu.enqueue_indirect_dma source(%dma_start3A_529 : memref<80000x128xf32, #tpu.memory_space<hbm>>) target(%dma_start3A_523 : memref<128x128xf32, #tpu.memory_space<vmem>>) offsets(%dma_start3A_526 : memref<128xi32, #tpu.memory_space<vmem>>) semaphore(%arg15 : memref<!tpu.dma_semaphore, #tpu.memory_space<semaphore_mem>>)
      %dma_wait3A_530 = arith.constant 4 : i32
      %dma_wait3A_531 = arith.constant 0 : i32
      %dma_wait3A_532 = arith.constant 0 : i32
      %dma_wait3A_533 = arith.constant 0 : i32
      %dma_wait3A_534 = tpu.memref_slice %arg9[%dma_wait3A_531, %dma_wait3A_532, %dma_wait3A_533] : memref<4x128x128xf32, #tpu.memory_space<vmem>> -> memref<1x128x128xf32, #tpu.memory_space<vmem>>
      %dma_wait3A_535 = tpu.memref_squeeze %dma_wait3A_534 : memref<1x128x128xf32, #tpu.memory_space<vmem>> -> memref<128x128xf32, #tpu.memory_space<vmem>>
      %dma_wait3A_536 = arith.constant 0 : i32
      %dma_wait3A_537 = tpu.memref_slice %arg7[%dma_wait3A_530, %dma_wait3A_536] : memref<16x128xi32, #tpu.memory_space<vmem>> -> memref<1x128xi32, #tpu.memory_space<vmem>>
      %dma_wait3A_538 = tpu.memref_squeeze %dma_wait3A_537 : memref<1x128xi32, #tpu.memory_space<vmem>> -> memref<128xi32, #tpu.memory_space<vmem>>
      %dma_wait3A_539 = arith.constant 0 : i32
      %dma_wait3A_540 = arith.constant 0 : i32
      %dma_wait3A_541 = tpu.memref_slice %arg2[%dma_wait3A_539, %dma_wait3A_540] : memref<80000x128xf32, #tpu.memory_space<hbm>> -> memref<80000x128xf32, #tpu.memory_space<hbm>>
      tpu.wait_indirect_dma semaphore(%arg12 : memref<!tpu.dma_semaphore, #tpu.memory_space<semaphore_mem>>) src(%dma_wait3A_541 : memref<80000x128xf32, #tpu.memory_space<hbm>>) dst(%dma_wait3A_535 : memref<128x128xf32, #tpu.memory_space<vmem>>)
      %dma_start3A_542 = arith.constant 0 : i32
      %dma_start3A_543 = arith.constant 4 : i32
      %dma_start3A_544 = arith.constant 0 : i32
      %dma_start3A_545 = arith.constant 0 : i32
      %dma_start3A_546 = tpu.memref_slice %arg9[%dma_start3A_542, %dma_start3A_544, %dma_start3A_545] : memref<4x128x128xf32, #tpu.memory_space<vmem>> -> memref<1x128x128xf32, #tpu.memory_space<vmem>>
      %dma_start3A_547 = tpu.memref_squeeze %dma_start3A_546 : memref<1x128x128xf32, #tpu.memory_space<vmem>> -> memref<128x128xf32, #tpu.memory_space<vmem>>
      %dma_start3A_548 = arith.constant 0 : i32
      %dma_start3A_549 = tpu.memref_slice %arg8[%dma_start3A_543, %dma_start3A_548] : memref<16x128xi32, #tpu.memory_space<vmem>> -> memref<1x128xi32, #tpu.memory_space<vmem>>
      %dma_start3A_550 = tpu.memref_squeeze %dma_start3A_549 : memref<1x128xi32, #tpu.memory_space<vmem>> -> memref<128xi32, #tpu.memory_space<vmem>>
      %dma_start3A_551 = arith.constant 0 : i32
      %dma_start3A_552 = arith.constant 0 : i32
      %dma_start3A_553 = tpu.memref_slice %arg11[%dma_start3A_551, %dma_start3A_552] : memref<5120x128xf32, #tpu.memory_space<vmem_shared>> -> memref<5120x128xf32, #tpu.memory_space<vmem_shared>>
      tpu.enqueue_indirect_dma source(%dma_start3A_547 : memref<128x128xf32, #tpu.memory_space<vmem>>) target(%dma_start3A_553 : memref<5120x128xf32, #tpu.memory_space<vmem_shared>>) offsets(%dma_start3A_550 : memref<128xi32, #tpu.memory_space<vmem>>) semaphore(%arg12 : memref<!tpu.dma_semaphore, #tpu.memory_space<semaphore_mem>>) {add = true}
      %dma_wait3A_554 = arith.constant 0 : i32
      %dma_wait3A_555 = arith.constant 4 : i32
      %dma_wait3A_556 = arith.constant 0 : i32
      %dma_wait3A_557 = arith.constant 0 : i32
      %dma_wait3A_558 = tpu.memref_slice %arg9[%dma_wait3A_554, %dma_wait3A_556, %dma_wait3A_557] : memref<4x128x128xf32, #tpu.memory_space<vmem>> -> memref<1x128x128xf32, #tpu.memory_space<vmem>>
      %dma_wait3A_559 = tpu.memref_squeeze %dma_wait3A_558 : memref<1x128x128xf32, #tpu.memory_space<vmem>> -> memref<128x128xf32, #tpu.memory_space<vmem>>
      %dma_wait3A_560 = arith.constant 0 : i32
      %dma_wait3A_561 = tpu.memref_slice %arg8[%dma_wait3A_555, %dma_wait3A_560] : memref<16x128xi32, #tpu.memory_space<vmem>> -> memref<1x128xi32, #tpu.memory_space<vmem>>
      %dma_wait3A_562 = tpu.memref_squeeze %dma_wait3A_561 : memref<1x128xi32, #tpu.memory_space<vmem>> -> memref<128xi32, #tpu.memory_space<vmem>>
      %dma_wait3A_563 = arith.constant 0 : i32
      %dma_wait3A_564 = arith.constant 0 : i32
      %dma_wait3A_565 = tpu.memref_slice %arg11[%dma_wait3A_563, %dma_wait3A_564] : memref<5120x128xf32, #tpu.memory_space<vmem_shared>> -> memref<5120x128xf32, #tpu.memory_space<vmem_shared>>
      tpu.wait_indirect_dma semaphore(%arg12 : memref<!tpu.dma_semaphore, #tpu.memory_space<semaphore_mem>>) src(%dma_wait3A_559 : memref<128x128xf32, #tpu.memory_space<vmem>>) dst(%dma_wait3A_565 : memref<5120x128xf32, #tpu.memory_space<vmem_shared>>)
      %dma_start3A_566 = arith.constant 8 : i32
      %dma_start3A_567 = arith.constant 0 : i32
      %dma_start3A_568 = arith.constant 0 : i32
      %dma_start3A_569 = arith.constant 0 : i32
      %dma_start3A_570 = tpu.memref_slice %arg9[%dma_start3A_567, %dma_start3A_568, %dma_start3A_569] : memref<4x128x128xf32, #tpu.memory_space<vmem>> -> memref<1x128x128xf32, #tpu.memory_space<vmem>>
      %dma_start3A_571 = tpu.memref_squeeze %dma_start3A_570 : memref<1x128x128xf32, #tpu.memory_space<vmem>> -> memref<128x128xf32, #tpu.memory_space<vmem>>
      %dma_start3A_572 = arith.constant 0 : i32
      %dma_start3A_573 = tpu.memref_slice %arg7[%dma_start3A_566, %dma_start3A_572] : memref<16x128xi32, #tpu.memory_space<vmem>> -> memref<1x128xi32, #tpu.memory_space<vmem>>
      %dma_start3A_574 = tpu.memref_squeeze %dma_start3A_573 : memref<1x128xi32, #tpu.memory_space<vmem>> -> memref<128xi32, #tpu.memory_space<vmem>>
      %dma_start3A_575 = arith.constant 0 : i32
      %dma_start3A_576 = arith.constant 0 : i32
      %dma_start3A_577 = tpu.memref_slice %arg2[%dma_start3A_575, %dma_start3A_576] : memref<80000x128xf32, #tpu.memory_space<hbm>> -> memref<80000x128xf32, #tpu.memory_space<hbm>>
      tpu.enqueue_indirect_dma source(%dma_start3A_577 : memref<80000x128xf32, #tpu.memory_space<hbm>>) target(%dma_start3A_571 : memref<128x128xf32, #tpu.memory_space<vmem>>) offsets(%dma_start3A_574 : memref<128xi32, #tpu.memory_space<vmem>>) semaphore(%arg12 : memref<!tpu.dma_semaphore, #tpu.memory_space<semaphore_mem>>)
      %dma_wait3A_578 = arith.constant 5 : i32
      %dma_wait3A_579 = arith.constant 1 : i32
      %dma_wait3A_580 = arith.constant 0 : i32
      %dma_wait3A_581 = arith.constant 0 : i32
      %dma_wait3A_582 = tpu.memref_slice %arg9[%dma_wait3A_579, %dma_wait3A_580, %dma_wait3A_581] : memref<4x128x128xf32, #tpu.memory_space<vmem>> -> memref<1x128x128xf32, #tpu.memory_space<vmem>>
      %dma_wait3A_583 = tpu.memref_squeeze %dma_wait3A_582 : memref<1x128x128xf32, #tpu.memory_space<vmem>> -> memref<128x128xf32, #tpu.memory_space<vmem>>
      %dma_wait3A_584 = arith.constant 0 : i32
      %dma_wait3A_585 = tpu.memref_slice %arg7[%dma_wait3A_578, %dma_wait3A_584] : memref<16x128xi32, #tpu.memory_space<vmem>> -> memref<1x128xi32, #tpu.memory_space<vmem>>
      %dma_wait3A_586 = tpu.memref_squeeze %dma_wait3A_585 : memref<1x128xi32, #tpu.memory_space<vmem>> -> memref<128xi32, #tpu.memory_space<vmem>>
      %dma_wait3A_587 = arith.constant 0 : i32
      %dma_wait3A_588 = arith.constant 0 : i32
      %dma_wait3A_589 = tpu.memref_slice %arg2[%dma_wait3A_587, %dma_wait3A_588] : memref<80000x128xf32, #tpu.memory_space<hbm>> -> memref<80000x128xf32, #tpu.memory_space<hbm>>
      tpu.wait_indirect_dma semaphore(%arg13 : memref<!tpu.dma_semaphore, #tpu.memory_space<semaphore_mem>>) src(%dma_wait3A_589 : memref<80000x128xf32, #tpu.memory_space<hbm>>) dst(%dma_wait3A_583 : memref<128x128xf32, #tpu.memory_space<vmem>>)
      %dma_start3A_590 = arith.constant 1 : i32
      %dma_start3A_591 = arith.constant 5 : i32
      %dma_start3A_592 = arith.constant 0 : i32
      %dma_start3A_593 = arith.constant 0 : i32
      %dma_start3A_594 = tpu.memref_slice %arg9[%dma_start3A_590, %dma_start3A_592, %dma_start3A_593] : memref<4x128x128xf32, #tpu.memory_space<vmem>> -> memref<1x128x128xf32, #tpu.memory_space<vmem>>
      %dma_start3A_595 = tpu.memref_squeeze %dma_start3A_594 : memref<1x128x128xf32, #tpu.memory_space<vmem>> -> memref<128x128xf32, #tpu.memory_space<vmem>>
      %dma_start3A_596 = arith.constant 0 : i32
      %dma_start3A_597 = tpu.memref_slice %arg8[%dma_start3A_591, %dma_start3A_596] : memref<16x128xi32, #tpu.memory_space<vmem>> -> memref<1x128xi32, #tpu.memory_space<vmem>>
      %dma_start3A_598 = tpu.memref_squeeze %dma_start3A_597 : memref<1x128xi32, #tpu.memory_space<vmem>> -> memref<128xi32, #tpu.memory_space<vmem>>
      %dma_start3A_599 = arith.constant 0 : i32
      %dma_start3A_600 = arith.constant 0 : i32
      %dma_start3A_601 = tpu.memref_slice %arg11[%dma_start3A_599, %dma_start3A_600] : memref<5120x128xf32, #tpu.memory_space<vmem_shared>> -> memref<5120x128xf32, #tpu.memory_space<vmem_shared>>
      tpu.enqueue_indirect_dma source(%dma_start3A_595 : memref<128x128xf32, #tpu.memory_space<vmem>>) target(%dma_start3A_601 : memref<5120x128xf32, #tpu.memory_space<vmem_shared>>) offsets(%dma_start3A_598 : memref<128xi32, #tpu.memory_space<vmem>>) semaphore(%arg13 : memref<!tpu.dma_semaphore, #tpu.memory_space<semaphore_mem>>) {add = true}
      %dma_wait3A_602 = arith.constant 1 : i32
      %dma_wait3A_603 = arith.constant 5 : i32
      %dma_wait3A_604 = arith.constant 0 : i32
      %dma_wait3A_605 = arith.constant 0 : i32
      %dma_wait3A_606 = tpu.memref_slice %arg9[%dma_wait3A_602, %dma_wait3A_604, %dma_wait3A_605] : memref<4x128x128xf32, #tpu.memory_space<vmem>> -> memref<1x128x128xf32, #tpu.memory_space<vmem>>
      %dma_wait3A_607 = tpu.memref_squeeze %dma_wait3A_606 : memref<1x128x128xf32, #tpu.memory_space<vmem>> -> memref<128x128xf32, #tpu.memory_space<vmem>>
      %dma_wait3A_608 = arith.constant 0 : i32
      %dma_wait3A_609 = tpu.memref_slice %arg8[%dma_wait3A_603, %dma_wait3A_608] : memref<16x128xi32, #tpu.memory_space<vmem>> -> memref<1x128xi32, #tpu.memory_space<vmem>>
      %dma_wait3A_610 = tpu.memref_squeeze %dma_wait3A_609 : memref<1x128xi32, #tpu.memory_space<vmem>> -> memref<128xi32, #tpu.memory_space<vmem>>
      %dma_wait3A_611 = arith.constant 0 : i32
      %dma_wait3A_612 = arith.constant 0 : i32
      %dma_wait3A_613 = tpu.memref_slice %arg11[%dma_wait3A_611, %dma_wait3A_612] : memref<5120x128xf32, #tpu.memory_space<vmem_shared>> -> memref<5120x128xf32, #tpu.memory_space<vmem_shared>>
      tpu.wait_indirect_dma semaphore(%arg13 : memref<!tpu.dma_semaphore, #tpu.memory_space<semaphore_mem>>) src(%dma_wait3A_607 : memref<128x128xf32, #tpu.memory_space<vmem>>) dst(%dma_wait3A_613 : memref<5120x128xf32, #tpu.memory_space<vmem_shared>>)
      %dma_start3A_614 = arith.constant 9 : i32
      %dma_start3A_615 = arith.constant 1 : i32
      %dma_start3A_616 = arith.constant 0 : i32
      %dma_start3A_617 = arith.constant 0 : i32
      %dma_start3A_618 = tpu.memref_slice %arg9[%dma_start3A_615, %dma_start3A_616, %dma_start3A_617] : memref<4x128x128xf32, #tpu.memory_space<vmem>> -> memref<1x128x128xf32, #tpu.memory_space<vmem>>
      %dma_start3A_619 = tpu.memref_squeeze %dma_start3A_618 : memref<1x128x128xf32, #tpu.memory_space<vmem>> -> memref<128x128xf32, #tpu.memory_space<vmem>>
      %dma_start3A_620 = arith.constant 0 : i32
      %dma_start3A_621 = tpu.memref_slice %arg7[%dma_start3A_614, %dma_start3A_620] : memref<16x128xi32, #tpu.memory_space<vmem>> -> memref<1x128xi32, #tpu.memory_space<vmem>>
      %dma_start3A_622 = tpu.memref_squeeze %dma_start3A_621 : memref<1x128xi32, #tpu.memory_space<vmem>> -> memref<128xi32, #tpu.memory_space<vmem>>
      %dma_start3A_623 = arith.constant 0 : i32
      %dma_start3A_624 = arith.constant 0 : i32
      %dma_start3A_625 = tpu.memref_slice %arg2[%dma_start3A_623, %dma_start3A_624] : memref<80000x128xf32, #tpu.memory_space<hbm>> -> memref<80000x128xf32, #tpu.memory_space<hbm>>
      tpu.enqueue_indirect_dma source(%dma_start3A_625 : memref<80000x128xf32, #tpu.memory_space<hbm>>) target(%dma_start3A_619 : memref<128x128xf32, #tpu.memory_space<vmem>>) offsets(%dma_start3A_622 : memref<128xi32, #tpu.memory_space<vmem>>) semaphore(%arg13 : memref<!tpu.dma_semaphore, #tpu.memory_space<semaphore_mem>>)
      %dma_wait3A_626 = arith.constant 6 : i32
      %dma_wait3A_627 = arith.constant 2 : i32
      %dma_wait3A_628 = arith.constant 0 : i32
      %dma_wait3A_629 = arith.constant 0 : i32
      %dma_wait3A_630 = tpu.memref_slice %arg9[%dma_wait3A_627, %dma_wait3A_628, %dma_wait3A_629] : memref<4x128x128xf32, #tpu.memory_space<vmem>> -> memref<1x128x128xf32, #tpu.memory_space<vmem>>
      %dma_wait3A_631 = tpu.memref_squeeze %dma_wait3A_630 : memref<1x128x128xf32, #tpu.memory_space<vmem>> -> memref<128x128xf32, #tpu.memory_space<vmem>>
      %dma_wait3A_632 = arith.constant 0 : i32
      %dma_wait3A_633 = tpu.memref_slice %arg7[%dma_wait3A_626, %dma_wait3A_632] : memref<16x128xi32, #tpu.memory_space<vmem>> -> memref<1x128xi32, #tpu.memory_space<vmem>>
      %dma_wait3A_634 = tpu.memref_squeeze %dma_wait3A_633 : memref<1x128xi32, #tpu.memory_space<vmem>> -> memref<128xi32, #tpu.memory_space<vmem>>
      %dma_wait3A_635 = arith.constant 0 : i32
      %dma_wait3A_636 = arith.constant 0 : i32
      %dma_wait3A_637 = tpu.memref_slice %arg2[%dma_wait3A_635, %dma_wait3A_636] : memref<80000x128xf32, #tpu.memory_space<hbm>> -> memref<80000x128xf32, #tpu.memory_space<hbm>>
      tpu.wait_indirect_dma semaphore(%arg14 : memref<!tpu.dma_semaphore, #tpu.memory_space<semaphore_mem>>) src(%dma_wait3A_637 : memref<80000x128xf32, #tpu.memory_space<hbm>>) dst(%dma_wait3A_631 : memref<128x128xf32, #tpu.memory_space<vmem>>)
      %dma_start3A_638 = arith.constant 2 : i32
      %dma_start3A_639 = arith.constant 6 : i32
      %dma_start3A_640 = arith.constant 0 : i32
      %dma_start3A_641 = arith.constant 0 : i32
      %dma_start3A_642 = tpu.memref_slice %arg9[%dma_start3A_638, %dma_start3A_640, %dma_start3A_641] : memref<4x128x128xf32, #tpu.memory_space<vmem>> -> memref<1x128x128xf32, #tpu.memory_space<vmem>>
      %dma_start3A_643 = tpu.memref_squeeze %dma_start3A_642 : memref<1x128x128xf32, #tpu.memory_space<vmem>> -> memref<128x128xf32, #tpu.memory_space<vmem>>
      %dma_start3A_644 = arith.constant 0 : i32
      %dma_start3A_645 = tpu.memref_slice %arg8[%dma_start3A_639, %dma_start3A_644] : memref<16x128xi32, #tpu.memory_space<vmem>> -> memref<1x128xi32, #tpu.memory_space<vmem>>
      %dma_start3A_646 = tpu.memref_squeeze %dma_start3A_645 : memref<1x128xi32, #tpu.memory_space<vmem>> -> memref<128xi32, #tpu.memory_space<vmem>>
      %dma_start3A_647 = arith.constant 0 : i32
      %dma_start3A_648 = arith.constant 0 : i32
      %dma_start3A_649 = tpu.memref_slice %arg11[%dma_start3A_647, %dma_start3A_648] : memref<5120x128xf32, #tpu.memory_space<vmem_shared>> -> memref<5120x128xf32, #tpu.memory_space<vmem_shared>>
      tpu.enqueue_indirect_dma source(%dma_start3A_643 : memref<128x128xf32, #tpu.memory_space<vmem>>) target(%dma_start3A_649 : memref<5120x128xf32, #tpu.memory_space<vmem_shared>>) offsets(%dma_start3A_646 : memref<128xi32, #tpu.memory_space<vmem>>) semaphore(%arg14 : memref<!tpu.dma_semaphore, #tpu.memory_space<semaphore_mem>>) {add = true}
      %dma_wait3A_650 = arith.constant 2 : i32
      %dma_wait3A_651 = arith.constant 6 : i32
      %dma_wait3A_652 = arith.constant 0 : i32
      %dma_wait3A_653 = arith.constant 0 : i32
      %dma_wait3A_654 = tpu.memref_slice %arg9[%dma_wait3A_650, %dma_wait3A_652, %dma_wait3A_653] : memref<4x128x128xf32, #tpu.memory_space<vmem>> -> memref<1x128x128xf32, #tpu.memory_space<vmem>>
      %dma_wait3A_655 = tpu.memref_squeeze %dma_wait3A_654 : memref<1x128x128xf32, #tpu.memory_space<vmem>> -> memref<128x128xf32, #tpu.memory_space<vmem>>
      %dma_wait3A_656 = arith.constant 0 : i32
      %dma_wait3A_657 = tpu.memref_slice %arg8[%dma_wait3A_651, %dma_wait3A_656] : memref<16x128xi32, #tpu.memory_space<vmem>> -> memref<1x128xi32, #tpu.memory_space<vmem>>
      %dma_wait3A_658 = tpu.memref_squeeze %dma_wait3A_657 : memref<1x128xi32, #tpu.memory_space<vmem>> -> memref<128xi32, #tpu.memory_space<vmem>>
      %dma_wait3A_659 = arith.constant 0 : i32
      %dma_wait3A_660 = arith.constant 0 : i32
      %dma_wait3A_661 = tpu.memref_slice %arg11[%dma_wait3A_659, %dma_wait3A_660] : memref<5120x128xf32, #tpu.memory_space<vmem_shared>> -> memref<5120x128xf32, #tpu.memory_space<vmem_shared>>
      tpu.wait_indirect_dma semaphore(%arg14 : memref<!tpu.dma_semaphore, #tpu.memory_space<semaphore_mem>>) src(%dma_wait3A_655 : memref<128x128xf32, #tpu.memory_space<vmem>>) dst(%dma_wait3A_661 : memref<5120x128xf32, #tpu.memory_space<vmem_shared>>)
      %dma_start3A_662 = arith.constant 10 : i32
      %dma_start3A_663 = arith.constant 2 : i32
      %dma_start3A_664 = arith.constant 0 : i32
      %dma_start3A_665 = arith.constant 0 : i32
      %dma_start3A_666 = tpu.memref_slice %arg9[%dma_start3A_663, %dma_start3A_664, %dma_start3A_665] : memref<4x128x128xf32, #tpu.memory_space<vmem>> -> memref<1x128x128xf32, #tpu.memory_space<vmem>>
      %dma_start3A_667 = tpu.memref_squeeze %dma_start3A_666 : memref<1x128x128xf32, #tpu.memory_space<vmem>> -> memref<128x128xf32, #tpu.memory_space<vmem>>
      %dma_start3A_668 = arith.constant 0 : i32
      %dma_start3A_669 = tpu.memref_slice %arg7[%dma_start3A_662, %dma_start3A_668] : memref<16x128xi32, #tpu.memory_space<vmem>> -> memref<1x128xi32, #tpu.memory_space<vmem>>
      %dma_start3A_670 = tpu.memref_squeeze %dma_start3A_669 : memref<1x128xi32, #tpu.memory_space<vmem>> -> memref<128xi32, #tpu.memory_space<vmem>>
      %dma_start3A_671 = arith.constant 0 : i32
      %dma_start3A_672 = arith.constant 0 : i32
      %dma_start3A_673 = tpu.memref_slice %arg2[%dma_start3A_671, %dma_start3A_672] : memref<80000x128xf32, #tpu.memory_space<hbm>> -> memref<80000x128xf32, #tpu.memory_space<hbm>>
      tpu.enqueue_indirect_dma source(%dma_start3A_673 : memref<80000x128xf32, #tpu.memory_space<hbm>>) target(%dma_start3A_667 : memref<128x128xf32, #tpu.memory_space<vmem>>) offsets(%dma_start3A_670 : memref<128xi32, #tpu.memory_space<vmem>>) semaphore(%arg14 : memref<!tpu.dma_semaphore, #tpu.memory_space<semaphore_mem>>)
      %dma_wait3A_674 = arith.constant 7 : i32
      %dma_wait3A_675 = arith.constant 3 : i32
      %dma_wait3A_676 = arith.constant 0 : i32
      %dma_wait3A_677 = arith.constant 0 : i32
      %dma_wait3A_678 = tpu.memref_slice %arg9[%dma_wait3A_675, %dma_wait3A_676, %dma_wait3A_677] : memref<4x128x128xf32, #tpu.memory_space<vmem>> -> memref<1x128x128xf32, #tpu.memory_space<vmem>>
      %dma_wait3A_679 = tpu.memref_squeeze %dma_wait3A_678 : memref<1x128x128xf32, #tpu.memory_space<vmem>> -> memref<128x128xf32, #tpu.memory_space<vmem>>
      %dma_wait3A_680 = arith.constant 0 : i32
      %dma_wait3A_681 = tpu.memref_slice %arg7[%dma_wait3A_674, %dma_wait3A_680] : memref<16x128xi32, #tpu.memory_space<vmem>> -> memref<1x128xi32, #tpu.memory_space<vmem>>
      %dma_wait3A_682 = tpu.memref_squeeze %dma_wait3A_681 : memref<1x128xi32, #tpu.memory_space<vmem>> -> memref<128xi32, #tpu.memory_space<vmem>>
      %dma_wait3A_683 = arith.constant 0 : i32
      %dma_wait3A_684 = arith.constant 0 : i32
      %dma_wait3A_685 = tpu.memref_slice %arg2[%dma_wait3A_683, %dma_wait3A_684] : memref<80000x128xf32, #tpu.memory_space<hbm>> -> memref<80000x128xf32, #tpu.memory_space<hbm>>
      tpu.wait_indirect_dma semaphore(%arg15 : memref<!tpu.dma_semaphore, #tpu.memory_space<semaphore_mem>>) src(%dma_wait3A_685 : memref<80000x128xf32, #tpu.memory_space<hbm>>) dst(%dma_wait3A_679 : memref<128x128xf32, #tpu.memory_space<vmem>>)
      %dma_start3A_686 = arith.constant 3 : i32
      %dma_start3A_687 = arith.constant 7 : i32
      %dma_start3A_688 = arith.constant 0 : i32
      %dma_start3A_689 = arith.constant 0 : i32
      %dma_start3A_690 = tpu.memref_slice %arg9[%dma_start3A_686, %dma_start3A_688, %dma_start3A_689] : memref<4x128x128xf32, #tpu.memory_space<vmem>> -> memref<1x128x128xf32, #tpu.memory_space<vmem>>
      %dma_start3A_691 = tpu.memref_squeeze %dma_start3A_690 : memref<1x128x128xf32, #tpu.memory_space<vmem>> -> memref<128x128xf32, #tpu.memory_space<vmem>>
      %dma_start3A_692 = arith.constant 0 : i32
      %dma_start3A_693 = tpu.memref_slice %arg8[%dma_start3A_687, %dma_start3A_692] : memref<16x128xi32, #tpu.memory_space<vmem>> -> memref<1x128xi32, #tpu.memory_space<vmem>>
      %dma_start3A_694 = tpu.memref_squeeze %dma_start3A_693 : memref<1x128xi32, #tpu.memory_space<vmem>> -> memref<128xi32, #tpu.memory_space<vmem>>
      %dma_start3A_695 = arith.constant 0 : i32
      %dma_start3A_696 = arith.constant 0 : i32
      %dma_start3A_697 = tpu.memref_slice %arg11[%dma_start3A_695, %dma_start3A_696] : memref<5120x128xf32, #tpu.memory_space<vmem_shared>> -> memref<5120x128xf32, #tpu.memory_space<vmem_shared>>
      tpu.enqueue_indirect_dma source(%dma_start3A_691 : memref<128x128xf32, #tpu.memory_space<vmem>>) target(%dma_start3A_697 : memref<5120x128xf32, #tpu.memory_space<vmem_shared>>) offsets(%dma_start3A_694 : memref<128xi32, #tpu.memory_space<vmem>>) semaphore(%arg15 : memref<!tpu.dma_semaphore, #tpu.memory_space<semaphore_mem>>) {add = true}
      %dma_wait3A_698 = arith.constant 3 : i32
      %dma_wait3A_699 = arith.constant 7 : i32
      %dma_wait3A_700 = arith.constant 0 : i32
      %dma_wait3A_701 = arith.constant 0 : i32
      %dma_wait3A_702 = tpu.memref_slice %arg9[%dma_wait3A_698, %dma_wait3A_700, %dma_wait3A_701] : memref<4x128x128xf32, #tpu.memory_space<vmem>> -> memref<1x128x128xf32, #tpu.memory_space<vmem>>
      %dma_wait3A_703 = tpu.memref_squeeze %dma_wait3A_702 : memref<1x128x128xf32, #tpu.memory_space<vmem>> -> memref<128x128xf32, #tpu.memory_space<vmem>>
      %dma_wait3A_704 = arith.constant 0 : i32
      %dma_wait3A_705 = tpu.memref_slice %arg8[%dma_wait3A_699, %dma_wait3A_704] : memref<16x128xi32, #tpu.memory_space<vmem>> -> memref<1x128xi32, #tpu.memory_space<vmem>>
      %dma_wait3A_706 = tpu.memref_squeeze %dma_wait3A_705 : memref<1x128xi32, #tpu.memory_space<vmem>> -> memref<128xi32, #tpu.memory_space<vmem>>
      %dma_wait3A_707 = arith.constant 0 : i32
      %dma_wait3A_708 = arith.constant 0 : i32
      %dma_wait3A_709 = tpu.memref_slice %arg11[%dma_wait3A_707, %dma_wait3A_708] : memref<5120x128xf32, #tpu.memory_space<vmem_shared>> -> memref<5120x128xf32, #tpu.memory_space<vmem_shared>>
      tpu.wait_indirect_dma semaphore(%arg15 : memref<!tpu.dma_semaphore, #tpu.memory_space<semaphore_mem>>) src(%dma_wait3A_703 : memref<128x128xf32, #tpu.memory_space<vmem>>) dst(%dma_wait3A_709 : memref<5120x128xf32, #tpu.memory_space<vmem_shared>>)
      %dma_start3A_710 = arith.constant 11 : i32
      %dma_start3A_711 = arith.constant 3 : i32
      %dma_start3A_712 = arith.constant 0 : i32
      %dma_start3A_713 = arith.constant 0 : i32
      %dma_start3A_714 = tpu.memref_slice %arg9[%dma_start3A_711, %dma_start3A_712, %dma_start3A_713] : memref<4x128x128xf32, #tpu.memory_space<vmem>> -> memref<1x128x128xf32, #tpu.memory_space<vmem>>
      %dma_start3A_715 = tpu.memref_squeeze %dma_start3A_714 : memref<1x128x128xf32, #tpu.memory_space<vmem>> -> memref<128x128xf32, #tpu.memory_space<vmem>>
      %dma_start3A_716 = arith.constant 0 : i32
      %dma_start3A_717 = tpu.memref_slice %arg7[%dma_start3A_710, %dma_start3A_716] : memref<16x128xi32, #tpu.memory_space<vmem>> -> memref<1x128xi32, #tpu.memory_space<vmem>>
      %dma_start3A_718 = tpu.memref_squeeze %dma_start3A_717 : memref<1x128xi32, #tpu.memory_space<vmem>> -> memref<128xi32, #tpu.memory_space<vmem>>
      %dma_start3A_719 = arith.constant 0 : i32
      %dma_start3A_720 = arith.constant 0 : i32
      %dma_start3A_721 = tpu.memref_slice %arg2[%dma_start3A_719, %dma_start3A_720] : memref<80000x128xf32, #tpu.memory_space<hbm>> -> memref<80000x128xf32, #tpu.memory_space<hbm>>
      tpu.enqueue_indirect_dma source(%dma_start3A_721 : memref<80000x128xf32, #tpu.memory_space<hbm>>) target(%dma_start3A_715 : memref<128x128xf32, #tpu.memory_space<vmem>>) offsets(%dma_start3A_718 : memref<128xi32, #tpu.memory_space<vmem>>) semaphore(%arg15 : memref<!tpu.dma_semaphore, #tpu.memory_space<semaphore_mem>>)
      %dma_wait3A_722 = arith.constant 8 : i32
      %dma_wait3A_723 = arith.constant 0 : i32
      %dma_wait3A_724 = arith.constant 0 : i32
      %dma_wait3A_725 = arith.constant 0 : i32
      %dma_wait3A_726 = tpu.memref_slice %arg9[%dma_wait3A_723, %dma_wait3A_724, %dma_wait3A_725] : memref<4x128x128xf32, #tpu.memory_space<vmem>> -> memref<1x128x128xf32, #tpu.memory_space<vmem>>
      %dma_wait3A_727 = tpu.memref_squeeze %dma_wait3A_726 : memref<1x128x128xf32, #tpu.memory_space<vmem>> -> memref<128x128xf32, #tpu.memory_space<vmem>>
      %dma_wait3A_728 = arith.constant 0 : i32
      %dma_wait3A_729 = tpu.memref_slice %arg7[%dma_wait3A_722, %dma_wait3A_728] : memref<16x128xi32, #tpu.memory_space<vmem>> -> memref<1x128xi32, #tpu.memory_space<vmem>>
      %dma_wait3A_730 = tpu.memref_squeeze %dma_wait3A_729 : memref<1x128xi32, #tpu.memory_space<vmem>> -> memref<128xi32, #tpu.memory_space<vmem>>
      %dma_wait3A_731 = arith.constant 0 : i32
      %dma_wait3A_732 = arith.constant 0 : i32
      %dma_wait3A_733 = tpu.memref_slice %arg2[%dma_wait3A_731, %dma_wait3A_732] : memref<80000x128xf32, #tpu.memory_space<hbm>> -> memref<80000x128xf32, #tpu.memory_space<hbm>>
      tpu.wait_indirect_dma semaphore(%arg12 : memref<!tpu.dma_semaphore, #tpu.memory_space<semaphore_mem>>) src(%dma_wait3A_733 : memref<80000x128xf32, #tpu.memory_space<hbm>>) dst(%dma_wait3A_727 : memref<128x128xf32, #tpu.memory_space<vmem>>)
      %dma_start3A_734 = arith.constant 0 : i32
      %dma_start3A_735 = arith.constant 8 : i32
      %dma_start3A_736 = arith.constant 0 : i32
      %dma_start3A_737 = arith.constant 0 : i32
      %dma_start3A_738 = tpu.memref_slice %arg9[%dma_start3A_734, %dma_start3A_736, %dma_start3A_737] : memref<4x128x128xf32, #tpu.memory_space<vmem>> -> memref<1x128x128xf32, #tpu.memory_space<vmem>>
      %dma_start3A_739 = tpu.memref_squeeze %dma_start3A_738 : memref<1x128x128xf32, #tpu.memory_space<vmem>> -> memref<128x128xf32, #tpu.memory_space<vmem>>
      %dma_start3A_740 = arith.constant 0 : i32
      %dma_start3A_741 = tpu.memref_slice %arg8[%dma_start3A_735, %dma_start3A_740] : memref<16x128xi32, #tpu.memory_space<vmem>> -> memref<1x128xi32, #tpu.memory_space<vmem>>
      %dma_start3A_742 = tpu.memref_squeeze %dma_start3A_741 : memref<1x128xi32, #tpu.memory_space<vmem>> -> memref<128xi32, #tpu.memory_space<vmem>>
      %dma_start3A_743 = arith.constant 0 : i32
      %dma_start3A_744 = arith.constant 0 : i32
      %dma_start3A_745 = tpu.memref_slice %arg11[%dma_start3A_743, %dma_start3A_744] : memref<5120x128xf32, #tpu.memory_space<vmem_shared>> -> memref<5120x128xf32, #tpu.memory_space<vmem_shared>>
      tpu.enqueue_indirect_dma source(%dma_start3A_739 : memref<128x128xf32, #tpu.memory_space<vmem>>) target(%dma_start3A_745 : memref<5120x128xf32, #tpu.memory_space<vmem_shared>>) offsets(%dma_start3A_742 : memref<128xi32, #tpu.memory_space<vmem>>) semaphore(%arg12 : memref<!tpu.dma_semaphore, #tpu.memory_space<semaphore_mem>>) {add = true}
      %dma_wait3A_746 = arith.constant 0 : i32
      %dma_wait3A_747 = arith.constant 8 : i32
      %dma_wait3A_748 = arith.constant 0 : i32
      %dma_wait3A_749 = arith.constant 0 : i32
      %dma_wait3A_750 = tpu.memref_slice %arg9[%dma_wait3A_746, %dma_wait3A_748, %dma_wait3A_749] : memref<4x128x128xf32, #tpu.memory_space<vmem>> -> memref<1x128x128xf32, #tpu.memory_space<vmem>>
      %dma_wait3A_751 = tpu.memref_squeeze %dma_wait3A_750 : memref<1x128x128xf32, #tpu.memory_space<vmem>> -> memref<128x128xf32, #tpu.memory_space<vmem>>
      %dma_wait3A_752 = arith.constant 0 : i32
      %dma_wait3A_753 = tpu.memref_slice %arg8[%dma_wait3A_747, %dma_wait3A_752] : memref<16x128xi32, #tpu.memory_space<vmem>> -> memref<1x128xi32, #tpu.memory_space<vmem>>
      %dma_wait3A_754 = tpu.memref_squeeze %dma_wait3A_753 : memref<1x128xi32, #tpu.memory_space<vmem>> -> memref<128xi32, #tpu.memory_space<vmem>>
      %dma_wait3A_755 = arith.constant 0 : i32
      %dma_wait3A_756 = arith.constant 0 : i32
      %dma_wait3A_757 = tpu.memref_slice %arg11[%dma_wait3A_755, %dma_wait3A_756] : memref<5120x128xf32, #tpu.memory_space<vmem_shared>> -> memref<5120x128xf32, #tpu.memory_space<vmem_shared>>
      tpu.wait_indirect_dma semaphore(%arg12 : memref<!tpu.dma_semaphore, #tpu.memory_space<semaphore_mem>>) src(%dma_wait3A_751 : memref<128x128xf32, #tpu.memory_space<vmem>>) dst(%dma_wait3A_757 : memref<5120x128xf32, #tpu.memory_space<vmem_shared>>)
      %dma_start3A_758 = arith.constant 12 : i32
      %dma_start3A_759 = arith.constant 0 : i32
      %dma_start3A_760 = arith.constant 0 : i32
      %dma_start3A_761 = arith.constant 0 : i32
      %dma_start3A_762 = tpu.memref_slice %arg9[%dma_start3A_759, %dma_start3A_760, %dma_start3A_761] : memref<4x128x128xf32, #tpu.memory_space<vmem>> -> memref<1x128x128xf32, #tpu.memory_space<vmem>>
      %dma_start3A_763 = tpu.memref_squeeze %dma_start3A_762 : memref<1x128x128xf32, #tpu.memory_space<vmem>> -> memref<128x128xf32, #tpu.memory_space<vmem>>
      %dma_start3A_764 = arith.constant 0 : i32
      %dma_start3A_765 = tpu.memref_slice %arg7[%dma_start3A_758, %dma_start3A_764] : memref<16x128xi32, #tpu.memory_space<vmem>> -> memref<1x128xi32, #tpu.memory_space<vmem>>
      %dma_start3A_766 = tpu.memref_squeeze %dma_start3A_765 : memref<1x128xi32, #tpu.memory_space<vmem>> -> memref<128xi32, #tpu.memory_space<vmem>>
      %dma_start3A_767 = arith.constant 0 : i32
      %dma_start3A_768 = arith.constant 0 : i32
      %dma_start3A_769 = tpu.memref_slice %arg2[%dma_start3A_767, %dma_start3A_768] : memref<80000x128xf32, #tpu.memory_space<hbm>> -> memref<80000x128xf32, #tpu.memory_space<hbm>>
      tpu.enqueue_indirect_dma source(%dma_start3A_769 : memref<80000x128xf32, #tpu.memory_space<hbm>>) target(%dma_start3A_763 : memref<128x128xf32, #tpu.memory_space<vmem>>) offsets(%dma_start3A_766 : memref<128xi32, #tpu.memory_space<vmem>>) semaphore(%arg12 : memref<!tpu.dma_semaphore, #tpu.memory_space<semaphore_mem>>)
      %dma_wait3A_770 = arith.constant 9 : i32
      %dma_wait3A_771 = arith.constant 1 : i32
      %dma_wait3A_772 = arith.constant 0 : i32
      %dma_wait3A_773 = arith.constant 0 : i32
      %dma_wait3A_774 = tpu.memref_slice %arg9[%dma_wait3A_771, %dma_wait3A_772, %dma_wait3A_773] : memref<4x128x128xf32, #tpu.memory_space<vmem>> -> memref<1x128x128xf32, #tpu.memory_space<vmem>>
      %dma_wait3A_775 = tpu.memref_squeeze %dma_wait3A_774 : memref<1x128x128xf32, #tpu.memory_space<vmem>> -> memref<128x128xf32, #tpu.memory_space<vmem>>
      %dma_wait3A_776 = arith.constant 0 : i32
      %dma_wait3A_777 = tpu.memref_slice %arg7[%dma_wait3A_770, %dma_wait3A_776] : memref<16x128xi32, #tpu.memory_space<vmem>> -> memref<1x128xi32, #tpu.memory_space<vmem>>
      %dma_wait3A_778 = tpu.memref_squeeze %dma_wait3A_777 : memref<1x128xi32, #tpu.memory_space<vmem>> -> memref<128xi32, #tpu.memory_space<vmem>>
      %dma_wait3A_779 = arith.constant 0 : i32
      %dma_wait3A_780 = arith.constant 0 : i32
      %dma_wait3A_781 = tpu.memref_slice %arg2[%dma_wait3A_779, %dma_wait3A_780] : memref<80000x128xf32, #tpu.memory_space<hbm>> -> memref<80000x128xf32, #tpu.memory_space<hbm>>
      tpu.wait_indirect_dma semaphore(%arg13 : memref<!tpu.dma_semaphore, #tpu.memory_space<semaphore_mem>>) src(%dma_wait3A_781 : memref<80000x128xf32, #tpu.memory_space<hbm>>) dst(%dma_wait3A_775 : memref<128x128xf32, #tpu.memory_space<vmem>>)
      %dma_start3A_782 = arith.constant 1 : i32
      %dma_start3A_783 = arith.constant 9 : i32
      %dma_start3A_784 = arith.constant 0 : i32
      %dma_start3A_785 = arith.constant 0 : i32
      %dma_start3A_786 = tpu.memref_slice %arg9[%dma_start3A_782, %dma_start3A_784, %dma_start3A_785] : memref<4x128x128xf32, #tpu.memory_space<vmem>> -> memref<1x128x128xf32, #tpu.memory_space<vmem>>
      %dma_start3A_787 = tpu.memref_squeeze %dma_start3A_786 : memref<1x128x128xf32, #tpu.memory_space<vmem>> -> memref<128x128xf32, #tpu.memory_space<vmem>>
      %dma_start3A_788 = arith.constant 0 : i32
      %dma_start3A_789 = tpu.memref_slice %arg8[%dma_start3A_783, %dma_start3A_788] : memref<16x128xi32, #tpu.memory_space<vmem>> -> memref<1x128xi32, #tpu.memory_space<vmem>>
      %dma_start3A_790 = tpu.memref_squeeze %dma_start3A_789 : memref<1x128xi32, #tpu.memory_space<vmem>> -> memref<128xi32, #tpu.memory_space<vmem>>
      %dma_start3A_791 = arith.constant 0 : i32
      %dma_start3A_792 = arith.constant 0 : i32
      %dma_start3A_793 = tpu.memref_slice %arg11[%dma_start3A_791, %dma_start3A_792] : memref<5120x128xf32, #tpu.memory_space<vmem_shared>> -> memref<5120x128xf32, #tpu.memory_space<vmem_shared>>
      tpu.enqueue_indirect_dma source(%dma_start3A_787 : memref<128x128xf32, #tpu.memory_space<vmem>>) target(%dma_start3A_793 : memref<5120x128xf32, #tpu.memory_space<vmem_shared>>) offsets(%dma_start3A_790 : memref<128xi32, #tpu.memory_space<vmem>>) semaphore(%arg13 : memref<!tpu.dma_semaphore, #tpu.memory_space<semaphore_mem>>) {add = true}
      %dma_wait3A_794 = arith.constant 1 : i32
      %dma_wait3A_795 = arith.constant 9 : i32
      %dma_wait3A_796 = arith.constant 0 : i32
      %dma_wait3A_797 = arith.constant 0 : i32
      %dma_wait3A_798 = tpu.memref_slice %arg9[%dma_wait3A_794, %dma_wait3A_796, %dma_wait3A_797] : memref<4x128x128xf32, #tpu.memory_space<vmem>> -> memref<1x128x128xf32, #tpu.memory_space<vmem>>
      %dma_wait3A_799 = tpu.memref_squeeze %dma_wait3A_798 : memref<1x128x128xf32, #tpu.memory_space<vmem>> -> memref<128x128xf32, #tpu.memory_space<vmem>>
      %dma_wait3A_800 = arith.constant 0 : i32
      %dma_wait3A_801 = tpu.memref_slice %arg8[%dma_wait3A_795, %dma_wait3A_800] : memref<16x128xi32, #tpu.memory_space<vmem>> -> memref<1x128xi32, #tpu.memory_space<vmem>>
      %dma_wait3A_802 = tpu.memref_squeeze %dma_wait3A_801 : memref<1x128xi32, #tpu.memory_space<vmem>> -> memref<128xi32, #tpu.memory_space<vmem>>
      %dma_wait3A_803 = arith.constant 0 : i32
      %dma_wait3A_804 = arith.constant 0 : i32
      %dma_wait3A_805 = tpu.memref_slice %arg11[%dma_wait3A_803, %dma_wait3A_804] : memref<5120x128xf32, #tpu.memory_space<vmem_shared>> -> memref<5120x128xf32, #tpu.memory_space<vmem_shared>>
      tpu.wait_indirect_dma semaphore(%arg13 : memref<!tpu.dma_semaphore, #tpu.memory_space<semaphore_mem>>) src(%dma_wait3A_799 : memref<128x128xf32, #tpu.memory_space<vmem>>) dst(%dma_wait3A_805 : memref<5120x128xf32, #tpu.memory_space<vmem_shared>>)
      %dma_start3A_806 = arith.constant 13 : i32
      %dma_start3A_807 = arith.constant 1 : i32
      %dma_start3A_808 = arith.constant 0 : i32
      %dma_start3A_809 = arith.constant 0 : i32
      %dma_start3A_810 = tpu.memref_slice %arg9[%dma_start3A_807, %dma_start3A_808, %dma_start3A_809] : memref<4x128x128xf32, #tpu.memory_space<vmem>> -> memref<1x128x128xf32, #tpu.memory_space<vmem>>
      %dma_start3A_811 = tpu.memref_squeeze %dma_start3A_810 : memref<1x128x128xf32, #tpu.memory_space<vmem>> -> memref<128x128xf32, #tpu.memory_space<vmem>>
      %dma_start3A_812 = arith.constant 0 : i32
      %dma_start3A_813 = tpu.memref_slice %arg7[%dma_start3A_806, %dma_start3A_812] : memref<16x128xi32, #tpu.memory_space<vmem>> -> memref<1x128xi32, #tpu.memory_space<vmem>>
      %dma_start3A_814 = tpu.memref_squeeze %dma_start3A_813 : memref<1x128xi32, #tpu.memory_space<vmem>> -> memref<128xi32, #tpu.memory_space<vmem>>
      %dma_start3A_815 = arith.constant 0 : i32
      %dma_start3A_816 = arith.constant 0 : i32
      %dma_start3A_817 = tpu.memref_slice %arg2[%dma_start3A_815, %dma_start3A_816] : memref<80000x128xf32, #tpu.memory_space<hbm>> -> memref<80000x128xf32, #tpu.memory_space<hbm>>
      tpu.enqueue_indirect_dma source(%dma_start3A_817 : memref<80000x128xf32, #tpu.memory_space<hbm>>) target(%dma_start3A_811 : memref<128x128xf32, #tpu.memory_space<vmem>>) offsets(%dma_start3A_814 : memref<128xi32, #tpu.memory_space<vmem>>) semaphore(%arg13 : memref<!tpu.dma_semaphore, #tpu.memory_space<semaphore_mem>>)
      %dma_wait3A_818 = arith.constant 10 : i32
      %dma_wait3A_819 = arith.constant 2 : i32
      %dma_wait3A_820 = arith.constant 0 : i32
      %dma_wait3A_821 = arith.constant 0 : i32
      %dma_wait3A_822 = tpu.memref_slice %arg9[%dma_wait3A_819, %dma_wait3A_820, %dma_wait3A_821] : memref<4x128x128xf32, #tpu.memory_space<vmem>> -> memref<1x128x128xf32, #tpu.memory_space<vmem>>
      %dma_wait3A_823 = tpu.memref_squeeze %dma_wait3A_822 : memref<1x128x128xf32, #tpu.memory_space<vmem>> -> memref<128x128xf32, #tpu.memory_space<vmem>>
      %dma_wait3A_824 = arith.constant 0 : i32
      %dma_wait3A_825 = tpu.memref_slice %arg7[%dma_wait3A_818, %dma_wait3A_824] : memref<16x128xi32, #tpu.memory_space<vmem>> -> memref<1x128xi32, #tpu.memory_space<vmem>>
      %dma_wait3A_826 = tpu.memref_squeeze %dma_wait3A_825 : memref<1x128xi32, #tpu.memory_space<vmem>> -> memref<128xi32, #tpu.memory_space<vmem>>
      %dma_wait3A_827 = arith.constant 0 : i32
      %dma_wait3A_828 = arith.constant 0 : i32
      %dma_wait3A_829 = tpu.memref_slice %arg2[%dma_wait3A_827, %dma_wait3A_828] : memref<80000x128xf32, #tpu.memory_space<hbm>> -> memref<80000x128xf32, #tpu.memory_space<hbm>>
      tpu.wait_indirect_dma semaphore(%arg14 : memref<!tpu.dma_semaphore, #tpu.memory_space<semaphore_mem>>) src(%dma_wait3A_829 : memref<80000x128xf32, #tpu.memory_space<hbm>>) dst(%dma_wait3A_823 : memref<128x128xf32, #tpu.memory_space<vmem>>)
      %dma_start3A_830 = arith.constant 2 : i32
      %dma_start3A_831 = arith.constant 10 : i32
      %dma_start3A_832 = arith.constant 0 : i32
      %dma_start3A_833 = arith.constant 0 : i32
      %dma_start3A_834 = tpu.memref_slice %arg9[%dma_start3A_830, %dma_start3A_832, %dma_start3A_833] : memref<4x128x128xf32, #tpu.memory_space<vmem>> -> memref<1x128x128xf32, #tpu.memory_space<vmem>>
      %dma_start3A_835 = tpu.memref_squeeze %dma_start3A_834 : memref<1x128x128xf32, #tpu.memory_space<vmem>> -> memref<128x128xf32, #tpu.memory_space<vmem>>
      %dma_start3A_836 = arith.constant 0 : i32
      %dma_start3A_837 = tpu.memref_slice %arg8[%dma_start3A_831, %dma_start3A_836] : memref<16x128xi32, #tpu.memory_space<vmem>> -> memref<1x128xi32, #tpu.memory_space<vmem>>
      %dma_start3A_838 = tpu.memref_squeeze %dma_start3A_837 : memref<1x128xi32, #tpu.memory_space<vmem>> -> memref<128xi32, #tpu.memory_space<vmem>>
      %dma_start3A_839 = arith.constant 0 : i32
      %dma_start3A_840 = arith.constant 0 : i32
      %dma_start3A_841 = tpu.memref_slice %arg11[%dma_start3A_839, %dma_start3A_840] : memref<5120x128xf32, #tpu.memory_space<vmem_shared>> -> memref<5120x128xf32, #tpu.memory_space<vmem_shared>>
      tpu.enqueue_indirect_dma source(%dma_start3A_835 : memref<128x128xf32, #tpu.memory_space<vmem>>) target(%dma_start3A_841 : memref<5120x128xf32, #tpu.memory_space<vmem_shared>>) offsets(%dma_start3A_838 : memref<128xi32, #tpu.memory_space<vmem>>) semaphore(%arg14 : memref<!tpu.dma_semaphore, #tpu.memory_space<semaphore_mem>>) {add = true}
      %dma_wait3A_842 = arith.constant 2 : i32
      %dma_wait3A_843 = arith.constant 10 : i32
      %dma_wait3A_844 = arith.constant 0 : i32
      %dma_wait3A_845 = arith.constant 0 : i32
      %dma_wait3A_846 = tpu.memref_slice %arg9[%dma_wait3A_842, %dma_wait3A_844, %dma_wait3A_845] : memref<4x128x128xf32, #tpu.memory_space<vmem>> -> memref<1x128x128xf32, #tpu.memory_space<vmem>>
      %dma_wait3A_847 = tpu.memref_squeeze %dma_wait3A_846 : memref<1x128x128xf32, #tpu.memory_space<vmem>> -> memref<128x128xf32, #tpu.memory_space<vmem>>
      %dma_wait3A_848 = arith.constant 0 : i32
      %dma_wait3A_849 = tpu.memref_slice %arg8[%dma_wait3A_843, %dma_wait3A_848] : memref<16x128xi32, #tpu.memory_space<vmem>> -> memref<1x128xi32, #tpu.memory_space<vmem>>
      %dma_wait3A_850 = tpu.memref_squeeze %dma_wait3A_849 : memref<1x128xi32, #tpu.memory_space<vmem>> -> memref<128xi32, #tpu.memory_space<vmem>>
      %dma_wait3A_851 = arith.constant 0 : i32
      %dma_wait3A_852 = arith.constant 0 : i32
      %dma_wait3A_853 = tpu.memref_slice %arg11[%dma_wait3A_851, %dma_wait3A_852] : memref<5120x128xf32, #tpu.memory_space<vmem_shared>> -> memref<5120x128xf32, #tpu.memory_space<vmem_shared>>
      tpu.wait_indirect_dma semaphore(%arg14 : memref<!tpu.dma_semaphore, #tpu.memory_space<semaphore_mem>>) src(%dma_wait3A_847 : memref<128x128xf32, #tpu.memory_space<vmem>>) dst(%dma_wait3A_853 : memref<5120x128xf32, #tpu.memory_space<vmem_shared>>)
      %dma_start3A_854 = arith.constant 14 : i32
      %dma_start3A_855 = arith.constant 2 : i32
      %dma_start3A_856 = arith.constant 0 : i32
      %dma_start3A_857 = arith.constant 0 : i32
      %dma_start3A_858 = tpu.memref_slice %arg9[%dma_start3A_855, %dma_start3A_856, %dma_start3A_857] : memref<4x128x128xf32, #tpu.memory_space<vmem>> -> memref<1x128x128xf32, #tpu.memory_space<vmem>>
      %dma_start3A_859 = tpu.memref_squeeze %dma_start3A_858 : memref<1x128x128xf32, #tpu.memory_space<vmem>> -> memref<128x128xf32, #tpu.memory_space<vmem>>
      %dma_start3A_860 = arith.constant 0 : i32
      %dma_start3A_861 = tpu.memref_slice %arg7[%dma_start3A_854, %dma_start3A_860] : memref<16x128xi32, #tpu.memory_space<vmem>> -> memref<1x128xi32, #tpu.memory_space<vmem>>
      %dma_start3A_862 = tpu.memref_squeeze %dma_start3A_861 : memref<1x128xi32, #tpu.memory_space<vmem>> -> memref<128xi32, #tpu.memory_space<vmem>>
      %dma_start3A_863 = arith.constant 0 : i32
      %dma_start3A_864 = arith.constant 0 : i32
      %dma_start3A_865 = tpu.memref_slice %arg2[%dma_start3A_863, %dma_start3A_864] : memref<80000x128xf32, #tpu.memory_space<hbm>> -> memref<80000x128xf32, #tpu.memory_space<hbm>>
      tpu.enqueue_indirect_dma source(%dma_start3A_865 : memref<80000x128xf32, #tpu.memory_space<hbm>>) target(%dma_start3A_859 : memref<128x128xf32, #tpu.memory_space<vmem>>) offsets(%dma_start3A_862 : memref<128xi32, #tpu.memory_space<vmem>>) semaphore(%arg14 : memref<!tpu.dma_semaphore, #tpu.memory_space<semaphore_mem>>)
      %dma_wait3A_866 = arith.constant 11 : i32
      %dma_wait3A_867 = arith.constant 3 : i32
      %dma_wait3A_868 = arith.constant 0 : i32
      %dma_wait3A_869 = arith.constant 0 : i32
      %dma_wait3A_870 = tpu.memref_slice %arg9[%dma_wait3A_867, %dma_wait3A_868, %dma_wait3A_869] : memref<4x128x128xf32, #tpu.memory_space<vmem>> -> memref<1x128x128xf32, #tpu.memory_space<vmem>>
      %dma_wait3A_871 = tpu.memref_squeeze %dma_wait3A_870 : memref<1x128x128xf32, #tpu.memory_space<vmem>> -> memref<128x128xf32, #tpu.memory_space<vmem>>
      %dma_wait3A_872 = arith.constant 0 : i32
      %dma_wait3A_873 = tpu.memref_slice %arg7[%dma_wait3A_866, %dma_wait3A_872] : memref<16x128xi32, #tpu.memory_space<vmem>> -> memref<1x128xi32, #tpu.memory_space<vmem>>
      %dma_wait3A_874 = tpu.memref_squeeze %dma_wait3A_873 : memref<1x128xi32, #tpu.memory_space<vmem>> -> memref<128xi32, #tpu.memory_space<vmem>>
      %dma_wait3A_875 = arith.constant 0 : i32
      %dma_wait3A_876 = arith.constant 0 : i32
      %dma_wait3A_877 = tpu.memref_slice %arg2[%dma_wait3A_875, %dma_wait3A_876] : memref<80000x128xf32, #tpu.memory_space<hbm>> -> memref<80000x128xf32, #tpu.memory_space<hbm>>
      tpu.wait_indirect_dma semaphore(%arg15 : memref<!tpu.dma_semaphore, #tpu.memory_space<semaphore_mem>>) src(%dma_wait3A_877 : memref<80000x128xf32, #tpu.memory_space<hbm>>) dst(%dma_wait3A_871 : memref<128x128xf32, #tpu.memory_space<vmem>>)
      %dma_start3A_878 = arith.constant 3 : i32
      %dma_start3A_879 = arith.constant 11 : i32
      %dma_start3A_880 = arith.constant 0 : i32
      %dma_start3A_881 = arith.constant 0 : i32
      %dma_start3A_882 = tpu.memref_slice %arg9[%dma_start3A_878, %dma_start3A_880, %dma_start3A_881] : memref<4x128x128xf32, #tpu.memory_space<vmem>> -> memref<1x128x128xf32, #tpu.memory_space<vmem>>
      %dma_start3A_883 = tpu.memref_squeeze %dma_start3A_882 : memref<1x128x128xf32, #tpu.memory_space<vmem>> -> memref<128x128xf32, #tpu.memory_space<vmem>>
      %dma_start3A_884 = arith.constant 0 : i32
      %dma_start3A_885 = tpu.memref_slice %arg8[%dma_start3A_879, %dma_start3A_884] : memref<16x128xi32, #tpu.memory_space<vmem>> -> memref<1x128xi32, #tpu.memory_space<vmem>>
      %dma_start3A_886 = tpu.memref_squeeze %dma_start3A_885 : memref<1x128xi32, #tpu.memory_space<vmem>> -> memref<128xi32, #tpu.memory_space<vmem>>
      %dma_start3A_887 = arith.constant 0 : i32
      %dma_start3A_888 = arith.constant 0 : i32
      %dma_start3A_889 = tpu.memref_slice %arg11[%dma_start3A_887, %dma_start3A_888] : memref<5120x128xf32, #tpu.memory_space<vmem_shared>> -> memref<5120x128xf32, #tpu.memory_space<vmem_shared>>
      tpu.enqueue_indirect_dma source(%dma_start3A_883 : memref<128x128xf32, #tpu.memory_space<vmem>>) target(%dma_start3A_889 : memref<5120x128xf32, #tpu.memory_space<vmem_shared>>) offsets(%dma_start3A_886 : memref<128xi32, #tpu.memory_space<vmem>>) semaphore(%arg15 : memref<!tpu.dma_semaphore, #tpu.memory_space<semaphore_mem>>) {add = true}
      %dma_wait3A_890 = arith.constant 3 : i32
      %dma_wait3A_891 = arith.constant 11 : i32
      %dma_wait3A_892 = arith.constant 0 : i32
      %dma_wait3A_893 = arith.constant 0 : i32
      %dma_wait3A_894 = tpu.memref_slice %arg9[%dma_wait3A_890, %dma_wait3A_892, %dma_wait3A_893] : memref<4x128x128xf32, #tpu.memory_space<vmem>> -> memref<1x128x128xf32, #tpu.memory_space<vmem>>
      %dma_wait3A_895 = tpu.memref_squeeze %dma_wait3A_894 : memref<1x128x128xf32, #tpu.memory_space<vmem>> -> memref<128x128xf32, #tpu.memory_space<vmem>>
      %dma_wait3A_896 = arith.constant 0 : i32
      %dma_wait3A_897 = tpu.memref_slice %arg8[%dma_wait3A_891, %dma_wait3A_896] : memref<16x128xi32, #tpu.memory_space<vmem>> -> memref<1x128xi32, #tpu.memory_space<vmem>>
      %dma_wait3A_898 = tpu.memref_squeeze %dma_wait3A_897 : memref<1x128xi32, #tpu.memory_space<vmem>> -> memref<128xi32, #tpu.memory_space<vmem>>
      %dma_wait3A_899 = arith.constant 0 : i32
      %dma_wait3A_900 = arith.constant 0 : i32
      %dma_wait3A_901 = tpu.memref_slice %arg11[%dma_wait3A_899, %dma_wait3A_900] : memref<5120x128xf32, #tpu.memory_space<vmem_shared>> -> memref<5120x128xf32, #tpu.memory_space<vmem_shared>>
      tpu.wait_indirect_dma semaphore(%arg15 : memref<!tpu.dma_semaphore, #tpu.memory_space<semaphore_mem>>) src(%dma_wait3A_895 : memref<128x128xf32, #tpu.memory_space<vmem>>) dst(%dma_wait3A_901 : memref<5120x128xf32, #tpu.memory_space<vmem_shared>>)
      %dma_start3A_902 = arith.constant 15 : i32
      %dma_start3A_903 = arith.constant 3 : i32
      %dma_start3A_904 = arith.constant 0 : i32
      %dma_start3A_905 = arith.constant 0 : i32
      %dma_start3A_906 = tpu.memref_slice %arg9[%dma_start3A_903, %dma_start3A_904, %dma_start3A_905] : memref<4x128x128xf32, #tpu.memory_space<vmem>> -> memref<1x128x128xf32, #tpu.memory_space<vmem>>
      %dma_start3A_907 = tpu.memref_squeeze %dma_start3A_906 : memref<1x128x128xf32, #tpu.memory_space<vmem>> -> memref<128x128xf32, #tpu.memory_space<vmem>>
      %dma_start3A_908 = arith.constant 0 : i32
      %dma_start3A_909 = tpu.memref_slice %arg7[%dma_start3A_902, %dma_start3A_908] : memref<16x128xi32, #tpu.memory_space<vmem>> -> memref<1x128xi32, #tpu.memory_space<vmem>>
      %dma_start3A_910 = tpu.memref_squeeze %dma_start3A_909 : memref<1x128xi32, #tpu.memory_space<vmem>> -> memref<128xi32, #tpu.memory_space<vmem>>
      %dma_start3A_911 = arith.constant 0 : i32
      %dma_start3A_912 = arith.constant 0 : i32
      %dma_start3A_913 = tpu.memref_slice %arg2[%dma_start3A_911, %dma_start3A_912] : memref<80000x128xf32, #tpu.memory_space<hbm>> -> memref<80000x128xf32, #tpu.memory_space<hbm>>
      tpu.enqueue_indirect_dma source(%dma_start3A_913 : memref<80000x128xf32, #tpu.memory_space<hbm>>) target(%dma_start3A_907 : memref<128x128xf32, #tpu.memory_space<vmem>>) offsets(%dma_start3A_910 : memref<128xi32, #tpu.memory_space<vmem>>) semaphore(%arg15 : memref<!tpu.dma_semaphore, #tpu.memory_space<semaphore_mem>>)
      %dma_wait3A_914 = arith.constant 12 : i32
      %dma_wait3A_915 = arith.constant 0 : i32
      %dma_wait3A_916 = arith.constant 0 : i32
      %dma_wait3A_917 = arith.constant 0 : i32
      %dma_wait3A_918 = tpu.memref_slice %arg9[%dma_wait3A_915, %dma_wait3A_916, %dma_wait3A_917] : memref<4x128x128xf32, #tpu.memory_space<vmem>> -> memref<1x128x128xf32, #tpu.memory_space<vmem>>
      %dma_wait3A_919 = tpu.memref_squeeze %dma_wait3A_918 : memref<1x128x128xf32, #tpu.memory_space<vmem>> -> memref<128x128xf32, #tpu.memory_space<vmem>>
      %dma_wait3A_920 = arith.constant 0 : i32
      %dma_wait3A_921 = tpu.memref_slice %arg7[%dma_wait3A_914, %dma_wait3A_920] : memref<16x128xi32, #tpu.memory_space<vmem>> -> memref<1x128xi32, #tpu.memory_space<vmem>>
      %dma_wait3A_922 = tpu.memref_squeeze %dma_wait3A_921 : memref<1x128xi32, #tpu.memory_space<vmem>> -> memref<128xi32, #tpu.memory_space<vmem>>
      %dma_wait3A_923 = arith.constant 0 : i32
      %dma_wait3A_924 = arith.constant 0 : i32
      %dma_wait3A_925 = tpu.memref_slice %arg2[%dma_wait3A_923, %dma_wait3A_924] : memref<80000x128xf32, #tpu.memory_space<hbm>> -> memref<80000x128xf32, #tpu.memory_space<hbm>>
      tpu.wait_indirect_dma semaphore(%arg12 : memref<!tpu.dma_semaphore, #tpu.memory_space<semaphore_mem>>) src(%dma_wait3A_925 : memref<80000x128xf32, #tpu.memory_space<hbm>>) dst(%dma_wait3A_919 : memref<128x128xf32, #tpu.memory_space<vmem>>)
      %dma_start3A_926 = arith.constant 0 : i32
      %dma_start3A_927 = arith.constant 12 : i32
      %dma_start3A_928 = arith.constant 0 : i32
      %dma_start3A_929 = arith.constant 0 : i32
      %dma_start3A_930 = tpu.memref_slice %arg9[%dma_start3A_926, %dma_start3A_928, %dma_start3A_929] : memref<4x128x128xf32, #tpu.memory_space<vmem>> -> memref<1x128x128xf32, #tpu.memory_space<vmem>>
      %dma_start3A_931 = tpu.memref_squeeze %dma_start3A_930 : memref<1x128x128xf32, #tpu.memory_space<vmem>> -> memref<128x128xf32, #tpu.memory_space<vmem>>
      %dma_start3A_932 = arith.constant 0 : i32
      %dma_start3A_933 = tpu.memref_slice %arg8[%dma_start3A_927, %dma_start3A_932] : memref<16x128xi32, #tpu.memory_space<vmem>> -> memref<1x128xi32, #tpu.memory_space<vmem>>
      %dma_start3A_934 = tpu.memref_squeeze %dma_start3A_933 : memref<1x128xi32, #tpu.memory_space<vmem>> -> memref<128xi32, #tpu.memory_space<vmem>>
      %dma_start3A_935 = arith.constant 0 : i32
      %dma_start3A_936 = arith.constant 0 : i32
      %dma_start3A_937 = tpu.memref_slice %arg11[%dma_start3A_935, %dma_start3A_936] : memref<5120x128xf32, #tpu.memory_space<vmem_shared>> -> memref<5120x128xf32, #tpu.memory_space<vmem_shared>>
      tpu.enqueue_indirect_dma source(%dma_start3A_931 : memref<128x128xf32, #tpu.memory_space<vmem>>) target(%dma_start3A_937 : memref<5120x128xf32, #tpu.memory_space<vmem_shared>>) offsets(%dma_start3A_934 : memref<128xi32, #tpu.memory_space<vmem>>) semaphore(%arg12 : memref<!tpu.dma_semaphore, #tpu.memory_space<semaphore_mem>>) {add = true}
      %dma_wait3A_938 = arith.constant 0 : i32
      %dma_wait3A_939 = arith.constant 12 : i32
      %dma_wait3A_940 = arith.constant 0 : i32
      %dma_wait3A_941 = arith.constant 0 : i32
      %dma_wait3A_942 = tpu.memref_slice %arg9[%dma_wait3A_938, %dma_wait3A_940, %dma_wait3A_941] : memref<4x128x128xf32, #tpu.memory_space<vmem>> -> memref<1x128x128xf32, #tpu.memory_space<vmem>>
      %dma_wait3A_943 = tpu.memref_squeeze %dma_wait3A_942 : memref<1x128x128xf32, #tpu.memory_space<vmem>> -> memref<128x128xf32, #tpu.memory_space<vmem>>
      %dma_wait3A_944 = arith.constant 0 : i32
      %dma_wait3A_945 = tpu.memref_slice %arg8[%dma_wait3A_939, %dma_wait3A_944] : memref<16x128xi32, #tpu.memory_space<vmem>> -> memref<1x128xi32, #tpu.memory_space<vmem>>
      %dma_wait3A_946 = tpu.memref_squeeze %dma_wait3A_945 : memref<1x128xi32, #tpu.memory_space<vmem>> -> memref<128xi32, #tpu.memory_space<vmem>>
      %dma_wait3A_947 = arith.constant 0 : i32
      %dma_wait3A_948 = arith.constant 0 : i32
      %dma_wait3A_949 = tpu.memref_slice %arg11[%dma_wait3A_947, %dma_wait3A_948] : memref<5120x128xf32, #tpu.memory_space<vmem_shared>> -> memref<5120x128xf32, #tpu.memory_space<vmem_shared>>
      tpu.wait_indirect_dma semaphore(%arg12 : memref<!tpu.dma_semaphore, #tpu.memory_space<semaphore_mem>>) src(%dma_wait3A_943 : memref<128x128xf32, #tpu.memory_space<vmem>>) dst(%dma_wait3A_949 : memref<5120x128xf32, #tpu.memory_space<vmem_shared>>)
      %dma_wait3A_950 = arith.constant 13 : i32
      %dma_wait3A_951 = arith.constant 1 : i32
      %dma_wait3A_952 = arith.constant 0 : i32
      %dma_wait3A_953 = arith.constant 0 : i32
      %dma_wait3A_954 = tpu.memref_slice %arg9[%dma_wait3A_951, %dma_wait3A_952, %dma_wait3A_953] : memref<4x128x128xf32, #tpu.memory_space<vmem>> -> memref<1x128x128xf32, #tpu.memory_space<vmem>>
      %dma_wait3A_955 = tpu.memref_squeeze %dma_wait3A_954 : memref<1x128x128xf32, #tpu.memory_space<vmem>> -> memref<128x128xf32, #tpu.memory_space<vmem>>
      %dma_wait3A_956 = arith.constant 0 : i32
      %dma_wait3A_957 = tpu.memref_slice %arg7[%dma_wait3A_950, %dma_wait3A_956] : memref<16x128xi32, #tpu.memory_space<vmem>> -> memref<1x128xi32, #tpu.memory_space<vmem>>
      %dma_wait3A_958 = tpu.memref_squeeze %dma_wait3A_957 : memref<1x128xi32, #tpu.memory_space<vmem>> -> memref<128xi32, #tpu.memory_space<vmem>>
      %dma_wait3A_959 = arith.constant 0 : i32
      %dma_wait3A_960 = arith.constant 0 : i32
      %dma_wait3A_961 = tpu.memref_slice %arg2[%dma_wait3A_959, %dma_wait3A_960] : memref<80000x128xf32, #tpu.memory_space<hbm>> -> memref<80000x128xf32, #tpu.memory_space<hbm>>
      tpu.wait_indirect_dma semaphore(%arg13 : memref<!tpu.dma_semaphore, #tpu.memory_space<semaphore_mem>>) src(%dma_wait3A_961 : memref<80000x128xf32, #tpu.memory_space<hbm>>) dst(%dma_wait3A_955 : memref<128x128xf32, #tpu.memory_space<vmem>>)
      %dma_start3A_962 = arith.constant 1 : i32
      %dma_start3A_963 = arith.constant 13 : i32
      %dma_start3A_964 = arith.constant 0 : i32
      %dma_start3A_965 = arith.constant 0 : i32
      %dma_start3A_966 = tpu.memref_slice %arg9[%dma_start3A_962, %dma_start3A_964, %dma_start3A_965] : memref<4x128x128xf32, #tpu.memory_space<vmem>> -> memref<1x128x128xf32, #tpu.memory_space<vmem>>
      %dma_start3A_967 = tpu.memref_squeeze %dma_start3A_966 : memref<1x128x128xf32, #tpu.memory_space<vmem>> -> memref<128x128xf32, #tpu.memory_space<vmem>>
      %dma_start3A_968 = arith.constant 0 : i32
      %dma_start3A_969 = tpu.memref_slice %arg8[%dma_start3A_963, %dma_start3A_968] : memref<16x128xi32, #tpu.memory_space<vmem>> -> memref<1x128xi32, #tpu.memory_space<vmem>>
      %dma_start3A_970 = tpu.memref_squeeze %dma_start3A_969 : memref<1x128xi32, #tpu.memory_space<vmem>> -> memref<128xi32, #tpu.memory_space<vmem>>
      %dma_start3A_971 = arith.constant 0 : i32
      %dma_start3A_972 = arith.constant 0 : i32
      %dma_start3A_973 = tpu.memref_slice %arg11[%dma_start3A_971, %dma_start3A_972] : memref<5120x128xf32, #tpu.memory_space<vmem_shared>> -> memref<5120x128xf32, #tpu.memory_space<vmem_shared>>
      tpu.enqueue_indirect_dma source(%dma_start3A_967 : memref<128x128xf32, #tpu.memory_space<vmem>>) target(%dma_start3A_973 : memref<5120x128xf32, #tpu.memory_space<vmem_shared>>) offsets(%dma_start3A_970 : memref<128xi32, #tpu.memory_space<vmem>>) semaphore(%arg13 : memref<!tpu.dma_semaphore, #tpu.memory_space<semaphore_mem>>) {add = true}
      %dma_wait3A_974 = arith.constant 1 : i32
      %dma_wait3A_975 = arith.constant 13 : i32
      %dma_wait3A_976 = arith.constant 0 : i32
      %dma_wait3A_977 = arith.constant 0 : i32
      %dma_wait3A_978 = tpu.memref_slice %arg9[%dma_wait3A_974, %dma_wait3A_976, %dma_wait3A_977] : memref<4x128x128xf32, #tpu.memory_space<vmem>> -> memref<1x128x128xf32, #tpu.memory_space<vmem>>
      %dma_wait3A_979 = tpu.memref_squeeze %dma_wait3A_978 : memref<1x128x128xf32, #tpu.memory_space<vmem>> -> memref<128x128xf32, #tpu.memory_space<vmem>>
      %dma_wait3A_980 = arith.constant 0 : i32
      %dma_wait3A_981 = tpu.memref_slice %arg8[%dma_wait3A_975, %dma_wait3A_980] : memref<16x128xi32, #tpu.memory_space<vmem>> -> memref<1x128xi32, #tpu.memory_space<vmem>>
      %dma_wait3A_982 = tpu.memref_squeeze %dma_wait3A_981 : memref<1x128xi32, #tpu.memory_space<vmem>> -> memref<128xi32, #tpu.memory_space<vmem>>
      %dma_wait3A_983 = arith.constant 0 : i32
      %dma_wait3A_984 = arith.constant 0 : i32
      %dma_wait3A_985 = tpu.memref_slice %arg11[%dma_wait3A_983, %dma_wait3A_984] : memref<5120x128xf32, #tpu.memory_space<vmem_shared>> -> memref<5120x128xf32, #tpu.memory_space<vmem_shared>>
      tpu.wait_indirect_dma semaphore(%arg13 : memref<!tpu.dma_semaphore, #tpu.memory_space<semaphore_mem>>) src(%dma_wait3A_979 : memref<128x128xf32, #tpu.memory_space<vmem>>) dst(%dma_wait3A_985 : memref<5120x128xf32, #tpu.memory_space<vmem_shared>>)
      %dma_wait3A_986 = arith.constant 14 : i32
      %dma_wait3A_987 = arith.constant 2 : i32
      %dma_wait3A_988 = arith.constant 0 : i32
      %dma_wait3A_989 = arith.constant 0 : i32
      %dma_wait3A_990 = tpu.memref_slice %arg9[%dma_wait3A_987, %dma_wait3A_988, %dma_wait3A_989] : memref<4x128x128xf32, #tpu.memory_space<vmem>> -> memref<1x128x128xf32, #tpu.memory_space<vmem>>
      %dma_wait3A_991 = tpu.memref_squeeze %dma_wait3A_990 : memref<1x128x128xf32, #tpu.memory_space<vmem>> -> memref<128x128xf32, #tpu.memory_space<vmem>>
      %dma_wait3A_992 = arith.constant 0 : i32
      %dma_wait3A_993 = tpu.memref_slice %arg7[%dma_wait3A_986, %dma_wait3A_992] : memref<16x128xi32, #tpu.memory_space<vmem>> -> memref<1x128xi32, #tpu.memory_space<vmem>>
      %dma_wait3A_994 = tpu.memref_squeeze %dma_wait3A_993 : memref<1x128xi32, #tpu.memory_space<vmem>> -> memref<128xi32, #tpu.memory_space<vmem>>
      %dma_wait3A_995 = arith.constant 0 : i32
      %dma_wait3A_996 = arith.constant 0 : i32
      %dma_wait3A_997 = tpu.memref_slice %arg2[%dma_wait3A_995, %dma_wait3A_996] : memref<80000x128xf32, #tpu.memory_space<hbm>> -> memref<80000x128xf32, #tpu.memory_space<hbm>>
      tpu.wait_indirect_dma semaphore(%arg14 : memref<!tpu.dma_semaphore, #tpu.memory_space<semaphore_mem>>) src(%dma_wait3A_997 : memref<80000x128xf32, #tpu.memory_space<hbm>>) dst(%dma_wait3A_991 : memref<128x128xf32, #tpu.memory_space<vmem>>)
      %dma_start3A_998 = arith.constant 2 : i32
      %dma_start3A_999 = arith.constant 14 : i32
      %dma_start3A_1000 = arith.constant 0 : i32
      %dma_start3A_1001 = arith.constant 0 : i32
      %dma_start3A_1002 = tpu.memref_slice %arg9[%dma_start3A_998, %dma_start3A_1000, %dma_start3A_1001] : memref<4x128x128xf32, #tpu.memory_space<vmem>> -> memref<1x128x128xf32, #tpu.memory_space<vmem>>
      %dma_start3A_1003 = tpu.memref_squeeze %dma_start3A_1002 : memref<1x128x128xf32, #tpu.memory_space<vmem>> -> memref<128x128xf32, #tpu.memory_space<vmem>>
      %dma_start3A_1004 = arith.constant 0 : i32
      %dma_start3A_1005 = tpu.memref_slice %arg8[%dma_start3A_999, %dma_start3A_1004] : memref<16x128xi32, #tpu.memory_space<vmem>> -> memref<1x128xi32, #tpu.memory_space<vmem>>
      %dma_start3A_1006 = tpu.memref_squeeze %dma_start3A_1005 : memref<1x128xi32, #tpu.memory_space<vmem>> -> memref<128xi32, #tpu.memory_space<vmem>>
      %dma_start3A_1007 = arith.constant 0 : i32
      %dma_start3A_1008 = arith.constant 0 : i32
      %dma_start3A_1009 = tpu.memref_slice %arg11[%dma_start3A_1007, %dma_start3A_1008] : memref<5120x128xf32, #tpu.memory_space<vmem_shared>> -> memref<5120x128xf32, #tpu.memory_space<vmem_shared>>
      tpu.enqueue_indirect_dma source(%dma_start3A_1003 : memref<128x128xf32, #tpu.memory_space<vmem>>) target(%dma_start3A_1009 : memref<5120x128xf32, #tpu.memory_space<vmem_shared>>) offsets(%dma_start3A_1006 : memref<128xi32, #tpu.memory_space<vmem>>) semaphore(%arg14 : memref<!tpu.dma_semaphore, #tpu.memory_space<semaphore_mem>>) {add = true}
      %dma_wait3A_1010 = arith.constant 2 : i32
      %dma_wait3A_1011 = arith.constant 14 : i32
      %dma_wait3A_1012 = arith.constant 0 : i32
      %dma_wait3A_1013 = arith.constant 0 : i32
      %dma_wait3A_1014 = tpu.memref_slice %arg9[%dma_wait3A_1010, %dma_wait3A_1012, %dma_wait3A_1013] : memref<4x128x128xf32, #tpu.memory_space<vmem>> -> memref<1x128x128xf32, #tpu.memory_space<vmem>>
      %dma_wait3A_1015 = tpu.memref_squeeze %dma_wait3A_1014 : memref<1x128x128xf32, #tpu.memory_space<vmem>> -> memref<128x128xf32, #tpu.memory_space<vmem>>
      %dma_wait3A_1016 = arith.constant 0 : i32
      %dma_wait3A_1017 = tpu.memref_slice %arg8[%dma_wait3A_1011, %dma_wait3A_1016] : memref<16x128xi32, #tpu.memory_space<vmem>> -> memref<1x128xi32, #tpu.memory_space<vmem>>
      %dma_wait3A_1018 = tpu.memref_squeeze %dma_wait3A_1017 : memref<1x128xi32, #tpu.memory_space<vmem>> -> memref<128xi32, #tpu.memory_space<vmem>>
      %dma_wait3A_1019 = arith.constant 0 : i32
      %dma_wait3A_1020 = arith.constant 0 : i32
      %dma_wait3A_1021 = tpu.memref_slice %arg11[%dma_wait3A_1019, %dma_wait3A_1020] : memref<5120x128xf32, #tpu.memory_space<vmem_shared>> -> memref<5120x128xf32, #tpu.memory_space<vmem_shared>>
      tpu.wait_indirect_dma semaphore(%arg14 : memref<!tpu.dma_semaphore, #tpu.memory_space<semaphore_mem>>) src(%dma_wait3A_1015 : memref<128x128xf32, #tpu.memory_space<vmem>>) dst(%dma_wait3A_1021 : memref<5120x128xf32, #tpu.memory_space<vmem_shared>>)
      %dma_wait3A_1022 = arith.constant 15 : i32
      %dma_wait3A_1023 = arith.constant 3 : i32
      %dma_wait3A_1024 = arith.constant 0 : i32
      %dma_wait3A_1025 = arith.constant 0 : i32
      %dma_wait3A_1026 = tpu.memref_slice %arg9[%dma_wait3A_1023, %dma_wait3A_1024, %dma_wait3A_1025] : memref<4x128x128xf32, #tpu.memory_space<vmem>> -> memref<1x128x128xf32, #tpu.memory_space<vmem>>
      %dma_wait3A_1027 = tpu.memref_squeeze %dma_wait3A_1026 : memref<1x128x128xf32, #tpu.memory_space<vmem>> -> memref<128x128xf32, #tpu.memory_space<vmem>>
      %dma_wait3A_1028 = arith.constant 0 : i32
      %dma_wait3A_1029 = tpu.memref_slice %arg7[%dma_wait3A_1022, %dma_wait3A_1028] : memref<16x128xi32, #tpu.memory_space<vmem>> -> memref<1x128xi32, #tpu.memory_space<vmem>>
      %dma_wait3A_1030 = tpu.memref_squeeze %dma_wait3A_1029 : memref<1x128xi32, #tpu.memory_space<vmem>> -> memref<128xi32, #tpu.memory_space<vmem>>
      %dma_wait3A_1031 = arith.constant 0 : i32
      %dma_wait3A_1032 = arith.constant 0 : i32
      %dma_wait3A_1033 = tpu.memref_slice %arg2[%dma_wait3A_1031, %dma_wait3A_1032] : memref<80000x128xf32, #tpu.memory_space<hbm>> -> memref<80000x128xf32, #tpu.memory_space<hbm>>
      tpu.wait_indirect_dma semaphore(%arg15 : memref<!tpu.dma_semaphore, #tpu.memory_space<semaphore_mem>>) src(%dma_wait3A_1033 : memref<80000x128xf32, #tpu.memory_space<hbm>>) dst(%dma_wait3A_1027 : memref<128x128xf32, #tpu.memory_space<vmem>>)
      %dma_start3A_1034 = arith.constant 3 : i32
      %dma_start3A_1035 = arith.constant 15 : i32
      %dma_start3A_1036 = arith.constant 0 : i32
      %dma_start3A_1037 = arith.constant 0 : i32
      %dma_start3A_1038 = tpu.memref_slice %arg9[%dma_start3A_1034, %dma_start3A_1036, %dma_start3A_1037] : memref<4x128x128xf32, #tpu.memory_space<vmem>> -> memref<1x128x128xf32, #tpu.memory_space<vmem>>
      %dma_start3A_1039 = tpu.memref_squeeze %dma_start3A_1038 : memref<1x128x128xf32, #tpu.memory_space<vmem>> -> memref<128x128xf32, #tpu.memory_space<vmem>>
      %dma_start3A_1040 = arith.constant 0 : i32
      %dma_start3A_1041 = tpu.memref_slice %arg8[%dma_start3A_1035, %dma_start3A_1040] : memref<16x128xi32, #tpu.memory_space<vmem>> -> memref<1x128xi32, #tpu.memory_space<vmem>>
      %dma_start3A_1042 = tpu.memref_squeeze %dma_start3A_1041 : memref<1x128xi32, #tpu.memory_space<vmem>> -> memref<128xi32, #tpu.memory_space<vmem>>
      %dma_start3A_1043 = arith.constant 0 : i32
      %dma_start3A_1044 = arith.constant 0 : i32
      %dma_start3A_1045 = tpu.memref_slice %arg11[%dma_start3A_1043, %dma_start3A_1044] : memref<5120x128xf32, #tpu.memory_space<vmem_shared>> -> memref<5120x128xf32, #tpu.memory_space<vmem_shared>>
      tpu.enqueue_indirect_dma source(%dma_start3A_1039 : memref<128x128xf32, #tpu.memory_space<vmem>>) target(%dma_start3A_1045 : memref<5120x128xf32, #tpu.memory_space<vmem_shared>>) offsets(%dma_start3A_1042 : memref<128xi32, #tpu.memory_space<vmem>>) semaphore(%arg15 : memref<!tpu.dma_semaphore, #tpu.memory_space<semaphore_mem>>) {add = true}
      %dma_wait3A_1046 = arith.constant 3 : i32
      %dma_wait3A_1047 = arith.constant 15 : i32
      %dma_wait3A_1048 = arith.constant 0 : i32
      %dma_wait3A_1049 = arith.constant 0 : i32
      %dma_wait3A_1050 = tpu.memref_slice %arg9[%dma_wait3A_1046, %dma_wait3A_1048, %dma_wait3A_1049] : memref<4x128x128xf32, #tpu.memory_space<vmem>> -> memref<1x128x128xf32, #tpu.memory_space<vmem>>
      %dma_wait3A_1051 = tpu.memref_squeeze %dma_wait3A_1050 : memref<1x128x128xf32, #tpu.memory_space<vmem>> -> memref<128x128xf32, #tpu.memory_space<vmem>>
      %dma_wait3A_1052 = arith.constant 0 : i32
      %dma_wait3A_1053 = tpu.memref_slice %arg8[%dma_wait3A_1047, %dma_wait3A_1052] : memref<16x128xi32, #tpu.memory_space<vmem>> -> memref<1x128xi32, #tpu.memory_space<vmem>>
      %dma_wait3A_1054 = tpu.memref_squeeze %dma_wait3A_1053 : memref<1x128xi32, #tpu.memory_space<vmem>> -> memref<128xi32, #tpu.memory_space<vmem>>
      %dma_wait3A_1055 = arith.constant 0 : i32
      %dma_wait3A_1056 = arith.constant 0 : i32
      %dma_wait3A_1057 = tpu.memref_slice %arg11[%dma_wait3A_1055, %dma_wait3A_1056] : memref<5120x128xf32, #tpu.memory_space<vmem_shared>> -> memref<5120x128xf32, #tpu.memory_space<vmem_shared>>
      tpu.wait_indirect_dma semaphore(%arg15 : memref<!tpu.dma_semaphore, #tpu.memory_space<semaphore_mem>>) src(%dma_wait3A_1051 : memref<128x128xf32, #tpu.memory_space<vmem>>) dst(%dma_wait3A_1057 : memref<5120x128xf32, #tpu.memory_space<vmem_shared>>)
      %barrier3A_1058 = arith.constant 0 : index
      tpu.barrier barrier_id(%barrier3A_1058)
      %scan3A_1059 = arith.constant 0 : i32
      %scan3A_1060 = arith.constant 0 : i32
      %scan3A_1061 = arith.constant 16 : i32
      %scan3A_1062 = arith.addi %scan3A_1060, %scan3A_1061 : i32
      %scan3A_1063 = arith.constant 1 : i32
      %scan3A_1064 = scf.for %scan3A_1094 = %scan3A_1060 to %scan3A_1062 step %scan3A_1063 iter_args(%scan3A_1095 = %scan3A_1059) -> (i32)  : i32 {
        %get3A = arith.index_cast %scan3A_1094 : i32 to index
        %get3A_1096 = arith.constant 0 : index
        %get3A_1097 = tpu.vector_load %arg7[%get3A, %get3A_1096] {strides = array<i32>} : memref<16x128xi32, #tpu.memory_space<vmem>>, vector<1x16xi32>,
        %get3A_1098 = vector.shape_cast %get3A_1097 : vector<1x16xi32> to vector<16xi32>
        %add3A_1099 = arith.constant 5000 : i32
        %add3A_1100 = vector.broadcast %add3A_1099 : i32 to vector<16xi32>
        %add3A_1101 = arith.addi %get3A_1098, %add3A_1100 : vector<16xi32>
        %swap3A = arith.index_cast %scan3A_1094 : i32 to index
        %swap3A_1102 = arith.constant 0 : index
        %swap3A_1103 = tpu.vector_load %arg7[%swap3A, %swap3A_1102] {strides = array<i32>} : memref<16x128xi32, #tpu.memory_space<vmem>>, vector<1x16xi32>,
        %swap3A_1104 = vector.shape_cast %swap3A_1103 : vector<1x16xi32> to vector<16xi32>
        %swap3A_1105 = vector.shape_cast %add3A_1101 : vector<16xi32> to vector<1x16xi32>
        tpu.vector_store %arg7[%swap3A, %swap3A_1102], %swap3A_1105 {strides = array<i32>} : memref<16x128xi32, #tpu.memory_space<vmem>>, vector<1x16xi32>,
        %get3A_1106 = arith.index_cast %scan3A_1094 : i32 to index
        %get3A_1107 = arith.constant 16 : index
        %get3A_1108 = tpu.vector_load %arg7[%get3A_1106, %get3A_1107] {strides = array<i32>} : memref<16x128xi32, #tpu.memory_space<vmem>>, vector<1x16xi32>,
        %get3A_1109 = vector.shape_cast %get3A_1108 : vector<1x16xi32> to vector<16xi32>
        %add3A_1110 = arith.constant 5000 : i32
        %add3A_1111 = vector.broadcast %add3A_1110 : i32 to vector<16xi32>
        %add3A_1112 = arith.addi %get3A_1109, %add3A_1111 : vector<16xi32>
        %swap3A_1113 = arith.index_cast %scan3A_1094 : i32 to index
        %swap3A_1114 = arith.constant 16 : index
        %swap3A_1115 = tpu.vector_load %arg7[%swap3A_1113, %swap3A_1114] {strides = array<i32>} : memref<16x128xi32, #tpu.memory_space<vmem>>, vector<1x16xi32>,
        %swap3A_1116 = vector.shape_cast %swap3A_1115 : vector<1x16xi32> to vector<16xi32>
        %swap3A_1117 = vector.shape_cast %add3A_1112 : vector<16xi32> to vector<1x16xi32>
        tpu.vector_store %arg7[%swap3A_1113, %swap3A_1114], %swap3A_1117 {strides = array<i32>} : memref<16x128xi32, #tpu.memory_space<vmem>>, vector<1x16xi32>,
        %get3A_1118 = arith.index_cast %scan3A_1094 : i32 to index
        %get3A_1119 = arith.constant 32 : index
        %get3A_1120 = tpu.vector_load %arg7[%get3A_1118, %get3A_1119] {strides = array<i32>} : memref<16x128xi32, #tpu.memory_space<vmem>>, vector<1x16xi32>,
        %get3A_1121 = vector.shape_cast %get3A_1120 : vector<1x16xi32> to vector<16xi32>
        %add3A_1122 = arith.constant 5000 : i32
        %add3A_1123 = vector.broadcast %add3A_1122 : i32 to vector<16xi32>
        %add3A_1124 = arith.addi %get3A_1121, %add3A_1123 : vector<16xi32>
        %swap3A_1125 = arith.index_cast %scan3A_1094 : i32 to index
        %swap3A_1126 = arith.constant 32 : index
        %swap3A_1127 = tpu.vector_load %arg7[%swap3A_1125, %swap3A_1126] {strides = array<i32>} : memref<16x128xi32, #tpu.memory_space<vmem>>, vector<1x16xi32>,
        %swap3A_1128 = vector.shape_cast %swap3A_1127 : vector<1x16xi32> to vector<16xi32>
        %swap3A_1129 = vector.shape_cast %add3A_1124 : vector<16xi32> to vector<1x16xi32>
        tpu.vector_store %arg7[%swap3A_1125, %swap3A_1126], %swap3A_1129 {strides = array<i32>} : memref<16x128xi32, #tpu.memory_space<vmem>>, vector<1x16xi32>,
        %get3A_1130 = arith.index_cast %scan3A_1094 : i32 to index
        %get3A_1131 = arith.constant 48 : index
        %get3A_1132 = tpu.vector_load %arg7[%get3A_1130, %get3A_1131] {strides = array<i32>} : memref<16x128xi32, #tpu.memory_space<vmem>>, vector<1x16xi32>,
        %get3A_1133 = vector.shape_cast %get3A_1132 : vector<1x16xi32> to vector<16xi32>
        %add3A_1134 = arith.constant 5000 : i32
        %add3A_1135 = vector.broadcast %add3A_1134 : i32 to vector<16xi32>
        %add3A_1136 = arith.addi %get3A_1133, %add3A_1135 : vector<16xi32>
        %swap3A_1137 = arith.index_cast %scan3A_1094 : i32 to index
        %swap3A_1138 = arith.constant 48 : index
        %swap3A_1139 = tpu.vector_load %arg7[%swap3A_1137, %swap3A_1138] {strides = array<i32>} : memref<16x128xi32, #tpu.memory_space<vmem>>, vector<1x16xi32>,
        %swap3A_1140 = vector.shape_cast %swap3A_1139 : vector<1x16xi32> to vector<16xi32>
        %swap3A_1141 = vector.shape_cast %add3A_1136 : vector<16xi32> to vector<1x16xi32>
        tpu.vector_store %arg7[%swap3A_1137, %swap3A_1138], %swap3A_1141 {strides = array<i32>} : memref<16x128xi32, #tpu.memory_space<vmem>>, vector<1x16xi32>,
        %get3A_1142 = arith.index_cast %scan3A_1094 : i32 to index
        %get3A_1143 = arith.constant 64 : index
        %get3A_1144 = tpu.vector_load %arg7[%get3A_1142, %get3A_1143] {strides = array<i32>} : memref<16x128xi32, #tpu.memory_space<vmem>>, vector<1x16xi32>,
        %get3A_1145 = vector.shape_cast %get3A_1144 : vector<1x16xi32> to vector<16xi32>
        %add3A_1146 = arith.constant 5000 : i32
        %add3A_1147 = vector.broadcast %add3A_1146 : i32 to vector<16xi32>
        %add3A_1148 = arith.addi %get3A_1145, %add3A_1147 : vector<16xi32>
        %swap3A_1149 = arith.index_cast %scan3A_1094 : i32 to index
        %swap3A_1150 = arith.constant 64 : index
        %swap3A_1151 = tpu.vector_load %arg7[%swap3A_1149, %swap3A_1150] {strides = array<i32>} : memref<16x128xi32, #tpu.memory_space<vmem>>, vector<1x16xi32>,
        %swap3A_1152 = vector.shape_cast %swap3A_1151 : vector<1x16xi32> to vector<16xi32>
        %swap3A_1153 = vector.shape_cast %add3A_1148 : vector<16xi32> to vector<1x16xi32>
        tpu.vector_store %arg7[%swap3A_1149, %swap3A_1150], %swap3A_1153 {strides = array<i32>} : memref<16x128xi32, #tpu.memory_space<vmem>>, vector<1x16xi32>,
        %get3A_1154 = arith.index_cast %scan3A_1094 : i32 to index
        %get3A_1155 = arith.constant 80 : index
        %get3A_1156 = tpu.vector_load %arg7[%get3A_1154, %get3A_1155] {strides = array<i32>} : memref<16x128xi32, #tpu.memory_space<vmem>>, vector<1x16xi32>,
        %get3A_1157 = vector.shape_cast %get3A_1156 : vector<1x16xi32> to vector<16xi32>
        %add3A_1158 = arith.constant 5000 : i32
        %add3A_1159 = vector.broadcast %add3A_1158 : i32 to vector<16xi32>
        %add3A_1160 = arith.addi %get3A_1157, %add3A_1159 : vector<16xi32>
        %swap3A_1161 = arith.index_cast %scan3A_1094 : i32 to index
        %swap3A_1162 = arith.constant 80 : index
        %swap3A_1163 = tpu.vector_load %arg7[%swap3A_1161, %swap3A_1162] {strides = array<i32>} : memref<16x128xi32, #tpu.memory_space<vmem>>, vector<1x16xi32>,
        %swap3A_1164 = vector.shape_cast %swap3A_1163 : vector<1x16xi32> to vector<16xi32>
        %swap3A_1165 = vector.shape_cast %add3A_1160 : vector<16xi32> to vector<1x16xi32>
        tpu.vector_store %arg7[%swap3A_1161, %swap3A_1162], %swap3A_1165 {strides = array<i32>} : memref<16x128xi32, #tpu.memory_space<vmem>>, vector<1x16xi32>,
        %get3A_1166 = arith.index_cast %scan3A_1094 : i32 to index
        %get3A_1167 = arith.constant 96 : index
        %get3A_1168 = tpu.vector_load %arg7[%get3A_1166, %get3A_1167] {strides = array<i32>} : memref<16x128xi32, #tpu.memory_space<vmem>>, vector<1x16xi32>,
        %get3A_1169 = vector.shape_cast %get3A_1168 : vector<1x16xi32> to vector<16xi32>
        %add3A_1170 = arith.constant 5000 : i32
        %add3A_1171 = vector.broadcast %add3A_1170 : i32 to vector<16xi32>
        %add3A_1172 = arith.addi %get3A_1169, %add3A_1171 : vector<16xi32>
        %swap3A_1173 = arith.index_cast %scan3A_1094 : i32 to index
        %swap3A_1174 = arith.constant 96 : index
        %swap3A_1175 = tpu.vector_load %arg7[%swap3A_1173, %swap3A_1174] {strides = array<i32>} : memref<16x128xi32, #tpu.memory_space<vmem>>, vector<1x16xi32>,
        %swap3A_1176 = vector.shape_cast %swap3A_1175 : vector<1x16xi32> to vector<16xi32>
        %swap3A_1177 = vector.shape_cast %add3A_1172 : vector<16xi32> to vector<1x16xi32>
        tpu.vector_store %arg7[%swap3A_1173, %swap3A_1174], %swap3A_1177 {strides = array<i32>} : memref<16x128xi32, #tpu.memory_space<vmem>>, vector<1x16xi32>,
        %get3A_1178 = arith.index_cast %scan3A_1094 : i32 to index
        %get3A_1179 = arith.constant 112 : index
        %get3A_1180 = tpu.vector_load %arg7[%get3A_1178, %get3A_1179] {strides = array<i32>} : memref<16x128xi32, #tpu.memory_space<vmem>>, vector<1x16xi32>,
        %get3A_1181 = vector.shape_cast %get3A_1180 : vector<1x16xi32> to vector<16xi32>
        %add3A_1182 = arith.constant 5000 : i32
        %add3A_1183 = vector.broadcast %add3A_1182 : i32 to vector<16xi32>
        %add3A_1184 = arith.addi %get3A_1181, %add3A_1183 : vector<16xi32>
        %swap3A_1185 = arith.index_cast %scan3A_1094 : i32 to index
        %swap3A_1186 = arith.constant 112 : index
        %swap3A_1187 = tpu.vector_load %arg7[%swap3A_1185, %swap3A_1186] {strides = array<i32>} : memref<16x128xi32, #tpu.memory_space<vmem>>, vector<1x16xi32>,
        %swap3A_1188 = vector.shape_cast %swap3A_1187 : vector<1x16xi32> to vector<16xi32>
        %swap3A_1189 = vector.shape_cast %add3A_1184 : vector<16xi32> to vector<1x16xi32>
        tpu.vector_store %arg7[%swap3A_1185, %swap3A_1186], %swap3A_1189 {strides = array<i32>} : memref<16x128xi32, #tpu.memory_space<vmem>>, vector<1x16xi32>,
        %scan3A_1190 = arith.constant 0 : i32
        scf.yield %scan3A_1190 : i32
      }
      %scan3A_1065 = arith.constant 16 : i32
      %add3A_1066 = arith.constant 1 : i32
      %add3A_1067 = arith.addi %scan3A_323, %add3A_1066 : i32
      %lt3A = arith.constant 6 : i32
      %lt3A_1068 = arith.cmpi slt, %add3A_1067, %lt3A : i32
      %convert_element_type3A = arith.extui %lt3A_1068 : i1 to i32
      %cond3A = arith.constant 0 : i32
      %cond3A_1069 = arith.cmpi ne, %convert_element_type3A, %cond3A : i32
      scf.if %cond3A_1069 {
        %dma_start3A_1094 = arith.constant 0 : i32
        %dma_start3A_1095 = arith.constant 0 : i32
        %dma_start3A_1096 = arith.constant 0 : i32
        %dma_start3A_1097 = arith.constant 0 : i32
        %dma_start3A_1098 = tpu.memref_slice %arg9[%dma_start3A_1095, %dma_start3A_1096, %dma_start3A_1097] : memref<4x128x128xf32, #tpu.memory_space<vmem>> -> memref<1x128x128xf32, #tpu.memory_space<vmem>>
        %dma_start3A_1099 = tpu.memref_squeeze %dma_start3A_1098 : memref<1x128x128xf32, #tpu.memory_space<vmem>> -> memref<128x128xf32, #tpu.memory_space<vmem>>
        %dma_start3A_1100 = arith.constant 0 : i32
        %dma_start3A_1101 = tpu.memref_slice %arg7[%dma_start3A_1094, %dma_start3A_1100] : memref<16x128xi32, #tpu.memory_space<vmem>> -> memref<1x128xi32, #tpu.memory_space<vmem>>
        %dma_start3A_1102 = tpu.memref_squeeze %dma_start3A_1101 : memref<1x128xi32, #tpu.memory_space<vmem>> -> memref<128xi32, #tpu.memory_space<vmem>>
        %dma_start3A_1103 = arith.constant 0 : i32
        %dma_start3A_1104 = arith.constant 0 : i32
        %dma_start3A_1105 = tpu.memref_slice %arg2[%dma_start3A_1103, %dma_start3A_1104] : memref<80000x128xf32, #tpu.memory_space<hbm>> -> memref<80000x128xf32, #tpu.memory_space<hbm>>
        tpu.enqueue_indirect_dma source(%dma_start3A_1105 : memref<80000x128xf32, #tpu.memory_space<hbm>>) target(%dma_start3A_1099 : memref<128x128xf32, #tpu.memory_space<vmem>>) offsets(%dma_start3A_1102 : memref<128xi32, #tpu.memory_space<vmem>>) semaphore(%arg12 : memref<!tpu.dma_semaphore, #tpu.memory_space<semaphore_mem>>)
        %dma_start3A_1106 = arith.constant 1 : i32
        %dma_start3A_1107 = arith.constant 1 : i32
        %dma_start3A_1108 = arith.constant 0 : i32
        %dma_start3A_1109 = arith.constant 0 : i32
        %dma_start3A_1110 = tpu.memref_slice %arg9[%dma_start3A_1107, %dma_start3A_1108, %dma_start3A_1109] : memref<4x128x128xf32, #tpu.memory_space<vmem>> -> memref<1x128x128xf32, #tpu.memory_space<vmem>>
        %dma_start3A_1111 = tpu.memref_squeeze %dma_start3A_1110 : memref<1x128x128xf32, #tpu.memory_space<vmem>> -> memref<128x128xf32, #tpu.memory_space<vmem>>
        %dma_start3A_1112 = arith.constant 0 : i32
        %dma_start3A_1113 = tpu.memref_slice %arg7[%dma_start3A_1106, %dma_start3A_1112] : memref<16x128xi32, #tpu.memory_space<vmem>> -> memref<1x128xi32, #tpu.memory_space<vmem>>
        %dma_start3A_1114 = tpu.memref_squeeze %dma_start3A_1113 : memref<1x128xi32, #tpu.memory_space<vmem>> -> memref<128xi32, #tpu.memory_space<vmem>>
        %dma_start3A_1115 = arith.constant 0 : i32
        %dma_start3A_1116 = arith.constant 0 : i32
        %dma_start3A_1117 = tpu.memref_slice %arg2[%dma_start3A_1115, %dma_start3A_1116] : memref<80000x128xf32, #tpu.memory_space<hbm>> -> memref<80000x128xf32, #tpu.memory_space<hbm>>
        tpu.enqueue_indirect_dma source(%dma_start3A_1117 : memref<80000x128xf32, #tpu.memory_space<hbm>>) target(%dma_start3A_1111 : memref<128x128xf32, #tpu.memory_space<vmem>>) offsets(%dma_start3A_1114 : memref<128xi32, #tpu.memory_space<vmem>>) semaphore(%arg13 : memref<!tpu.dma_semaphore, #tpu.memory_space<semaphore_mem>>)
        %dma_start3A_1118 = arith.constant 2 : i32
        %dma_start3A_1119 = arith.constant 2 : i32
        %dma_start3A_1120 = arith.constant 0 : i32
        %dma_start3A_1121 = arith.constant 0 : i32
        %dma_start3A_1122 = tpu.memref_slice %arg9[%dma_start3A_1119, %dma_start3A_1120, %dma_start3A_1121] : memref<4x128x128xf32, #tpu.memory_space<vmem>> -> memref<1x128x128xf32, #tpu.memory_space<vmem>>
        %dma_start3A_1123 = tpu.memref_squeeze %dma_start3A_1122 : memref<1x128x128xf32, #tpu.memory_space<vmem>> -> memref<128x128xf32, #tpu.memory_space<vmem>>
        %dma_start3A_1124 = arith.constant 0 : i32
        %dma_start3A_1125 = tpu.memref_slice %arg7[%dma_start3A_1118, %dma_start3A_1124] : memref<16x128xi32, #tpu.memory_space<vmem>> -> memref<1x128xi32, #tpu.memory_space<vmem>>
        %dma_start3A_1126 = tpu.memref_squeeze %dma_start3A_1125 : memref<1x128xi32, #tpu.memory_space<vmem>> -> memref<128xi32, #tpu.memory_space<vmem>>
        %dma_start3A_1127 = arith.constant 0 : i32
        %dma_start3A_1128 = arith.constant 0 : i32
        %dma_start3A_1129 = tpu.memref_slice %arg2[%dma_start3A_1127, %dma_start3A_1128] : memref<80000x128xf32, #tpu.memory_space<hbm>> -> memref<80000x128xf32, #tpu.memory_space<hbm>>
        tpu.enqueue_indirect_dma source(%dma_start3A_1129 : memref<80000x128xf32, #tpu.memory_space<hbm>>) target(%dma_start3A_1123 : memref<128x128xf32, #tpu.memory_space<vmem>>) offsets(%dma_start3A_1126 : memref<128xi32, #tpu.memory_space<vmem>>) semaphore(%arg14 : memref<!tpu.dma_semaphore, #tpu.memory_space<semaphore_mem>>)
      } else {
      }
      %mul3A_1070 = arith.constant 6 : i32
      %mul3A_1071 = arith.muli %arg0, %mul3A_1070 : i32
      %add3A_1072 = arith.addi %mul3A_1071, %scan3A_323 : i32
      "tpu.region"() ({
        %run_scoped3A = tpu.sem_alloc : memref<!tpu.dma_semaphore, #tpu.memory_space<semaphore_mem>>
        %dma_start3A_1094 = arith.constant 0 : i32
        %dma_start3A_1095 = tpu.memref_slice %arg5[%add3A_1072, %mul3A_0, %dma_start3A_1094] : memref<12x5120x128xf32, #tpu.memory_space<hbm>> -> memref<1x320x128xf32, #tpu.memory_space<hbm>>
        %dma_start3A_1096 = tpu.memref_squeeze %dma_start3A_1095 : memref<1x320x128xf32, #tpu.memory_space<hbm>> -> memref<320x128xf32, #tpu.memory_space<hbm>>
        %dma_start3A_1097 = arith.constant 0 : i32
        %dma_start3A_1098 = tpu.memref_slice %arg11[%mul3A_0, %dma_start3A_1097] : memref<5120x128xf32, #tpu.memory_space<vmem_shared>> -> memref<320x128xf32, #tpu.memory_space<vmem_shared>>
        tpu.enqueue_dma source(%dma_start3A_1098 : memref<320x128xf32, #tpu.memory_space<vmem_shared>>) target(%dma_start3A_1096 : memref<320x128xf32, #tpu.memory_space<hbm>>) target_semaphore(%run_scoped3A : memref<!tpu.dma_semaphore, #tpu.memory_space<semaphore_mem>>)
        %dma_wait3A_1099 = arith.constant 0 : i32
        %dma_wait3A_1100 = tpu.memref_slice %arg5[%add3A_1072, %mul3A_0, %dma_wait3A_1099] : memref<12x5120x128xf32, #tpu.memory_space<hbm>> -> memref<1x320x128xf32, #tpu.memory_space<hbm>>
        %dma_wait3A_1101 = tpu.memref_squeeze %dma_wait3A_1100 : memref<1x320x128xf32, #tpu.memory_space<hbm>> -> memref<320x128xf32, #tpu.memory_space<hbm>>
        %dma_wait3A_1102 = arith.constant 0 : i32
        %dma_wait3A_1103 = tpu.memref_slice %arg11[%mul3A_0, %dma_wait3A_1102] : memref<5120x128xf32, #tpu.memory_space<vmem_shared>> -> memref<320x128xf32, #tpu.memory_space<vmem_shared>>
        tpu.wait_dma2 semaphore(%run_scoped3A : memref<!tpu.dma_semaphore, #tpu.memory_space<semaphore_mem>>) src(%dma_wait3A_1103 : memref<320x128xf32, #tpu.memory_space<vmem_shared>>) dst(%dma_wait3A_1101 : memref<320x128xf32, #tpu.memory_space<hbm>>)
        tpu.yield
      }) : () -> ()
      %mul3A_1073 = arith.constant 320 : i32
      %mul3A_1074 = arith.muli %arg1, %mul3A_1073 : i32
      %add3A_1075 = arith.constant 0 : i32
      %add3A_1076 = arith.addi %mul3A_1074, %add3A_1075 : i32
      "tpu.region"() ({
        %run_scoped3A = tpu.sem_alloc : memref<!tpu.dma_semaphore, #tpu.memory_space<semaphore_mem>>
        %dma_start3A_1094 = arith.constant 0 : i32
        %dma_start3A_1095 = tpu.memref_slice %arg11[%add3A_1076, %dma_start3A_1094] : memref<5120x128xf32, #tpu.memory_space<vmem_shared>> -> memref<64x128xf32, #tpu.memory_space<vmem_shared>>
        %dma_start3A_1096 = arith.constant 0 : i32
        %dma_start3A_1097 = tpu.memref_slice %arg11[%add3A_1076, %dma_start3A_1096] : memref<5120x128xf32, #tpu.memory_space<vmem_shared>> -> memref<64x128xf32, #tpu.memory_space<vmem_shared>>
        tpu.enqueue_dma source(%arg10 : memref<64x128xf32, #tpu.memory_space<vmem>>) target(%dma_start3A_1097 : memref<64x128xf32, #tpu.memory_space<vmem_shared>>) target_semaphore(%run_scoped3A : memref<!tpu.dma_semaphore, #tpu.memory_space<semaphore_mem>>)
        %dma_wait3A_1098 = arith.constant 0 : i32
        %dma_wait3A_1099 = tpu.memref_slice %arg11[%add3A_1076, %dma_wait3A_1098] : memref<5120x128xf32, #tpu.memory_space<vmem_shared>> -> memref<64x128xf32, #tpu.memory_space<vmem_shared>>
        %dma_wait3A_1100 = arith.constant 0 : i32
        %dma_wait3A_1101 = tpu.memref_slice %arg11[%add3A_1076, %dma_wait3A_1100] : memref<5120x128xf32, #tpu.memory_space<vmem_shared>> -> memref<64x128xf32, #tpu.memory_space<vmem_shared>>
        tpu.wait_dma2 semaphore(%run_scoped3A : memref<!tpu.dma_semaphore, #tpu.memory_space<semaphore_mem>>) src(%arg10 : memref<64x128xf32, #tpu.memory_space<vmem>>) dst(%dma_wait3A_1101 : memref<64x128xf32, #tpu.memory_space<vmem_shared>>)
        tpu.yield
      }) : () -> ()
      %mul3A_1077 = arith.constant 320 : i32
      %mul3A_1078 = arith.muli %arg1, %mul3A_1077 : i32
      %add3A_1079 = arith.constant 64 : i32
      %add3A_1080 = arith.addi %mul3A_1078, %add3A_1079 : i32
      "tpu.region"() ({
        %run_scoped3A = tpu.sem_alloc : memref<!tpu.dma_semaphore, #tpu.memory_space<semaphore_mem>>
        %dma_start3A_1094 = arith.constant 0 : i32
        %dma_start3A_1095 = tpu.memref_slice %arg11[%add3A_1080, %dma_start3A_1094] : memref<5120x128xf32, #tpu.memory_space<vmem_shared>> -> memref<64x128xf32, #tpu.memory_space<vmem_shared>>
        %dma_start3A_1096 = arith.constant 0 : i32
        %dma_start3A_1097 = tpu.memref_slice %arg11[%add3A_1080, %dma_start3A_1096] : memref<5120x128xf32, #tpu.memory_space<vmem_shared>> -> memref<64x128xf32, #tpu.memory_space<vmem_shared>>
        tpu.enqueue_dma source(%arg10 : memref<64x128xf32, #tpu.memory_space<vmem>>) target(%dma_start3A_1097 : memref<64x128xf32, #tpu.memory_space<vmem_shared>>) target_semaphore(%run_scoped3A : memref<!tpu.dma_semaphore, #tpu.memory_space<semaphore_mem>>)
        %dma_wait3A_1098 = arith.constant 0 : i32
        %dma_wait3A_1099 = tpu.memref_slice %arg11[%add3A_1080, %dma_wait3A_1098] : memref<5120x128xf32, #tpu.memory_space<vmem_shared>> -> memref<64x128xf32, #tpu.memory_space<vmem_shared>>
        %dma_wait3A_1100 = arith.constant 0 : i32
        %dma_wait3A_1101 = tpu.memref_slice %arg11[%add3A_1080, %dma_wait3A_1100] : memref<5120x128xf32, #tpu.memory_space<vmem_shared>> -> memref<64x128xf32, #tpu.memory_space<vmem_shared>>
        tpu.wait_dma2 semaphore(%run_scoped3A : memref<!tpu.dma_semaphore, #tpu.memory_space<semaphore_mem>>) src(%arg10 : memref<64x128xf32, #tpu.memory_space<vmem>>) dst(%dma_wait3A_1101 : memref<64x128xf32, #tpu.memory_space<vmem_shared>>)
        tpu.yield
      }) : () -> ()
      %mul3A_1081 = arith.constant 320 : i32
      %mul3A_1082 = arith.muli %arg1, %mul3A_1081 : i32
      %add3A_1083 = arith.constant 128 : i32
      %add3A_1084 = arith.addi %mul3A_1082, %add3A_1083 : i32
      "tpu.region"() ({
        %run_scoped3A = tpu.sem_alloc : memref<!tpu.dma_semaphore, #tpu.memory_space<semaphore_mem>>
        %dma_start3A_1094 = arith.constant 0 : i32
        %dma_start3A_1095 = tpu.memref_slice %arg11[%add3A_1084, %dma_start3A_1094] : memref<5120x128xf32, #tpu.memory_space<vmem_shared>> -> memref<64x128xf32, #tpu.memory_space<vmem_shared>>
        %dma_start3A_1096 = arith.constant 0 : i32
        %dma_start3A_1097 = tpu.memref_slice %arg11[%add3A_1084, %dma_start3A_1096] : memref<5120x128xf32, #tpu.memory_space<vmem_shared>> -> memref<64x128xf32, #tpu.memory_space<vmem_shared>>
        tpu.enqueue_dma source(%arg10 : memref<64x128xf32, #tpu.memory_space<vmem>>) target(%dma_start3A_1097 : memref<64x128xf32, #tpu.memory_space<vmem_shared>>) target_semaphore(%run_scoped3A : memref<!tpu.dma_semaphore, #tpu.memory_space<semaphore_mem>>)
        %dma_wait3A_1098 = arith.constant 0 : i32
        %dma_wait3A_1099 = tpu.memref_slice %arg11[%add3A_1084, %dma_wait3A_1098] : memref<5120x128xf32, #tpu.memory_space<vmem_shared>> -> memref<64x128xf32, #tpu.memory_space<vmem_shared>>
        %dma_wait3A_1100 = arith.constant 0 : i32
        %dma_wait3A_1101 = tpu.memref_slice %arg11[%add3A_1084, %dma_wait3A_1100] : memref<5120x128xf32, #tpu.memory_space<vmem_shared>> -> memref<64x128xf32, #tpu.memory_space<vmem_shared>>
        tpu.wait_dma2 semaphore(%run_scoped3A : memref<!tpu.dma_semaphore, #tpu.memory_space<semaphore_mem>>) src(%arg10 : memref<64x128xf32, #tpu.memory_space<vmem>>) dst(%dma_wait3A_1101 : memref<64x128xf32, #tpu.memory_space<vmem_shared>>)
        tpu.yield
      }) : () -> ()
      %mul3A_1085 = arith.constant 320 : i32
      %mul3A_1086 = arith.muli %arg1, %mul3A_1085 : i32
      %add3A_1087 = arith.constant 192 : i32
      %add3A_1088 = arith.addi %mul3A_1086, %add3A_1087 : i32
      "tpu.region"() ({
        %run_scoped3A = tpu.sem_alloc : memref<!tpu.dma_semaphore, #tpu.memory_space<semaphore_mem>>
        %dma_start3A_1094 = arith.constant 0 : i32
        %dma_start3A_1095 = tpu.memref_slice %arg11[%add3A_1088, %dma_start3A_1094] : memref<5120x128xf32, #tpu.memory_space<vmem_shared>> -> memref<64x128xf32, #tpu.memory_space<vmem_shared>>
        %dma_start3A_1096 = arith.constant 0 : i32
        %dma_start3A_1097 = tpu.memref_slice %arg11[%add3A_1088, %dma_start3A_1096] : memref<5120x128xf32, #tpu.memory_space<vmem_shared>> -> memref<64x128xf32, #tpu.memory_space<vmem_shared>>
        tpu.enqueue_dma source(%arg10 : memref<64x128xf32, #tpu.memory_space<vmem>>) target(%dma_start3A_1097 : memref<64x128xf32, #tpu.memory_space<vmem_shared>>) target_semaphore(%run_scoped3A : memref<!tpu.dma_semaphore, #tpu.memory_space<semaphore_mem>>)
        %dma_wait3A_1098 = arith.constant 0 : i32
        %dma_wait3A_1099 = tpu.memref_slice %arg11[%add3A_1088, %dma_wait3A_1098] : memref<5120x128xf32, #tpu.memory_space<vmem_shared>> -> memref<64x128xf32, #tpu.memory_space<vmem_shared>>
        %dma_wait3A_1100 = arith.constant 0 : i32
        %dma_wait3A_1101 = tpu.memref_slice %arg11[%add3A_1088, %dma_wait3A_1100] : memref<5120x128xf32, #tpu.memory_space<vmem_shared>> -> memref<64x128xf32, #tpu.memory_space<vmem_shared>>
        tpu.wait_dma2 semaphore(%run_scoped3A : memref<!tpu.dma_semaphore, #tpu.memory_space<semaphore_mem>>) src(%arg10 : memref<64x128xf32, #tpu.memory_space<vmem>>) dst(%dma_wait3A_1101 : memref<64x128xf32, #tpu.memory_space<vmem_shared>>)
        tpu.yield
      }) : () -> ()
      %mul3A_1089 = arith.constant 320 : i32
      %mul3A_1090 = arith.muli %arg1, %mul3A_1089 : i32
      %add3A_1091 = arith.constant 256 : i32
      %add3A_1092 = arith.addi %mul3A_1090, %add3A_1091 : i32
      "tpu.region"() ({
        %run_scoped3A = tpu.sem_alloc : memref<!tpu.dma_semaphore, #tpu.memory_space<semaphore_mem>>
        %dma_start3A_1094 = arith.constant 0 : i32
        %dma_start3A_1095 = tpu.memref_slice %arg11[%add3A_1092, %dma_start3A_1094] : memref<5120x128xf32, #tpu.memory_space<vmem_shared>> -> memref<64x128xf32, #tpu.memory_space<vmem_shared>>
        %dma_start3A_1096 = arith.constant 0 : i32
        %dma_start3A_1097 = tpu.memref_slice %arg11[%add3A_1092, %dma_start3A_1096] : memref<5120x128xf32, #tpu.memory_space<vmem_shared>> -> memref<64x128xf32, #tpu.memory_space<vmem_shared>>
        tpu.enqueue_dma source(%arg10 : memref<64x128xf32, #tpu.memory_space<vmem>>) target(%dma_start3A_1097 : memref<64x128xf32, #tpu.memory_space<vmem_shared>>) target_semaphore(%run_scoped3A : memref<!tpu.dma_semaphore, #tpu.memory_space<semaphore_mem>>)
        %dma_wait3A_1098 = arith.constant 0 : i32
        %dma_wait3A_1099 = tpu.memref_slice %arg11[%add3A_1092, %dma_wait3A_1098] : memref<5120x128xf32, #tpu.memory_space<vmem_shared>> -> memref<64x128xf32, #tpu.memory_space<vmem_shared>>
        %dma_wait3A_1100 = arith.constant 0 : i32
        %dma_wait3A_1101 = tpu.memref_slice %arg11[%add3A_1092, %dma_wait3A_1100] : memref<5120x128xf32, #tpu.memory_space<vmem_shared>> -> memref<64x128xf32, #tpu.memory_space<vmem_shared>>
        tpu.wait_dma2 semaphore(%run_scoped3A : memref<!tpu.dma_semaphore, #tpu.memory_space<semaphore_mem>>) src(%arg10 : memref<64x128xf32, #tpu.memory_space<vmem>>) dst(%dma_wait3A_1101 : memref<64x128xf32, #tpu.memory_space<vmem_shared>>)
        tpu.yield
      }) : () -> ()
      %scan3A_1093 = arith.constant 0 : i32
      scf.yield %scan3A_1093 : i32
    }
    %scan3A_322 = arith.constant 6 : i32
    return
  }
}

#map = affine_map<(d0, d1) -> (0, 0)>
#map1 = affine_map<(d0, d1) -> (0, 0, 0)>
module attributes {stable_mosaic.version = 14 : i64} {
  func.func @_sc(%arg0: i32, %arg1: i32, %arg2: memref<80000x128xf32, #tpu.memory_space<hbm>>, %arg3: memref<256x128xi32, #tpu.memory_space<hbm>>, %arg4: memref<256x128xi32, #tpu.memory_space<hbm>>, %arg5: memref<4x5120x128xf32, #tpu.memory_space<hbm>>, %arg6: memref<16x128xi32, #tpu.memory_space<vmem>>, %arg7: memref<16x128xi32, #tpu.memory_space<vmem>>, %arg8: memref<4x128x128xf32, #tpu.memory_space<vmem>>, %arg9: memref<64x128xf32, #tpu.memory_space<vmem>>, %arg10: memref<5120x128xf32, #tpu.memory_space<vmem_shared>>, %arg11: memref<!tpu.dma_semaphore, #tpu.memory_space<semaphore_mem>>, %arg12: memref<!tpu.dma_semaphore, #tpu.memory_space<semaphore_mem>>, %arg13: memref<!tpu.dma_semaphore, #tpu.memory_space<semaphore_mem>>, %arg14: memref<!tpu.dma_semaphore, #tpu.memory_space<semaphore_mem>>) attributes {dimension_semantics = [#tpu.dimension_semantics<core_parallel>, #tpu.dimension_semantics<subcore_parallel>], iteration_bounds = array<i64: 2, 16>, scalar_prefetch = 0 : i64, scratch_operands = 9 : i64, tpu.core_type = #tpu.core_type<sc_vector_subcore>, window_params = [{transform_indices = #map}, {transform_indices = #map}, {transform_indices = #map}, {transform_indices = #map1}]} {
    %mul3A = arith.constant 320 : i32
    %mul3A_0 = arith.muli %arg1, %mul3A : i32
    %broadcast_in_dim3A = arith.constant 0.000000e+00 : f32
    %broadcast_in_dim3A_1 = vector.broadcast %broadcast_in_dim3A : f32 to vector<16xf32>
    %scan3A = arith.constant 0 : i32
    %scan3A_2 = arith.constant 0 : i32
    %scan3A_3 = arith.constant 64 : i32
    %scan3A_4 = arith.addi %scan3A_2, %scan3A_3 : i32
    %scan3A_5 = arith.constant 1 : i32
    %scan3A_6 = scf.for %scan3A_86 = %scan3A_2 to %scan3A_4 step %scan3A_5 iter_args(%scan3A_87 = %scan3A) -> (i32)  : i32 {
      %swap3A = arith.index_cast %scan3A_86 : i32 to index
      %swap3A_88 = arith.constant 0 : index
      %swap3A_89 = tpu.vector_load %arg9[%swap3A, %swap3A_88] {strides = array<i32>} : memref<64x128xf32, #tpu.memory_space<vmem>>, vector<1x16xf32>,
      %swap3A_90 = vector.shape_cast %swap3A_89 : vector<1x16xf32> to vector<16xf32>
      %swap3A_91 = vector.shape_cast %broadcast_in_dim3A_1 : vector<16xf32> to vector<1x16xf32>
      tpu.vector_store %arg9[%swap3A, %swap3A_88], %swap3A_91 {strides = array<i32>} : memref<64x128xf32, #tpu.memory_space<vmem>>, vector<1x16xf32>,
      %swap3A_92 = arith.index_cast %scan3A_86 : i32 to index
      %swap3A_93 = arith.constant 16 : index
      %swap3A_94 = tpu.vector_load %arg9[%swap3A_92, %swap3A_93] {strides = array<i32>} : memref<64x128xf32, #tpu.memory_space<vmem>>, vector<1x16xf32>,
      %swap3A_95 = vector.shape_cast %swap3A_94 : vector<1x16xf32> to vector<16xf32>
      %swap3A_96 = vector.shape_cast %broadcast_in_dim3A_1 : vector<16xf32> to vector<1x16xf32>
      tpu.vector_store %arg9[%swap3A_92, %swap3A_93], %swap3A_96 {strides = array<i32>} : memref<64x128xf32, #tpu.memory_space<vmem>>, vector<1x16xf32>,
      %swap3A_97 = arith.index_cast %scan3A_86 : i32 to index
      %swap3A_98 = arith.constant 32 : index
      %swap3A_99 = tpu.vector_load %arg9[%swap3A_97, %swap3A_98] {strides = array<i32>} : memref<64x128xf32, #tpu.memory_space<vmem>>, vector<1x16xf32>,
      %swap3A_100 = vector.shape_cast %swap3A_99 : vector<1x16xf32> to vector<16xf32>
      %swap3A_101 = vector.shape_cast %broadcast_in_dim3A_1 : vector<16xf32> to vector<1x16xf32>
      tpu.vector_store %arg9[%swap3A_97, %swap3A_98], %swap3A_101 {strides = array<i32>} : memref<64x128xf32, #tpu.memory_space<vmem>>, vector<1x16xf32>,
      %swap3A_102 = arith.index_cast %scan3A_86 : i32 to index
      %swap3A_103 = arith.constant 48 : index
      %swap3A_104 = tpu.vector_load %arg9[%swap3A_102, %swap3A_103] {strides = array<i32>} : memref<64x128xf32, #tpu.memory_space<vmem>>, vector<1x16xf32>,
      %swap3A_105 = vector.shape_cast %swap3A_104 : vector<1x16xf32> to vector<16xf32>
      %swap3A_106 = vector.shape_cast %broadcast_in_dim3A_1 : vector<16xf32> to vector<1x16xf32>
      tpu.vector_store %arg9[%swap3A_102, %swap3A_103], %swap3A_106 {strides = array<i32>} : memref<64x128xf32, #tpu.memory_space<vmem>>, vector<1x16xf32>,
      %swap3A_107 = arith.index_cast %scan3A_86 : i32 to index
      %swap3A_108 = arith.constant 64 : index
      %swap3A_109 = tpu.vector_load %arg9[%swap3A_107, %swap3A_108] {strides = array<i32>} : memref<64x128xf32, #tpu.memory_space<vmem>>, vector<1x16xf32>,
      %swap3A_110 = vector.shape_cast %swap3A_109 : vector<1x16xf32> to vector<16xf32>
      %swap3A_111 = vector.shape_cast %broadcast_in_dim3A_1 : vector<16xf32> to vector<1x16xf32>
      tpu.vector_store %arg9[%swap3A_107, %swap3A_108], %swap3A_111 {strides = array<i32>} : memref<64x128xf32, #tpu.memory_space<vmem>>, vector<1x16xf32>,
      %swap3A_112 = arith.index_cast %scan3A_86 : i32 to index
      %swap3A_113 = arith.constant 80 : index
      %swap3A_114 = tpu.vector_load %arg9[%swap3A_112, %swap3A_113] {strides = array<i32>} : memref<64x128xf32, #tpu.memory_space<vmem>>, vector<1x16xf32>,
      %swap3A_115 = vector.shape_cast %swap3A_114 : vector<1x16xf32> to vector<16xf32>
      %swap3A_116 = vector.shape_cast %broadcast_in_dim3A_1 : vector<16xf32> to vector<1x16xf32>
      tpu.vector_store %arg9[%swap3A_112, %swap3A_113], %swap3A_116 {strides = array<i32>} : memref<64x128xf32, #tpu.memory_space<vmem>>, vector<1x16xf32>,
      %swap3A_117 = arith.index_cast %scan3A_86 : i32 to index
      %swap3A_118 = arith.constant 96 : index
      %swap3A_119 = tpu.vector_load %arg9[%swap3A_117, %swap3A_118] {strides = array<i32>} : memref<64x128xf32, #tpu.memory_space<vmem>>, vector<1x16xf32>,
      %swap3A_120 = vector.shape_cast %swap3A_119 : vector<1x16xf32> to vector<16xf32>
      %swap3A_121 = vector.shape_cast %broadcast_in_dim3A_1 : vector<16xf32> to vector<1x16xf32>
      tpu.vector_store %arg9[%swap3A_117, %swap3A_118], %swap3A_121 {strides = array<i32>} : memref<64x128xf32, #tpu.memory_space<vmem>>, vector<1x16xf32>,
      %swap3A_122 = arith.index_cast %scan3A_86 : i32 to index
      %swap3A_123 = arith.constant 112 : index
      %swap3A_124 = tpu.vector_load %arg9[%swap3A_122, %swap3A_123] {strides = array<i32>} : memref<64x128xf32, #tpu.memory_space<vmem>>, vector<1x16xf32>,
      %swap3A_125 = vector.shape_cast %swap3A_124 : vector<1x16xf32> to vector<16xf32>
      %swap3A_126 = vector.shape_cast %broadcast_in_dim3A_1 : vector<16xf32> to vector<1x16xf32>
      tpu.vector_store %arg9[%swap3A_122, %swap3A_123], %swap3A_126 {strides = array<i32>} : memref<64x128xf32, #tpu.memory_space<vmem>>, vector<1x16xf32>,
      %scan3A_127 = arith.constant 0 : i32
      scf.yield %scan3A_127 : i32
    }
    %scan3A_7 = arith.constant 64 : i32
    %mul3A_8 = arith.constant 16 : i32
    %mul3A_9 = arith.muli %arg1, %mul3A_8 : i32
    "tpu.region"() ({
      %run_scoped3A = tpu.sem_alloc : memref<!tpu.dma_semaphore, #tpu.memory_space<semaphore_mem>>
      %dma_start3A_86 = arith.constant 0 : i32
      %dma_start3A_87 = tpu.memref_slice %arg3[%mul3A_9, %dma_start3A_86] : memref<256x128xi32, #tpu.memory_space<hbm>> -> memref<16x128xi32, #tpu.memory_space<hbm>>
      %dma_start3A_88 = arith.constant 0 : i32
      %dma_start3A_89 = tpu.memref_slice %arg3[%mul3A_9, %dma_start3A_88] : memref<256x128xi32, #tpu.memory_space<hbm>> -> memref<16x128xi32, #tpu.memory_space<hbm>>
      tpu.enqueue_dma source(%dma_start3A_89 : memref<16x128xi32, #tpu.memory_space<hbm>>) target(%arg6 : memref<16x128xi32, #tpu.memory_space<vmem>>) target_semaphore(%run_scoped3A : memref<!tpu.dma_semaphore, #tpu.memory_space<semaphore_mem>>)
      %dma_wait3A = arith.constant 0 : i32
      %dma_wait3A_90 = tpu.memref_slice %arg3[%mul3A_9, %dma_wait3A] : memref<256x128xi32, #tpu.memory_space<hbm>> -> memref<16x128xi32, #tpu.memory_space<hbm>>
      %dma_wait3A_91 = arith.constant 0 : i32
      %dma_wait3A_92 = tpu.memref_slice %arg3[%mul3A_9, %dma_wait3A_91] : memref<256x128xi32, #tpu.memory_space<hbm>> -> memref<16x128xi32, #tpu.memory_space<hbm>>
      tpu.wait_dma2 semaphore(%run_scoped3A : memref<!tpu.dma_semaphore, #tpu.memory_space<semaphore_mem>>) src(%dma_wait3A_92 : memref<16x128xi32, #tpu.memory_space<hbm>>) dst(%arg6 : memref<16x128xi32, #tpu.memory_space<vmem>>)
      tpu.yield
    }) : () -> ()
    %mul3A_10 = arith.constant 16 : i32
    %mul3A_11 = arith.muli %arg1, %mul3A_10 : i32
    "tpu.region"() ({
      %run_scoped3A = tpu.sem_alloc : memref<!tpu.dma_semaphore, #tpu.memory_space<semaphore_mem>>
      %dma_start3A_86 = arith.constant 0 : i32
      %dma_start3A_87 = tpu.memref_slice %arg4[%mul3A_11, %dma_start3A_86] : memref<256x128xi32, #tpu.memory_space<hbm>> -> memref<16x128xi32, #tpu.memory_space<hbm>>
      %dma_start3A_88 = arith.constant 0 : i32
      %dma_start3A_89 = tpu.memref_slice %arg4[%mul3A_11, %dma_start3A_88] : memref<256x128xi32, #tpu.memory_space<hbm>> -> memref<16x128xi32, #tpu.memory_space<hbm>>
      tpu.enqueue_dma source(%dma_start3A_89 : memref<16x128xi32, #tpu.memory_space<hbm>>) target(%arg7 : memref<16x128xi32, #tpu.memory_space<vmem>>) target_semaphore(%run_scoped3A : memref<!tpu.dma_semaphore, #tpu.memory_space<semaphore_mem>>)
      %dma_wait3A = arith.constant 0 : i32
      %dma_wait3A_90 = tpu.memref_slice %arg4[%mul3A_11, %dma_wait3A] : memref<256x128xi32, #tpu.memory_space<hbm>> -> memref<16x128xi32, #tpu.memory_space<hbm>>
      %dma_wait3A_91 = arith.constant 0 : i32
      %dma_wait3A_92 = tpu.memref_slice %arg4[%mul3A_11, %dma_wait3A_91] : memref<256x128xi32, #tpu.memory_space<hbm>> -> memref<16x128xi32, #tpu.memory_space<hbm>>
      tpu.wait_dma2 semaphore(%run_scoped3A : memref<!tpu.dma_semaphore, #tpu.memory_space<semaphore_mem>>) src(%dma_wait3A_92 : memref<16x128xi32, #tpu.memory_space<hbm>>) dst(%arg7 : memref<16x128xi32, #tpu.memory_space<vmem>>)
      tpu.yield
    }) : () -> ()
    %mul3A_12 = arith.constant 2 : i32
    %mul3A_13 = arith.muli %arg0, %mul3A_12 : i32
    %add3A = arith.constant 12 : i32
    %add3A_14 = arith.addi %add3A, %mul3A_13 : i32
    %mul3A_15 = arith.constant 5000 : i32
    %mul3A_16 = arith.muli %add3A_14, %mul3A_15 : i32
    %scan3A_17 = arith.constant 0 : i32
    %scan3A_18 = arith.constant 0 : i32
    %scan3A_19 = arith.constant 16 : i32
    %scan3A_20 = arith.addi %scan3A_18, %scan3A_19 : i32
    %scan3A_21 = arith.constant 1 : i32
    %scan3A_22 = scf.for %scan3A_86 = %scan3A_18 to %scan3A_20 step %scan3A_21 iter_args(%scan3A_87 = %scan3A_17) -> (i32)  : i32 {
      %get3A = arith.index_cast %scan3A_86 : i32 to index
      %get3A_88 = arith.constant 0 : index
      %get3A_89 = tpu.vector_load %arg6[%get3A, %get3A_88] {strides = array<i32>} : memref<16x128xi32, #tpu.memory_space<vmem>>, vector<1x16xi32>,
      %get3A_90 = vector.shape_cast %get3A_89 : vector<1x16xi32> to vector<16xi32>
      %add3A_91 = vector.broadcast %mul3A_16 : i32 to vector<16xi32>
      %add3A_92 = arith.addi %get3A_90, %add3A_91 : vector<16xi32>
      %swap3A = arith.index_cast %scan3A_86 : i32 to index
      %swap3A_93 = arith.constant 0 : index
      %swap3A_94 = tpu.vector_load %arg6[%swap3A, %swap3A_93] {strides = array<i32>} : memref<16x128xi32, #tpu.memory_space<vmem>>, vector<1x16xi32>,
      %swap3A_95 = vector.shape_cast %swap3A_94 : vector<1x16xi32> to vector<16xi32>
      %swap3A_96 = vector.shape_cast %add3A_92 : vector<16xi32> to vector<1x16xi32>
      tpu.vector_store %arg6[%swap3A, %swap3A_93], %swap3A_96 {strides = array<i32>} : memref<16x128xi32, #tpu.memory_space<vmem>>, vector<1x16xi32>,
      %get3A_97 = arith.index_cast %scan3A_86 : i32 to index
      %get3A_98 = arith.constant 16 : index
      %get3A_99 = tpu.vector_load %arg6[%get3A_97, %get3A_98] {strides = array<i32>} : memref<16x128xi32, #tpu.memory_space<vmem>>, vector<1x16xi32>,
      %get3A_100 = vector.shape_cast %get3A_99 : vector<1x16xi32> to vector<16xi32>
      %add3A_101 = vector.broadcast %mul3A_16 : i32 to vector<16xi32>
      %add3A_102 = arith.addi %get3A_100, %add3A_101 : vector<16xi32>
      %swap3A_103 = arith.index_cast %scan3A_86 : i32 to index
      %swap3A_104 = arith.constant 16 : index
      %swap3A_105 = tpu.vector_load %arg6[%swap3A_103, %swap3A_104] {strides = array<i32>} : memref<16x128xi32, #tpu.memory_space<vmem>>, vector<1x16xi32>,
      %swap3A_106 = vector.shape_cast %swap3A_105 : vector<1x16xi32> to vector<16xi32>
      %swap3A_107 = vector.shape_cast %add3A_102 : vector<16xi32> to vector<1x16xi32>
      tpu.vector_store %arg6[%swap3A_103, %swap3A_104], %swap3A_107 {strides = array<i32>} : memref<16x128xi32, #tpu.memory_space<vmem>>, vector<1x16xi32>,
      %get3A_108 = arith.index_cast %scan3A_86 : i32 to index
      %get3A_109 = arith.constant 32 : index
      %get3A_110 = tpu.vector_load %arg6[%get3A_108, %get3A_109] {strides = array<i32>} : memref<16x128xi32, #tpu.memory_space<vmem>>, vector<1x16xi32>,
      %get3A_111 = vector.shape_cast %get3A_110 : vector<1x16xi32> to vector<16xi32>
      %add3A_112 = vector.broadcast %mul3A_16 : i32 to vector<16xi32>
      %add3A_113 = arith.addi %get3A_111, %add3A_112 : vector<16xi32>
      %swap3A_114 = arith.index_cast %scan3A_86 : i32 to index
      %swap3A_115 = arith.constant 32 : index
      %swap3A_116 = tpu.vector_load %arg6[%swap3A_114, %swap3A_115] {strides = array<i32>} : memref<16x128xi32, #tpu.memory_space<vmem>>, vector<1x16xi32>,
      %swap3A_117 = vector.shape_cast %swap3A_116 : vector<1x16xi32> to vector<16xi32>
      %swap3A_118 = vector.shape_cast %add3A_113 : vector<16xi32> to vector<1x16xi32>
      tpu.vector_store %arg6[%swap3A_114, %swap3A_115], %swap3A_118 {strides = array<i32>} : memref<16x128xi32, #tpu.memory_space<vmem>>, vector<1x16xi32>,
      %get3A_119 = arith.index_cast %scan3A_86 : i32 to index
      %get3A_120 = arith.constant 48 : index
      %get3A_121 = tpu.vector_load %arg6[%get3A_119, %get3A_120] {strides = array<i32>} : memref<16x128xi32, #tpu.memory_space<vmem>>, vector<1x16xi32>,
      %get3A_122 = vector.shape_cast %get3A_121 : vector<1x16xi32> to vector<16xi32>
      %add3A_123 = vector.broadcast %mul3A_16 : i32 to vector<16xi32>
      %add3A_124 = arith.addi %get3A_122, %add3A_123 : vector<16xi32>
      %swap3A_125 = arith.index_cast %scan3A_86 : i32 to index
      %swap3A_126 = arith.constant 48 : index
      %swap3A_127 = tpu.vector_load %arg6[%swap3A_125, %swap3A_126] {strides = array<i32>} : memref<16x128xi32, #tpu.memory_space<vmem>>, vector<1x16xi32>,
      %swap3A_128 = vector.shape_cast %swap3A_127 : vector<1x16xi32> to vector<16xi32>
      %swap3A_129 = vector.shape_cast %add3A_124 : vector<16xi32> to vector<1x16xi32>
      tpu.vector_store %arg6[%swap3A_125, %swap3A_126], %swap3A_129 {strides = array<i32>} : memref<16x128xi32, #tpu.memory_space<vmem>>, vector<1x16xi32>,
      %get3A_130 = arith.index_cast %scan3A_86 : i32 to index
      %get3A_131 = arith.constant 64 : index
      %get3A_132 = tpu.vector_load %arg6[%get3A_130, %get3A_131] {strides = array<i32>} : memref<16x128xi32, #tpu.memory_space<vmem>>, vector<1x16xi32>,
      %get3A_133 = vector.shape_cast %get3A_132 : vector<1x16xi32> to vector<16xi32>
      %add3A_134 = vector.broadcast %mul3A_16 : i32 to vector<16xi32>
      %add3A_135 = arith.addi %get3A_133, %add3A_134 : vector<16xi32>
      %swap3A_136 = arith.index_cast %scan3A_86 : i32 to index
      %swap3A_137 = arith.constant 64 : index
      %swap3A_138 = tpu.vector_load %arg6[%swap3A_136, %swap3A_137] {strides = array<i32>} : memref<16x128xi32, #tpu.memory_space<vmem>>, vector<1x16xi32>,
      %swap3A_139 = vector.shape_cast %swap3A_138 : vector<1x16xi32> to vector<16xi32>
      %swap3A_140 = vector.shape_cast %add3A_135 : vector<16xi32> to vector<1x16xi32>
      tpu.vector_store %arg6[%swap3A_136, %swap3A_137], %swap3A_140 {strides = array<i32>} : memref<16x128xi32, #tpu.memory_space<vmem>>, vector<1x16xi32>,
      %get3A_141 = arith.index_cast %scan3A_86 : i32 to index
      %get3A_142 = arith.constant 80 : index
      %get3A_143 = tpu.vector_load %arg6[%get3A_141, %get3A_142] {strides = array<i32>} : memref<16x128xi32, #tpu.memory_space<vmem>>, vector<1x16xi32>,
      %get3A_144 = vector.shape_cast %get3A_143 : vector<1x16xi32> to vector<16xi32>
      %add3A_145 = vector.broadcast %mul3A_16 : i32 to vector<16xi32>
      %add3A_146 = arith.addi %get3A_144, %add3A_145 : vector<16xi32>
      %swap3A_147 = arith.index_cast %scan3A_86 : i32 to index
      %swap3A_148 = arith.constant 80 : index
      %swap3A_149 = tpu.vector_load %arg6[%swap3A_147, %swap3A_148] {strides = array<i32>} : memref<16x128xi32, #tpu.memory_space<vmem>>, vector<1x16xi32>,
      %swap3A_150 = vector.shape_cast %swap3A_149 : vector<1x16xi32> to vector<16xi32>
      %swap3A_151 = vector.shape_cast %add3A_146 : vector<16xi32> to vector<1x16xi32>
      tpu.vector_store %arg6[%swap3A_147, %swap3A_148], %swap3A_151 {strides = array<i32>} : memref<16x128xi32, #tpu.memory_space<vmem>>, vector<1x16xi32>,
      %get3A_152 = arith.index_cast %scan3A_86 : i32 to index
      %get3A_153 = arith.constant 96 : index
      %get3A_154 = tpu.vector_load %arg6[%get3A_152, %get3A_153] {strides = array<i32>} : memref<16x128xi32, #tpu.memory_space<vmem>>, vector<1x16xi32>,
      %get3A_155 = vector.shape_cast %get3A_154 : vector<1x16xi32> to vector<16xi32>
      %add3A_156 = vector.broadcast %mul3A_16 : i32 to vector<16xi32>
      %add3A_157 = arith.addi %get3A_155, %add3A_156 : vector<16xi32>
      %swap3A_158 = arith.index_cast %scan3A_86 : i32 to index
      %swap3A_159 = arith.constant 96 : index
      %swap3A_160 = tpu.vector_load %arg6[%swap3A_158, %swap3A_159] {strides = array<i32>} : memref<16x128xi32, #tpu.memory_space<vmem>>, vector<1x16xi32>,
      %swap3A_161 = vector.shape_cast %swap3A_160 : vector<1x16xi32> to vector<16xi32>
      %swap3A_162 = vector.shape_cast %add3A_157 : vector<16xi32> to vector<1x16xi32>
      tpu.vector_store %arg6[%swap3A_158, %swap3A_159], %swap3A_162 {strides = array<i32>} : memref<16x128xi32, #tpu.memory_space<vmem>>, vector<1x16xi32>,
      %get3A_163 = arith.index_cast %scan3A_86 : i32 to index
      %get3A_164 = arith.constant 112 : index
      %get3A_165 = tpu.vector_load %arg6[%get3A_163, %get3A_164] {strides = array<i32>} : memref<16x128xi32, #tpu.memory_space<vmem>>, vector<1x16xi32>,
      %get3A_166 = vector.shape_cast %get3A_165 : vector<1x16xi32> to vector<16xi32>
      %add3A_167 = vector.broadcast %mul3A_16 : i32 to vector<16xi32>
      %add3A_168 = arith.addi %get3A_166, %add3A_167 : vector<16xi32>
      %swap3A_169 = arith.index_cast %scan3A_86 : i32 to index
      %swap3A_170 = arith.constant 112 : index
      %swap3A_171 = tpu.vector_load %arg6[%swap3A_169, %swap3A_170] {strides = array<i32>} : memref<16x128xi32, #tpu.memory_space<vmem>>, vector<1x16xi32>,
      %swap3A_172 = vector.shape_cast %swap3A_171 : vector<1x16xi32> to vector<16xi32>
      %swap3A_173 = vector.shape_cast %add3A_168 : vector<16xi32> to vector<1x16xi32>
      tpu.vector_store %arg6[%swap3A_169, %swap3A_170], %swap3A_173 {strides = array<i32>} : memref<16x128xi32, #tpu.memory_space<vmem>>, vector<1x16xi32>,
      %scan3A_174 = arith.constant 0 : i32
      scf.yield %scan3A_174 : i32
    }
    %scan3A_23 = arith.constant 16 : i32
    %mul3A_24 = arith.constant 320 : i32
    %mul3A_25 = arith.muli %arg1, %mul3A_24 : i32
    %add3A_26 = arith.constant 0 : i32
    %add3A_27 = arith.addi %mul3A_25, %add3A_26 : i32
    "tpu.region"() ({
      %run_scoped3A = tpu.sem_alloc : memref<!tpu.dma_semaphore, #tpu.memory_space<semaphore_mem>>
      %dma_start3A_86 = arith.constant 0 : i32
      %dma_start3A_87 = tpu.memref_slice %arg10[%add3A_27, %dma_start3A_86] : memref<5120x128xf32, #tpu.memory_space<vmem_shared>> -> memref<64x128xf32, #tpu.memory_space<vmem_shared>>
      %dma_start3A_88 = arith.constant 0 : i32
      %dma_start3A_89 = tpu.memref_slice %arg10[%add3A_27, %dma_start3A_88] : memref<5120x128xf32, #tpu.memory_space<vmem_shared>> -> memref<64x128xf32, #tpu.memory_space<vmem_shared>>
      tpu.enqueue_dma source(%arg9 : memref<64x128xf32, #tpu.memory_space<vmem>>) target(%dma_start3A_89 : memref<64x128xf32, #tpu.memory_space<vmem_shared>>) target_semaphore(%run_scoped3A : memref<!tpu.dma_semaphore, #tpu.memory_space<semaphore_mem>>)
      %dma_wait3A = arith.constant 0 : i32
      %dma_wait3A_90 = tpu.memref_slice %arg10[%add3A_27, %dma_wait3A] : memref<5120x128xf32, #tpu.memory_space<vmem_shared>> -> memref<64x128xf32, #tpu.memory_space<vmem_shared>>
      %dma_wait3A_91 = arith.constant 0 : i32
      %dma_wait3A_92 = tpu.memref_slice %arg10[%add3A_27, %dma_wait3A_91] : memref<5120x128xf32, #tpu.memory_space<vmem_shared>> -> memref<64x128xf32, #tpu.memory_space<vmem_shared>>
      tpu.wait_dma2 semaphore(%run_scoped3A : memref<!tpu.dma_semaphore, #tpu.memory_space<semaphore_mem>>) src(%arg9 : memref<64x128xf32, #tpu.memory_space<vmem>>) dst(%dma_wait3A_92 : memref<64x128xf32, #tpu.memory_space<vmem_shared>>)
      tpu.yield
    }) : () -> ()
    %mul3A_28 = arith.constant 320 : i32
    %mul3A_29 = arith.muli %arg1, %mul3A_28 : i32
    %add3A_30 = arith.constant 64 : i32
    %add3A_31 = arith.addi %mul3A_29, %add3A_30 : i32
    "tpu.region"() ({
      %run_scoped3A = tpu.sem_alloc : memref<!tpu.dma_semaphore, #tpu.memory_space<semaphore_mem>>
      %dma_start3A_86 = arith.constant 0 : i32
      %dma_start3A_87 = tpu.memref_slice %arg10[%add3A_31, %dma_start3A_86] : memref<5120x128xf32, #tpu.memory_space<vmem_shared>> -> memref<64x128xf32, #tpu.memory_space<vmem_shared>>
      %dma_start3A_88 = arith.constant 0 : i32
      %dma_start3A_89 = tpu.memref_slice %arg10[%add3A_31, %dma_start3A_88] : memref<5120x128xf32, #tpu.memory_space<vmem_shared>> -> memref<64x128xf32, #tpu.memory_space<vmem_shared>>
      tpu.enqueue_dma source(%arg9 : memref<64x128xf32, #tpu.memory_space<vmem>>) target(%dma_start3A_89 : memref<64x128xf32, #tpu.memory_space<vmem_shared>>) target_semaphore(%run_scoped3A : memref<!tpu.dma_semaphore, #tpu.memory_space<semaphore_mem>>)
      %dma_wait3A = arith.constant 0 : i32
      %dma_wait3A_90 = tpu.memref_slice %arg10[%add3A_31, %dma_wait3A] : memref<5120x128xf32, #tpu.memory_space<vmem_shared>> -> memref<64x128xf32, #tpu.memory_space<vmem_shared>>
      %dma_wait3A_91 = arith.constant 0 : i32
      %dma_wait3A_92 = tpu.memref_slice %arg10[%add3A_31, %dma_wait3A_91] : memref<5120x128xf32, #tpu.memory_space<vmem_shared>> -> memref<64x128xf32, #tpu.memory_space<vmem_shared>>
      tpu.wait_dma2 semaphore(%run_scoped3A : memref<!tpu.dma_semaphore, #tpu.memory_space<semaphore_mem>>) src(%arg9 : memref<64x128xf32, #tpu.memory_space<vmem>>) dst(%dma_wait3A_92 : memref<64x128xf32, #tpu.memory_space<vmem_shared>>)
      tpu.yield
    }) : () -> ()
    %mul3A_32 = arith.constant 320 : i32
    %mul3A_33 = arith.muli %arg1, %mul3A_32 : i32
    %add3A_34 = arith.constant 128 : i32
    %add3A_35 = arith.addi %mul3A_33, %add3A_34 : i32
    "tpu.region"() ({
      %run_scoped3A = tpu.sem_alloc : memref<!tpu.dma_semaphore, #tpu.memory_space<semaphore_mem>>
      %dma_start3A_86 = arith.constant 0 : i32
      %dma_start3A_87 = tpu.memref_slice %arg10[%add3A_35, %dma_start3A_86] : memref<5120x128xf32, #tpu.memory_space<vmem_shared>> -> memref<64x128xf32, #tpu.memory_space<vmem_shared>>
      %dma_start3A_88 = arith.constant 0 : i32
      %dma_start3A_89 = tpu.memref_slice %arg10[%add3A_35, %dma_start3A_88] : memref<5120x128xf32, #tpu.memory_space<vmem_shared>> -> memref<64x128xf32, #tpu.memory_space<vmem_shared>>
      tpu.enqueue_dma source(%arg9 : memref<64x128xf32, #tpu.memory_space<vmem>>) target(%dma_start3A_89 : memref<64x128xf32, #tpu.memory_space<vmem_shared>>) target_semaphore(%run_scoped3A : memref<!tpu.dma_semaphore, #tpu.memory_space<semaphore_mem>>)
      %dma_wait3A = arith.constant 0 : i32
      %dma_wait3A_90 = tpu.memref_slice %arg10[%add3A_35, %dma_wait3A] : memref<5120x128xf32, #tpu.memory_space<vmem_shared>> -> memref<64x128xf32, #tpu.memory_space<vmem_shared>>
      %dma_wait3A_91 = arith.constant 0 : i32
      %dma_wait3A_92 = tpu.memref_slice %arg10[%add3A_35, %dma_wait3A_91] : memref<5120x128xf32, #tpu.memory_space<vmem_shared>> -> memref<64x128xf32, #tpu.memory_space<vmem_shared>>
      tpu.wait_dma2 semaphore(%run_scoped3A : memref<!tpu.dma_semaphore, #tpu.memory_space<semaphore_mem>>) src(%arg9 : memref<64x128xf32, #tpu.memory_space<vmem>>) dst(%dma_wait3A_92 : memref<64x128xf32, #tpu.memory_space<vmem_shared>>)
      tpu.yield
    }) : () -> ()
    %mul3A_36 = arith.constant 320 : i32
    %mul3A_37 = arith.muli %arg1, %mul3A_36 : i32
    %add3A_38 = arith.constant 192 : i32
    %add3A_39 = arith.addi %mul3A_37, %add3A_38 : i32
    "tpu.region"() ({
      %run_scoped3A = tpu.sem_alloc : memref<!tpu.dma_semaphore, #tpu.memory_space<semaphore_mem>>
      %dma_start3A_86 = arith.constant 0 : i32
      %dma_start3A_87 = tpu.memref_slice %arg10[%add3A_39, %dma_start3A_86] : memref<5120x128xf32, #tpu.memory_space<vmem_shared>> -> memref<64x128xf32, #tpu.memory_space<vmem_shared>>
      %dma_start3A_88 = arith.constant 0 : i32
      %dma_start3A_89 = tpu.memref_slice %arg10[%add3A_39, %dma_start3A_88] : memref<5120x128xf32, #tpu.memory_space<vmem_shared>> -> memref<64x128xf32, #tpu.memory_space<vmem_shared>>
      tpu.enqueue_dma source(%arg9 : memref<64x128xf32, #tpu.memory_space<vmem>>) target(%dma_start3A_89 : memref<64x128xf32, #tpu.memory_space<vmem_shared>>) target_semaphore(%run_scoped3A : memref<!tpu.dma_semaphore, #tpu.memory_space<semaphore_mem>>)
      %dma_wait3A = arith.constant 0 : i32
      %dma_wait3A_90 = tpu.memref_slice %arg10[%add3A_39, %dma_wait3A] : memref<5120x128xf32, #tpu.memory_space<vmem_shared>> -> memref<64x128xf32, #tpu.memory_space<vmem_shared>>
      %dma_wait3A_91 = arith.constant 0 : i32
      %dma_wait3A_92 = tpu.memref_slice %arg10[%add3A_39, %dma_wait3A_91] : memref<5120x128xf32, #tpu.memory_space<vmem_shared>> -> memref<64x128xf32, #tpu.memory_space<vmem_shared>>
      tpu.wait_dma2 semaphore(%run_scoped3A : memref<!tpu.dma_semaphore, #tpu.memory_space<semaphore_mem>>) src(%arg9 : memref<64x128xf32, #tpu.memory_space<vmem>>) dst(%dma_wait3A_92 : memref<64x128xf32, #tpu.memory_space<vmem_shared>>)
      tpu.yield
    }) : () -> ()
    %mul3A_40 = arith.constant 320 : i32
    %mul3A_41 = arith.muli %arg1, %mul3A_40 : i32
    %add3A_42 = arith.constant 256 : i32
    %add3A_43 = arith.addi %mul3A_41, %add3A_42 : i32
    "tpu.region"() ({
      %run_scoped3A = tpu.sem_alloc : memref<!tpu.dma_semaphore, #tpu.memory_space<semaphore_mem>>
      %dma_start3A_86 = arith.constant 0 : i32
      %dma_start3A_87 = tpu.memref_slice %arg10[%add3A_43, %dma_start3A_86] : memref<5120x128xf32, #tpu.memory_space<vmem_shared>> -> memref<64x128xf32, #tpu.memory_space<vmem_shared>>
      %dma_start3A_88 = arith.constant 0 : i32
      %dma_start3A_89 = tpu.memref_slice %arg10[%add3A_43, %dma_start3A_88] : memref<5120x128xf32, #tpu.memory_space<vmem_shared>> -> memref<64x128xf32, #tpu.memory_space<vmem_shared>>
      tpu.enqueue_dma source(%arg9 : memref<64x128xf32, #tpu.memory_space<vmem>>) target(%dma_start3A_89 : memref<64x128xf32, #tpu.memory_space<vmem_shared>>) target_semaphore(%run_scoped3A : memref<!tpu.dma_semaphore, #tpu.memory_space<semaphore_mem>>)
      %dma_wait3A = arith.constant 0 : i32
      %dma_wait3A_90 = tpu.memref_slice %arg10[%add3A_43, %dma_wait3A] : memref<5120x128xf32, #tpu.memory_space<vmem_shared>> -> memref<64x128xf32, #tpu.memory_space<vmem_shared>>
      %dma_wait3A_91 = arith.constant 0 : i32
      %dma_wait3A_92 = tpu.memref_slice %arg10[%add3A_43, %dma_wait3A_91] : memref<5120x128xf32, #tpu.memory_space<vmem_shared>> -> memref<64x128xf32, #tpu.memory_space<vmem_shared>>
      tpu.wait_dma2 semaphore(%run_scoped3A : memref<!tpu.dma_semaphore, #tpu.memory_space<semaphore_mem>>) src(%arg9 : memref<64x128xf32, #tpu.memory_space<vmem>>) dst(%dma_wait3A_92 : memref<64x128xf32, #tpu.memory_space<vmem_shared>>)
      tpu.yield
    }) : () -> ()
    %dma_start3A = arith.constant 0 : i32
    %dma_start3A_44 = arith.constant 0 : i32
    %dma_start3A_45 = arith.constant 0 : i32
    %dma_start3A_46 = arith.constant 0 : i32
    %dma_start3A_47 = tpu.memref_slice %arg8[%dma_start3A_44, %dma_start3A_45, %dma_start3A_46] : memref<4x128x128xf32, #tpu.memory_space<vmem>> -> memref<1x128x128xf32, #tpu.memory_space<vmem>>
    %dma_start3A_48 = tpu.memref_squeeze %dma_start3A_47 : memref<1x128x128xf32, #tpu.memory_space<vmem>> -> memref<128x128xf32, #tpu.memory_space<vmem>>
    %dma_start3A_49 = arith.constant 0 : i32
    %dma_start3A_50 = tpu.memref_slice %arg6[%dma_start3A, %dma_start3A_49] : memref<16x128xi32, #tpu.memory_space<vmem>> -> memref<1x128xi32, #tpu.memory_space<vmem>>
    %dma_start3A_51 = tpu.memref_squeeze %dma_start3A_50 : memref<1x128xi32, #tpu.memory_space<vmem>> -> memref<128xi32, #tpu.memory_space<vmem>>
    %dma_start3A_52 = arith.constant 0 : i32
    %dma_start3A_53 = arith.constant 0 : i32
    %dma_start3A_54 = tpu.memref_slice %arg2[%dma_start3A_52, %dma_start3A_53] : memref<80000x128xf32, #tpu.memory_space<hbm>> -> memref<80000x128xf32, #tpu.memory_space<hbm>>
    tpu.enqueue_indirect_dma source(%dma_start3A_54 : memref<80000x128xf32, #tpu.memory_space<hbm>>) target(%dma_start3A_48 : memref<128x128xf32, #tpu.memory_space<vmem>>) offsets(%dma_start3A_51 : memref<128xi32, #tpu.memory_space<vmem>>) semaphore(%arg11 : memref<!tpu.dma_semaphore, #tpu.memory_space<semaphore_mem>>)
    %dma_start3A_55 = arith.constant 1 : i32
    %dma_start3A_56 = arith.constant 1 : i32
    %dma_start3A_57 = arith.constant 0 : i32
    %dma_start3A_58 = arith.constant 0 : i32
    %dma_start3A_59 = tpu.memref_slice %arg8[%dma_start3A_56, %dma_start3A_57, %dma_start3A_58] : memref<4x128x128xf32, #tpu.memory_space<vmem>> -> memref<1x128x128xf32, #tpu.memory_space<vmem>>
    %dma_start3A_60 = tpu.memref_squeeze %dma_start3A_59 : memref<1x128x128xf32, #tpu.memory_space<vmem>> -> memref<128x128xf32, #tpu.memory_space<vmem>>
    %dma_start3A_61 = arith.constant 0 : i32
    %dma_start3A_62 = tpu.memref_slice %arg6[%dma_start3A_55, %dma_start3A_61] : memref<16x128xi32, #tpu.memory_space<vmem>> -> memref<1x128xi32, #tpu.memory_space<vmem>>
    %dma_start3A_63 = tpu.memref_squeeze %dma_start3A_62 : memref<1x128xi32, #tpu.memory_space<vmem>> -> memref<128xi32, #tpu.memory_space<vmem>>
    %dma_start3A_64 = arith.constant 0 : i32
    %dma_start3A_65 = arith.constant 0 : i32
    %dma_start3A_66 = tpu.memref_slice %arg2[%dma_start3A_64, %dma_start3A_65] : memref<80000x128xf32, #tpu.memory_space<hbm>> -> memref<80000x128xf32, #tpu.memory_space<hbm>>
    tpu.enqueue_indirect_dma source(%dma_start3A_66 : memref<80000x128xf32, #tpu.memory_space<hbm>>) target(%dma_start3A_60 : memref<128x128xf32, #tpu.memory_space<vmem>>) offsets(%dma_start3A_63 : memref<128xi32, #tpu.memory_space<vmem>>) semaphore(%arg12 : memref<!tpu.dma_semaphore, #tpu.memory_space<semaphore_mem>>)
    %dma_start3A_67 = arith.constant 2 : i32
    %dma_start3A_68 = arith.constant 2 : i32
    %dma_start3A_69 = arith.constant 0 : i32
    %dma_start3A_70 = arith.constant 0 : i32
    %dma_start3A_71 = tpu.memref_slice %arg8[%dma_start3A_68, %dma_start3A_69, %dma_start3A_70] : memref<4x128x128xf32, #tpu.memory_space<vmem>> -> memref<1x128x128xf32, #tpu.memory_space<vmem>>
    %dma_start3A_72 = tpu.memref_squeeze %dma_start3A_71 : memref<1x128x128xf32, #tpu.memory_space<vmem>> -> memref<128x128xf32, #tpu.memory_space<vmem>>
    %dma_start3A_73 = arith.constant 0 : i32
    %dma_start3A_74 = tpu.memref_slice %arg6[%dma_start3A_67, %dma_start3A_73] : memref<16x128xi32, #tpu.memory_space<vmem>> -> memref<1x128xi32, #tpu.memory_space<vmem>>
    %dma_start3A_75 = tpu.memref_squeeze %dma_start3A_74 : memref<1x128xi32, #tpu.memory_space<vmem>> -> memref<128xi32, #tpu.memory_space<vmem>>
    %dma_start3A_76 = arith.constant 0 : i32
    %dma_start3A_77 = arith.constant 0 : i32
    %dma_start3A_78 = tpu.memref_slice %arg2[%dma_start3A_76, %dma_start3A_77] : memref<80000x128xf32, #tpu.memory_space<hbm>> -> memref<80000x128xf32, #tpu.memory_space<hbm>>
    tpu.enqueue_indirect_dma source(%dma_start3A_78 : memref<80000x128xf32, #tpu.memory_space<hbm>>) target(%dma_start3A_72 : memref<128x128xf32, #tpu.memory_space<vmem>>) offsets(%dma_start3A_75 : memref<128xi32, #tpu.memory_space<vmem>>) semaphore(%arg13 : memref<!tpu.dma_semaphore, #tpu.memory_space<semaphore_mem>>)
    %scan3A_79 = arith.constant 0 : i32
    %scan3A_80 = arith.constant 0 : i32
    %scan3A_81 = arith.constant 2 : i32
    %scan3A_82 = arith.addi %scan3A_80, %scan3A_81 : i32
    %scan3A_83 = arith.constant 1 : i32
    %scan3A_84 = scf.for %scan3A_86 = %scan3A_80 to %scan3A_82 step %scan3A_83 iter_args(%scan3A_87 = %scan3A_79) -> (i32)  : i32 {
      %barrier3A = arith.constant 0 : index
      tpu.barrier barrier_id(%barrier3A)
      %dma_start3A_88 = arith.constant 3 : i32
      %dma_start3A_89 = arith.constant 3 : i32
      %dma_start3A_90 = arith.constant 0 : i32
      %dma_start3A_91 = arith.constant 0 : i32
      %dma_start3A_92 = tpu.memref_slice %arg8[%dma_start3A_89, %dma_start3A_90, %dma_start3A_91] : memref<4x128x128xf32, #tpu.memory_space<vmem>> -> memref<1x128x128xf32, #tpu.memory_space<vmem>>
      %dma_start3A_93 = tpu.memref_squeeze %dma_start3A_92 : memref<1x128x128xf32, #tpu.memory_space<vmem>> -> memref<128x128xf32, #tpu.memory_space<vmem>>
      %dma_start3A_94 = arith.constant 0 : i32
      %dma_start3A_95 = tpu.memref_slice %arg6[%dma_start3A_88, %dma_start3A_94] : memref<16x128xi32, #tpu.memory_space<vmem>> -> memref<1x128xi32, #tpu.memory_space<vmem>>
      %dma_start3A_96 = tpu.memref_squeeze %dma_start3A_95 : memref<1x128xi32, #tpu.memory_space<vmem>> -> memref<128xi32, #tpu.memory_space<vmem>>
      %dma_start3A_97 = arith.constant 0 : i32
      %dma_start3A_98 = arith.constant 0 : i32
      %dma_start3A_99 = tpu.memref_slice %arg2[%dma_start3A_97, %dma_start3A_98] : memref<80000x128xf32, #tpu.memory_space<hbm>> -> memref<80000x128xf32, #tpu.memory_space<hbm>>
      tpu.enqueue_indirect_dma source(%dma_start3A_99 : memref<80000x128xf32, #tpu.memory_space<hbm>>) target(%dma_start3A_93 : memref<128x128xf32, #tpu.memory_space<vmem>>) offsets(%dma_start3A_96 : memref<128xi32, #tpu.memory_space<vmem>>) semaphore(%arg14 : memref<!tpu.dma_semaphore, #tpu.memory_space<semaphore_mem>>)
      %dma_wait3A = arith.constant 0 : i32
      %dma_wait3A_100 = arith.constant 0 : i32
      %dma_wait3A_101 = arith.constant 0 : i32
      %dma_wait3A_102 = arith.constant 0 : i32
      %dma_wait3A_103 = tpu.memref_slice %arg8[%dma_wait3A_100, %dma_wait3A_101, %dma_wait3A_102] : memref<4x128x128xf32, #tpu.memory_space<vmem>> -> memref<1x128x128xf32, #tpu.memory_space<vmem>>
      %dma_wait3A_104 = tpu.memref_squeeze %dma_wait3A_103 : memref<1x128x128xf32, #tpu.memory_space<vmem>> -> memref<128x128xf32, #tpu.memory_space<vmem>>
      %dma_wait3A_105 = arith.constant 0 : i32
      %dma_wait3A_106 = tpu.memref_slice %arg6[%dma_wait3A, %dma_wait3A_105] : memref<16x128xi32, #tpu.memory_space<vmem>> -> memref<1x128xi32, #tpu.memory_space<vmem>>
      %dma_wait3A_107 = tpu.memref_squeeze %dma_wait3A_106 : memref<1x128xi32, #tpu.memory_space<vmem>> -> memref<128xi32, #tpu.memory_space<vmem>>
      %dma_wait3A_108 = arith.constant 0 : i32
      %dma_wait3A_109 = arith.constant 0 : i32
      %dma_wait3A_110 = tpu.memref_slice %arg2[%dma_wait3A_108, %dma_wait3A_109] : memref<80000x128xf32, #tpu.memory_space<hbm>> -> memref<80000x128xf32, #tpu.memory_space<hbm>>
      tpu.wait_indirect_dma semaphore(%arg11 : memref<!tpu.dma_semaphore, #tpu.memory_space<semaphore_mem>>) src(%dma_wait3A_110 : memref<80000x128xf32, #tpu.memory_space<hbm>>) dst(%dma_wait3A_104 : memref<128x128xf32, #tpu.memory_space<vmem>>)
      %dma_start3A_111 = arith.constant 0 : i32
      %dma_start3A_112 = arith.constant 0 : i32
      %dma_start3A_113 = arith.constant 0 : i32
      %dma_start3A_114 = arith.constant 0 : i32
      %dma_start3A_115 = tpu.memref_slice %arg8[%dma_start3A_111, %dma_start3A_113, %dma_start3A_114] : memref<4x128x128xf32, #tpu.memory_space<vmem>> -> memref<1x128x128xf32, #tpu.memory_space<vmem>>
      %dma_start3A_116 = tpu.memref_squeeze %dma_start3A_115 : memref<1x128x128xf32, #tpu.memory_space<vmem>> -> memref<128x128xf32, #tpu.memory_space<vmem>>
      %dma_start3A_117 = arith.constant 0 : i32
      %dma_start3A_118 = tpu.memref_slice %arg7[%dma_start3A_112, %dma_start3A_117] : memref<16x128xi32, #tpu.memory_space<vmem>> -> memref<1x128xi32, #tpu.memory_space<vmem>>
      %dma_start3A_119 = tpu.memref_squeeze %dma_start3A_118 : memref<1x128xi32, #tpu.memory_space<vmem>> -> memref<128xi32, #tpu.memory_space<vmem>>
      %dma_start3A_120 = arith.constant 0 : i32
      %dma_start3A_121 = arith.constant 0 : i32
      %dma_start3A_122 = tpu.memref_slice %arg10[%dma_start3A_120, %dma_start3A_121] : memref<5120x128xf32, #tpu.memory_space<vmem_shared>> -> memref<5120x128xf32, #tpu.memory_space<vmem_shared>>
      tpu.enqueue_indirect_dma source(%dma_start3A_116 : memref<128x128xf32, #tpu.memory_space<vmem>>) target(%dma_start3A_122 : memref<5120x128xf32, #tpu.memory_space<vmem_shared>>) offsets(%dma_start3A_119 : memref<128xi32, #tpu.memory_space<vmem>>) semaphore(%arg11 : memref<!tpu.dma_semaphore, #tpu.memory_space<semaphore_mem>>) {add = true}
      %dma_wait3A_123 = arith.constant 0 : i32
      %dma_wait3A_124 = arith.constant 0 : i32
      %dma_wait3A_125 = arith.constant 0 : i32
      %dma_wait3A_126 = arith.constant 0 : i32
      %dma_wait3A_127 = tpu.memref_slice %arg8[%dma_wait3A_123, %dma_wait3A_125, %dma_wait3A_126] : memref<4x128x128xf32, #tpu.memory_space<vmem>> -> memref<1x128x128xf32, #tpu.memory_space<vmem>>
      %dma_wait3A_128 = tpu.memref_squeeze %dma_wait3A_127 : memref<1x128x128xf32, #tpu.memory_space<vmem>> -> memref<128x128xf32, #tpu.memory_space<vmem>>
      %dma_wait3A_129 = arith.constant 0 : i32
      %dma_wait3A_130 = tpu.memref_slice %arg7[%dma_wait3A_124, %dma_wait3A_129] : memref<16x128xi32, #tpu.memory_space<vmem>> -> memref<1x128xi32, #tpu.memory_space<vmem>>
      %dma_wait3A_131 = tpu.memref_squeeze %dma_wait3A_130 : memref<1x128xi32, #tpu.memory_space<vmem>> -> memref<128xi32, #tpu.memory_space<vmem>>
      %dma_wait3A_132 = arith.constant 0 : i32
      %dma_wait3A_133 = arith.constant 0 : i32
      %dma_wait3A_134 = tpu.memref_slice %arg10[%dma_wait3A_132, %dma_wait3A_133] : memref<5120x128xf32, #tpu.memory_space<vmem_shared>> -> memref<5120x128xf32, #tpu.memory_space<vmem_shared>>
      tpu.wait_indirect_dma semaphore(%arg11 : memref<!tpu.dma_semaphore, #tpu.memory_space<semaphore_mem>>) src(%dma_wait3A_128 : memref<128x128xf32, #tpu.memory_space<vmem>>) dst(%dma_wait3A_134 : memref<5120x128xf32, #tpu.memory_space<vmem_shared>>)
      %dma_start3A_135 = arith.constant 4 : i32
      %dma_start3A_136 = arith.constant 0 : i32
      %dma_start3A_137 = arith.constant 0 : i32
      %dma_start3A_138 = arith.constant 0 : i32
      %dma_start3A_139 = tpu.memref_slice %arg8[%dma_start3A_136, %dma_start3A_137, %dma_start3A_138] : memref<4x128x128xf32, #tpu.memory_space<vmem>> -> memref<1x128x128xf32, #tpu.memory_space<vmem>>
      %dma_start3A_140 = tpu.memref_squeeze %dma_start3A_139 : memref<1x128x128xf32, #tpu.memory_space<vmem>> -> memref<128x128xf32, #tpu.memory_space<vmem>>
      %dma_start3A_141 = arith.constant 0 : i32
      %dma_start3A_142 = tpu.memref_slice %arg6[%dma_start3A_135, %dma_start3A_141] : memref<16x128xi32, #tpu.memory_space<vmem>> -> memref<1x128xi32, #tpu.memory_space<vmem>>
      %dma_start3A_143 = tpu.memref_squeeze %dma_start3A_142 : memref<1x128xi32, #tpu.memory_space<vmem>> -> memref<128xi32, #tpu.memory_space<vmem>>
      %dma_start3A_144 = arith.constant 0 : i32
      %dma_start3A_145 = arith.constant 0 : i32
      %dma_start3A_146 = tpu.memref_slice %arg2[%dma_start3A_144, %dma_start3A_145] : memref<80000x128xf32, #tpu.memory_space<hbm>> -> memref<80000x128xf32, #tpu.memory_space<hbm>>
      tpu.enqueue_indirect_dma source(%dma_start3A_146 : memref<80000x128xf32, #tpu.memory_space<hbm>>) target(%dma_start3A_140 : memref<128x128xf32, #tpu.memory_space<vmem>>) offsets(%dma_start3A_143 : memref<128xi32, #tpu.memory_space<vmem>>) semaphore(%arg11 : memref<!tpu.dma_semaphore, #tpu.memory_space<semaphore_mem>>)
      %dma_wait3A_147 = arith.constant 1 : i32
      %dma_wait3A_148 = arith.constant 1 : i32
      %dma_wait3A_149 = arith.constant 0 : i32
      %dma_wait3A_150 = arith.constant 0 : i32
      %dma_wait3A_151 = tpu.memref_slice %arg8[%dma_wait3A_148, %dma_wait3A_149, %dma_wait3A_150] : memref<4x128x128xf32, #tpu.memory_space<vmem>> -> memref<1x128x128xf32, #tpu.memory_space<vmem>>
      %dma_wait3A_152 = tpu.memref_squeeze %dma_wait3A_151 : memref<1x128x128xf32, #tpu.memory_space<vmem>> -> memref<128x128xf32, #tpu.memory_space<vmem>>
      %dma_wait3A_153 = arith.constant 0 : i32
      %dma_wait3A_154 = tpu.memref_slice %arg6[%dma_wait3A_147, %dma_wait3A_153] : memref<16x128xi32, #tpu.memory_space<vmem>> -> memref<1x128xi32, #tpu.memory_space<vmem>>
      %dma_wait3A_155 = tpu.memref_squeeze %dma_wait3A_154 : memref<1x128xi32, #tpu.memory_space<vmem>> -> memref<128xi32, #tpu.memory_space<vmem>>
      %dma_wait3A_156 = arith.constant 0 : i32
      %dma_wait3A_157 = arith.constant 0 : i32
      %dma_wait3A_158 = tpu.memref_slice %arg2[%dma_wait3A_156, %dma_wait3A_157] : memref<80000x128xf32, #tpu.memory_space<hbm>> -> memref<80000x128xf32, #tpu.memory_space<hbm>>
      tpu.wait_indirect_dma semaphore(%arg12 : memref<!tpu.dma_semaphore, #tpu.memory_space<semaphore_mem>>) src(%dma_wait3A_158 : memref<80000x128xf32, #tpu.memory_space<hbm>>) dst(%dma_wait3A_152 : memref<128x128xf32, #tpu.memory_space<vmem>>)
      %dma_start3A_159 = arith.constant 1 : i32
      %dma_start3A_160 = arith.constant 1 : i32
      %dma_start3A_161 = arith.constant 0 : i32
      %dma_start3A_162 = arith.constant 0 : i32
      %dma_start3A_163 = tpu.memref_slice %arg8[%dma_start3A_159, %dma_start3A_161, %dma_start3A_162] : memref<4x128x128xf32, #tpu.memory_space<vmem>> -> memref<1x128x128xf32, #tpu.memory_space<vmem>>
      %dma_start3A_164 = tpu.memref_squeeze %dma_start3A_163 : memref<1x128x128xf32, #tpu.memory_space<vmem>> -> memref<128x128xf32, #tpu.memory_space<vmem>>
      %dma_start3A_165 = arith.constant 0 : i32
      %dma_start3A_166 = tpu.memref_slice %arg7[%dma_start3A_160, %dma_start3A_165] : memref<16x128xi32, #tpu.memory_space<vmem>> -> memref<1x128xi32, #tpu.memory_space<vmem>>
      %dma_start3A_167 = tpu.memref_squeeze %dma_start3A_166 : memref<1x128xi32, #tpu.memory_space<vmem>> -> memref<128xi32, #tpu.memory_space<vmem>>
      %dma_start3A_168 = arith.constant 0 : i32
      %dma_start3A_169 = arith.constant 0 : i32
      %dma_start3A_170 = tpu.memref_slice %arg10[%dma_start3A_168, %dma_start3A_169] : memref<5120x128xf32, #tpu.memory_space<vmem_shared>> -> memref<5120x128xf32, #tpu.memory_space<vmem_shared>>
      tpu.enqueue_indirect_dma source(%dma_start3A_164 : memref<128x128xf32, #tpu.memory_space<vmem>>) target(%dma_start3A_170 : memref<5120x128xf32, #tpu.memory_space<vmem_shared>>) offsets(%dma_start3A_167 : memref<128xi32, #tpu.memory_space<vmem>>) semaphore(%arg12 : memref<!tpu.dma_semaphore, #tpu.memory_space<semaphore_mem>>) {add = true}
      %dma_wait3A_171 = arith.constant 1 : i32
      %dma_wait3A_172 = arith.constant 1 : i32
      %dma_wait3A_173 = arith.constant 0 : i32
      %dma_wait3A_174 = arith.constant 0 : i32
      %dma_wait3A_175 = tpu.memref_slice %arg8[%dma_wait3A_171, %dma_wait3A_173, %dma_wait3A_174] : memref<4x128x128xf32, #tpu.memory_space<vmem>> -> memref<1x128x128xf32, #tpu.memory_space<vmem>>
      %dma_wait3A_176 = tpu.memref_squeeze %dma_wait3A_175 : memref<1x128x128xf32, #tpu.memory_space<vmem>> -> memref<128x128xf32, #tpu.memory_space<vmem>>
      %dma_wait3A_177 = arith.constant 0 : i32
      %dma_wait3A_178 = tpu.memref_slice %arg7[%dma_wait3A_172, %dma_wait3A_177] : memref<16x128xi32, #tpu.memory_space<vmem>> -> memref<1x128xi32, #tpu.memory_space<vmem>>
      %dma_wait3A_179 = tpu.memref_squeeze %dma_wait3A_178 : memref<1x128xi32, #tpu.memory_space<vmem>> -> memref<128xi32, #tpu.memory_space<vmem>>
      %dma_wait3A_180 = arith.constant 0 : i32
      %dma_wait3A_181 = arith.constant 0 : i32
      %dma_wait3A_182 = tpu.memref_slice %arg10[%dma_wait3A_180, %dma_wait3A_181] : memref<5120x128xf32, #tpu.memory_space<vmem_shared>> -> memref<5120x128xf32, #tpu.memory_space<vmem_shared>>
      tpu.wait_indirect_dma semaphore(%arg12 : memref<!tpu.dma_semaphore, #tpu.memory_space<semaphore_mem>>) src(%dma_wait3A_176 : memref<128x128xf32, #tpu.memory_space<vmem>>) dst(%dma_wait3A_182 : memref<5120x128xf32, #tpu.memory_space<vmem_shared>>)
      %dma_start3A_183 = arith.constant 5 : i32
      %dma_start3A_184 = arith.constant 1 : i32
      %dma_start3A_185 = arith.constant 0 : i32
      %dma_start3A_186 = arith.constant 0 : i32
      %dma_start3A_187 = tpu.memref_slice %arg8[%dma_start3A_184, %dma_start3A_185, %dma_start3A_186] : memref<4x128x128xf32, #tpu.memory_space<vmem>> -> memref<1x128x128xf32, #tpu.memory_space<vmem>>
      %dma_start3A_188 = tpu.memref_squeeze %dma_start3A_187 : memref<1x128x128xf32, #tpu.memory_space<vmem>> -> memref<128x128xf32, #tpu.memory_space<vmem>>
      %dma_start3A_189 = arith.constant 0 : i32
      %dma_start3A_190 = tpu.memref_slice %arg6[%dma_start3A_183, %dma_start3A_189] : memref<16x128xi32, #tpu.memory_space<vmem>> -> memref<1x128xi32, #tpu.memory_space<vmem>>
      %dma_start3A_191 = tpu.memref_squeeze %dma_start3A_190 : memref<1x128xi32, #tpu.memory_space<vmem>> -> memref<128xi32, #tpu.memory_space<vmem>>
      %dma_start3A_192 = arith.constant 0 : i32
      %dma_start3A_193 = arith.constant 0 : i32
      %dma_start3A_194 = tpu.memref_slice %arg2[%dma_start3A_192, %dma_start3A_193] : memref<80000x128xf32, #tpu.memory_space<hbm>> -> memref<80000x128xf32, #tpu.memory_space<hbm>>
      tpu.enqueue_indirect_dma source(%dma_start3A_194 : memref<80000x128xf32, #tpu.memory_space<hbm>>) target(%dma_start3A_188 : memref<128x128xf32, #tpu.memory_space<vmem>>) offsets(%dma_start3A_191 : memref<128xi32, #tpu.memory_space<vmem>>) semaphore(%arg12 : memref<!tpu.dma_semaphore, #tpu.memory_space<semaphore_mem>>)
      %dma_wait3A_195 = arith.constant 2 : i32
      %dma_wait3A_196 = arith.constant 2 : i32
      %dma_wait3A_197 = arith.constant 0 : i32
      %dma_wait3A_198 = arith.constant 0 : i32
      %dma_wait3A_199 = tpu.memref_slice %arg8[%dma_wait3A_196, %dma_wait3A_197, %dma_wait3A_198] : memref<4x128x128xf32, #tpu.memory_space<vmem>> -> memref<1x128x128xf32, #tpu.memory_space<vmem>>
      %dma_wait3A_200 = tpu.memref_squeeze %dma_wait3A_199 : memref<1x128x128xf32, #tpu.memory_space<vmem>> -> memref<128x128xf32, #tpu.memory_space<vmem>>
      %dma_wait3A_201 = arith.constant 0 : i32
      %dma_wait3A_202 = tpu.memref_slice %arg6[%dma_wait3A_195, %dma_wait3A_201] : memref<16x128xi32, #tpu.memory_space<vmem>> -> memref<1x128xi32, #tpu.memory_space<vmem>>
      %dma_wait3A_203 = tpu.memref_squeeze %dma_wait3A_202 : memref<1x128xi32, #tpu.memory_space<vmem>> -> memref<128xi32, #tpu.memory_space<vmem>>
      %dma_wait3A_204 = arith.constant 0 : i32
      %dma_wait3A_205 = arith.constant 0 : i32
      %dma_wait3A_206 = tpu.memref_slice %arg2[%dma_wait3A_204, %dma_wait3A_205] : memref<80000x128xf32, #tpu.memory_space<hbm>> -> memref<80000x128xf32, #tpu.memory_space<hbm>>
      tpu.wait_indirect_dma semaphore(%arg13 : memref<!tpu.dma_semaphore, #tpu.memory_space<semaphore_mem>>) src(%dma_wait3A_206 : memref<80000x128xf32, #tpu.memory_space<hbm>>) dst(%dma_wait3A_200 : memref<128x128xf32, #tpu.memory_space<vmem>>)
      %dma_start3A_207 = arith.constant 2 : i32
      %dma_start3A_208 = arith.constant 2 : i32
      %dma_start3A_209 = arith.constant 0 : i32
      %dma_start3A_210 = arith.constant 0 : i32
      %dma_start3A_211 = tpu.memref_slice %arg8[%dma_start3A_207, %dma_start3A_209, %dma_start3A_210] : memref<4x128x128xf32, #tpu.memory_space<vmem>> -> memref<1x128x128xf32, #tpu.memory_space<vmem>>
      %dma_start3A_212 = tpu.memref_squeeze %dma_start3A_211 : memref<1x128x128xf32, #tpu.memory_space<vmem>> -> memref<128x128xf32, #tpu.memory_space<vmem>>
      %dma_start3A_213 = arith.constant 0 : i32
      %dma_start3A_214 = tpu.memref_slice %arg7[%dma_start3A_208, %dma_start3A_213] : memref<16x128xi32, #tpu.memory_space<vmem>> -> memref<1x128xi32, #tpu.memory_space<vmem>>
      %dma_start3A_215 = tpu.memref_squeeze %dma_start3A_214 : memref<1x128xi32, #tpu.memory_space<vmem>> -> memref<128xi32, #tpu.memory_space<vmem>>
      %dma_start3A_216 = arith.constant 0 : i32
      %dma_start3A_217 = arith.constant 0 : i32
      %dma_start3A_218 = tpu.memref_slice %arg10[%dma_start3A_216, %dma_start3A_217] : memref<5120x128xf32, #tpu.memory_space<vmem_shared>> -> memref<5120x128xf32, #tpu.memory_space<vmem_shared>>
      tpu.enqueue_indirect_dma source(%dma_start3A_212 : memref<128x128xf32, #tpu.memory_space<vmem>>) target(%dma_start3A_218 : memref<5120x128xf32, #tpu.memory_space<vmem_shared>>) offsets(%dma_start3A_215 : memref<128xi32, #tpu.memory_space<vmem>>) semaphore(%arg13 : memref<!tpu.dma_semaphore, #tpu.memory_space<semaphore_mem>>) {add = true}
      %dma_wait3A_219 = arith.constant 2 : i32
      %dma_wait3A_220 = arith.constant 2 : i32
      %dma_wait3A_221 = arith.constant 0 : i32
      %dma_wait3A_222 = arith.constant 0 : i32
      %dma_wait3A_223 = tpu.memref_slice %arg8[%dma_wait3A_219, %dma_wait3A_221, %dma_wait3A_222] : memref<4x128x128xf32, #tpu.memory_space<vmem>> -> memref<1x128x128xf32, #tpu.memory_space<vmem>>
      %dma_wait3A_224 = tpu.memref_squeeze %dma_wait3A_223 : memref<1x128x128xf32, #tpu.memory_space<vmem>> -> memref<128x128xf32, #tpu.memory_space<vmem>>
      %dma_wait3A_225 = arith.constant 0 : i32
      %dma_wait3A_226 = tpu.memref_slice %arg7[%dma_wait3A_220, %dma_wait3A_225] : memref<16x128xi32, #tpu.memory_space<vmem>> -> memref<1x128xi32, #tpu.memory_space<vmem>>
      %dma_wait3A_227 = tpu.memref_squeeze %dma_wait3A_226 : memref<1x128xi32, #tpu.memory_space<vmem>> -> memref<128xi32, #tpu.memory_space<vmem>>
      %dma_wait3A_228 = arith.constant 0 : i32
      %dma_wait3A_229 = arith.constant 0 : i32
      %dma_wait3A_230 = tpu.memref_slice %arg10[%dma_wait3A_228, %dma_wait3A_229] : memref<5120x128xf32, #tpu.memory_space<vmem_shared>> -> memref<5120x128xf32, #tpu.memory_space<vmem_shared>>
      tpu.wait_indirect_dma semaphore(%arg13 : memref<!tpu.dma_semaphore, #tpu.memory_space<semaphore_mem>>) src(%dma_wait3A_224 : memref<128x128xf32, #tpu.memory_space<vmem>>) dst(%dma_wait3A_230 : memref<5120x128xf32, #tpu.memory_space<vmem_shared>>)
      %dma_start3A_231 = arith.constant 6 : i32
      %dma_start3A_232 = arith.constant 2 : i32
      %dma_start3A_233 = arith.constant 0 : i32
      %dma_start3A_234 = arith.constant 0 : i32
      %dma_start3A_235 = tpu.memref_slice %arg8[%dma_start3A_232, %dma_start3A_233, %dma_start3A_234] : memref<4x128x128xf32, #tpu.memory_space<vmem>> -> memref<1x128x128xf32, #tpu.memory_space<vmem>>
      %dma_start3A_236 = tpu.memref_squeeze %dma_start3A_235 : memref<1x128x128xf32, #tpu.memory_space<vmem>> -> memref<128x128xf32, #tpu.memory_space<vmem>>
      %dma_start3A_237 = arith.constant 0 : i32
      %dma_start3A_238 = tpu.memref_slice %arg6[%dma_start3A_231, %dma_start3A_237] : memref<16x128xi32, #tpu.memory_space<vmem>> -> memref<1x128xi32, #tpu.memory_space<vmem>>
      %dma_start3A_239 = tpu.memref_squeeze %dma_start3A_238 : memref<1x128xi32, #tpu.memory_space<vmem>> -> memref<128xi32, #tpu.memory_space<vmem>>
      %dma_start3A_240 = arith.constant 0 : i32
      %dma_start3A_241 = arith.constant 0 : i32
      %dma_start3A_242 = tpu.memref_slice %arg2[%dma_start3A_240, %dma_start3A_241] : memref<80000x128xf32, #tpu.memory_space<hbm>> -> memref<80000x128xf32, #tpu.memory_space<hbm>>
      tpu.enqueue_indirect_dma source(%dma_start3A_242 : memref<80000x128xf32, #tpu.memory_space<hbm>>) target(%dma_start3A_236 : memref<128x128xf32, #tpu.memory_space<vmem>>) offsets(%dma_start3A_239 : memref<128xi32, #tpu.memory_space<vmem>>) semaphore(%arg13 : memref<!tpu.dma_semaphore, #tpu.memory_space<semaphore_mem>>)
      %dma_wait3A_243 = arith.constant 3 : i32
      %dma_wait3A_244 = arith.constant 3 : i32
      %dma_wait3A_245 = arith.constant 0 : i32
      %dma_wait3A_246 = arith.constant 0 : i32
      %dma_wait3A_247 = tpu.memref_slice %arg8[%dma_wait3A_244, %dma_wait3A_245, %dma_wait3A_246] : memref<4x128x128xf32, #tpu.memory_space<vmem>> -> memref<1x128x128xf32, #tpu.memory_space<vmem>>
      %dma_wait3A_248 = tpu.memref_squeeze %dma_wait3A_247 : memref<1x128x128xf32, #tpu.memory_space<vmem>> -> memref<128x128xf32, #tpu.memory_space<vmem>>
      %dma_wait3A_249 = arith.constant 0 : i32
      %dma_wait3A_250 = tpu.memref_slice %arg6[%dma_wait3A_243, %dma_wait3A_249] : memref<16x128xi32, #tpu.memory_space<vmem>> -> memref<1x128xi32, #tpu.memory_space<vmem>>
      %dma_wait3A_251 = tpu.memref_squeeze %dma_wait3A_250 : memref<1x128xi32, #tpu.memory_space<vmem>> -> memref<128xi32, #tpu.memory_space<vmem>>
      %dma_wait3A_252 = arith.constant 0 : i32
      %dma_wait3A_253 = arith.constant 0 : i32
      %dma_wait3A_254 = tpu.memref_slice %arg2[%dma_wait3A_252, %dma_wait3A_253] : memref<80000x128xf32, #tpu.memory_space<hbm>> -> memref<80000x128xf32, #tpu.memory_space<hbm>>
      tpu.wait_indirect_dma semaphore(%arg14 : memref<!tpu.dma_semaphore, #tpu.memory_space<semaphore_mem>>) src(%dma_wait3A_254 : memref<80000x128xf32, #tpu.memory_space<hbm>>) dst(%dma_wait3A_248 : memref<128x128xf32, #tpu.memory_space<vmem>>)
      %dma_start3A_255 = arith.constant 3 : i32
      %dma_start3A_256 = arith.constant 3 : i32
      %dma_start3A_257 = arith.constant 0 : i32
      %dma_start3A_258 = arith.constant 0 : i32
      %dma_start3A_259 = tpu.memref_slice %arg8[%dma_start3A_255, %dma_start3A_257, %dma_start3A_258] : memref<4x128x128xf32, #tpu.memory_space<vmem>> -> memref<1x128x128xf32, #tpu.memory_space<vmem>>
      %dma_start3A_260 = tpu.memref_squeeze %dma_start3A_259 : memref<1x128x128xf32, #tpu.memory_space<vmem>> -> memref<128x128xf32, #tpu.memory_space<vmem>>
      %dma_start3A_261 = arith.constant 0 : i32
      %dma_start3A_262 = tpu.memref_slice %arg7[%dma_start3A_256, %dma_start3A_261] : memref<16x128xi32, #tpu.memory_space<vmem>> -> memref<1x128xi32, #tpu.memory_space<vmem>>
      %dma_start3A_263 = tpu.memref_squeeze %dma_start3A_262 : memref<1x128xi32, #tpu.memory_space<vmem>> -> memref<128xi32, #tpu.memory_space<vmem>>
      %dma_start3A_264 = arith.constant 0 : i32
      %dma_start3A_265 = arith.constant 0 : i32
      %dma_start3A_266 = tpu.memref_slice %arg10[%dma_start3A_264, %dma_start3A_265] : memref<5120x128xf32, #tpu.memory_space<vmem_shared>> -> memref<5120x128xf32, #tpu.memory_space<vmem_shared>>
      tpu.enqueue_indirect_dma source(%dma_start3A_260 : memref<128x128xf32, #tpu.memory_space<vmem>>) target(%dma_start3A_266 : memref<5120x128xf32, #tpu.memory_space<vmem_shared>>) offsets(%dma_start3A_263 : memref<128xi32, #tpu.memory_space<vmem>>) semaphore(%arg14 : memref<!tpu.dma_semaphore, #tpu.memory_space<semaphore_mem>>) {add = true}
      %dma_wait3A_267 = arith.constant 3 : i32
      %dma_wait3A_268 = arith.constant 3 : i32
      %dma_wait3A_269 = arith.constant 0 : i32
      %dma_wait3A_270 = arith.constant 0 : i32
      %dma_wait3A_271 = tpu.memref_slice %arg8[%dma_wait3A_267, %dma_wait3A_269, %dma_wait3A_270] : memref<4x128x128xf32, #tpu.memory_space<vmem>> -> memref<1x128x128xf32, #tpu.memory_space<vmem>>
      %dma_wait3A_272 = tpu.memref_squeeze %dma_wait3A_271 : memref<1x128x128xf32, #tpu.memory_space<vmem>> -> memref<128x128xf32, #tpu.memory_space<vmem>>
      %dma_wait3A_273 = arith.constant 0 : i32
      %dma_wait3A_274 = tpu.memref_slice %arg7[%dma_wait3A_268, %dma_wait3A_273] : memref<16x128xi32, #tpu.memory_space<vmem>> -> memref<1x128xi32, #tpu.memory_space<vmem>>
      %dma_wait3A_275 = tpu.memref_squeeze %dma_wait3A_274 : memref<1x128xi32, #tpu.memory_space<vmem>> -> memref<128xi32, #tpu.memory_space<vmem>>
      %dma_wait3A_276 = arith.constant 0 : i32
      %dma_wait3A_277 = arith.constant 0 : i32
      %dma_wait3A_278 = tpu.memref_slice %arg10[%dma_wait3A_276, %dma_wait3A_277] : memref<5120x128xf32, #tpu.memory_space<vmem_shared>> -> memref<5120x128xf32, #tpu.memory_space<vmem_shared>>
      tpu.wait_indirect_dma semaphore(%arg14 : memref<!tpu.dma_semaphore, #tpu.memory_space<semaphore_mem>>) src(%dma_wait3A_272 : memref<128x128xf32, #tpu.memory_space<vmem>>) dst(%dma_wait3A_278 : memref<5120x128xf32, #tpu.memory_space<vmem_shared>>)
      %dma_start3A_279 = arith.constant 7 : i32
      %dma_start3A_280 = arith.constant 3 : i32
      %dma_start3A_281 = arith.constant 0 : i32
      %dma_start3A_282 = arith.constant 0 : i32
      %dma_start3A_283 = tpu.memref_slice %arg8[%dma_start3A_280, %dma_start3A_281, %dma_start3A_282] : memref<4x128x128xf32, #tpu.memory_space<vmem>> -> memref<1x128x128xf32, #tpu.memory_space<vmem>>
      %dma_start3A_284 = tpu.memref_squeeze %dma_start3A_283 : memref<1x128x128xf32, #tpu.memory_space<vmem>> -> memref<128x128xf32, #tpu.memory_space<vmem>>
      %dma_start3A_285 = arith.constant 0 : i32
      %dma_start3A_286 = tpu.memref_slice %arg6[%dma_start3A_279, %dma_start3A_285] : memref<16x128xi32, #tpu.memory_space<vmem>> -> memref<1x128xi32, #tpu.memory_space<vmem>>
      %dma_start3A_287 = tpu.memref_squeeze %dma_start3A_286 : memref<1x128xi32, #tpu.memory_space<vmem>> -> memref<128xi32, #tpu.memory_space<vmem>>
      %dma_start3A_288 = arith.constant 0 : i32
      %dma_start3A_289 = arith.constant 0 : i32
      %dma_start3A_290 = tpu.memref_slice %arg2[%dma_start3A_288, %dma_start3A_289] : memref<80000x128xf32, #tpu.memory_space<hbm>> -> memref<80000x128xf32, #tpu.memory_space<hbm>>
      tpu.enqueue_indirect_dma source(%dma_start3A_290 : memref<80000x128xf32, #tpu.memory_space<hbm>>) target(%dma_start3A_284 : memref<128x128xf32, #tpu.memory_space<vmem>>) offsets(%dma_start3A_287 : memref<128xi32, #tpu.memory_space<vmem>>) semaphore(%arg14 : memref<!tpu.dma_semaphore, #tpu.memory_space<semaphore_mem>>)
      %dma_wait3A_291 = arith.constant 4 : i32
      %dma_wait3A_292 = arith.constant 0 : i32
      %dma_wait3A_293 = arith.constant 0 : i32
      %dma_wait3A_294 = arith.constant 0 : i32
      %dma_wait3A_295 = tpu.memref_slice %arg8[%dma_wait3A_292, %dma_wait3A_293, %dma_wait3A_294] : memref<4x128x128xf32, #tpu.memory_space<vmem>> -> memref<1x128x128xf32, #tpu.memory_space<vmem>>
      %dma_wait3A_296 = tpu.memref_squeeze %dma_wait3A_295 : memref<1x128x128xf32, #tpu.memory_space<vmem>> -> memref<128x128xf32, #tpu.memory_space<vmem>>
      %dma_wait3A_297 = arith.constant 0 : i32
      %dma_wait3A_298 = tpu.memref_slice %arg6[%dma_wait3A_291, %dma_wait3A_297] : memref<16x128xi32, #tpu.memory_space<vmem>> -> memref<1x128xi32, #tpu.memory_space<vmem>>
      %dma_wait3A_299 = tpu.memref_squeeze %dma_wait3A_298 : memref<1x128xi32, #tpu.memory_space<vmem>> -> memref<128xi32, #tpu.memory_space<vmem>>
      %dma_wait3A_300 = arith.constant 0 : i32
      %dma_wait3A_301 = arith.constant 0 : i32
      %dma_wait3A_302 = tpu.memref_slice %arg2[%dma_wait3A_300, %dma_wait3A_301] : memref<80000x128xf32, #tpu.memory_space<hbm>> -> memref<80000x128xf32, #tpu.memory_space<hbm>>
      tpu.wait_indirect_dma semaphore(%arg11 : memref<!tpu.dma_semaphore, #tpu.memory_space<semaphore_mem>>) src(%dma_wait3A_302 : memref<80000x128xf32, #tpu.memory_space<hbm>>) dst(%dma_wait3A_296 : memref<128x128xf32, #tpu.memory_space<vmem>>)
      %dma_start3A_303 = arith.constant 0 : i32
      %dma_start3A_304 = arith.constant 4 : i32
      %dma_start3A_305 = arith.constant 0 : i32
      %dma_start3A_306 = arith.constant 0 : i32
      %dma_start3A_307 = tpu.memref_slice %arg8[%dma_start3A_303, %dma_start3A_305, %dma_start3A_306] : memref<4x128x128xf32, #tpu.memory_space<vmem>> -> memref<1x128x128xf32, #tpu.memory_space<vmem>>
      %dma_start3A_308 = tpu.memref_squeeze %dma_start3A_307 : memref<1x128x128xf32, #tpu.memory_space<vmem>> -> memref<128x128xf32, #tpu.memory_space<vmem>>
      %dma_start3A_309 = arith.constant 0 : i32
      %dma_start3A_310 = tpu.memref_slice %arg7[%dma_start3A_304, %dma_start3A_309] : memref<16x128xi32, #tpu.memory_space<vmem>> -> memref<1x128xi32, #tpu.memory_space<vmem>>
      %dma_start3A_311 = tpu.memref_squeeze %dma_start3A_310 : memref<1x128xi32, #tpu.memory_space<vmem>> -> memref<128xi32, #tpu.memory_space<vmem>>
      %dma_start3A_312 = arith.constant 0 : i32
      %dma_start3A_313 = arith.constant 0 : i32
      %dma_start3A_314 = tpu.memref_slice %arg10[%dma_start3A_312, %dma_start3A_313] : memref<5120x128xf32, #tpu.memory_space<vmem_shared>> -> memref<5120x128xf32, #tpu.memory_space<vmem_shared>>
      tpu.enqueue_indirect_dma source(%dma_start3A_308 : memref<128x128xf32, #tpu.memory_space<vmem>>) target(%dma_start3A_314 : memref<5120x128xf32, #tpu.memory_space<vmem_shared>>) offsets(%dma_start3A_311 : memref<128xi32, #tpu.memory_space<vmem>>) semaphore(%arg11 : memref<!tpu.dma_semaphore, #tpu.memory_space<semaphore_mem>>) {add = true}
      %dma_wait3A_315 = arith.constant 0 : i32
      %dma_wait3A_316 = arith.constant 4 : i32
      %dma_wait3A_317 = arith.constant 0 : i32
      %dma_wait3A_318 = arith.constant 0 : i32
      %dma_wait3A_319 = tpu.memref_slice %arg8[%dma_wait3A_315, %dma_wait3A_317, %dma_wait3A_318] : memref<4x128x128xf32, #tpu.memory_space<vmem>> -> memref<1x128x128xf32, #tpu.memory_space<vmem>>
      %dma_wait3A_320 = tpu.memref_squeeze %dma_wait3A_319 : memref<1x128x128xf32, #tpu.memory_space<vmem>> -> memref<128x128xf32, #tpu.memory_space<vmem>>
      %dma_wait3A_321 = arith.constant 0 : i32
      %dma_wait3A_322 = tpu.memref_slice %arg7[%dma_wait3A_316, %dma_wait3A_321] : memref<16x128xi32, #tpu.memory_space<vmem>> -> memref<1x128xi32, #tpu.memory_space<vmem>>
      %dma_wait3A_323 = tpu.memref_squeeze %dma_wait3A_322 : memref<1x128xi32, #tpu.memory_space<vmem>> -> memref<128xi32, #tpu.memory_space<vmem>>
      %dma_wait3A_324 = arith.constant 0 : i32
      %dma_wait3A_325 = arith.constant 0 : i32
      %dma_wait3A_326 = tpu.memref_slice %arg10[%dma_wait3A_324, %dma_wait3A_325] : memref<5120x128xf32, #tpu.memory_space<vmem_shared>> -> memref<5120x128xf32, #tpu.memory_space<vmem_shared>>
      tpu.wait_indirect_dma semaphore(%arg11 : memref<!tpu.dma_semaphore, #tpu.memory_space<semaphore_mem>>) src(%dma_wait3A_320 : memref<128x128xf32, #tpu.memory_space<vmem>>) dst(%dma_wait3A_326 : memref<5120x128xf32, #tpu.memory_space<vmem_shared>>)
      %dma_start3A_327 = arith.constant 8 : i32
      %dma_start3A_328 = arith.constant 0 : i32
      %dma_start3A_329 = arith.constant 0 : i32
      %dma_start3A_330 = arith.constant 0 : i32
      %dma_start3A_331 = tpu.memref_slice %arg8[%dma_start3A_328, %dma_start3A_329, %dma_start3A_330] : memref<4x128x128xf32, #tpu.memory_space<vmem>> -> memref<1x128x128xf32, #tpu.memory_space<vmem>>
      %dma_start3A_332 = tpu.memref_squeeze %dma_start3A_331 : memref<1x128x128xf32, #tpu.memory_space<vmem>> -> memref<128x128xf32, #tpu.memory_space<vmem>>
      %dma_start3A_333 = arith.constant 0 : i32
      %dma_start3A_334 = tpu.memref_slice %arg6[%dma_start3A_327, %dma_start3A_333] : memref<16x128xi32, #tpu.memory_space<vmem>> -> memref<1x128xi32, #tpu.memory_space<vmem>>
      %dma_start3A_335 = tpu.memref_squeeze %dma_start3A_334 : memref<1x128xi32, #tpu.memory_space<vmem>> -> memref<128xi32, #tpu.memory_space<vmem>>
      %dma_start3A_336 = arith.constant 0 : i32
      %dma_start3A_337 = arith.constant 0 : i32
      %dma_start3A_338 = tpu.memref_slice %arg2[%dma_start3A_336, %dma_start3A_337] : memref<80000x128xf32, #tpu.memory_space<hbm>> -> memref<80000x128xf32, #tpu.memory_space<hbm>>
      tpu.enqueue_indirect_dma source(%dma_start3A_338 : memref<80000x128xf32, #tpu.memory_space<hbm>>) target(%dma_start3A_332 : memref<128x128xf32, #tpu.memory_space<vmem>>) offsets(%dma_start3A_335 : memref<128xi32, #tpu.memory_space<vmem>>) semaphore(%arg11 : memref<!tpu.dma_semaphore, #tpu.memory_space<semaphore_mem>>)
      %dma_wait3A_339 = arith.constant 5 : i32
      %dma_wait3A_340 = arith.constant 1 : i32
      %dma_wait3A_341 = arith.constant 0 : i32
      %dma_wait3A_342 = arith.constant 0 : i32
      %dma_wait3A_343 = tpu.memref_slice %arg8[%dma_wait3A_340, %dma_wait3A_341, %dma_wait3A_342] : memref<4x128x128xf32, #tpu.memory_space<vmem>> -> memref<1x128x128xf32, #tpu.memory_space<vmem>>
      %dma_wait3A_344 = tpu.memref_squeeze %dma_wait3A_343 : memref<1x128x128xf32, #tpu.memory_space<vmem>> -> memref<128x128xf32, #tpu.memory_space<vmem>>
      %dma_wait3A_345 = arith.constant 0 : i32
      %dma_wait3A_346 = tpu.memref_slice %arg6[%dma_wait3A_339, %dma_wait3A_345] : memref<16x128xi32, #tpu.memory_space<vmem>> -> memref<1x128xi32, #tpu.memory_space<vmem>>
      %dma_wait3A_347 = tpu.memref_squeeze %dma_wait3A_346 : memref<1x128xi32, #tpu.memory_space<vmem>> -> memref<128xi32, #tpu.memory_space<vmem>>
      %dma_wait3A_348 = arith.constant 0 : i32
      %dma_wait3A_349 = arith.constant 0 : i32
      %dma_wait3A_350 = tpu.memref_slice %arg2[%dma_wait3A_348, %dma_wait3A_349] : memref<80000x128xf32, #tpu.memory_space<hbm>> -> memref<80000x128xf32, #tpu.memory_space<hbm>>
      tpu.wait_indirect_dma semaphore(%arg12 : memref<!tpu.dma_semaphore, #tpu.memory_space<semaphore_mem>>) src(%dma_wait3A_350 : memref<80000x128xf32, #tpu.memory_space<hbm>>) dst(%dma_wait3A_344 : memref<128x128xf32, #tpu.memory_space<vmem>>)
      %dma_start3A_351 = arith.constant 1 : i32
      %dma_start3A_352 = arith.constant 5 : i32
      %dma_start3A_353 = arith.constant 0 : i32
      %dma_start3A_354 = arith.constant 0 : i32
      %dma_start3A_355 = tpu.memref_slice %arg8[%dma_start3A_351, %dma_start3A_353, %dma_start3A_354] : memref<4x128x128xf32, #tpu.memory_space<vmem>> -> memref<1x128x128xf32, #tpu.memory_space<vmem>>
      %dma_start3A_356 = tpu.memref_squeeze %dma_start3A_355 : memref<1x128x128xf32, #tpu.memory_space<vmem>> -> memref<128x128xf32, #tpu.memory_space<vmem>>
      %dma_start3A_357 = arith.constant 0 : i32
      %dma_start3A_358 = tpu.memref_slice %arg7[%dma_start3A_352, %dma_start3A_357] : memref<16x128xi32, #tpu.memory_space<vmem>> -> memref<1x128xi32, #tpu.memory_space<vmem>>
      %dma_start3A_359 = tpu.memref_squeeze %dma_start3A_358 : memref<1x128xi32, #tpu.memory_space<vmem>> -> memref<128xi32, #tpu.memory_space<vmem>>
      %dma_start3A_360 = arith.constant 0 : i32
      %dma_start3A_361 = arith.constant 0 : i32
      %dma_start3A_362 = tpu.memref_slice %arg10[%dma_start3A_360, %dma_start3A_361] : memref<5120x128xf32, #tpu.memory_space<vmem_shared>> -> memref<5120x128xf32, #tpu.memory_space<vmem_shared>>
      tpu.enqueue_indirect_dma source(%dma_start3A_356 : memref<128x128xf32, #tpu.memory_space<vmem>>) target(%dma_start3A_362 : memref<5120x128xf32, #tpu.memory_space<vmem_shared>>) offsets(%dma_start3A_359 : memref<128xi32, #tpu.memory_space<vmem>>) semaphore(%arg12 : memref<!tpu.dma_semaphore, #tpu.memory_space<semaphore_mem>>) {add = true}
      %dma_wait3A_363 = arith.constant 1 : i32
      %dma_wait3A_364 = arith.constant 5 : i32
      %dma_wait3A_365 = arith.constant 0 : i32
      %dma_wait3A_366 = arith.constant 0 : i32
      %dma_wait3A_367 = tpu.memref_slice %arg8[%dma_wait3A_363, %dma_wait3A_365, %dma_wait3A_366] : memref<4x128x128xf32, #tpu.memory_space<vmem>> -> memref<1x128x128xf32, #tpu.memory_space<vmem>>
      %dma_wait3A_368 = tpu.memref_squeeze %dma_wait3A_367 : memref<1x128x128xf32, #tpu.memory_space<vmem>> -> memref<128x128xf32, #tpu.memory_space<vmem>>
      %dma_wait3A_369 = arith.constant 0 : i32
      %dma_wait3A_370 = tpu.memref_slice %arg7[%dma_wait3A_364, %dma_wait3A_369] : memref<16x128xi32, #tpu.memory_space<vmem>> -> memref<1x128xi32, #tpu.memory_space<vmem>>
      %dma_wait3A_371 = tpu.memref_squeeze %dma_wait3A_370 : memref<1x128xi32, #tpu.memory_space<vmem>> -> memref<128xi32, #tpu.memory_space<vmem>>
      %dma_wait3A_372 = arith.constant 0 : i32
      %dma_wait3A_373 = arith.constant 0 : i32
      %dma_wait3A_374 = tpu.memref_slice %arg10[%dma_wait3A_372, %dma_wait3A_373] : memref<5120x128xf32, #tpu.memory_space<vmem_shared>> -> memref<5120x128xf32, #tpu.memory_space<vmem_shared>>
      tpu.wait_indirect_dma semaphore(%arg12 : memref<!tpu.dma_semaphore, #tpu.memory_space<semaphore_mem>>) src(%dma_wait3A_368 : memref<128x128xf32, #tpu.memory_space<vmem>>) dst(%dma_wait3A_374 : memref<5120x128xf32, #tpu.memory_space<vmem_shared>>)
      %dma_start3A_375 = arith.constant 9 : i32
      %dma_start3A_376 = arith.constant 1 : i32
      %dma_start3A_377 = arith.constant 0 : i32
      %dma_start3A_378 = arith.constant 0 : i32
      %dma_start3A_379 = tpu.memref_slice %arg8[%dma_start3A_376, %dma_start3A_377, %dma_start3A_378] : memref<4x128x128xf32, #tpu.memory_space<vmem>> -> memref<1x128x128xf32, #tpu.memory_space<vmem>>
      %dma_start3A_380 = tpu.memref_squeeze %dma_start3A_379 : memref<1x128x128xf32, #tpu.memory_space<vmem>> -> memref<128x128xf32, #tpu.memory_space<vmem>>
      %dma_start3A_381 = arith.constant 0 : i32
      %dma_start3A_382 = tpu.memref_slice %arg6[%dma_start3A_375, %dma_start3A_381] : memref<16x128xi32, #tpu.memory_space<vmem>> -> memref<1x128xi32, #tpu.memory_space<vmem>>
      %dma_start3A_383 = tpu.memref_squeeze %dma_start3A_382 : memref<1x128xi32, #tpu.memory_space<vmem>> -> memref<128xi32, #tpu.memory_space<vmem>>
      %dma_start3A_384 = arith.constant 0 : i32
      %dma_start3A_385 = arith.constant 0 : i32
      %dma_start3A_386 = tpu.memref_slice %arg2[%dma_start3A_384, %dma_start3A_385] : memref<80000x128xf32, #tpu.memory_space<hbm>> -> memref<80000x128xf32, #tpu.memory_space<hbm>>
      tpu.enqueue_indirect_dma source(%dma_start3A_386 : memref<80000x128xf32, #tpu.memory_space<hbm>>) target(%dma_start3A_380 : memref<128x128xf32, #tpu.memory_space<vmem>>) offsets(%dma_start3A_383 : memref<128xi32, #tpu.memory_space<vmem>>) semaphore(%arg12 : memref<!tpu.dma_semaphore, #tpu.memory_space<semaphore_mem>>)
      %dma_wait3A_387 = arith.constant 6 : i32
      %dma_wait3A_388 = arith.constant 2 : i32
      %dma_wait3A_389 = arith.constant 0 : i32
      %dma_wait3A_390 = arith.constant 0 : i32
      %dma_wait3A_391 = tpu.memref_slice %arg8[%dma_wait3A_388, %dma_wait3A_389, %dma_wait3A_390] : memref<4x128x128xf32, #tpu.memory_space<vmem>> -> memref<1x128x128xf32, #tpu.memory_space<vmem>>
      %dma_wait3A_392 = tpu.memref_squeeze %dma_wait3A_391 : memref<1x128x128xf32, #tpu.memory_space<vmem>> -> memref<128x128xf32, #tpu.memory_space<vmem>>
      %dma_wait3A_393 = arith.constant 0 : i32
      %dma_wait3A_394 = tpu.memref_slice %arg6[%dma_wait3A_387, %dma_wait3A_393] : memref<16x128xi32, #tpu.memory_space<vmem>> -> memref<1x128xi32, #tpu.memory_space<vmem>>
      %dma_wait3A_395 = tpu.memref_squeeze %dma_wait3A_394 : memref<1x128xi32, #tpu.memory_space<vmem>> -> memref<128xi32, #tpu.memory_space<vmem>>
      %dma_wait3A_396 = arith.constant 0 : i32
      %dma_wait3A_397 = arith.constant 0 : i32
      %dma_wait3A_398 = tpu.memref_slice %arg2[%dma_wait3A_396, %dma_wait3A_397] : memref<80000x128xf32, #tpu.memory_space<hbm>> -> memref<80000x128xf32, #tpu.memory_space<hbm>>
      tpu.wait_indirect_dma semaphore(%arg13 : memref<!tpu.dma_semaphore, #tpu.memory_space<semaphore_mem>>) src(%dma_wait3A_398 : memref<80000x128xf32, #tpu.memory_space<hbm>>) dst(%dma_wait3A_392 : memref<128x128xf32, #tpu.memory_space<vmem>>)
      %dma_start3A_399 = arith.constant 2 : i32
      %dma_start3A_400 = arith.constant 6 : i32
      %dma_start3A_401 = arith.constant 0 : i32
      %dma_start3A_402 = arith.constant 0 : i32
      %dma_start3A_403 = tpu.memref_slice %arg8[%dma_start3A_399, %dma_start3A_401, %dma_start3A_402] : memref<4x128x128xf32, #tpu.memory_space<vmem>> -> memref<1x128x128xf32, #tpu.memory_space<vmem>>
      %dma_start3A_404 = tpu.memref_squeeze %dma_start3A_403 : memref<1x128x128xf32, #tpu.memory_space<vmem>> -> memref<128x128xf32, #tpu.memory_space<vmem>>
      %dma_start3A_405 = arith.constant 0 : i32
      %dma_start3A_406 = tpu.memref_slice %arg7[%dma_start3A_400, %dma_start3A_405] : memref<16x128xi32, #tpu.memory_space<vmem>> -> memref<1x128xi32, #tpu.memory_space<vmem>>
      %dma_start3A_407 = tpu.memref_squeeze %dma_start3A_406 : memref<1x128xi32, #tpu.memory_space<vmem>> -> memref<128xi32, #tpu.memory_space<vmem>>
      %dma_start3A_408 = arith.constant 0 : i32
      %dma_start3A_409 = arith.constant 0 : i32
      %dma_start3A_410 = tpu.memref_slice %arg10[%dma_start3A_408, %dma_start3A_409] : memref<5120x128xf32, #tpu.memory_space<vmem_shared>> -> memref<5120x128xf32, #tpu.memory_space<vmem_shared>>
      tpu.enqueue_indirect_dma source(%dma_start3A_404 : memref<128x128xf32, #tpu.memory_space<vmem>>) target(%dma_start3A_410 : memref<5120x128xf32, #tpu.memory_space<vmem_shared>>) offsets(%dma_start3A_407 : memref<128xi32, #tpu.memory_space<vmem>>) semaphore(%arg13 : memref<!tpu.dma_semaphore, #tpu.memory_space<semaphore_mem>>) {add = true}
      %dma_wait3A_411 = arith.constant 2 : i32
      %dma_wait3A_412 = arith.constant 6 : i32
      %dma_wait3A_413 = arith.constant 0 : i32
      %dma_wait3A_414 = arith.constant 0 : i32
      %dma_wait3A_415 = tpu.memref_slice %arg8[%dma_wait3A_411, %dma_wait3A_413, %dma_wait3A_414] : memref<4x128x128xf32, #tpu.memory_space<vmem>> -> memref<1x128x128xf32, #tpu.memory_space<vmem>>
      %dma_wait3A_416 = tpu.memref_squeeze %dma_wait3A_415 : memref<1x128x128xf32, #tpu.memory_space<vmem>> -> memref<128x128xf32, #tpu.memory_space<vmem>>
      %dma_wait3A_417 = arith.constant 0 : i32
      %dma_wait3A_418 = tpu.memref_slice %arg7[%dma_wait3A_412, %dma_wait3A_417] : memref<16x128xi32, #tpu.memory_space<vmem>> -> memref<1x128xi32, #tpu.memory_space<vmem>>
      %dma_wait3A_419 = tpu.memref_squeeze %dma_wait3A_418 : memref<1x128xi32, #tpu.memory_space<vmem>> -> memref<128xi32, #tpu.memory_space<vmem>>
      %dma_wait3A_420 = arith.constant 0 : i32
      %dma_wait3A_421 = arith.constant 0 : i32
      %dma_wait3A_422 = tpu.memref_slice %arg10[%dma_wait3A_420, %dma_wait3A_421] : memref<5120x128xf32, #tpu.memory_space<vmem_shared>> -> memref<5120x128xf32, #tpu.memory_space<vmem_shared>>
      tpu.wait_indirect_dma semaphore(%arg13 : memref<!tpu.dma_semaphore, #tpu.memory_space<semaphore_mem>>) src(%dma_wait3A_416 : memref<128x128xf32, #tpu.memory_space<vmem>>) dst(%dma_wait3A_422 : memref<5120x128xf32, #tpu.memory_space<vmem_shared>>)
      %dma_start3A_423 = arith.constant 10 : i32
      %dma_start3A_424 = arith.constant 2 : i32
      %dma_start3A_425 = arith.constant 0 : i32
      %dma_start3A_426 = arith.constant 0 : i32
      %dma_start3A_427 = tpu.memref_slice %arg8[%dma_start3A_424, %dma_start3A_425, %dma_start3A_426] : memref<4x128x128xf32, #tpu.memory_space<vmem>> -> memref<1x128x128xf32, #tpu.memory_space<vmem>>
      %dma_start3A_428 = tpu.memref_squeeze %dma_start3A_427 : memref<1x128x128xf32, #tpu.memory_space<vmem>> -> memref<128x128xf32, #tpu.memory_space<vmem>>
      %dma_start3A_429 = arith.constant 0 : i32
      %dma_start3A_430 = tpu.memref_slice %arg6[%dma_start3A_423, %dma_start3A_429] : memref<16x128xi32, #tpu.memory_space<vmem>> -> memref<1x128xi32, #tpu.memory_space<vmem>>
      %dma_start3A_431 = tpu.memref_squeeze %dma_start3A_430 : memref<1x128xi32, #tpu.memory_space<vmem>> -> memref<128xi32, #tpu.memory_space<vmem>>
      %dma_start3A_432 = arith.constant 0 : i32
      %dma_start3A_433 = arith.constant 0 : i32
      %dma_start3A_434 = tpu.memref_slice %arg2[%dma_start3A_432, %dma_start3A_433] : memref<80000x128xf32, #tpu.memory_space<hbm>> -> memref<80000x128xf32, #tpu.memory_space<hbm>>
      tpu.enqueue_indirect_dma source(%dma_start3A_434 : memref<80000x128xf32, #tpu.memory_space<hbm>>) target(%dma_start3A_428 : memref<128x128xf32, #tpu.memory_space<vmem>>) offsets(%dma_start3A_431 : memref<128xi32, #tpu.memory_space<vmem>>) semaphore(%arg13 : memref<!tpu.dma_semaphore, #tpu.memory_space<semaphore_mem>>)
      %dma_wait3A_435 = arith.constant 7 : i32
      %dma_wait3A_436 = arith.constant 3 : i32
      %dma_wait3A_437 = arith.constant 0 : i32
      %dma_wait3A_438 = arith.constant 0 : i32
      %dma_wait3A_439 = tpu.memref_slice %arg8[%dma_wait3A_436, %dma_wait3A_437, %dma_wait3A_438] : memref<4x128x128xf32, #tpu.memory_space<vmem>> -> memref<1x128x128xf32, #tpu.memory_space<vmem>>
      %dma_wait3A_440 = tpu.memref_squeeze %dma_wait3A_439 : memref<1x128x128xf32, #tpu.memory_space<vmem>> -> memref<128x128xf32, #tpu.memory_space<vmem>>
      %dma_wait3A_441 = arith.constant 0 : i32
      %dma_wait3A_442 = tpu.memref_slice %arg6[%dma_wait3A_435, %dma_wait3A_441] : memref<16x128xi32, #tpu.memory_space<vmem>> -> memref<1x128xi32, #tpu.memory_space<vmem>>
      %dma_wait3A_443 = tpu.memref_squeeze %dma_wait3A_442 : memref<1x128xi32, #tpu.memory_space<vmem>> -> memref<128xi32, #tpu.memory_space<vmem>>
      %dma_wait3A_444 = arith.constant 0 : i32
      %dma_wait3A_445 = arith.constant 0 : i32
      %dma_wait3A_446 = tpu.memref_slice %arg2[%dma_wait3A_444, %dma_wait3A_445] : memref<80000x128xf32, #tpu.memory_space<hbm>> -> memref<80000x128xf32, #tpu.memory_space<hbm>>
      tpu.wait_indirect_dma semaphore(%arg14 : memref<!tpu.dma_semaphore, #tpu.memory_space<semaphore_mem>>) src(%dma_wait3A_446 : memref<80000x128xf32, #tpu.memory_space<hbm>>) dst(%dma_wait3A_440 : memref<128x128xf32, #tpu.memory_space<vmem>>)
      %dma_start3A_447 = arith.constant 3 : i32
      %dma_start3A_448 = arith.constant 7 : i32
      %dma_start3A_449 = arith.constant 0 : i32
      %dma_start3A_450 = arith.constant 0 : i32
      %dma_start3A_451 = tpu.memref_slice %arg8[%dma_start3A_447, %dma_start3A_449, %dma_start3A_450] : memref<4x128x128xf32, #tpu.memory_space<vmem>> -> memref<1x128x128xf32, #tpu.memory_space<vmem>>
      %dma_start3A_452 = tpu.memref_squeeze %dma_start3A_451 : memref<1x128x128xf32, #tpu.memory_space<vmem>> -> memref<128x128xf32, #tpu.memory_space<vmem>>
      %dma_start3A_453 = arith.constant 0 : i32
      %dma_start3A_454 = tpu.memref_slice %arg7[%dma_start3A_448, %dma_start3A_453] : memref<16x128xi32, #tpu.memory_space<vmem>> -> memref<1x128xi32, #tpu.memory_space<vmem>>
      %dma_start3A_455 = tpu.memref_squeeze %dma_start3A_454 : memref<1x128xi32, #tpu.memory_space<vmem>> -> memref<128xi32, #tpu.memory_space<vmem>>
      %dma_start3A_456 = arith.constant 0 : i32
      %dma_start3A_457 = arith.constant 0 : i32
      %dma_start3A_458 = tpu.memref_slice %arg10[%dma_start3A_456, %dma_start3A_457] : memref<5120x128xf32, #tpu.memory_space<vmem_shared>> -> memref<5120x128xf32, #tpu.memory_space<vmem_shared>>
      tpu.enqueue_indirect_dma source(%dma_start3A_452 : memref<128x128xf32, #tpu.memory_space<vmem>>) target(%dma_start3A_458 : memref<5120x128xf32, #tpu.memory_space<vmem_shared>>) offsets(%dma_start3A_455 : memref<128xi32, #tpu.memory_space<vmem>>) semaphore(%arg14 : memref<!tpu.dma_semaphore, #tpu.memory_space<semaphore_mem>>) {add = true}
      %dma_wait3A_459 = arith.constant 3 : i32
      %dma_wait3A_460 = arith.constant 7 : i32
      %dma_wait3A_461 = arith.constant 0 : i32
      %dma_wait3A_462 = arith.constant 0 : i32
      %dma_wait3A_463 = tpu.memref_slice %arg8[%dma_wait3A_459, %dma_wait3A_461, %dma_wait3A_462] : memref<4x128x128xf32, #tpu.memory_space<vmem>> -> memref<1x128x128xf32, #tpu.memory_space<vmem>>
      %dma_wait3A_464 = tpu.memref_squeeze %dma_wait3A_463 : memref<1x128x128xf32, #tpu.memory_space<vmem>> -> memref<128x128xf32, #tpu.memory_space<vmem>>
      %dma_wait3A_465 = arith.constant 0 : i32
      %dma_wait3A_466 = tpu.memref_slice %arg7[%dma_wait3A_460, %dma_wait3A_465] : memref<16x128xi32, #tpu.memory_space<vmem>> -> memref<1x128xi32, #tpu.memory_space<vmem>>
      %dma_wait3A_467 = tpu.memref_squeeze %dma_wait3A_466 : memref<1x128xi32, #tpu.memory_space<vmem>> -> memref<128xi32, #tpu.memory_space<vmem>>
      %dma_wait3A_468 = arith.constant 0 : i32
      %dma_wait3A_469 = arith.constant 0 : i32
      %dma_wait3A_470 = tpu.memref_slice %arg10[%dma_wait3A_468, %dma_wait3A_469] : memref<5120x128xf32, #tpu.memory_space<vmem_shared>> -> memref<5120x128xf32, #tpu.memory_space<vmem_shared>>
      tpu.wait_indirect_dma semaphore(%arg14 : memref<!tpu.dma_semaphore, #tpu.memory_space<semaphore_mem>>) src(%dma_wait3A_464 : memref<128x128xf32, #tpu.memory_space<vmem>>) dst(%dma_wait3A_470 : memref<5120x128xf32, #tpu.memory_space<vmem_shared>>)
      %dma_start3A_471 = arith.constant 11 : i32
      %dma_start3A_472 = arith.constant 3 : i32
      %dma_start3A_473 = arith.constant 0 : i32
      %dma_start3A_474 = arith.constant 0 : i32
      %dma_start3A_475 = tpu.memref_slice %arg8[%dma_start3A_472, %dma_start3A_473, %dma_start3A_474] : memref<4x128x128xf32, #tpu.memory_space<vmem>> -> memref<1x128x128xf32, #tpu.memory_space<vmem>>
      %dma_start3A_476 = tpu.memref_squeeze %dma_start3A_475 : memref<1x128x128xf32, #tpu.memory_space<vmem>> -> memref<128x128xf32, #tpu.memory_space<vmem>>
      %dma_start3A_477 = arith.constant 0 : i32
      %dma_start3A_478 = tpu.memref_slice %arg6[%dma_start3A_471, %dma_start3A_477] : memref<16x128xi32, #tpu.memory_space<vmem>> -> memref<1x128xi32, #tpu.memory_space<vmem>>
      %dma_start3A_479 = tpu.memref_squeeze %dma_start3A_478 : memref<1x128xi32, #tpu.memory_space<vmem>> -> memref<128xi32, #tpu.memory_space<vmem>>
      %dma_start3A_480 = arith.constant 0 : i32
      %dma_start3A_481 = arith.constant 0 : i32
      %dma_start3A_482 = tpu.memref_slice %arg2[%dma_start3A_480, %dma_start3A_481] : memref<80000x128xf32, #tpu.memory_space<hbm>> -> memref<80000x128xf32, #tpu.memory_space<hbm>>
      tpu.enqueue_indirect_dma source(%dma_start3A_482 : memref<80000x128xf32, #tpu.memory_space<hbm>>) target(%dma_start3A_476 : memref<128x128xf32, #tpu.memory_space<vmem>>) offsets(%dma_start3A_479 : memref<128xi32, #tpu.memory_space<vmem>>) semaphore(%arg14 : memref<!tpu.dma_semaphore, #tpu.memory_space<semaphore_mem>>)
      %dma_wait3A_483 = arith.constant 8 : i32
      %dma_wait3A_484 = arith.constant 0 : i32
      %dma_wait3A_485 = arith.constant 0 : i32
      %dma_wait3A_486 = arith.constant 0 : i32
      %dma_wait3A_487 = tpu.memref_slice %arg8[%dma_wait3A_484, %dma_wait3A_485, %dma_wait3A_486] : memref<4x128x128xf32, #tpu.memory_space<vmem>> -> memref<1x128x128xf32, #tpu.memory_space<vmem>>
      %dma_wait3A_488 = tpu.memref_squeeze %dma_wait3A_487 : memref<1x128x128xf32, #tpu.memory_space<vmem>> -> memref<128x128xf32, #tpu.memory_space<vmem>>
      %dma_wait3A_489 = arith.constant 0 : i32
      %dma_wait3A_490 = tpu.memref_slice %arg6[%dma_wait3A_483, %dma_wait3A_489] : memref<16x128xi32, #tpu.memory_space<vmem>> -> memref<1x128xi32, #tpu.memory_space<vmem>>
      %dma_wait3A_491 = tpu.memref_squeeze %dma_wait3A_490 : memref<1x128xi32, #tpu.memory_space<vmem>> -> memref<128xi32, #tpu.memory_space<vmem>>
      %dma_wait3A_492 = arith.constant 0 : i32
      %dma_wait3A_493 = arith.constant 0 : i32
      %dma_wait3A_494 = tpu.memref_slice %arg2[%dma_wait3A_492, %dma_wait3A_493] : memref<80000x128xf32, #tpu.memory_space<hbm>> -> memref<80000x128xf32, #tpu.memory_space<hbm>>
      tpu.wait_indirect_dma semaphore(%arg11 : memref<!tpu.dma_semaphore, #tpu.memory_space<semaphore_mem>>) src(%dma_wait3A_494 : memref<80000x128xf32, #tpu.memory_space<hbm>>) dst(%dma_wait3A_488 : memref<128x128xf32, #tpu.memory_space<vmem>>)
      %dma_start3A_495 = arith.constant 0 : i32
      %dma_start3A_496 = arith.constant 8 : i32
      %dma_start3A_497 = arith.constant 0 : i32
      %dma_start3A_498 = arith.constant 0 : i32
      %dma_start3A_499 = tpu.memref_slice %arg8[%dma_start3A_495, %dma_start3A_497, %dma_start3A_498] : memref<4x128x128xf32, #tpu.memory_space<vmem>> -> memref<1x128x128xf32, #tpu.memory_space<vmem>>
      %dma_start3A_500 = tpu.memref_squeeze %dma_start3A_499 : memref<1x128x128xf32, #tpu.memory_space<vmem>> -> memref<128x128xf32, #tpu.memory_space<vmem>>
      %dma_start3A_501 = arith.constant 0 : i32
      %dma_start3A_502 = tpu.memref_slice %arg7[%dma_start3A_496, %dma_start3A_501] : memref<16x128xi32, #tpu.memory_space<vmem>> -> memref<1x128xi32, #tpu.memory_space<vmem>>
      %dma_start3A_503 = tpu.memref_squeeze %dma_start3A_502 : memref<1x128xi32, #tpu.memory_space<vmem>> -> memref<128xi32, #tpu.memory_space<vmem>>
      %dma_start3A_504 = arith.constant 0 : i32
      %dma_start3A_505 = arith.constant 0 : i32
      %dma_start3A_506 = tpu.memref_slice %arg10[%dma_start3A_504, %dma_start3A_505] : memref<5120x128xf32, #tpu.memory_space<vmem_shared>> -> memref<5120x128xf32, #tpu.memory_space<vmem_shared>>
      tpu.enqueue_indirect_dma source(%dma_start3A_500 : memref<128x128xf32, #tpu.memory_space<vmem>>) target(%dma_start3A_506 : memref<5120x128xf32, #tpu.memory_space<vmem_shared>>) offsets(%dma_start3A_503 : memref<128xi32, #tpu.memory_space<vmem>>) semaphore(%arg11 : memref<!tpu.dma_semaphore, #tpu.memory_space<semaphore_mem>>) {add = true}
      %dma_wait3A_507 = arith.constant 0 : i32
      %dma_wait3A_508 = arith.constant 8 : i32
      %dma_wait3A_509 = arith.constant 0 : i32
      %dma_wait3A_510 = arith.constant 0 : i32
      %dma_wait3A_511 = tpu.memref_slice %arg8[%dma_wait3A_507, %dma_wait3A_509, %dma_wait3A_510] : memref<4x128x128xf32, #tpu.memory_space<vmem>> -> memref<1x128x128xf32, #tpu.memory_space<vmem>>
      %dma_wait3A_512 = tpu.memref_squeeze %dma_wait3A_511 : memref<1x128x128xf32, #tpu.memory_space<vmem>> -> memref<128x128xf32, #tpu.memory_space<vmem>>
      %dma_wait3A_513 = arith.constant 0 : i32
      %dma_wait3A_514 = tpu.memref_slice %arg7[%dma_wait3A_508, %dma_wait3A_513] : memref<16x128xi32, #tpu.memory_space<vmem>> -> memref<1x128xi32, #tpu.memory_space<vmem>>
      %dma_wait3A_515 = tpu.memref_squeeze %dma_wait3A_514 : memref<1x128xi32, #tpu.memory_space<vmem>> -> memref<128xi32, #tpu.memory_space<vmem>>
      %dma_wait3A_516 = arith.constant 0 : i32
      %dma_wait3A_517 = arith.constant 0 : i32
      %dma_wait3A_518 = tpu.memref_slice %arg10[%dma_wait3A_516, %dma_wait3A_517] : memref<5120x128xf32, #tpu.memory_space<vmem_shared>> -> memref<5120x128xf32, #tpu.memory_space<vmem_shared>>
      tpu.wait_indirect_dma semaphore(%arg11 : memref<!tpu.dma_semaphore, #tpu.memory_space<semaphore_mem>>) src(%dma_wait3A_512 : memref<128x128xf32, #tpu.memory_space<vmem>>) dst(%dma_wait3A_518 : memref<5120x128xf32, #tpu.memory_space<vmem_shared>>)
      %dma_start3A_519 = arith.constant 12 : i32
      %dma_start3A_520 = arith.constant 0 : i32
      %dma_start3A_521 = arith.constant 0 : i32
      %dma_start3A_522 = arith.constant 0 : i32
      %dma_start3A_523 = tpu.memref_slice %arg8[%dma_start3A_520, %dma_start3A_521, %dma_start3A_522] : memref<4x128x128xf32, #tpu.memory_space<vmem>> -> memref<1x128x128xf32, #tpu.memory_space<vmem>>
      %dma_start3A_524 = tpu.memref_squeeze %dma_start3A_523 : memref<1x128x128xf32, #tpu.memory_space<vmem>> -> memref<128x128xf32, #tpu.memory_space<vmem>>
      %dma_start3A_525 = arith.constant 0 : i32
      %dma_start3A_526 = tpu.memref_slice %arg6[%dma_start3A_519, %dma_start3A_525] : memref<16x128xi32, #tpu.memory_space<vmem>> -> memref<1x128xi32, #tpu.memory_space<vmem>>
      %dma_start3A_527 = tpu.memref_squeeze %dma_start3A_526 : memref<1x128xi32, #tpu.memory_space<vmem>> -> memref<128xi32, #tpu.memory_space<vmem>>
      %dma_start3A_528 = arith.constant 0 : i32
      %dma_start3A_529 = arith.constant 0 : i32
      %dma_start3A_530 = tpu.memref_slice %arg2[%dma_start3A_528, %dma_start3A_529] : memref<80000x128xf32, #tpu.memory_space<hbm>> -> memref<80000x128xf32, #tpu.memory_space<hbm>>
      tpu.enqueue_indirect_dma source(%dma_start3A_530 : memref<80000x128xf32, #tpu.memory_space<hbm>>) target(%dma_start3A_524 : memref<128x128xf32, #tpu.memory_space<vmem>>) offsets(%dma_start3A_527 : memref<128xi32, #tpu.memory_space<vmem>>) semaphore(%arg11 : memref<!tpu.dma_semaphore, #tpu.memory_space<semaphore_mem>>)
      %dma_wait3A_531 = arith.constant 9 : i32
      %dma_wait3A_532 = arith.constant 1 : i32
      %dma_wait3A_533 = arith.constant 0 : i32
      %dma_wait3A_534 = arith.constant 0 : i32
      %dma_wait3A_535 = tpu.memref_slice %arg8[%dma_wait3A_532, %dma_wait3A_533, %dma_wait3A_534] : memref<4x128x128xf32, #tpu.memory_space<vmem>> -> memref<1x128x128xf32, #tpu.memory_space<vmem>>
      %dma_wait3A_536 = tpu.memref_squeeze %dma_wait3A_535 : memref<1x128x128xf32, #tpu.memory_space<vmem>> -> memref<128x128xf32, #tpu.memory_space<vmem>>
      %dma_wait3A_537 = arith.constant 0 : i32
      %dma_wait3A_538 = tpu.memref_slice %arg6[%dma_wait3A_531, %dma_wait3A_537] : memref<16x128xi32, #tpu.memory_space<vmem>> -> memref<1x128xi32, #tpu.memory_space<vmem>>
      %dma_wait3A_539 = tpu.memref_squeeze %dma_wait3A_538 : memref<1x128xi32, #tpu.memory_space<vmem>> -> memref<128xi32, #tpu.memory_space<vmem>>
      %dma_wait3A_540 = arith.constant 0 : i32
      %dma_wait3A_541 = arith.constant 0 : i32
      %dma_wait3A_542 = tpu.memref_slice %arg2[%dma_wait3A_540, %dma_wait3A_541] : memref<80000x128xf32, #tpu.memory_space<hbm>> -> memref<80000x128xf32, #tpu.memory_space<hbm>>
      tpu.wait_indirect_dma semaphore(%arg12 : memref<!tpu.dma_semaphore, #tpu.memory_space<semaphore_mem>>) src(%dma_wait3A_542 : memref<80000x128xf32, #tpu.memory_space<hbm>>) dst(%dma_wait3A_536 : memref<128x128xf32, #tpu.memory_space<vmem>>)
      %dma_start3A_543 = arith.constant 1 : i32
      %dma_start3A_544 = arith.constant 9 : i32
      %dma_start3A_545 = arith.constant 0 : i32
      %dma_start3A_546 = arith.constant 0 : i32
      %dma_start3A_547 = tpu.memref_slice %arg8[%dma_start3A_543, %dma_start3A_545, %dma_start3A_546] : memref<4x128x128xf32, #tpu.memory_space<vmem>> -> memref<1x128x128xf32, #tpu.memory_space<vmem>>
      %dma_start3A_548 = tpu.memref_squeeze %dma_start3A_547 : memref<1x128x128xf32, #tpu.memory_space<vmem>> -> memref<128x128xf32, #tpu.memory_space<vmem>>
      %dma_start3A_549 = arith.constant 0 : i32
      %dma_start3A_550 = tpu.memref_slice %arg7[%dma_start3A_544, %dma_start3A_549] : memref<16x128xi32, #tpu.memory_space<vmem>> -> memref<1x128xi32, #tpu.memory_space<vmem>>
      %dma_start3A_551 = tpu.memref_squeeze %dma_start3A_550 : memref<1x128xi32, #tpu.memory_space<vmem>> -> memref<128xi32, #tpu.memory_space<vmem>>
      %dma_start3A_552 = arith.constant 0 : i32
      %dma_start3A_553 = arith.constant 0 : i32
      %dma_start3A_554 = tpu.memref_slice %arg10[%dma_start3A_552, %dma_start3A_553] : memref<5120x128xf32, #tpu.memory_space<vmem_shared>> -> memref<5120x128xf32, #tpu.memory_space<vmem_shared>>
      tpu.enqueue_indirect_dma source(%dma_start3A_548 : memref<128x128xf32, #tpu.memory_space<vmem>>) target(%dma_start3A_554 : memref<5120x128xf32, #tpu.memory_space<vmem_shared>>) offsets(%dma_start3A_551 : memref<128xi32, #tpu.memory_space<vmem>>) semaphore(%arg12 : memref<!tpu.dma_semaphore, #tpu.memory_space<semaphore_mem>>) {add = true}
      %dma_wait3A_555 = arith.constant 1 : i32
      %dma_wait3A_556 = arith.constant 9 : i32
      %dma_wait3A_557 = arith.constant 0 : i32
      %dma_wait3A_558 = arith.constant 0 : i32
      %dma_wait3A_559 = tpu.memref_slice %arg8[%dma_wait3A_555, %dma_wait3A_557, %dma_wait3A_558] : memref<4x128x128xf32, #tpu.memory_space<vmem>> -> memref<1x128x128xf32, #tpu.memory_space<vmem>>
      %dma_wait3A_560 = tpu.memref_squeeze %dma_wait3A_559 : memref<1x128x128xf32, #tpu.memory_space<vmem>> -> memref<128x128xf32, #tpu.memory_space<vmem>>
      %dma_wait3A_561 = arith.constant 0 : i32
      %dma_wait3A_562 = tpu.memref_slice %arg7[%dma_wait3A_556, %dma_wait3A_561] : memref<16x128xi32, #tpu.memory_space<vmem>> -> memref<1x128xi32, #tpu.memory_space<vmem>>
      %dma_wait3A_563 = tpu.memref_squeeze %dma_wait3A_562 : memref<1x128xi32, #tpu.memory_space<vmem>> -> memref<128xi32, #tpu.memory_space<vmem>>
      %dma_wait3A_564 = arith.constant 0 : i32
      %dma_wait3A_565 = arith.constant 0 : i32
      %dma_wait3A_566 = tpu.memref_slice %arg10[%dma_wait3A_564, %dma_wait3A_565] : memref<5120x128xf32, #tpu.memory_space<vmem_shared>> -> memref<5120x128xf32, #tpu.memory_space<vmem_shared>>
      tpu.wait_indirect_dma semaphore(%arg12 : memref<!tpu.dma_semaphore, #tpu.memory_space<semaphore_mem>>) src(%dma_wait3A_560 : memref<128x128xf32, #tpu.memory_space<vmem>>) dst(%dma_wait3A_566 : memref<5120x128xf32, #tpu.memory_space<vmem_shared>>)
      %dma_start3A_567 = arith.constant 13 : i32
      %dma_start3A_568 = arith.constant 1 : i32
      %dma_start3A_569 = arith.constant 0 : i32
      %dma_start3A_570 = arith.constant 0 : i32
      %dma_start3A_571 = tpu.memref_slice %arg8[%dma_start3A_568, %dma_start3A_569, %dma_start3A_570] : memref<4x128x128xf32, #tpu.memory_space<vmem>> -> memref<1x128x128xf32, #tpu.memory_space<vmem>>
      %dma_start3A_572 = tpu.memref_squeeze %dma_start3A_571 : memref<1x128x128xf32, #tpu.memory_space<vmem>> -> memref<128x128xf32, #tpu.memory_space<vmem>>
      %dma_start3A_573 = arith.constant 0 : i32
      %dma_start3A_574 = tpu.memref_slice %arg6[%dma_start3A_567, %dma_start3A_573] : memref<16x128xi32, #tpu.memory_space<vmem>> -> memref<1x128xi32, #tpu.memory_space<vmem>>
      %dma_start3A_575 = tpu.memref_squeeze %dma_start3A_574 : memref<1x128xi32, #tpu.memory_space<vmem>> -> memref<128xi32, #tpu.memory_space<vmem>>
      %dma_start3A_576 = arith.constant 0 : i32
      %dma_start3A_577 = arith.constant 0 : i32
      %dma_start3A_578 = tpu.memref_slice %arg2[%dma_start3A_576, %dma_start3A_577] : memref<80000x128xf32, #tpu.memory_space<hbm>> -> memref<80000x128xf32, #tpu.memory_space<hbm>>
      tpu.enqueue_indirect_dma source(%dma_start3A_578 : memref<80000x128xf32, #tpu.memory_space<hbm>>) target(%dma_start3A_572 : memref<128x128xf32, #tpu.memory_space<vmem>>) offsets(%dma_start3A_575 : memref<128xi32, #tpu.memory_space<vmem>>) semaphore(%arg12 : memref<!tpu.dma_semaphore, #tpu.memory_space<semaphore_mem>>)
      %dma_wait3A_579 = arith.constant 10 : i32
      %dma_wait3A_580 = arith.constant 2 : i32
      %dma_wait3A_581 = arith.constant 0 : i32
      %dma_wait3A_582 = arith.constant 0 : i32
      %dma_wait3A_583 = tpu.memref_slice %arg8[%dma_wait3A_580, %dma_wait3A_581, %dma_wait3A_582] : memref<4x128x128xf32, #tpu.memory_space<vmem>> -> memref<1x128x128xf32, #tpu.memory_space<vmem>>
      %dma_wait3A_584 = tpu.memref_squeeze %dma_wait3A_583 : memref<1x128x128xf32, #tpu.memory_space<vmem>> -> memref<128x128xf32, #tpu.memory_space<vmem>>
      %dma_wait3A_585 = arith.constant 0 : i32
      %dma_wait3A_586 = tpu.memref_slice %arg6[%dma_wait3A_579, %dma_wait3A_585] : memref<16x128xi32, #tpu.memory_space<vmem>> -> memref<1x128xi32, #tpu.memory_space<vmem>>
      %dma_wait3A_587 = tpu.memref_squeeze %dma_wait3A_586 : memref<1x128xi32, #tpu.memory_space<vmem>> -> memref<128xi32, #tpu.memory_space<vmem>>
      %dma_wait3A_588 = arith.constant 0 : i32
      %dma_wait3A_589 = arith.constant 0 : i32
      %dma_wait3A_590 = tpu.memref_slice %arg2[%dma_wait3A_588, %dma_wait3A_589] : memref<80000x128xf32, #tpu.memory_space<hbm>> -> memref<80000x128xf32, #tpu.memory_space<hbm>>
      tpu.wait_indirect_dma semaphore(%arg13 : memref<!tpu.dma_semaphore, #tpu.memory_space<semaphore_mem>>) src(%dma_wait3A_590 : memref<80000x128xf32, #tpu.memory_space<hbm>>) dst(%dma_wait3A_584 : memref<128x128xf32, #tpu.memory_space<vmem>>)
      %dma_start3A_591 = arith.constant 2 : i32
      %dma_start3A_592 = arith.constant 10 : i32
      %dma_start3A_593 = arith.constant 0 : i32
      %dma_start3A_594 = arith.constant 0 : i32
      %dma_start3A_595 = tpu.memref_slice %arg8[%dma_start3A_591, %dma_start3A_593, %dma_start3A_594] : memref<4x128x128xf32, #tpu.memory_space<vmem>> -> memref<1x128x128xf32, #tpu.memory_space<vmem>>
      %dma_start3A_596 = tpu.memref_squeeze %dma_start3A_595 : memref<1x128x128xf32, #tpu.memory_space<vmem>> -> memref<128x128xf32, #tpu.memory_space<vmem>>
      %dma_start3A_597 = arith.constant 0 : i32
      %dma_start3A_598 = tpu.memref_slice %arg7[%dma_start3A_592, %dma_start3A_597] : memref<16x128xi32, #tpu.memory_space<vmem>> -> memref<1x128xi32, #tpu.memory_space<vmem>>
      %dma_start3A_599 = tpu.memref_squeeze %dma_start3A_598 : memref<1x128xi32, #tpu.memory_space<vmem>> -> memref<128xi32, #tpu.memory_space<vmem>>
      %dma_start3A_600 = arith.constant 0 : i32
      %dma_start3A_601 = arith.constant 0 : i32
      %dma_start3A_602 = tpu.memref_slice %arg10[%dma_start3A_600, %dma_start3A_601] : memref<5120x128xf32, #tpu.memory_space<vmem_shared>> -> memref<5120x128xf32, #tpu.memory_space<vmem_shared>>
      tpu.enqueue_indirect_dma source(%dma_start3A_596 : memref<128x128xf32, #tpu.memory_space<vmem>>) target(%dma_start3A_602 : memref<5120x128xf32, #tpu.memory_space<vmem_shared>>) offsets(%dma_start3A_599 : memref<128xi32, #tpu.memory_space<vmem>>) semaphore(%arg13 : memref<!tpu.dma_semaphore, #tpu.memory_space<semaphore_mem>>) {add = true}
      %dma_wait3A_603 = arith.constant 2 : i32
      %dma_wait3A_604 = arith.constant 10 : i32
      %dma_wait3A_605 = arith.constant 0 : i32
      %dma_wait3A_606 = arith.constant 0 : i32
      %dma_wait3A_607 = tpu.memref_slice %arg8[%dma_wait3A_603, %dma_wait3A_605, %dma_wait3A_606] : memref<4x128x128xf32, #tpu.memory_space<vmem>> -> memref<1x128x128xf32, #tpu.memory_space<vmem>>
      %dma_wait3A_608 = tpu.memref_squeeze %dma_wait3A_607 : memref<1x128x128xf32, #tpu.memory_space<vmem>> -> memref<128x128xf32, #tpu.memory_space<vmem>>
      %dma_wait3A_609 = arith.constant 0 : i32
      %dma_wait3A_610 = tpu.memref_slice %arg7[%dma_wait3A_604, %dma_wait3A_609] : memref<16x128xi32, #tpu.memory_space<vmem>> -> memref<1x128xi32, #tpu.memory_space<vmem>>
      %dma_wait3A_611 = tpu.memref_squeeze %dma_wait3A_610 : memref<1x128xi32, #tpu.memory_space<vmem>> -> memref<128xi32, #tpu.memory_space<vmem>>
      %dma_wait3A_612 = arith.constant 0 : i32
      %dma_wait3A_613 = arith.constant 0 : i32
      %dma_wait3A_614 = tpu.memref_slice %arg10[%dma_wait3A_612, %dma_wait3A_613] : memref<5120x128xf32, #tpu.memory_space<vmem_shared>> -> memref<5120x128xf32, #tpu.memory_space<vmem_shared>>
      tpu.wait_indirect_dma semaphore(%arg13 : memref<!tpu.dma_semaphore, #tpu.memory_space<semaphore_mem>>) src(%dma_wait3A_608 : memref<128x128xf32, #tpu.memory_space<vmem>>) dst(%dma_wait3A_614 : memref<5120x128xf32, #tpu.memory_space<vmem_shared>>)
      %dma_start3A_615 = arith.constant 14 : i32
      %dma_start3A_616 = arith.constant 2 : i32
      %dma_start3A_617 = arith.constant 0 : i32
      %dma_start3A_618 = arith.constant 0 : i32
      %dma_start3A_619 = tpu.memref_slice %arg8[%dma_start3A_616, %dma_start3A_617, %dma_start3A_618] : memref<4x128x128xf32, #tpu.memory_space<vmem>> -> memref<1x128x128xf32, #tpu.memory_space<vmem>>
      %dma_start3A_620 = tpu.memref_squeeze %dma_start3A_619 : memref<1x128x128xf32, #tpu.memory_space<vmem>> -> memref<128x128xf32, #tpu.memory_space<vmem>>
      %dma_start3A_621 = arith.constant 0 : i32
      %dma_start3A_622 = tpu.memref_slice %arg6[%dma_start3A_615, %dma_start3A_621] : memref<16x128xi32, #tpu.memory_space<vmem>> -> memref<1x128xi32, #tpu.memory_space<vmem>>
      %dma_start3A_623 = tpu.memref_squeeze %dma_start3A_622 : memref<1x128xi32, #tpu.memory_space<vmem>> -> memref<128xi32, #tpu.memory_space<vmem>>
      %dma_start3A_624 = arith.constant 0 : i32
      %dma_start3A_625 = arith.constant 0 : i32
      %dma_start3A_626 = tpu.memref_slice %arg2[%dma_start3A_624, %dma_start3A_625] : memref<80000x128xf32, #tpu.memory_space<hbm>> -> memref<80000x128xf32, #tpu.memory_space<hbm>>
      tpu.enqueue_indirect_dma source(%dma_start3A_626 : memref<80000x128xf32, #tpu.memory_space<hbm>>) target(%dma_start3A_620 : memref<128x128xf32, #tpu.memory_space<vmem>>) offsets(%dma_start3A_623 : memref<128xi32, #tpu.memory_space<vmem>>) semaphore(%arg13 : memref<!tpu.dma_semaphore, #tpu.memory_space<semaphore_mem>>)
      %dma_wait3A_627 = arith.constant 11 : i32
      %dma_wait3A_628 = arith.constant 3 : i32
      %dma_wait3A_629 = arith.constant 0 : i32
      %dma_wait3A_630 = arith.constant 0 : i32
      %dma_wait3A_631 = tpu.memref_slice %arg8[%dma_wait3A_628, %dma_wait3A_629, %dma_wait3A_630] : memref<4x128x128xf32, #tpu.memory_space<vmem>> -> memref<1x128x128xf32, #tpu.memory_space<vmem>>
      %dma_wait3A_632 = tpu.memref_squeeze %dma_wait3A_631 : memref<1x128x128xf32, #tpu.memory_space<vmem>> -> memref<128x128xf32, #tpu.memory_space<vmem>>
      %dma_wait3A_633 = arith.constant 0 : i32
      %dma_wait3A_634 = tpu.memref_slice %arg6[%dma_wait3A_627, %dma_wait3A_633] : memref<16x128xi32, #tpu.memory_space<vmem>> -> memref<1x128xi32, #tpu.memory_space<vmem>>
      %dma_wait3A_635 = tpu.memref_squeeze %dma_wait3A_634 : memref<1x128xi32, #tpu.memory_space<vmem>> -> memref<128xi32, #tpu.memory_space<vmem>>
      %dma_wait3A_636 = arith.constant 0 : i32
      %dma_wait3A_637 = arith.constant 0 : i32
      %dma_wait3A_638 = tpu.memref_slice %arg2[%dma_wait3A_636, %dma_wait3A_637] : memref<80000x128xf32, #tpu.memory_space<hbm>> -> memref<80000x128xf32, #tpu.memory_space<hbm>>
      tpu.wait_indirect_dma semaphore(%arg14 : memref<!tpu.dma_semaphore, #tpu.memory_space<semaphore_mem>>) src(%dma_wait3A_638 : memref<80000x128xf32, #tpu.memory_space<hbm>>) dst(%dma_wait3A_632 : memref<128x128xf32, #tpu.memory_space<vmem>>)
      %dma_start3A_639 = arith.constant 3 : i32
      %dma_start3A_640 = arith.constant 11 : i32
      %dma_start3A_641 = arith.constant 0 : i32
      %dma_start3A_642 = arith.constant 0 : i32
      %dma_start3A_643 = tpu.memref_slice %arg8[%dma_start3A_639, %dma_start3A_641, %dma_start3A_642] : memref<4x128x128xf32, #tpu.memory_space<vmem>> -> memref<1x128x128xf32, #tpu.memory_space<vmem>>
      %dma_start3A_644 = tpu.memref_squeeze %dma_start3A_643 : memref<1x128x128xf32, #tpu.memory_space<vmem>> -> memref<128x128xf32, #tpu.memory_space<vmem>>
      %dma_start3A_645 = arith.constant 0 : i32
      %dma_start3A_646 = tpu.memref_slice %arg7[%dma_start3A_640, %dma_start3A_645] : memref<16x128xi32, #tpu.memory_space<vmem>> -> memref<1x128xi32, #tpu.memory_space<vmem>>
      %dma_start3A_647 = tpu.memref_squeeze %dma_start3A_646 : memref<1x128xi32, #tpu.memory_space<vmem>> -> memref<128xi32, #tpu.memory_space<vmem>>
      %dma_start3A_648 = arith.constant 0 : i32
      %dma_start3A_649 = arith.constant 0 : i32
      %dma_start3A_650 = tpu.memref_slice %arg10[%dma_start3A_648, %dma_start3A_649] : memref<5120x128xf32, #tpu.memory_space<vmem_shared>> -> memref<5120x128xf32, #tpu.memory_space<vmem_shared>>
      tpu.enqueue_indirect_dma source(%dma_start3A_644 : memref<128x128xf32, #tpu.memory_space<vmem>>) target(%dma_start3A_650 : memref<5120x128xf32, #tpu.memory_space<vmem_shared>>) offsets(%dma_start3A_647 : memref<128xi32, #tpu.memory_space<vmem>>) semaphore(%arg14 : memref<!tpu.dma_semaphore, #tpu.memory_space<semaphore_mem>>) {add = true}
      %dma_wait3A_651 = arith.constant 3 : i32
      %dma_wait3A_652 = arith.constant 11 : i32
      %dma_wait3A_653 = arith.constant 0 : i32
      %dma_wait3A_654 = arith.constant 0 : i32
      %dma_wait3A_655 = tpu.memref_slice %arg8[%dma_wait3A_651, %dma_wait3A_653, %dma_wait3A_654] : memref<4x128x128xf32, #tpu.memory_space<vmem>> -> memref<1x128x128xf32, #tpu.memory_space<vmem>>
      %dma_wait3A_656 = tpu.memref_squeeze %dma_wait3A_655 : memref<1x128x128xf32, #tpu.memory_space<vmem>> -> memref<128x128xf32, #tpu.memory_space<vmem>>
      %dma_wait3A_657 = arith.constant 0 : i32
      %dma_wait3A_658 = tpu.memref_slice %arg7[%dma_wait3A_652, %dma_wait3A_657] : memref<16x128xi32, #tpu.memory_space<vmem>> -> memref<1x128xi32, #tpu.memory_space<vmem>>
      %dma_wait3A_659 = tpu.memref_squeeze %dma_wait3A_658 : memref<1x128xi32, #tpu.memory_space<vmem>> -> memref<128xi32, #tpu.memory_space<vmem>>
      %dma_wait3A_660 = arith.constant 0 : i32
      %dma_wait3A_661 = arith.constant 0 : i32
      %dma_wait3A_662 = tpu.memref_slice %arg10[%dma_wait3A_660, %dma_wait3A_661] : memref<5120x128xf32, #tpu.memory_space<vmem_shared>> -> memref<5120x128xf32, #tpu.memory_space<vmem_shared>>
      tpu.wait_indirect_dma semaphore(%arg14 : memref<!tpu.dma_semaphore, #tpu.memory_space<semaphore_mem>>) src(%dma_wait3A_656 : memref<128x128xf32, #tpu.memory_space<vmem>>) dst(%dma_wait3A_662 : memref<5120x128xf32, #tpu.memory_space<vmem_shared>>)
      %dma_start3A_663 = arith.constant 15 : i32
      %dma_start3A_664 = arith.constant 3 : i32
      %dma_start3A_665 = arith.constant 0 : i32
      %dma_start3A_666 = arith.constant 0 : i32
      %dma_start3A_667 = tpu.memref_slice %arg8[%dma_start3A_664, %dma_start3A_665, %dma_start3A_666] : memref<4x128x128xf32, #tpu.memory_space<vmem>> -> memref<1x128x128xf32, #tpu.memory_space<vmem>>
      %dma_start3A_668 = tpu.memref_squeeze %dma_start3A_667 : memref<1x128x128xf32, #tpu.memory_space<vmem>> -> memref<128x128xf32, #tpu.memory_space<vmem>>
      %dma_start3A_669 = arith.constant 0 : i32
      %dma_start3A_670 = tpu.memref_slice %arg6[%dma_start3A_663, %dma_start3A_669] : memref<16x128xi32, #tpu.memory_space<vmem>> -> memref<1x128xi32, #tpu.memory_space<vmem>>
      %dma_start3A_671 = tpu.memref_squeeze %dma_start3A_670 : memref<1x128xi32, #tpu.memory_space<vmem>> -> memref<128xi32, #tpu.memory_space<vmem>>
      %dma_start3A_672 = arith.constant 0 : i32
      %dma_start3A_673 = arith.constant 0 : i32
      %dma_start3A_674 = tpu.memref_slice %arg2[%dma_start3A_672, %dma_start3A_673] : memref<80000x128xf32, #tpu.memory_space<hbm>> -> memref<80000x128xf32, #tpu.memory_space<hbm>>
      tpu.enqueue_indirect_dma source(%dma_start3A_674 : memref<80000x128xf32, #tpu.memory_space<hbm>>) target(%dma_start3A_668 : memref<128x128xf32, #tpu.memory_space<vmem>>) offsets(%dma_start3A_671 : memref<128xi32, #tpu.memory_space<vmem>>) semaphore(%arg14 : memref<!tpu.dma_semaphore, #tpu.memory_space<semaphore_mem>>)
      %dma_wait3A_675 = arith.constant 12 : i32
      %dma_wait3A_676 = arith.constant 0 : i32
      %dma_wait3A_677 = arith.constant 0 : i32
      %dma_wait3A_678 = arith.constant 0 : i32
      %dma_wait3A_679 = tpu.memref_slice %arg8[%dma_wait3A_676, %dma_wait3A_677, %dma_wait3A_678] : memref<4x128x128xf32, #tpu.memory_space<vmem>> -> memref<1x128x128xf32, #tpu.memory_space<vmem>>
      %dma_wait3A_680 = tpu.memref_squeeze %dma_wait3A_679 : memref<1x128x128xf32, #tpu.memory_space<vmem>> -> memref<128x128xf32, #tpu.memory_space<vmem>>
      %dma_wait3A_681 = arith.constant 0 : i32
      %dma_wait3A_682 = tpu.memref_slice %arg6[%dma_wait3A_675, %dma_wait3A_681] : memref<16x128xi32, #tpu.memory_space<vmem>> -> memref<1x128xi32, #tpu.memory_space<vmem>>
      %dma_wait3A_683 = tpu.memref_squeeze %dma_wait3A_682 : memref<1x128xi32, #tpu.memory_space<vmem>> -> memref<128xi32, #tpu.memory_space<vmem>>
      %dma_wait3A_684 = arith.constant 0 : i32
      %dma_wait3A_685 = arith.constant 0 : i32
      %dma_wait3A_686 = tpu.memref_slice %arg2[%dma_wait3A_684, %dma_wait3A_685] : memref<80000x128xf32, #tpu.memory_space<hbm>> -> memref<80000x128xf32, #tpu.memory_space<hbm>>
      tpu.wait_indirect_dma semaphore(%arg11 : memref<!tpu.dma_semaphore, #tpu.memory_space<semaphore_mem>>) src(%dma_wait3A_686 : memref<80000x128xf32, #tpu.memory_space<hbm>>) dst(%dma_wait3A_680 : memref<128x128xf32, #tpu.memory_space<vmem>>)
      %dma_start3A_687 = arith.constant 0 : i32
      %dma_start3A_688 = arith.constant 12 : i32
      %dma_start3A_689 = arith.constant 0 : i32
      %dma_start3A_690 = arith.constant 0 : i32
      %dma_start3A_691 = tpu.memref_slice %arg8[%dma_start3A_687, %dma_start3A_689, %dma_start3A_690] : memref<4x128x128xf32, #tpu.memory_space<vmem>> -> memref<1x128x128xf32, #tpu.memory_space<vmem>>
      %dma_start3A_692 = tpu.memref_squeeze %dma_start3A_691 : memref<1x128x128xf32, #tpu.memory_space<vmem>> -> memref<128x128xf32, #tpu.memory_space<vmem>>
      %dma_start3A_693 = arith.constant 0 : i32
      %dma_start3A_694 = tpu.memref_slice %arg7[%dma_start3A_688, %dma_start3A_693] : memref<16x128xi32, #tpu.memory_space<vmem>> -> memref<1x128xi32, #tpu.memory_space<vmem>>
      %dma_start3A_695 = tpu.memref_squeeze %dma_start3A_694 : memref<1x128xi32, #tpu.memory_space<vmem>> -> memref<128xi32, #tpu.memory_space<vmem>>
      %dma_start3A_696 = arith.constant 0 : i32
      %dma_start3A_697 = arith.constant 0 : i32
      %dma_start3A_698 = tpu.memref_slice %arg10[%dma_start3A_696, %dma_start3A_697] : memref<5120x128xf32, #tpu.memory_space<vmem_shared>> -> memref<5120x128xf32, #tpu.memory_space<vmem_shared>>
      tpu.enqueue_indirect_dma source(%dma_start3A_692 : memref<128x128xf32, #tpu.memory_space<vmem>>) target(%dma_start3A_698 : memref<5120x128xf32, #tpu.memory_space<vmem_shared>>) offsets(%dma_start3A_695 : memref<128xi32, #tpu.memory_space<vmem>>) semaphore(%arg11 : memref<!tpu.dma_semaphore, #tpu.memory_space<semaphore_mem>>) {add = true}
      %dma_wait3A_699 = arith.constant 0 : i32
      %dma_wait3A_700 = arith.constant 12 : i32
      %dma_wait3A_701 = arith.constant 0 : i32
      %dma_wait3A_702 = arith.constant 0 : i32
      %dma_wait3A_703 = tpu.memref_slice %arg8[%dma_wait3A_699, %dma_wait3A_701, %dma_wait3A_702] : memref<4x128x128xf32, #tpu.memory_space<vmem>> -> memref<1x128x128xf32, #tpu.memory_space<vmem>>
      %dma_wait3A_704 = tpu.memref_squeeze %dma_wait3A_703 : memref<1x128x128xf32, #tpu.memory_space<vmem>> -> memref<128x128xf32, #tpu.memory_space<vmem>>
      %dma_wait3A_705 = arith.constant 0 : i32
      %dma_wait3A_706 = tpu.memref_slice %arg7[%dma_wait3A_700, %dma_wait3A_705] : memref<16x128xi32, #tpu.memory_space<vmem>> -> memref<1x128xi32, #tpu.memory_space<vmem>>
      %dma_wait3A_707 = tpu.memref_squeeze %dma_wait3A_706 : memref<1x128xi32, #tpu.memory_space<vmem>> -> memref<128xi32, #tpu.memory_space<vmem>>
      %dma_wait3A_708 = arith.constant 0 : i32
      %dma_wait3A_709 = arith.constant 0 : i32
      %dma_wait3A_710 = tpu.memref_slice %arg10[%dma_wait3A_708, %dma_wait3A_709] : memref<5120x128xf32, #tpu.memory_space<vmem_shared>> -> memref<5120x128xf32, #tpu.memory_space<vmem_shared>>
      tpu.wait_indirect_dma semaphore(%arg11 : memref<!tpu.dma_semaphore, #tpu.memory_space<semaphore_mem>>) src(%dma_wait3A_704 : memref<128x128xf32, #tpu.memory_space<vmem>>) dst(%dma_wait3A_710 : memref<5120x128xf32, #tpu.memory_space<vmem_shared>>)
      %dma_wait3A_711 = arith.constant 13 : i32
      %dma_wait3A_712 = arith.constant 1 : i32
      %dma_wait3A_713 = arith.constant 0 : i32
      %dma_wait3A_714 = arith.constant 0 : i32
      %dma_wait3A_715 = tpu.memref_slice %arg8[%dma_wait3A_712, %dma_wait3A_713, %dma_wait3A_714] : memref<4x128x128xf32, #tpu.memory_space<vmem>> -> memref<1x128x128xf32, #tpu.memory_space<vmem>>
      %dma_wait3A_716 = tpu.memref_squeeze %dma_wait3A_715 : memref<1x128x128xf32, #tpu.memory_space<vmem>> -> memref<128x128xf32, #tpu.memory_space<vmem>>
      %dma_wait3A_717 = arith.constant 0 : i32
      %dma_wait3A_718 = tpu.memref_slice %arg6[%dma_wait3A_711, %dma_wait3A_717] : memref<16x128xi32, #tpu.memory_space<vmem>> -> memref<1x128xi32, #tpu.memory_space<vmem>>
      %dma_wait3A_719 = tpu.memref_squeeze %dma_wait3A_718 : memref<1x128xi32, #tpu.memory_space<vmem>> -> memref<128xi32, #tpu.memory_space<vmem>>
      %dma_wait3A_720 = arith.constant 0 : i32
      %dma_wait3A_721 = arith.constant 0 : i32
      %dma_wait3A_722 = tpu.memref_slice %arg2[%dma_wait3A_720, %dma_wait3A_721] : memref<80000x128xf32, #tpu.memory_space<hbm>> -> memref<80000x128xf32, #tpu.memory_space<hbm>>
      tpu.wait_indirect_dma semaphore(%arg12 : memref<!tpu.dma_semaphore, #tpu.memory_space<semaphore_mem>>) src(%dma_wait3A_722 : memref<80000x128xf32, #tpu.memory_space<hbm>>) dst(%dma_wait3A_716 : memref<128x128xf32, #tpu.memory_space<vmem>>)
      %dma_start3A_723 = arith.constant 1 : i32
      %dma_start3A_724 = arith.constant 13 : i32
      %dma_start3A_725 = arith.constant 0 : i32
      %dma_start3A_726 = arith.constant 0 : i32
      %dma_start3A_727 = tpu.memref_slice %arg8[%dma_start3A_723, %dma_start3A_725, %dma_start3A_726] : memref<4x128x128xf32, #tpu.memory_space<vmem>> -> memref<1x128x128xf32, #tpu.memory_space<vmem>>
      %dma_start3A_728 = tpu.memref_squeeze %dma_start3A_727 : memref<1x128x128xf32, #tpu.memory_space<vmem>> -> memref<128x128xf32, #tpu.memory_space<vmem>>
      %dma_start3A_729 = arith.constant 0 : i32
      %dma_start3A_730 = tpu.memref_slice %arg7[%dma_start3A_724, %dma_start3A_729] : memref<16x128xi32, #tpu.memory_space<vmem>> -> memref<1x128xi32, #tpu.memory_space<vmem>>
      %dma_start3A_731 = tpu.memref_squeeze %dma_start3A_730 : memref<1x128xi32, #tpu.memory_space<vmem>> -> memref<128xi32, #tpu.memory_space<vmem>>
      %dma_start3A_732 = arith.constant 0 : i32
      %dma_start3A_733 = arith.constant 0 : i32
      %dma_start3A_734 = tpu.memref_slice %arg10[%dma_start3A_732, %dma_start3A_733] : memref<5120x128xf32, #tpu.memory_space<vmem_shared>> -> memref<5120x128xf32, #tpu.memory_space<vmem_shared>>
      tpu.enqueue_indirect_dma source(%dma_start3A_728 : memref<128x128xf32, #tpu.memory_space<vmem>>) target(%dma_start3A_734 : memref<5120x128xf32, #tpu.memory_space<vmem_shared>>) offsets(%dma_start3A_731 : memref<128xi32, #tpu.memory_space<vmem>>) semaphore(%arg12 : memref<!tpu.dma_semaphore, #tpu.memory_space<semaphore_mem>>) {add = true}
      %dma_wait3A_735 = arith.constant 1 : i32
      %dma_wait3A_736 = arith.constant 13 : i32
      %dma_wait3A_737 = arith.constant 0 : i32
      %dma_wait3A_738 = arith.constant 0 : i32
      %dma_wait3A_739 = tpu.memref_slice %arg8[%dma_wait3A_735, %dma_wait3A_737, %dma_wait3A_738] : memref<4x128x128xf32, #tpu.memory_space<vmem>> -> memref<1x128x128xf32, #tpu.memory_space<vmem>>
      %dma_wait3A_740 = tpu.memref_squeeze %dma_wait3A_739 : memref<1x128x128xf32, #tpu.memory_space<vmem>> -> memref<128x128xf32, #tpu.memory_space<vmem>>
      %dma_wait3A_741 = arith.constant 0 : i32
      %dma_wait3A_742 = tpu.memref_slice %arg7[%dma_wait3A_736, %dma_wait3A_741] : memref<16x128xi32, #tpu.memory_space<vmem>> -> memref<1x128xi32, #tpu.memory_space<vmem>>
      %dma_wait3A_743 = tpu.memref_squeeze %dma_wait3A_742 : memref<1x128xi32, #tpu.memory_space<vmem>> -> memref<128xi32, #tpu.memory_space<vmem>>
      %dma_wait3A_744 = arith.constant 0 : i32
      %dma_wait3A_745 = arith.constant 0 : i32
      %dma_wait3A_746 = tpu.memref_slice %arg10[%dma_wait3A_744, %dma_wait3A_745] : memref<5120x128xf32, #tpu.memory_space<vmem_shared>> -> memref<5120x128xf32, #tpu.memory_space<vmem_shared>>
      tpu.wait_indirect_dma semaphore(%arg12 : memref<!tpu.dma_semaphore, #tpu.memory_space<semaphore_mem>>) src(%dma_wait3A_740 : memref<128x128xf32, #tpu.memory_space<vmem>>) dst(%dma_wait3A_746 : memref<5120x128xf32, #tpu.memory_space<vmem_shared>>)
      %dma_wait3A_747 = arith.constant 14 : i32
      %dma_wait3A_748 = arith.constant 2 : i32
      %dma_wait3A_749 = arith.constant 0 : i32
      %dma_wait3A_750 = arith.constant 0 : i32
      %dma_wait3A_751 = tpu.memref_slice %arg8[%dma_wait3A_748, %dma_wait3A_749, %dma_wait3A_750] : memref<4x128x128xf32, #tpu.memory_space<vmem>> -> memref<1x128x128xf32, #tpu.memory_space<vmem>>
      %dma_wait3A_752 = tpu.memref_squeeze %dma_wait3A_751 : memref<1x128x128xf32, #tpu.memory_space<vmem>> -> memref<128x128xf32, #tpu.memory_space<vmem>>
      %dma_wait3A_753 = arith.constant 0 : i32
      %dma_wait3A_754 = tpu.memref_slice %arg6[%dma_wait3A_747, %dma_wait3A_753] : memref<16x128xi32, #tpu.memory_space<vmem>> -> memref<1x128xi32, #tpu.memory_space<vmem>>
      %dma_wait3A_755 = tpu.memref_squeeze %dma_wait3A_754 : memref<1x128xi32, #tpu.memory_space<vmem>> -> memref<128xi32, #tpu.memory_space<vmem>>
      %dma_wait3A_756 = arith.constant 0 : i32
      %dma_wait3A_757 = arith.constant 0 : i32
      %dma_wait3A_758 = tpu.memref_slice %arg2[%dma_wait3A_756, %dma_wait3A_757] : memref<80000x128xf32, #tpu.memory_space<hbm>> -> memref<80000x128xf32, #tpu.memory_space<hbm>>
      tpu.wait_indirect_dma semaphore(%arg13 : memref<!tpu.dma_semaphore, #tpu.memory_space<semaphore_mem>>) src(%dma_wait3A_758 : memref<80000x128xf32, #tpu.memory_space<hbm>>) dst(%dma_wait3A_752 : memref<128x128xf32, #tpu.memory_space<vmem>>)
      %dma_start3A_759 = arith.constant 2 : i32
      %dma_start3A_760 = arith.constant 14 : i32
      %dma_start3A_761 = arith.constant 0 : i32
      %dma_start3A_762 = arith.constant 0 : i32
      %dma_start3A_763 = tpu.memref_slice %arg8[%dma_start3A_759, %dma_start3A_761, %dma_start3A_762] : memref<4x128x128xf32, #tpu.memory_space<vmem>> -> memref<1x128x128xf32, #tpu.memory_space<vmem>>
      %dma_start3A_764 = tpu.memref_squeeze %dma_start3A_763 : memref<1x128x128xf32, #tpu.memory_space<vmem>> -> memref<128x128xf32, #tpu.memory_space<vmem>>
      %dma_start3A_765 = arith.constant 0 : i32
      %dma_start3A_766 = tpu.memref_slice %arg7[%dma_start3A_760, %dma_start3A_765] : memref<16x128xi32, #tpu.memory_space<vmem>> -> memref<1x128xi32, #tpu.memory_space<vmem>>
      %dma_start3A_767 = tpu.memref_squeeze %dma_start3A_766 : memref<1x128xi32, #tpu.memory_space<vmem>> -> memref<128xi32, #tpu.memory_space<vmem>>
      %dma_start3A_768 = arith.constant 0 : i32
      %dma_start3A_769 = arith.constant 0 : i32
      %dma_start3A_770 = tpu.memref_slice %arg10[%dma_start3A_768, %dma_start3A_769] : memref<5120x128xf32, #tpu.memory_space<vmem_shared>> -> memref<5120x128xf32, #tpu.memory_space<vmem_shared>>
      tpu.enqueue_indirect_dma source(%dma_start3A_764 : memref<128x128xf32, #tpu.memory_space<vmem>>) target(%dma_start3A_770 : memref<5120x128xf32, #tpu.memory_space<vmem_shared>>) offsets(%dma_start3A_767 : memref<128xi32, #tpu.memory_space<vmem>>) semaphore(%arg13 : memref<!tpu.dma_semaphore, #tpu.memory_space<semaphore_mem>>) {add = true}
      %dma_wait3A_771 = arith.constant 2 : i32
      %dma_wait3A_772 = arith.constant 14 : i32
      %dma_wait3A_773 = arith.constant 0 : i32
      %dma_wait3A_774 = arith.constant 0 : i32
      %dma_wait3A_775 = tpu.memref_slice %arg8[%dma_wait3A_771, %dma_wait3A_773, %dma_wait3A_774] : memref<4x128x128xf32, #tpu.memory_space<vmem>> -> memref<1x128x128xf32, #tpu.memory_space<vmem>>
      %dma_wait3A_776 = tpu.memref_squeeze %dma_wait3A_775 : memref<1x128x128xf32, #tpu.memory_space<vmem>> -> memref<128x128xf32, #tpu.memory_space<vmem>>
      %dma_wait3A_777 = arith.constant 0 : i32
      %dma_wait3A_778 = tpu.memref_slice %arg7[%dma_wait3A_772, %dma_wait3A_777] : memref<16x128xi32, #tpu.memory_space<vmem>> -> memref<1x128xi32, #tpu.memory_space<vmem>>
      %dma_wait3A_779 = tpu.memref_squeeze %dma_wait3A_778 : memref<1x128xi32, #tpu.memory_space<vmem>> -> memref<128xi32, #tpu.memory_space<vmem>>
      %dma_wait3A_780 = arith.constant 0 : i32
      %dma_wait3A_781 = arith.constant 0 : i32
      %dma_wait3A_782 = tpu.memref_slice %arg10[%dma_wait3A_780, %dma_wait3A_781] : memref<5120x128xf32, #tpu.memory_space<vmem_shared>> -> memref<5120x128xf32, #tpu.memory_space<vmem_shared>>
      tpu.wait_indirect_dma semaphore(%arg13 : memref<!tpu.dma_semaphore, #tpu.memory_space<semaphore_mem>>) src(%dma_wait3A_776 : memref<128x128xf32, #tpu.memory_space<vmem>>) dst(%dma_wait3A_782 : memref<5120x128xf32, #tpu.memory_space<vmem_shared>>)
      %dma_wait3A_783 = arith.constant 15 : i32
      %dma_wait3A_784 = arith.constant 3 : i32
      %dma_wait3A_785 = arith.constant 0 : i32
      %dma_wait3A_786 = arith.constant 0 : i32
      %dma_wait3A_787 = tpu.memref_slice %arg8[%dma_wait3A_784, %dma_wait3A_785, %dma_wait3A_786] : memref<4x128x128xf32, #tpu.memory_space<vmem>> -> memref<1x128x128xf32, #tpu.memory_space<vmem>>
      %dma_wait3A_788 = tpu.memref_squeeze %dma_wait3A_787 : memref<1x128x128xf32, #tpu.memory_space<vmem>> -> memref<128x128xf32, #tpu.memory_space<vmem>>
      %dma_wait3A_789 = arith.constant 0 : i32
      %dma_wait3A_790 = tpu.memref_slice %arg6[%dma_wait3A_783, %dma_wait3A_789] : memref<16x128xi32, #tpu.memory_space<vmem>> -> memref<1x128xi32, #tpu.memory_space<vmem>>
      %dma_wait3A_791 = tpu.memref_squeeze %dma_wait3A_790 : memref<1x128xi32, #tpu.memory_space<vmem>> -> memref<128xi32, #tpu.memory_space<vmem>>
      %dma_wait3A_792 = arith.constant 0 : i32
      %dma_wait3A_793 = arith.constant 0 : i32
      %dma_wait3A_794 = tpu.memref_slice %arg2[%dma_wait3A_792, %dma_wait3A_793] : memref<80000x128xf32, #tpu.memory_space<hbm>> -> memref<80000x128xf32, #tpu.memory_space<hbm>>
      tpu.wait_indirect_dma semaphore(%arg14 : memref<!tpu.dma_semaphore, #tpu.memory_space<semaphore_mem>>) src(%dma_wait3A_794 : memref<80000x128xf32, #tpu.memory_space<hbm>>) dst(%dma_wait3A_788 : memref<128x128xf32, #tpu.memory_space<vmem>>)
      %dma_start3A_795 = arith.constant 3 : i32
      %dma_start3A_796 = arith.constant 15 : i32
      %dma_start3A_797 = arith.constant 0 : i32
      %dma_start3A_798 = arith.constant 0 : i32
      %dma_start3A_799 = tpu.memref_slice %arg8[%dma_start3A_795, %dma_start3A_797, %dma_start3A_798] : memref<4x128x128xf32, #tpu.memory_space<vmem>> -> memref<1x128x128xf32, #tpu.memory_space<vmem>>
      %dma_start3A_800 = tpu.memref_squeeze %dma_start3A_799 : memref<1x128x128xf32, #tpu.memory_space<vmem>> -> memref<128x128xf32, #tpu.memory_space<vmem>>
      %dma_start3A_801 = arith.constant 0 : i32
      %dma_start3A_802 = tpu.memref_slice %arg7[%dma_start3A_796, %dma_start3A_801] : memref<16x128xi32, #tpu.memory_space<vmem>> -> memref<1x128xi32, #tpu.memory_space<vmem>>
      %dma_start3A_803 = tpu.memref_squeeze %dma_start3A_802 : memref<1x128xi32, #tpu.memory_space<vmem>> -> memref<128xi32, #tpu.memory_space<vmem>>
      %dma_start3A_804 = arith.constant 0 : i32
      %dma_start3A_805 = arith.constant 0 : i32
      %dma_start3A_806 = tpu.memref_slice %arg10[%dma_start3A_804, %dma_start3A_805] : memref<5120x128xf32, #tpu.memory_space<vmem_shared>> -> memref<5120x128xf32, #tpu.memory_space<vmem_shared>>
      tpu.enqueue_indirect_dma source(%dma_start3A_800 : memref<128x128xf32, #tpu.memory_space<vmem>>) target(%dma_start3A_806 : memref<5120x128xf32, #tpu.memory_space<vmem_shared>>) offsets(%dma_start3A_803 : memref<128xi32, #tpu.memory_space<vmem>>) semaphore(%arg14 : memref<!tpu.dma_semaphore, #tpu.memory_space<semaphore_mem>>) {add = true}
      %dma_wait3A_807 = arith.constant 3 : i32
      %dma_wait3A_808 = arith.constant 15 : i32
      %dma_wait3A_809 = arith.constant 0 : i32
      %dma_wait3A_810 = arith.constant 0 : i32
      %dma_wait3A_811 = tpu.memref_slice %arg8[%dma_wait3A_807, %dma_wait3A_809, %dma_wait3A_810] : memref<4x128x128xf32, #tpu.memory_space<vmem>> -> memref<1x128x128xf32, #tpu.memory_space<vmem>>
      %dma_wait3A_812 = tpu.memref_squeeze %dma_wait3A_811 : memref<1x128x128xf32, #tpu.memory_space<vmem>> -> memref<128x128xf32, #tpu.memory_space<vmem>>
      %dma_wait3A_813 = arith.constant 0 : i32
      %dma_wait3A_814 = tpu.memref_slice %arg7[%dma_wait3A_808, %dma_wait3A_813] : memref<16x128xi32, #tpu.memory_space<vmem>> -> memref<1x128xi32, #tpu.memory_space<vmem>>
      %dma_wait3A_815 = tpu.memref_squeeze %dma_wait3A_814 : memref<1x128xi32, #tpu.memory_space<vmem>> -> memref<128xi32, #tpu.memory_space<vmem>>
      %dma_wait3A_816 = arith.constant 0 : i32
      %dma_wait3A_817 = arith.constant 0 : i32
      %dma_wait3A_818 = tpu.memref_slice %arg10[%dma_wait3A_816, %dma_wait3A_817] : memref<5120x128xf32, #tpu.memory_space<vmem_shared>> -> memref<5120x128xf32, #tpu.memory_space<vmem_shared>>
      tpu.wait_indirect_dma semaphore(%arg14 : memref<!tpu.dma_semaphore, #tpu.memory_space<semaphore_mem>>) src(%dma_wait3A_812 : memref<128x128xf32, #tpu.memory_space<vmem>>) dst(%dma_wait3A_818 : memref<5120x128xf32, #tpu.memory_space<vmem_shared>>)
      %barrier3A_819 = arith.constant 0 : index
      tpu.barrier barrier_id(%barrier3A_819)
      %scan3A_820 = arith.constant 0 : i32
      %scan3A_821 = arith.constant 0 : i32
      %scan3A_822 = arith.constant 16 : i32
      %scan3A_823 = arith.addi %scan3A_821, %scan3A_822 : i32
      %scan3A_824 = arith.constant 1 : i32
      %scan3A_825 = scf.for %scan3A_855 = %scan3A_821 to %scan3A_823 step %scan3A_824 iter_args(%scan3A_856 = %scan3A_820) -> (i32)  : i32 {
        %get3A = arith.index_cast %scan3A_855 : i32 to index
        %get3A_857 = arith.constant 0 : index
        %get3A_858 = tpu.vector_load %arg6[%get3A, %get3A_857] {strides = array<i32>} : memref<16x128xi32, #tpu.memory_space<vmem>>, vector<1x16xi32>,
        %get3A_859 = vector.shape_cast %get3A_858 : vector<1x16xi32> to vector<16xi32>
        %add3A_860 = arith.constant 5000 : i32
        %add3A_861 = vector.broadcast %add3A_860 : i32 to vector<16xi32>
        %add3A_862 = arith.addi %get3A_859, %add3A_861 : vector<16xi32>
        %swap3A = arith.index_cast %scan3A_855 : i32 to index
        %swap3A_863 = arith.constant 0 : index
        %swap3A_864 = tpu.vector_load %arg6[%swap3A, %swap3A_863] {strides = array<i32>} : memref<16x128xi32, #tpu.memory_space<vmem>>, vector<1x16xi32>,
        %swap3A_865 = vector.shape_cast %swap3A_864 : vector<1x16xi32> to vector<16xi32>
        %swap3A_866 = vector.shape_cast %add3A_862 : vector<16xi32> to vector<1x16xi32>
        tpu.vector_store %arg6[%swap3A, %swap3A_863], %swap3A_866 {strides = array<i32>} : memref<16x128xi32, #tpu.memory_space<vmem>>, vector<1x16xi32>,
        %get3A_867 = arith.index_cast %scan3A_855 : i32 to index
        %get3A_868 = arith.constant 16 : index
        %get3A_869 = tpu.vector_load %arg6[%get3A_867, %get3A_868] {strides = array<i32>} : memref<16x128xi32, #tpu.memory_space<vmem>>, vector<1x16xi32>,
        %get3A_870 = vector.shape_cast %get3A_869 : vector<1x16xi32> to vector<16xi32>
        %add3A_871 = arith.constant 5000 : i32
        %add3A_872 = vector.broadcast %add3A_871 : i32 to vector<16xi32>
        %add3A_873 = arith.addi %get3A_870, %add3A_872 : vector<16xi32>
        %swap3A_874 = arith.index_cast %scan3A_855 : i32 to index
        %swap3A_875 = arith.constant 16 : index
        %swap3A_876 = tpu.vector_load %arg6[%swap3A_874, %swap3A_875] {strides = array<i32>} : memref<16x128xi32, #tpu.memory_space<vmem>>, vector<1x16xi32>,
        %swap3A_877 = vector.shape_cast %swap3A_876 : vector<1x16xi32> to vector<16xi32>
        %swap3A_878 = vector.shape_cast %add3A_873 : vector<16xi32> to vector<1x16xi32>
        tpu.vector_store %arg6[%swap3A_874, %swap3A_875], %swap3A_878 {strides = array<i32>} : memref<16x128xi32, #tpu.memory_space<vmem>>, vector<1x16xi32>,
        %get3A_879 = arith.index_cast %scan3A_855 : i32 to index
        %get3A_880 = arith.constant 32 : index
        %get3A_881 = tpu.vector_load %arg6[%get3A_879, %get3A_880] {strides = array<i32>} : memref<16x128xi32, #tpu.memory_space<vmem>>, vector<1x16xi32>,
        %get3A_882 = vector.shape_cast %get3A_881 : vector<1x16xi32> to vector<16xi32>
        %add3A_883 = arith.constant 5000 : i32
        %add3A_884 = vector.broadcast %add3A_883 : i32 to vector<16xi32>
        %add3A_885 = arith.addi %get3A_882, %add3A_884 : vector<16xi32>
        %swap3A_886 = arith.index_cast %scan3A_855 : i32 to index
        %swap3A_887 = arith.constant 32 : index
        %swap3A_888 = tpu.vector_load %arg6[%swap3A_886, %swap3A_887] {strides = array<i32>} : memref<16x128xi32, #tpu.memory_space<vmem>>, vector<1x16xi32>,
        %swap3A_889 = vector.shape_cast %swap3A_888 : vector<1x16xi32> to vector<16xi32>
        %swap3A_890 = vector.shape_cast %add3A_885 : vector<16xi32> to vector<1x16xi32>
        tpu.vector_store %arg6[%swap3A_886, %swap3A_887], %swap3A_890 {strides = array<i32>} : memref<16x128xi32, #tpu.memory_space<vmem>>, vector<1x16xi32>,
        %get3A_891 = arith.index_cast %scan3A_855 : i32 to index
        %get3A_892 = arith.constant 48 : index
        %get3A_893 = tpu.vector_load %arg6[%get3A_891, %get3A_892] {strides = array<i32>} : memref<16x128xi32, #tpu.memory_space<vmem>>, vector<1x16xi32>,
        %get3A_894 = vector.shape_cast %get3A_893 : vector<1x16xi32> to vector<16xi32>
        %add3A_895 = arith.constant 5000 : i32
        %add3A_896 = vector.broadcast %add3A_895 : i32 to vector<16xi32>
        %add3A_897 = arith.addi %get3A_894, %add3A_896 : vector<16xi32>
        %swap3A_898 = arith.index_cast %scan3A_855 : i32 to index
        %swap3A_899 = arith.constant 48 : index
        %swap3A_900 = tpu.vector_load %arg6[%swap3A_898, %swap3A_899] {strides = array<i32>} : memref<16x128xi32, #tpu.memory_space<vmem>>, vector<1x16xi32>,
        %swap3A_901 = vector.shape_cast %swap3A_900 : vector<1x16xi32> to vector<16xi32>
        %swap3A_902 = vector.shape_cast %add3A_897 : vector<16xi32> to vector<1x16xi32>
        tpu.vector_store %arg6[%swap3A_898, %swap3A_899], %swap3A_902 {strides = array<i32>} : memref<16x128xi32, #tpu.memory_space<vmem>>, vector<1x16xi32>,
        %get3A_903 = arith.index_cast %scan3A_855 : i32 to index
        %get3A_904 = arith.constant 64 : index
        %get3A_905 = tpu.vector_load %arg6[%get3A_903, %get3A_904] {strides = array<i32>} : memref<16x128xi32, #tpu.memory_space<vmem>>, vector<1x16xi32>,
        %get3A_906 = vector.shape_cast %get3A_905 : vector<1x16xi32> to vector<16xi32>
        %add3A_907 = arith.constant 5000 : i32
        %add3A_908 = vector.broadcast %add3A_907 : i32 to vector<16xi32>
        %add3A_909 = arith.addi %get3A_906, %add3A_908 : vector<16xi32>
        %swap3A_910 = arith.index_cast %scan3A_855 : i32 to index
        %swap3A_911 = arith.constant 64 : index
        %swap3A_912 = tpu.vector_load %arg6[%swap3A_910, %swap3A_911] {strides = array<i32>} : memref<16x128xi32, #tpu.memory_space<vmem>>, vector<1x16xi32>,
        %swap3A_913 = vector.shape_cast %swap3A_912 : vector<1x16xi32> to vector<16xi32>
        %swap3A_914 = vector.shape_cast %add3A_909 : vector<16xi32> to vector<1x16xi32>
        tpu.vector_store %arg6[%swap3A_910, %swap3A_911], %swap3A_914 {strides = array<i32>} : memref<16x128xi32, #tpu.memory_space<vmem>>, vector<1x16xi32>,
        %get3A_915 = arith.index_cast %scan3A_855 : i32 to index
        %get3A_916 = arith.constant 80 : index
        %get3A_917 = tpu.vector_load %arg6[%get3A_915, %get3A_916] {strides = array<i32>} : memref<16x128xi32, #tpu.memory_space<vmem>>, vector<1x16xi32>,
        %get3A_918 = vector.shape_cast %get3A_917 : vector<1x16xi32> to vector<16xi32>
        %add3A_919 = arith.constant 5000 : i32
        %add3A_920 = vector.broadcast %add3A_919 : i32 to vector<16xi32>
        %add3A_921 = arith.addi %get3A_918, %add3A_920 : vector<16xi32>
        %swap3A_922 = arith.index_cast %scan3A_855 : i32 to index
        %swap3A_923 = arith.constant 80 : index
        %swap3A_924 = tpu.vector_load %arg6[%swap3A_922, %swap3A_923] {strides = array<i32>} : memref<16x128xi32, #tpu.memory_space<vmem>>, vector<1x16xi32>,
        %swap3A_925 = vector.shape_cast %swap3A_924 : vector<1x16xi32> to vector<16xi32>
        %swap3A_926 = vector.shape_cast %add3A_921 : vector<16xi32> to vector<1x16xi32>
        tpu.vector_store %arg6[%swap3A_922, %swap3A_923], %swap3A_926 {strides = array<i32>} : memref<16x128xi32, #tpu.memory_space<vmem>>, vector<1x16xi32>,
        %get3A_927 = arith.index_cast %scan3A_855 : i32 to index
        %get3A_928 = arith.constant 96 : index
        %get3A_929 = tpu.vector_load %arg6[%get3A_927, %get3A_928] {strides = array<i32>} : memref<16x128xi32, #tpu.memory_space<vmem>>, vector<1x16xi32>,
        %get3A_930 = vector.shape_cast %get3A_929 : vector<1x16xi32> to vector<16xi32>
        %add3A_931 = arith.constant 5000 : i32
        %add3A_932 = vector.broadcast %add3A_931 : i32 to vector<16xi32>
        %add3A_933 = arith.addi %get3A_930, %add3A_932 : vector<16xi32>
        %swap3A_934 = arith.index_cast %scan3A_855 : i32 to index
        %swap3A_935 = arith.constant 96 : index
        %swap3A_936 = tpu.vector_load %arg6[%swap3A_934, %swap3A_935] {strides = array<i32>} : memref<16x128xi32, #tpu.memory_space<vmem>>, vector<1x16xi32>,
        %swap3A_937 = vector.shape_cast %swap3A_936 : vector<1x16xi32> to vector<16xi32>
        %swap3A_938 = vector.shape_cast %add3A_933 : vector<16xi32> to vector<1x16xi32>
        tpu.vector_store %arg6[%swap3A_934, %swap3A_935], %swap3A_938 {strides = array<i32>} : memref<16x128xi32, #tpu.memory_space<vmem>>, vector<1x16xi32>,
        %get3A_939 = arith.index_cast %scan3A_855 : i32 to index
        %get3A_940 = arith.constant 112 : index
        %get3A_941 = tpu.vector_load %arg6[%get3A_939, %get3A_940] {strides = array<i32>} : memref<16x128xi32, #tpu.memory_space<vmem>>, vector<1x16xi32>,
        %get3A_942 = vector.shape_cast %get3A_941 : vector<1x16xi32> to vector<16xi32>
        %add3A_943 = arith.constant 5000 : i32
        %add3A_944 = vector.broadcast %add3A_943 : i32 to vector<16xi32>
        %add3A_945 = arith.addi %get3A_942, %add3A_944 : vector<16xi32>
        %swap3A_946 = arith.index_cast %scan3A_855 : i32 to index
        %swap3A_947 = arith.constant 112 : index
        %swap3A_948 = tpu.vector_load %arg6[%swap3A_946, %swap3A_947] {strides = array<i32>} : memref<16x128xi32, #tpu.memory_space<vmem>>, vector<1x16xi32>,
        %swap3A_949 = vector.shape_cast %swap3A_948 : vector<1x16xi32> to vector<16xi32>
        %swap3A_950 = vector.shape_cast %add3A_945 : vector<16xi32> to vector<1x16xi32>
        tpu.vector_store %arg6[%swap3A_946, %swap3A_947], %swap3A_950 {strides = array<i32>} : memref<16x128xi32, #tpu.memory_space<vmem>>, vector<1x16xi32>,
        %scan3A_951 = arith.constant 0 : i32
        scf.yield %scan3A_951 : i32
      }
      %scan3A_826 = arith.constant 16 : i32
      %add3A_827 = arith.constant 1 : i32
      %add3A_828 = arith.addi %scan3A_86, %add3A_827 : i32
      %lt3A = arith.constant 2 : i32
      %lt3A_829 = arith.cmpi slt, %add3A_828, %lt3A : i32
      %convert_element_type3A = arith.extui %lt3A_829 : i1 to i32
      %cond3A = arith.constant 0 : i32
      %cond3A_830 = arith.cmpi ne, %convert_element_type3A, %cond3A : i32
      scf.if %cond3A_830 {
        %dma_start3A_855 = arith.constant 0 : i32
        %dma_start3A_856 = arith.constant 0 : i32
        %dma_start3A_857 = arith.constant 0 : i32
        %dma_start3A_858 = arith.constant 0 : i32
        %dma_start3A_859 = tpu.memref_slice %arg8[%dma_start3A_856, %dma_start3A_857, %dma_start3A_858] : memref<4x128x128xf32, #tpu.memory_space<vmem>> -> memref<1x128x128xf32, #tpu.memory_space<vmem>>
        %dma_start3A_860 = tpu.memref_squeeze %dma_start3A_859 : memref<1x128x128xf32, #tpu.memory_space<vmem>> -> memref<128x128xf32, #tpu.memory_space<vmem>>
        %dma_start3A_861 = arith.constant 0 : i32
        %dma_start3A_862 = tpu.memref_slice %arg6[%dma_start3A_855, %dma_start3A_861] : memref<16x128xi32, #tpu.memory_space<vmem>> -> memref<1x128xi32, #tpu.memory_space<vmem>>
        %dma_start3A_863 = tpu.memref_squeeze %dma_start3A_862 : memref<1x128xi32, #tpu.memory_space<vmem>> -> memref<128xi32, #tpu.memory_space<vmem>>
        %dma_start3A_864 = arith.constant 0 : i32
        %dma_start3A_865 = arith.constant 0 : i32
        %dma_start3A_866 = tpu.memref_slice %arg2[%dma_start3A_864, %dma_start3A_865] : memref<80000x128xf32, #tpu.memory_space<hbm>> -> memref<80000x128xf32, #tpu.memory_space<hbm>>
        tpu.enqueue_indirect_dma source(%dma_start3A_866 : memref<80000x128xf32, #tpu.memory_space<hbm>>) target(%dma_start3A_860 : memref<128x128xf32, #tpu.memory_space<vmem>>) offsets(%dma_start3A_863 : memref<128xi32, #tpu.memory_space<vmem>>) semaphore(%arg11 : memref<!tpu.dma_semaphore, #tpu.memory_space<semaphore_mem>>)
        %dma_start3A_867 = arith.constant 1 : i32
        %dma_start3A_868 = arith.constant 1 : i32
        %dma_start3A_869 = arith.constant 0 : i32
        %dma_start3A_870 = arith.constant 0 : i32
        %dma_start3A_871 = tpu.memref_slice %arg8[%dma_start3A_868, %dma_start3A_869, %dma_start3A_870] : memref<4x128x128xf32, #tpu.memory_space<vmem>> -> memref<1x128x128xf32, #tpu.memory_space<vmem>>
        %dma_start3A_872 = tpu.memref_squeeze %dma_start3A_871 : memref<1x128x128xf32, #tpu.memory_space<vmem>> -> memref<128x128xf32, #tpu.memory_space<vmem>>
        %dma_start3A_873 = arith.constant 0 : i32
        %dma_start3A_874 = tpu.memref_slice %arg6[%dma_start3A_867, %dma_start3A_873] : memref<16x128xi32, #tpu.memory_space<vmem>> -> memref<1x128xi32, #tpu.memory_space<vmem>>
        %dma_start3A_875 = tpu.memref_squeeze %dma_start3A_874 : memref<1x128xi32, #tpu.memory_space<vmem>> -> memref<128xi32, #tpu.memory_space<vmem>>
        %dma_start3A_876 = arith.constant 0 : i32
        %dma_start3A_877 = arith.constant 0 : i32
        %dma_start3A_878 = tpu.memref_slice %arg2[%dma_start3A_876, %dma_start3A_877] : memref<80000x128xf32, #tpu.memory_space<hbm>> -> memref<80000x128xf32, #tpu.memory_space<hbm>>
        tpu.enqueue_indirect_dma source(%dma_start3A_878 : memref<80000x128xf32, #tpu.memory_space<hbm>>) target(%dma_start3A_872 : memref<128x128xf32, #tpu.memory_space<vmem>>) offsets(%dma_start3A_875 : memref<128xi32, #tpu.memory_space<vmem>>) semaphore(%arg12 : memref<!tpu.dma_semaphore, #tpu.memory_space<semaphore_mem>>)
        %dma_start3A_879 = arith.constant 2 : i32
        %dma_start3A_880 = arith.constant 2 : i32
        %dma_start3A_881 = arith.constant 0 : i32
        %dma_start3A_882 = arith.constant 0 : i32
        %dma_start3A_883 = tpu.memref_slice %arg8[%dma_start3A_880, %dma_start3A_881, %dma_start3A_882] : memref<4x128x128xf32, #tpu.memory_space<vmem>> -> memref<1x128x128xf32, #tpu.memory_space<vmem>>
        %dma_start3A_884 = tpu.memref_squeeze %dma_start3A_883 : memref<1x128x128xf32, #tpu.memory_space<vmem>> -> memref<128x128xf32, #tpu.memory_space<vmem>>
        %dma_start3A_885 = arith.constant 0 : i32
        %dma_start3A_886 = tpu.memref_slice %arg6[%dma_start3A_879, %dma_start3A_885] : memref<16x128xi32, #tpu.memory_space<vmem>> -> memref<1x128xi32, #tpu.memory_space<vmem>>
        %dma_start3A_887 = tpu.memref_squeeze %dma_start3A_886 : memref<1x128xi32, #tpu.memory_space<vmem>> -> memref<128xi32, #tpu.memory_space<vmem>>
        %dma_start3A_888 = arith.constant 0 : i32
        %dma_start3A_889 = arith.constant 0 : i32
        %dma_start3A_890 = tpu.memref_slice %arg2[%dma_start3A_888, %dma_start3A_889] : memref<80000x128xf32, #tpu.memory_space<hbm>> -> memref<80000x128xf32, #tpu.memory_space<hbm>>
        tpu.enqueue_indirect_dma source(%dma_start3A_890 : memref<80000x128xf32, #tpu.memory_space<hbm>>) target(%dma_start3A_884 : memref<128x128xf32, #tpu.memory_space<vmem>>) offsets(%dma_start3A_887 : memref<128xi32, #tpu.memory_space<vmem>>) semaphore(%arg13 : memref<!tpu.dma_semaphore, #tpu.memory_space<semaphore_mem>>)
      } else {
      }
      %mul3A_831 = arith.constant 2 : i32
      %mul3A_832 = arith.muli %arg0, %mul3A_831 : i32
      %add3A_833 = arith.addi %mul3A_832, %scan3A_86 : i32
      "tpu.region"() ({
        %run_scoped3A = tpu.sem_alloc : memref<!tpu.dma_semaphore, #tpu.memory_space<semaphore_mem>>
        %dma_start3A_855 = arith.constant 0 : i32
        %dma_start3A_856 = tpu.memref_slice %arg5[%add3A_833, %mul3A_0, %dma_start3A_855] : memref<4x5120x128xf32, #tpu.memory_space<hbm>> -> memref<1x320x128xf32, #tpu.memory_space<hbm>>
        %dma_start3A_857 = tpu.memref_squeeze %dma_start3A_856 : memref<1x320x128xf32, #tpu.memory_space<hbm>> -> memref<320x128xf32, #tpu.memory_space<hbm>>
        %dma_start3A_858 = arith.constant 0 : i32
        %dma_start3A_859 = tpu.memref_slice %arg10[%mul3A_0, %dma_start3A_858] : memref<5120x128xf32, #tpu.memory_space<vmem_shared>> -> memref<320x128xf32, #tpu.memory_space<vmem_shared>>
        tpu.enqueue_dma source(%dma_start3A_859 : memref<320x128xf32, #tpu.memory_space<vmem_shared>>) target(%dma_start3A_857 : memref<320x128xf32, #tpu.memory_space<hbm>>) target_semaphore(%run_scoped3A : memref<!tpu.dma_semaphore, #tpu.memory_space<semaphore_mem>>)
        %dma_wait3A_860 = arith.constant 0 : i32
        %dma_wait3A_861 = tpu.memref_slice %arg5[%add3A_833, %mul3A_0, %dma_wait3A_860] : memref<4x5120x128xf32, #tpu.memory_space<hbm>> -> memref<1x320x128xf32, #tpu.memory_space<hbm>>
        %dma_wait3A_862 = tpu.memref_squeeze %dma_wait3A_861 : memref<1x320x128xf32, #tpu.memory_space<hbm>> -> memref<320x128xf32, #tpu.memory_space<hbm>>
        %dma_wait3A_863 = arith.constant 0 : i32
        %dma_wait3A_864 = tpu.memref_slice %arg10[%mul3A_0, %dma_wait3A_863] : memref<5120x128xf32, #tpu.memory_space<vmem_shared>> -> memref<320x128xf32, #tpu.memory_space<vmem_shared>>
        tpu.wait_dma2 semaphore(%run_scoped3A : memref<!tpu.dma_semaphore, #tpu.memory_space<semaphore_mem>>) src(%dma_wait3A_864 : memref<320x128xf32, #tpu.memory_space<vmem_shared>>) dst(%dma_wait3A_862 : memref<320x128xf32, #tpu.memory_space<hbm>>)
        tpu.yield
      }) : () -> ()
      %mul3A_834 = arith.constant 320 : i32
      %mul3A_835 = arith.muli %arg1, %mul3A_834 : i32
      %add3A_836 = arith.constant 0 : i32
      %add3A_837 = arith.addi %mul3A_835, %add3A_836 : i32
      "tpu.region"() ({
        %run_scoped3A = tpu.sem_alloc : memref<!tpu.dma_semaphore, #tpu.memory_space<semaphore_mem>>
        %dma_start3A_855 = arith.constant 0 : i32
        %dma_start3A_856 = tpu.memref_slice %arg10[%add3A_837, %dma_start3A_855] : memref<5120x128xf32, #tpu.memory_space<vmem_shared>> -> memref<64x128xf32, #tpu.memory_space<vmem_shared>>
        %dma_start3A_857 = arith.constant 0 : i32
        %dma_start3A_858 = tpu.memref_slice %arg10[%add3A_837, %dma_start3A_857] : memref<5120x128xf32, #tpu.memory_space<vmem_shared>> -> memref<64x128xf32, #tpu.memory_space<vmem_shared>>
        tpu.enqueue_dma source(%arg9 : memref<64x128xf32, #tpu.memory_space<vmem>>) target(%dma_start3A_858 : memref<64x128xf32, #tpu.memory_space<vmem_shared>>) target_semaphore(%run_scoped3A : memref<!tpu.dma_semaphore, #tpu.memory_space<semaphore_mem>>)
        %dma_wait3A_859 = arith.constant 0 : i32
        %dma_wait3A_860 = tpu.memref_slice %arg10[%add3A_837, %dma_wait3A_859] : memref<5120x128xf32, #tpu.memory_space<vmem_shared>> -> memref<64x128xf32, #tpu.memory_space<vmem_shared>>
        %dma_wait3A_861 = arith.constant 0 : i32
        %dma_wait3A_862 = tpu.memref_slice %arg10[%add3A_837, %dma_wait3A_861] : memref<5120x128xf32, #tpu.memory_space<vmem_shared>> -> memref<64x128xf32, #tpu.memory_space<vmem_shared>>
        tpu.wait_dma2 semaphore(%run_scoped3A : memref<!tpu.dma_semaphore, #tpu.memory_space<semaphore_mem>>) src(%arg9 : memref<64x128xf32, #tpu.memory_space<vmem>>) dst(%dma_wait3A_862 : memref<64x128xf32, #tpu.memory_space<vmem_shared>>)
        tpu.yield
      }) : () -> ()
      %mul3A_838 = arith.constant 320 : i32
      %mul3A_839 = arith.muli %arg1, %mul3A_838 : i32
      %add3A_840 = arith.constant 64 : i32
      %add3A_841 = arith.addi %mul3A_839, %add3A_840 : i32
      "tpu.region"() ({
        %run_scoped3A = tpu.sem_alloc : memref<!tpu.dma_semaphore, #tpu.memory_space<semaphore_mem>>
        %dma_start3A_855 = arith.constant 0 : i32
        %dma_start3A_856 = tpu.memref_slice %arg10[%add3A_841, %dma_start3A_855] : memref<5120x128xf32, #tpu.memory_space<vmem_shared>> -> memref<64x128xf32, #tpu.memory_space<vmem_shared>>
        %dma_start3A_857 = arith.constant 0 : i32
        %dma_start3A_858 = tpu.memref_slice %arg10[%add3A_841, %dma_start3A_857] : memref<5120x128xf32, #tpu.memory_space<vmem_shared>> -> memref<64x128xf32, #tpu.memory_space<vmem_shared>>
        tpu.enqueue_dma source(%arg9 : memref<64x128xf32, #tpu.memory_space<vmem>>) target(%dma_start3A_858 : memref<64x128xf32, #tpu.memory_space<vmem_shared>>) target_semaphore(%run_scoped3A : memref<!tpu.dma_semaphore, #tpu.memory_space<semaphore_mem>>)
        %dma_wait3A_859 = arith.constant 0 : i32
        %dma_wait3A_860 = tpu.memref_slice %arg10[%add3A_841, %dma_wait3A_859] : memref<5120x128xf32, #tpu.memory_space<vmem_shared>> -> memref<64x128xf32, #tpu.memory_space<vmem_shared>>
        %dma_wait3A_861 = arith.constant 0 : i32
        %dma_wait3A_862 = tpu.memref_slice %arg10[%add3A_841, %dma_wait3A_861] : memref<5120x128xf32, #tpu.memory_space<vmem_shared>> -> memref<64x128xf32, #tpu.memory_space<vmem_shared>>
        tpu.wait_dma2 semaphore(%run_scoped3A : memref<!tpu.dma_semaphore, #tpu.memory_space<semaphore_mem>>) src(%arg9 : memref<64x128xf32, #tpu.memory_space<vmem>>) dst(%dma_wait3A_862 : memref<64x128xf32, #tpu.memory_space<vmem_shared>>)
        tpu.yield
      }) : () -> ()
      %mul3A_842 = arith.constant 320 : i32
      %mul3A_843 = arith.muli %arg1, %mul3A_842 : i32
      %add3A_844 = arith.constant 128 : i32
      %add3A_845 = arith.addi %mul3A_843, %add3A_844 : i32
      "tpu.region"() ({
        %run_scoped3A = tpu.sem_alloc : memref<!tpu.dma_semaphore, #tpu.memory_space<semaphore_mem>>
        %dma_start3A_855 = arith.constant 0 : i32
        %dma_start3A_856 = tpu.memref_slice %arg10[%add3A_845, %dma_start3A_855] : memref<5120x128xf32, #tpu.memory_space<vmem_shared>> -> memref<64x128xf32, #tpu.memory_space<vmem_shared>>
        %dma_start3A_857 = arith.constant 0 : i32
        %dma_start3A_858 = tpu.memref_slice %arg10[%add3A_845, %dma_start3A_857] : memref<5120x128xf32, #tpu.memory_space<vmem_shared>> -> memref<64x128xf32, #tpu.memory_space<vmem_shared>>
        tpu.enqueue_dma source(%arg9 : memref<64x128xf32, #tpu.memory_space<vmem>>) target(%dma_start3A_858 : memref<64x128xf32, #tpu.memory_space<vmem_shared>>) target_semaphore(%run_scoped3A : memref<!tpu.dma_semaphore, #tpu.memory_space<semaphore_mem>>)
        %dma_wait3A_859 = arith.constant 0 : i32
        %dma_wait3A_860 = tpu.memref_slice %arg10[%add3A_845, %dma_wait3A_859] : memref<5120x128xf32, #tpu.memory_space<vmem_shared>> -> memref<64x128xf32, #tpu.memory_space<vmem_shared>>
        %dma_wait3A_861 = arith.constant 0 : i32
        %dma_wait3A_862 = tpu.memref_slice %arg10[%add3A_845, %dma_wait3A_861] : memref<5120x128xf32, #tpu.memory_space<vmem_shared>> -> memref<64x128xf32, #tpu.memory_space<vmem_shared>>
        tpu.wait_dma2 semaphore(%run_scoped3A : memref<!tpu.dma_semaphore, #tpu.memory_space<semaphore_mem>>) src(%arg9 : memref<64x128xf32, #tpu.memory_space<vmem>>) dst(%dma_wait3A_862 : memref<64x128xf32, #tpu.memory_space<vmem_shared>>)
        tpu.yield
      }) : () -> ()
      %mul3A_846 = arith.constant 320 : i32
      %mul3A_847 = arith.muli %arg1, %mul3A_846 : i32
      %add3A_848 = arith.constant 192 : i32
      %add3A_849 = arith.addi %mul3A_847, %add3A_848 : i32
      "tpu.region"() ({
        %run_scoped3A = tpu.sem_alloc : memref<!tpu.dma_semaphore, #tpu.memory_space<semaphore_mem>>
        %dma_start3A_855 = arith.constant 0 : i32
        %dma_start3A_856 = tpu.memref_slice %arg10[%add3A_849, %dma_start3A_855] : memref<5120x128xf32, #tpu.memory_space<vmem_shared>> -> memref<64x128xf32, #tpu.memory_space<vmem_shared>>
        %dma_start3A_857 = arith.constant 0 : i32
        %dma_start3A_858 = tpu.memref_slice %arg10[%add3A_849, %dma_start3A_857] : memref<5120x128xf32, #tpu.memory_space<vmem_shared>> -> memref<64x128xf32, #tpu.memory_space<vmem_shared>>
        tpu.enqueue_dma source(%arg9 : memref<64x128xf32, #tpu.memory_space<vmem>>) target(%dma_start3A_858 : memref<64x128xf32, #tpu.memory_space<vmem_shared>>) target_semaphore(%run_scoped3A : memref<!tpu.dma_semaphore, #tpu.memory_space<semaphore_mem>>)
        %dma_wait3A_859 = arith.constant 0 : i32
        %dma_wait3A_860 = tpu.memref_slice %arg10[%add3A_849, %dma_wait3A_859] : memref<5120x128xf32, #tpu.memory_space<vmem_shared>> -> memref<64x128xf32, #tpu.memory_space<vmem_shared>>
        %dma_wait3A_861 = arith.constant 0 : i32
        %dma_wait3A_862 = tpu.memref_slice %arg10[%add3A_849, %dma_wait3A_861] : memref<5120x128xf32, #tpu.memory_space<vmem_shared>> -> memref<64x128xf32, #tpu.memory_space<vmem_shared>>
        tpu.wait_dma2 semaphore(%run_scoped3A : memref<!tpu.dma_semaphore, #tpu.memory_space<semaphore_mem>>) src(%arg9 : memref<64x128xf32, #tpu.memory_space<vmem>>) dst(%dma_wait3A_862 : memref<64x128xf32, #tpu.memory_space<vmem_shared>>)
        tpu.yield
      }) : () -> ()
      %mul3A_850 = arith.constant 320 : i32
      %mul3A_851 = arith.muli %arg1, %mul3A_850 : i32
      %add3A_852 = arith.constant 256 : i32
      %add3A_853 = arith.addi %mul3A_851, %add3A_852 : i32
      "tpu.region"() ({
        %run_scoped3A = tpu.sem_alloc : memref<!tpu.dma_semaphore, #tpu.memory_space<semaphore_mem>>
        %dma_start3A_855 = arith.constant 0 : i32
        %dma_start3A_856 = tpu.memref_slice %arg10[%add3A_853, %dma_start3A_855] : memref<5120x128xf32, #tpu.memory_space<vmem_shared>> -> memref<64x128xf32, #tpu.memory_space<vmem_shared>>
        %dma_start3A_857 = arith.constant 0 : i32
        %dma_start3A_858 = tpu.memref_slice %arg10[%add3A_853, %dma_start3A_857] : memref<5120x128xf32, #tpu.memory_space<vmem_shared>> -> memref<64x128xf32, #tpu.memory_space<vmem_shared>>
        tpu.enqueue_dma source(%arg9 : memref<64x128xf32, #tpu.memory_space<vmem>>) target(%dma_start3A_858 : memref<64x128xf32, #tpu.memory_space<vmem_shared>>) target_semaphore(%run_scoped3A : memref<!tpu.dma_semaphore, #tpu.memory_space<semaphore_mem>>)
        %dma_wait3A_859 = arith.constant 0 : i32
        %dma_wait3A_860 = tpu.memref_slice %arg10[%add3A_853, %dma_wait3A_859] : memref<5120x128xf32, #tpu.memory_space<vmem_shared>> -> memref<64x128xf32, #tpu.memory_space<vmem_shared>>
        %dma_wait3A_861 = arith.constant 0 : i32
        %dma_wait3A_862 = tpu.memref_slice %arg10[%add3A_853, %dma_wait3A_861] : memref<5120x128xf32, #tpu.memory_space<vmem_shared>> -> memref<64x128xf32, #tpu.memory_space<vmem_shared>>
        tpu.wait_dma2 semaphore(%run_scoped3A : memref<!tpu.dma_semaphore, #tpu.memory_space<semaphore_mem>>) src(%arg9 : memref<64x128xf32, #tpu.memory_space<vmem>>) dst(%dma_wait3A_862 : memref<64x128xf32, #tpu.memory_space<vmem_shared>>)
        tpu.yield
      }) : () -> ()
      %scan3A_854 = arith.constant 0 : i32
      scf.yield %scan3A_854 : i32
    }
    %scan3A_85 = arith.constant 2 : i32
    return
  }
}

module attributes {stable_mosaic.version = 14 : i64} {
  func.func @_dense_body_aliased(%arg0: i32, %arg1: i32, %arg2: memref<1x5000x128xf32, #tpu.memory_space<vmem>>, %arg3: memref<1x5000x128xf32, #tpu.memory_space<vmem>>, %arg4: memref<2x5000x128xf32, #tpu.memory_space<vmem>>, %arg5: memref<128x128xf32, #tpu.memory_space<vmem>>, %arg6: memref<128x128xf32, #tpu.memory_space<vmem>>, %arg7: memref<1x128xf32, #tpu.memory_space<vmem>>, %arg8: memref<1x128xf32, #tpu.memory_space<vmem>>, %arg9: memref<1x128xf32, #tpu.memory_space<vmem>>, %arg10: memref<16x5000x128xf32, #tpu.memory_space<any>>, %arg11: memref<1x5000x128xf32, #tpu.memory_space<vmem>>) attributes {dimension_semantics = [#tpu.dimension_semantics<parallel>, #tpu.dimension_semantics<parallel>], iteration_bounds = array<i64: 1, 4>, scalar_prefetch = 0 : i64, scratch_operands = 0 : i64, tpu.core_type = #tpu.core_type<tc>, window_params = [{transform_indices = @transform_0, window_bounds = array<i64: 1, 5000, 128>}, {transform_indices = @transform_1, window_bounds = array<i64: 1, 5000, 128>}, {transform_indices = @transform_2, window_bounds = array<i64: 2, 5000, 128>}, {pipeline_mode = #tpu.pipeline_mode<synchronous>, transform_indices = @transform_3, window_bounds = array<i64: 128, 128>}, {pipeline_mode = #tpu.pipeline_mode<synchronous>, transform_indices = @transform_4, window_bounds = array<i64: 128, 128>}, {pipeline_mode = #tpu.pipeline_mode<synchronous>, transform_indices = @transform_5, window_bounds = array<i64: 1, 128>}, {pipeline_mode = #tpu.pipeline_mode<synchronous>, transform_indices = @transform_6, window_bounds = array<i64: 1, 128>}, {pipeline_mode = #tpu.pipeline_mode<synchronous>, transform_indices = @transform_7, window_bounds = array<i64: 1, 128>}, {}, {transform_indices = @transform_9, window_bounds = array<i64: 1, 5000, 128>}]} {
    %get3A = arith.constant 0 : index
    %get3A_0 = arith.constant 0 : index
    %get3A_1 = arith.constant 0 : index
    %get3A_2 = vector.load %arg2[%get3A, %get3A_0, %get3A_1] : memref<1x5000x128xf32, #tpu.memory_space<vmem>>, vector<1x5000x128xf32>
    %get3A_3 = vector.shape_cast %get3A_2 : vector<1x5000x128xf32> to vector<5000x128xf32>
    %get3A_4 = arith.constant 0 : index
    %get3A_5 = arith.constant 0 : index
    %get3A_6 = arith.constant 0 : index
    %get3A_7 = vector.load %arg4[%get3A_4, %get3A_5, %get3A_6] : memref<2x5000x128xf32, #tpu.memory_space<vmem>>, vector<1x5000x128xf32>
    %get3A_8 = vector.shape_cast %get3A_7 : vector<1x5000x128xf32> to vector<5000x128xf32>
    %get3A_9 = arith.constant 1 : index
    %get3A_10 = arith.constant 0 : index
    %get3A_11 = arith.constant 0 : index
    %get3A_12 = vector.load %arg4[%get3A_9, %get3A_10, %get3A_11] : memref<2x5000x128xf32, #tpu.memory_space<vmem>>, vector<1x5000x128xf32>
    %get3A_13 = vector.shape_cast %get3A_12 : vector<1x5000x128xf32> to vector<5000x128xf32>
    %add3A = arith.addf %get3A_8, %get3A_13 : vector<5000x128xf32>
    %max3A = arith.constant 1.000000e+00 : f32
    %max3A_14 = vector.broadcast %max3A : f32 to vector<5000x128xf32>
    %max3A_15 = arith.maximumf %add3A, %max3A_14 : vector<5000x128xf32>
    %div3A = arith.constant 1.000000e+00 : f32
    %div3A_16 = vector.broadcast %div3A : f32 to vector<5000x128xf32>
    %div3A_17 = arith.divf %div3A_16, %max3A_15 : vector<5000x128xf32>
    %get3A_18 = arith.constant 0 : index
    %get3A_19 = arith.constant 0 : index
    %get3A_20 = arith.constant 0 : index
    %get3A_21 = vector.load %arg3[%get3A_18, %get3A_19, %get3A_20] : memref<1x5000x128xf32, #tpu.memory_space<vmem>>, vector<1x5000x128xf32>
    %get3A_22 = vector.shape_cast %get3A_21 : vector<1x5000x128xf32> to vector<5000x128xf32>
    %mul3A = arith.mulf %get3A_22, %div3A_17 : vector<5000x128xf32>
    %get3A_23 = arith.constant 0 : index
    %get3A_24 = arith.constant 0 : index
    %get3A_25 = vector.load %arg5[%get3A_23, %get3A_24] : memref<128x128xf32, #tpu.memory_space<vmem>>, vector<128x128xf32>
    %dot_general3A = arith.constant dense<0.000000e+00> : vector<5000x128xf32>
    %dot_general3A_26 = tpu.matmul %get3A_3, %get3A_25, %dot_general3A {dimension_numbers = #tpu.dot_dimension_numbers<[1], [0], [0], [1], [0, 0, 1, 1], [], []>, transpose_lhs_hint = false} : vector<5000x128xf32>, vector<128x128xf32>, vector<5000x128xf32> -> vector<5000x128xf32>
    %get3A_27 = arith.constant 0 : index
    %get3A_28 = arith.constant 0 : index
    %get3A_29 = vector.load %arg6[%get3A_27, %get3A_28] : memref<128x128xf32, #tpu.memory_space<vmem>>, vector<128x128xf32>
    %dot_general3A_30 = arith.constant dense<0.000000e+00> : vector<5000x128xf32>
    %dot_general3A_31 = tpu.matmul %mul3A, %get3A_29, %dot_general3A_30 {dimension_numbers = #tpu.dot_dimension_numbers<[1], [0], [0], [1], [0, 0, 1, 1], [], []>, transpose_lhs_hint = false} : vector<5000x128xf32>, vector<128x128xf32>, vector<5000x128xf32> -> vector<5000x128xf32>
    %add3A_32 = arith.addf %dot_general3A_26, %dot_general3A_31 : vector<5000x128xf32>
    %get3A_33 = arith.constant 0 : index
    %get3A_34 = arith.constant 0 : index
    %get3A_35 = vector.load %arg7[%get3A_33, %get3A_34] : memref<1x128xf32, #tpu.memory_space<vmem>>, vector<1x128xf32>
    %add3A_36 = vector.broadcast %get3A_35 : vector<1x128xf32> to vector<5000x128xf32>
    %add3A_37 = arith.addf %add3A_32, %add3A_36 : vector<5000x128xf32>
    %reduce_sum3A = arith.constant dense<0.000000e+00> : vector<5000xf32>
    %reduce_sum3A_38 = vector.multi_reduction <add>, %add3A_37, %reduce_sum3A [1] : vector<5000x128xf32> to vector<5000xf32>
    %broadcast_in_dim3A = vector.shape_cast %reduce_sum3A_38 : vector<5000xf32> to vector<5000x1xf32>
    %div3A_39 = arith.constant 1.280000e+02 : f32
    %div3A_40 = vector.broadcast %div3A_39 : f32 to vector<5000x1xf32>
    %div3A_41 = arith.divf %broadcast_in_dim3A, %div3A_40 : vector<5000x1xf32>
    %sub3A = vector.broadcast %div3A_41 : vector<5000x1xf32> to vector<5000x128xf32>
    %sub3A_42 = arith.subf %add3A_37, %sub3A : vector<5000x128xf32>
    %integer_pow3A = arith.mulf %sub3A_42, %sub3A_42 : vector<5000x128xf32>
    %reduce_sum3A_43 = arith.constant dense<0.000000e+00> : vector<5000xf32>
    %reduce_sum3A_44 = vector.multi_reduction <add>, %integer_pow3A, %reduce_sum3A_43 [1] : vector<5000x128xf32> to vector<5000xf32>
    %broadcast_in_dim3A_45 = vector.shape_cast %reduce_sum3A_44 : vector<5000xf32> to vector<5000x1xf32>
    %div3A_46 = arith.constant 1.280000e+02 : f32
    %div3A_47 = vector.broadcast %div3A_46 : f32 to vector<5000x1xf32>
    %div3A_48 = arith.divf %broadcast_in_dim3A_45, %div3A_47 : vector<5000x1xf32>
    %sub3A_49 = vector.broadcast %div3A_41 : vector<5000x1xf32> to vector<5000x128xf32>
    %sub3A_50 = arith.subf %add3A_37, %sub3A_49 : vector<5000x128xf32>
    %add3A_51 = arith.constant 9.99999974E-6 : f32
    %add3A_52 = vector.broadcast %add3A_51 : f32 to vector<5000x1xf32>
    %add3A_53 = arith.addf %div3A_48, %add3A_52 : vector<5000x1xf32>
    %rsqrt3A = math.rsqrt %add3A_53 : vector<5000x1xf32>
    %mul3A_54 = vector.broadcast %rsqrt3A : vector<5000x1xf32> to vector<5000x128xf32>
    %mul3A_55 = arith.mulf %sub3A_50, %mul3A_54 : vector<5000x128xf32>
    %get3A_56 = arith.constant 0 : index
    %get3A_57 = arith.constant 0 : index
    %get3A_58 = vector.load %arg8[%get3A_56, %get3A_57] : memref<1x128xf32, #tpu.memory_space<vmem>>, vector<1x128xf32>
    %mul3A_59 = vector.broadcast %get3A_58 : vector<1x128xf32> to vector<5000x128xf32>
    %mul3A_60 = arith.mulf %mul3A_55, %mul3A_59 : vector<5000x128xf32>
    %get3A_61 = arith.constant 0 : index
    %get3A_62 = arith.constant 0 : index
    %get3A_63 = vector.load %arg9[%get3A_61, %get3A_62] : memref<1x128xf32, #tpu.memory_space<vmem>>, vector<1x128xf32>
    %add3A_64 = vector.broadcast %get3A_63 : vector<1x128xf32> to vector<5000x128xf32>
    %add3A_65 = arith.addf %mul3A_60, %add3A_64 : vector<5000x128xf32>
    %max3A_66 = arith.constant 0.000000e+00 : f32
    %max3A_67 = vector.broadcast %max3A_66 : f32 to vector<5000x128xf32>
    %max3A_68 = arith.maximumf %add3A_65, %max3A_67 : vector<5000x128xf32>
    %swap3A = arith.constant 0 : index
    %swap3A_69 = arith.constant 0 : index
    %swap3A_70 = arith.constant 0 : index
    %swap3A_71 = vector.load %arg11[%swap3A, %swap3A_69, %swap3A_70] : memref<1x5000x128xf32, #tpu.memory_space<vmem>>, vector<1x5000x128xf32>
    %swap3A_72 = vector.shape_cast %swap3A_71 : vector<1x5000x128xf32> to vector<5000x128xf32>
    %swap3A_73 = vector.shape_cast %max3A_68 : vector<5000x128xf32> to vector<1x5000x128xf32>
    tpu.vector_store %arg11[%swap3A, %swap3A_69, %swap3A_70], %swap3A_73 {strides = array<i32>} : memref<1x5000x128xf32, #tpu.memory_space<vmem>>, vector<1x5000x128xf32>,
    return
  }
  func.func @transform_0(%arg0: i32, %arg1: i32) -> (i32, i32, i32) {
    %add3A = arith.constant 12 : i32
    %add3A_0 = arith.addi %arg1, %add3A : i32
    %c0_i32 = arith.constant 0 : i32
    %c0_i32_1 = arith.constant 0 : i32
    return %add3A_0, %arg0, %c0_i32 : i32, i32, i32
  }
  func.func @transform_1(%arg0: i32, %arg1: i32) -> (i32, i32, i32) {
    %c0_i32 = arith.constant 0 : i32
    %c0_i32_0 = arith.constant 0 : i32
    return %arg1, %arg0, %c0_i32 : i32, i32, i32
  }
  func.func @transform_2(%arg0: i32, %arg1: i32) -> (i32, i32, i32) {
    %c0_i32 = arith.constant 0 : i32
    %c0_i32_0 = arith.constant 0 : i32
    %c0_i32_1 = arith.constant 0 : i32
    return %c0_i32, %arg0, %c0_i32_0 : i32, i32, i32
  }
  func.func @transform_3(%arg0: i32, %arg1: i32) -> (i32, i32) {
    %c0_i32 = arith.constant 0 : i32
    %c0_i32_0 = arith.constant 0 : i32
    %c0_i32_1 = arith.constant 0 : i32
    return %c0_i32, %c0_i32_0 : i32, i32
  }
  func.func @transform_4(%arg0: i32, %arg1: i32) -> (i32, i32) {
    %c0_i32 = arith.constant 0 : i32
    %c0_i32_0 = arith.constant 0 : i32
    %c0_i32_1 = arith.constant 0 : i32
    return %c0_i32, %c0_i32_0 : i32, i32
  }
  func.func @transform_5(%arg0: i32, %arg1: i32) -> (i32, i32) {
    %c0_i32 = arith.constant 0 : i32
    %c0_i32_0 = arith.constant 0 : i32
    %c0_i32_1 = arith.constant 0 : i32
    return %c0_i32, %c0_i32_0 : i32, i32
  }
  func.func @transform_6(%arg0: i32, %arg1: i32) -> (i32, i32) {
    %c0_i32 = arith.constant 0 : i32
    %c0_i32_0 = arith.constant 0 : i32
    %c0_i32_1 = arith.constant 0 : i32
    return %c0_i32, %c0_i32_0 : i32, i32
  }
  func.func @transform_7(%arg0: i32, %arg1: i32) -> (i32, i32) {
    %c0_i32 = arith.constant 0 : i32
    %c0_i32_0 = arith.constant 0 : i32
    %c0_i32_1 = arith.constant 0 : i32
    return %c0_i32, %c0_i32_0 : i32, i32
  }
  func.func @transform_9(%arg0: i32, %arg1: i32) -> (i32, i32, i32) {
    %add3A = arith.constant 12 : i32
    %add3A_0 = arith.addi %arg1, %add3A : i32
    %c0_i32 = arith.constant 0 : i32
    %c0_i32_1 = arith.constant 0 : i32
    return %add3A_0, %arg0, %c0_i32 : i32, i32, i32
  }
}

module attributes {stable_mosaic.version = 14 : i64} {
  func.func @_dense_body(%arg0: i32, %arg1: i32, %arg2: memref<1x5000x128xf32, #tpu.memory_space<vmem>>, %arg3: memref<1x5000x128xf32, #tpu.memory_space<vmem>>, %arg4: memref<2x5000x128xf32, #tpu.memory_space<vmem>>, %arg5: memref<128x128xf32, #tpu.memory_space<vmem>>, %arg6: memref<128x128xf32, #tpu.memory_space<vmem>>, %arg7: memref<1x128xf32, #tpu.memory_space<vmem>>, %arg8: memref<1x128xf32, #tpu.memory_space<vmem>>, %arg9: memref<1x128xf32, #tpu.memory_space<vmem>>, %arg10: memref<1x5000x128xf32, #tpu.memory_space<vmem>>) attributes {dimension_semantics = [#tpu.dimension_semantics<parallel>, #tpu.dimension_semantics<parallel>], iteration_bounds = array<i64: 1, 12>, scalar_prefetch = 0 : i64, scratch_operands = 0 : i64, tpu.core_type = #tpu.core_type<tc>, window_params = [{transform_indices = @transform_0, window_bounds = array<i64: 1, 5000, 128>}, {transform_indices = @transform_1, window_bounds = array<i64: 1, 5000, 128>}, {transform_indices = @transform_2, window_bounds = array<i64: 2, 5000, 128>}, {pipeline_mode = #tpu.pipeline_mode<synchronous>, transform_indices = @transform_3, window_bounds = array<i64: 128, 128>}, {pipeline_mode = #tpu.pipeline_mode<synchronous>, transform_indices = @transform_4, window_bounds = array<i64: 128, 128>}, {pipeline_mode = #tpu.pipeline_mode<synchronous>, transform_indices = @transform_5, window_bounds = array<i64: 1, 128>}, {pipeline_mode = #tpu.pipeline_mode<synchronous>, transform_indices = @transform_6, window_bounds = array<i64: 1, 128>}, {pipeline_mode = #tpu.pipeline_mode<synchronous>, transform_indices = @transform_7, window_bounds = array<i64: 1, 128>}, {transform_indices = @transform_8, window_bounds = array<i64: 1, 5000, 128>}]} {
    %get3A = arith.constant 0 : index
    %get3A_0 = arith.constant 0 : index
    %get3A_1 = arith.constant 0 : index
    %get3A_2 = vector.load %arg2[%get3A, %get3A_0, %get3A_1] : memref<1x5000x128xf32, #tpu.memory_space<vmem>>, vector<1x5000x128xf32>
    %get3A_3 = vector.shape_cast %get3A_2 : vector<1x5000x128xf32> to vector<5000x128xf32>
    %get3A_4 = arith.constant 0 : index
    %get3A_5 = arith.constant 0 : index
    %get3A_6 = arith.constant 0 : index
    %get3A_7 = vector.load %arg4[%get3A_4, %get3A_5, %get3A_6] : memref<2x5000x128xf32, #tpu.memory_space<vmem>>, vector<1x5000x128xf32>
    %get3A_8 = vector.shape_cast %get3A_7 : vector<1x5000x128xf32> to vector<5000x128xf32>
    %get3A_9 = arith.constant 1 : index
    %get3A_10 = arith.constant 0 : index
    %get3A_11 = arith.constant 0 : index
    %get3A_12 = vector.load %arg4[%get3A_9, %get3A_10, %get3A_11] : memref<2x5000x128xf32, #tpu.memory_space<vmem>>, vector<1x5000x128xf32>
    %get3A_13 = vector.shape_cast %get3A_12 : vector<1x5000x128xf32> to vector<5000x128xf32>
    %add3A = arith.addf %get3A_8, %get3A_13 : vector<5000x128xf32>
    %max3A = arith.constant 1.000000e+00 : f32
    %max3A_14 = vector.broadcast %max3A : f32 to vector<5000x128xf32>
    %max3A_15 = arith.maximumf %add3A, %max3A_14 : vector<5000x128xf32>
    %div3A = arith.constant 1.000000e+00 : f32
    %div3A_16 = vector.broadcast %div3A : f32 to vector<5000x128xf32>
    %div3A_17 = arith.divf %div3A_16, %max3A_15 : vector<5000x128xf32>
    %get3A_18 = arith.constant 0 : index
    %get3A_19 = arith.constant 0 : index
    %get3A_20 = arith.constant 0 : index
    %get3A_21 = vector.load %arg3[%get3A_18, %get3A_19, %get3A_20] : memref<1x5000x128xf32, #tpu.memory_space<vmem>>, vector<1x5000x128xf32>
    %get3A_22 = vector.shape_cast %get3A_21 : vector<1x5000x128xf32> to vector<5000x128xf32>
    %mul3A = arith.mulf %get3A_22, %div3A_17 : vector<5000x128xf32>
    %get3A_23 = arith.constant 0 : index
    %get3A_24 = arith.constant 0 : index
    %get3A_25 = vector.load %arg5[%get3A_23, %get3A_24] : memref<128x128xf32, #tpu.memory_space<vmem>>, vector<128x128xf32>
    %dot_general3A = arith.constant dense<0.000000e+00> : vector<5000x128xf32>
    %dot_general3A_26 = tpu.matmul %get3A_3, %get3A_25, %dot_general3A {dimension_numbers = #tpu.dot_dimension_numbers<[1], [0], [0], [1], [0, 0, 1, 1], [], []>, transpose_lhs_hint = false} : vector<5000x128xf32>, vector<128x128xf32>, vector<5000x128xf32> -> vector<5000x128xf32>
    %get3A_27 = arith.constant 0 : index
    %get3A_28 = arith.constant 0 : index
    %get3A_29 = vector.load %arg6[%get3A_27, %get3A_28] : memref<128x128xf32, #tpu.memory_space<vmem>>, vector<128x128xf32>
    %dot_general3A_30 = arith.constant dense<0.000000e+00> : vector<5000x128xf32>
    %dot_general3A_31 = tpu.matmul %mul3A, %get3A_29, %dot_general3A_30 {dimension_numbers = #tpu.dot_dimension_numbers<[1], [0], [0], [1], [0, 0, 1, 1], [], []>, transpose_lhs_hint = false} : vector<5000x128xf32>, vector<128x128xf32>, vector<5000x128xf32> -> vector<5000x128xf32>
    %add3A_32 = arith.addf %dot_general3A_26, %dot_general3A_31 : vector<5000x128xf32>
    %get3A_33 = arith.constant 0 : index
    %get3A_34 = arith.constant 0 : index
    %get3A_35 = vector.load %arg7[%get3A_33, %get3A_34] : memref<1x128xf32, #tpu.memory_space<vmem>>, vector<1x128xf32>
    %add3A_36 = vector.broadcast %get3A_35 : vector<1x128xf32> to vector<5000x128xf32>
    %add3A_37 = arith.addf %add3A_32, %add3A_36 : vector<5000x128xf32>
    %reduce_sum3A = arith.constant dense<0.000000e+00> : vector<5000xf32>
    %reduce_sum3A_38 = vector.multi_reduction <add>, %add3A_37, %reduce_sum3A [1] : vector<5000x128xf32> to vector<5000xf32>
    %broadcast_in_dim3A = vector.shape_cast %reduce_sum3A_38 : vector<5000xf32> to vector<5000x1xf32>
    %div3A_39 = arith.constant 1.280000e+02 : f32
    %div3A_40 = vector.broadcast %div3A_39 : f32 to vector<5000x1xf32>
    %div3A_41 = arith.divf %broadcast_in_dim3A, %div3A_40 : vector<5000x1xf32>
    %sub3A = vector.broadcast %div3A_41 : vector<5000x1xf32> to vector<5000x128xf32>
    %sub3A_42 = arith.subf %add3A_37, %sub3A : vector<5000x128xf32>
    %integer_pow3A = arith.mulf %sub3A_42, %sub3A_42 : vector<5000x128xf32>
    %reduce_sum3A_43 = arith.constant dense<0.000000e+00> : vector<5000xf32>
    %reduce_sum3A_44 = vector.multi_reduction <add>, %integer_pow3A, %reduce_sum3A_43 [1] : vector<5000x128xf32> to vector<5000xf32>
    %broadcast_in_dim3A_45 = vector.shape_cast %reduce_sum3A_44 : vector<5000xf32> to vector<5000x1xf32>
    %div3A_46 = arith.constant 1.280000e+02 : f32
    %div3A_47 = vector.broadcast %div3A_46 : f32 to vector<5000x1xf32>
    %div3A_48 = arith.divf %broadcast_in_dim3A_45, %div3A_47 : vector<5000x1xf32>
    %sub3A_49 = vector.broadcast %div3A_41 : vector<5000x1xf32> to vector<5000x128xf32>
    %sub3A_50 = arith.subf %add3A_37, %sub3A_49 : vector<5000x128xf32>
    %add3A_51 = arith.constant 9.99999974E-6 : f32
    %add3A_52 = vector.broadcast %add3A_51 : f32 to vector<5000x1xf32>
    %add3A_53 = arith.addf %div3A_48, %add3A_52 : vector<5000x1xf32>
    %rsqrt3A = math.rsqrt %add3A_53 : vector<5000x1xf32>
    %mul3A_54 = vector.broadcast %rsqrt3A : vector<5000x1xf32> to vector<5000x128xf32>
    %mul3A_55 = arith.mulf %sub3A_50, %mul3A_54 : vector<5000x128xf32>
    %get3A_56 = arith.constant 0 : index
    %get3A_57 = arith.constant 0 : index
    %get3A_58 = vector.load %arg8[%get3A_56, %get3A_57] : memref<1x128xf32, #tpu.memory_space<vmem>>, vector<1x128xf32>
    %mul3A_59 = vector.broadcast %get3A_58 : vector<1x128xf32> to vector<5000x128xf32>
    %mul3A_60 = arith.mulf %mul3A_55, %mul3A_59 : vector<5000x128xf32>
    %get3A_61 = arith.constant 0 : index
    %get3A_62 = arith.constant 0 : index
    %get3A_63 = vector.load %arg9[%get3A_61, %get3A_62] : memref<1x128xf32, #tpu.memory_space<vmem>>, vector<1x128xf32>
    %add3A_64 = vector.broadcast %get3A_63 : vector<1x128xf32> to vector<5000x128xf32>
    %add3A_65 = arith.addf %mul3A_60, %add3A_64 : vector<5000x128xf32>
    %max3A_66 = arith.constant 0.000000e+00 : f32
    %max3A_67 = vector.broadcast %max3A_66 : f32 to vector<5000x128xf32>
    %max3A_68 = arith.maximumf %add3A_65, %max3A_67 : vector<5000x128xf32>
    %swap3A = arith.constant 0 : index
    %swap3A_69 = arith.constant 0 : index
    %swap3A_70 = arith.constant 0 : index
    %swap3A_71 = vector.load %arg10[%swap3A, %swap3A_69, %swap3A_70] : memref<1x5000x128xf32, #tpu.memory_space<vmem>>, vector<1x5000x128xf32>
    %swap3A_72 = vector.shape_cast %swap3A_71 : vector<1x5000x128xf32> to vector<5000x128xf32>
    %swap3A_73 = vector.shape_cast %max3A_68 : vector<5000x128xf32> to vector<1x5000x128xf32>
    tpu.vector_store %arg10[%swap3A, %swap3A_69, %swap3A_70], %swap3A_73 {strides = array<i32>} : memref<1x5000x128xf32, #tpu.memory_space<vmem>>, vector<1x5000x128xf32>,
    return
  }
  func.func @transform_0(%arg0: i32, %arg1: i32) -> (i32, i32, i32) {
    %add3A = arith.constant 0 : i32
    %add3A_0 = arith.addi %arg1, %add3A : i32
    %c0_i32 = arith.constant 0 : i32
    %c0_i32_1 = arith.constant 0 : i32
    return %add3A_0, %arg0, %c0_i32 : i32, i32, i32
  }
  func.func @transform_1(%arg0: i32, %arg1: i32) -> (i32, i32, i32) {
    %c0_i32 = arith.constant 0 : i32
    %c0_i32_0 = arith.constant 0 : i32
    return %arg1, %arg0, %c0_i32 : i32, i32, i32
  }
  func.func @transform_2(%arg0: i32, %arg1: i32) -> (i32, i32, i32) {
    %c0_i32 = arith.constant 0 : i32
    %c0_i32_0 = arith.constant 0 : i32
    %c0_i32_1 = arith.constant 0 : i32
    return %c0_i32, %arg0, %c0_i32_0 : i32, i32, i32
  }
  func.func @transform_3(%arg0: i32, %arg1: i32) -> (i32, i32) {
    %c0_i32 = arith.constant 0 : i32
    %c0_i32_0 = arith.constant 0 : i32
    %c0_i32_1 = arith.constant 0 : i32
    return %c0_i32, %c0_i32_0 : i32, i32
  }
  func.func @transform_4(%arg0: i32, %arg1: i32) -> (i32, i32) {
    %c0_i32 = arith.constant 0 : i32
    %c0_i32_0 = arith.constant 0 : i32
    %c0_i32_1 = arith.constant 0 : i32
    return %c0_i32, %c0_i32_0 : i32, i32
  }
  func.func @transform_5(%arg0: i32, %arg1: i32) -> (i32, i32) {
    %c0_i32 = arith.constant 0 : i32
    %c0_i32_0 = arith.constant 0 : i32
    %c0_i32_1 = arith.constant 0 : i32
    return %c0_i32, %c0_i32_0 : i32, i32
  }
  func.func @transform_6(%arg0: i32, %arg1: i32) -> (i32, i32) {
    %c0_i32 = arith.constant 0 : i32
    %c0_i32_0 = arith.constant 0 : i32
    %c0_i32_1 = arith.constant 0 : i32
    return %c0_i32, %c0_i32_0 : i32, i32
  }
  func.func @transform_7(%arg0: i32, %arg1: i32) -> (i32, i32) {
    %c0_i32 = arith.constant 0 : i32
    %c0_i32_0 = arith.constant 0 : i32
    %c0_i32_1 = arith.constant 0 : i32
    return %c0_i32, %c0_i32_0 : i32, i32
  }
  func.func @transform_8(%arg0: i32, %arg1: i32) -> (i32, i32, i32) {
    %add3A = arith.constant 0 : i32
    %add3A_0 = arith.addi %arg1, %add3A : i32
    %c0_i32 = arith.constant 0 : i32
    %c0_i32_1 = arith.constant 0 : i32
    return %add3A_0, %arg0, %c0_i32 : i32, i32, i32
  }
}

</mosaic_0001>

<sc_bundles>
// kernel: kernel.6.cloned.1.call-start
scs
__scs_entry_jumppad:
0x0: {  	(pc) =	sbr.rel $0x88, $3  }
0x1: {  	(tag) =	ssettag $0x0;
	lr =	simm.s32 $0x1  }
0x2: {  	[smem:$0x3F9A] =	sst lr;
	_ =	strace $0xD0000000  }
0x3: {  	_ = 	snop  }
0x4: {  	_ = 	snop  }
0x5: {  	_ = 	snop  }
0x6: {  	_ = 	snop  }
0x7: {  	_ = 	snop  }
__scs_overlays_trampoline_lowered:
0x8: {  	[smem:$0x3FA9] =	sst s0  }
0x9: {  	[smem:$0x3FAA] =	sst s1  }
0xa: {  	[smem:$0x3FAB] =	sst s2  }
0xb: {  	[smem:$0x3FAC] =	sst s3  }
0xc: {  	[smem:$0x3FAD] =	sst s4  }
0xd: {  	[smem:$0x3FAE] =	sst s5  }
0xe: {  	[smem:$0x3FAF] =	sst s6  }
0xf: {  	[smem:$0x3FB0] =	sst s7  }
0x10: {  	[smem:$0x3FB1] =	sst s8  }
0x11: {  	[smem:$0x3FB2] =	sst s9;
	s0 =	simm.s32 @!p0 $0x0  }
0x12: {  	s1 =	sld [smem:$0x3F98];
	s0 =	simm.s32 @p0 $0x1  }
0x13: {  	[smem:$0x3FB3] =	sst s0;
	s0 =	simm.s32 @!p1 $0x0  }
0x14: {  	s2 =	sld [smem:$0x3F97];
	s0 =	simm.s32 @p1 $0x1  }
0x15: {  	[smem:$0x3FB4] =	sst s0;
	s0 =	simm.s32 @!p2 $0x0  }
0x16: {  	s3 =	sld [smem:$0x3FDB];
	s0 =	simm.s32 @p2 $0x1  }
0x17: {  	s4 =	simm.s32 $0x1BF5;
	[smem:$0x3FB6] =	sst s0  }
0x18: {  	s0 =	sld [smem:$0x3F99];
	_ =	swait.ge [sflag:s4], $0x0  }
0x19: {  	s7 =	sld [smem:$0x3F9A]  }
0x1a: {  	s8 =	sadd.s32 $0xFFFFE003, lr  }
0x1b: {  	s9 =	sadd.s32 $0xFFFFFEF7, lr;
	s5 =	simm.s32 $0xFFFFFFFF;
	p2 =	slt.u32 s8, $0xFFFFF086  }
0x1c: {  	p1 =	slt.u32 s9, $0xF7A;
	s5 =	simm.s32 @!p2 $0x0  }
0x1d: {  	s5 =	simm.s32 @p1 $0x1;
	p0 =	seq.s32 s7, s2  }
0x1e: {  	s7 =	smul.u32 @!p0 $0xF7A, s2;
	p2 =	seq.s32 @!p0 s5, $0x0  }
0x1f: {  	s9 =	smul.u32 $0xF7A, s1;
	s8 =	simm.s32 @!p0 $0x1BF5;
	p2 =	por !p2, p0  }
0x20: {  	[sflag:s8] =	ssyncset.s32 @!p0 $0xFFFFF086;
	s6 =	sadd.s32 @!p0 s3, s7;
	s7 =	simm.s32 @!p0 $0x108  }
0x21: {  	s3 =	sadd.s32 s3, s9;
	s6 =	sadd.s32 @!p0 $0x88, s6;
	s7 =	simm.s32 @p2 $0x1082  }
0x22: {  	[simem:s7], [sflag:s8] =	dma.local @!p0 [hbm:s6], $0xF7A  }
0x23: {  	s9 =	sor.u32 $0xD0000000, s2;
	s6 =	simm.s32 $0x108;
	_ =	swait.ge @!p0 [sflag:s8], $0x0  }
0x24: {  	s3 =	sadd.s32 $0x88, s3;
	s6 =	simm.s32 @!p1 $0x1082;
	[sflag:s4] =	ssyncset.s32 $0xFFFFF086  }
0x25: {  	[simem:s6], [sflag:s4] =	dma.local [hbm:s3], $0xF7A  }
0x26: {  	[smem:$0x3F9A] =	sst s1;
	(tag) =	ssettag s2;
	_ =	strace s9  }
0x27: {  	s1 =	sld [smem:$0x3FAA]  }
0x28: {  	s2 =	sld [smem:$0x3FAB]  }
0x29: {  	s4 =	sld [smem:$0x3FAD]  }
0x2a: {  	p0 =	seq.s32 s5, $0x0;
	s5 =	sld [smem:$0x3FAE]  }
0x2b: {  	s6 =	sld [smem:$0x3FAF]  }
0x2c: {  	s7 =	sld [smem:$0x3FB0]  }
0x2d: {  	s3 =	simm.s32 $0x108;
	s8 =	sld [smem:$0x3FB1]  }
0x2e: {  	s3 =	simm.s32 @!p0 $0x1082;
	s9 =	sld [smem:$0x3FB2]  }
0x2f: {  	lr =	sadd.s32 s0, s3;
	s0 =	sld [smem:$0x3FA9]  }
0x30: {  	s3 =	sld [smem:$0x3FAC]  }
0x31: {  	[smem:$0x3FB5] =	sst s10  }
0x32: {  	s10 =	sld [smem:$0x3FB3];
	_ =	sdelay $0x3  }
0x33: {  	p0 =	seq.s32 s10, $0x1;
	s10 =	sld [smem:$0x3FB5];
	_ =	sdelay $0x3  }
0x34: {  	[smem:$0x3FB5] =	sst s10  }
0x35: {  	s10 =	sld [smem:$0x3FB4];
	_ =	sdelay $0x3  }
0x36: {  	p1 =	seq.s32 s10, $0x1;
	s10 =	sld [smem:$0x3FB5];
	_ =	sdelay $0x3  }
0x37: {  	[smem:$0x3FB5] =	sst s10  }
0x38: {  	s10 =	sld [smem:$0x3FB6]  }
0x39: {  	_ = 	snop;
	(pc) =	sbr.ind lr, $3  }
0x3a: {  	_ = 	snop  }
0x3b: {  	_ = 	snop  }
0x3c: {  	p2 =	seq.s32 s10, $0x1;
	s10 =	sld [smem:$0x3FB5]  }
0x3d: {  	_ =	shalt  }
0x3e: {  	_ =	shalt  }
0x3f: {  	_ =	shalt  }
0x40: {  	_ =	shalt  }
0x41: {  	_ =	shalt  }
0x42: {  	_ =	shalt  }
0x43: {  	_ =	shalt  }
0x44: {  	_ =	shalt  }
0x45: {  	_ =	shalt  }
0x46: {  	_ =	shalt  }
0x47: {  	_ =	shalt  }
0x48: {  	_ =	shalt  }
0x49: {  	_ =	shalt  }
0x4a: {  	_ =	shalt  }
0x4b: {  	_ =	shalt  }
0x4c: {  	_ =	shalt  }
0x4d: {  	_ =	shalt  }
0x4e: {  	_ =	shalt  }
0x4f: {  	_ =	shalt  }
0x50: {  	_ =	shalt  }
0x51: {  	_ =	shalt  }
0x52: {  	_ =	shalt  }
0x53: {  	_ =	shalt  }
0x54: {  	_ =	shalt  }
0x55: {  	_ =	shalt  }
0x56: {  	_ =	shalt  }
0x57: {  	_ =	shalt  }
0x58: {  	_ =	shalt  }
0x59: {  	_ =	shalt  }
0x5a: {  	_ =	shalt  }
0x5b: {  	_ =	shalt  }
0x5c: {  	_ =	shalt  }
0x5d: {  	_ =	shalt  }
0x5e: {  	_ =	shalt  }
0x5f: {  	_ =	shalt  }
0x60: {  	_ =	shalt  }
0x61: {  	_ =	shalt  }
0x62: {  	_ =	shalt  }
0x63: {  	_ =	shalt  }
0x64: {  	_ =	shalt  }
0x65: {  	_ =	shalt  }
0x66: {  	_ =	shalt  }
0x67: {  	_ =	shalt  }
0x68: {  	_ =	shalt  }
0x69: {  	_ =	shalt  }
0x6a: {  	_ =	shalt  }
0x6b: {  	_ =	shalt  }
0x6c: {  	_ =	shalt  }
0x6d: {  	_ =	shalt  }
0x6e: {  	_ =	shalt  }
0x6f: {  	_ =	shalt  }
0x70: {  	_ =	shalt  }
0x71: {  	_ =	shalt  }
0x72: {  	_ =	shalt  }
0x73: {  	_ =	shalt  }
0x74: {  	_ =	shalt  }
0x75: {  	_ =	shalt  }
0x76: {  	_ =	shalt  }
0x77: {  	_ =	shalt  }
0x78: {  	_ =	shalt  }
0x79: {  	_ =	shalt  }
0x7a: {  	_ =	shalt  }
0x7b: {  	_ =	shalt  }
0x7c: {  	_ =	shalt  }
0x7d: {  	_ =	shalt  }
0x7e: {  	_ =	shalt  }
0x7f: {  	_ =	shalt  }
0x80: {  	_ =	shalt  }
0x81: {  	_ =	shalt  }
0x82: {  	_ =	shalt  }
0x83: {  	_ =	shalt  }
0x84: {  	_ =	shalt  }
0x85: {  	_ =	shalt  }
0x86: {  	_ =	shalt  }
0x87: {  	_ =	shalt  }
.Lfunc_end0:
.L_simem_size_0:
called_computation_lowered:
.L_overlay_start_0:
0x88: {  	s2 =	sld [smem:$0x3FD9]  }
0x89: {  	s3 =	sld [smem:$0x3FFE];
	_ =	sdelay $0x1  }
0x8a: {  	s1 =	srdreg.scid  }
0x8b: {  	s0 =	sand.u32 $0x1, s1  }
0x8c: {  	s17 =	sshll.u32 s0, $0xA;
	s2 =	sadd.s32 s3, s2  }
0x8d: {  	s2 =	sadd.s32 s2, s17  }
0x8e: {  	[smem:$0x3FC1] =	sst s2  }
0x8f: {  	_ = 	snop  }
0x90: {  	s2 =	sld [smem:$0x3FC9]  }
0x91: {  	s18 =	sld [smem:$0x3FD0];
	(tm) =	ssettm $0x1  }
0x92: {  	s4 =	sld [smem:$0x3FFB];
	_ =	sdelay $0x3  }
0x93: {  	_ =	strace s4  }
0x94: {  	s4 =	sld [smem:$0x3FFC];
	_ =	sdelay $0x3  }
0x95: {  	_ =	strace s4  }
0x96: {  	s4 =	sld [smem:$0x3FFD];
	_ =	sdelay $0x3  }
0x97: {  	_ =	strace s4  }
0x98: {  	_ =	strace $0x8FFFFFFF  }
0x99: {  	s19 =	sld [smem:$0x3FDB];
	_ =	sdelay $0x1  }
0x9a: {  	s5 =	simm.s32 $_scs_section_size  }
0x9b: {  	s6 =	simm.s32 $_size__tile_overlayer_lowered;
	s7 =	simm.s32 $_tile_overlayer_lowered  }
0x9c: {  	s22 =	simm.s32 $0x1BFF;
	s21 =	sshll.u32 s7, $0x1;
	s4 =	sadd.s32 s5, s19  }
0x9d: {  	s8 =	simm.s32 $0x0;
	s20 =	sshll.u32 s6, $0x1;
	s6 =	sadd.s32 s21, s4  }
0x9e: {  	[timem:s8], [sflag:s22] =	dma.local [hbm:s6], s20  }
0x9f: {  	_ =	swait.ge [sflag:s22], s20  }
0xa0: {  	s5 =	ssub.s32 $0x0, s20;
	[sflag:s22] =	ssyncset.done $0x0  }
0xa1: {  	[sflag:s22] =	ssyncadd.s32 s5;
	_ =	sdelay $0x1  }
0xa2: {  	s23 =	simm.s32 $0x1B8B  }
0xa3: {  	_ =	swait.ge [sflag:s23], $0x1  }
0xa4: {  	[sflag:s23] =	ssyncset.done $0x0  }
0xa5: {  	s25 =	simm.s32 $0x1B8E;
	s24 =	sld [smem:$0x3FFE];
	[sflag:s23] =	ssyncadd.s32 $0xFFFFFFFF  }
0xa6: {  	s26 =	simm.s32 $execute0_lowered;
	[smem:$0x3FD2] =	sst s25  }
0xa7: {  	s6 =	sshll.u32 s26, $0x1;
	_ =	strace $0x80000046;
	[dreg:$0x1] =	wrdreg $0xFFFFFFFF  }
0xa8: {  	s28 =	simm.s32 $_size_execute0_lowered;
	s4 =	sadd.s32 s4, s6;
	[dreg:$0x0] =	wrdreg $0x0  }
0xa9: {  	s6 =	sshll.u32 s28, $0x1;
	[dreg:$0x2] =	wrdreg s4  }
0xaa: {  	[dreg:$0x3] =	wrdreg s6  }
0xab: {  	[dreg:$0x4] =	wrdreg $0xC0  }
0xac: {  	_ =	task [dreg:s8], $0x5FFFF  }
0xad: {  	[dreg:$0x1] =	wrdreg $0xFFFFFFFF  }
0xae: {  	[dreg:$0x0] =	wrdreg $0x60  }
0xaf: {  	[dreg:$0x2] =	wrdreg s2  }
0xb0: {  	[dreg:$0x3] =	wrdreg s24  }
0xb1: {  	[dreg:$0x4] =	wrdreg s18  }
0xb2: {  	[dreg:$0x5] =	wrdreg $0x130000  }
0xb3: {  	[dreg:$0x6] =	wrdreg $0x9  }
0xb4: {  	_ =	task.clear_ibuf [dreg:s8], $0x7FFFF;
	_ =	strace $0x90000046  }
0xb5: {  	s29 =	simm.s32 $0x9;
	_ =	strace $0x80000048  }
0xb6: {  	_ =	swait.ge [sflag:s29], $0x1  }
0xb7: {  	[sflag:s29] =	ssyncadd.s32 $0xFFFFFFFF  }
0xb8: {  	_ =	strace $0x90000048  }
0xb9: {  	_ =	sfence  }
0xba: {  	s30 =	sld [smem:$0x0];
	_ =	sdelay $0x2  }
0xbb: {  	s31 =	sshll.u32 s1, $0xD;
	s1 =	sshrl.u32 s1, $0x2  }
0xbc: {  	s3 =	sand.u32 $0x4000, s31;
	s1 =	sadd.s32 s1, s30  }
0xbd: {  	s0 =	sor.u32 s3, s0;
	s1 =	sshll.u32 s1, $0x11  }
0xbe: {  	s0 =	sor.u32 s1, s0  }
0xbf: {  	s0 =	sadd.s32 $0x8F2B, s0  }
0xc0: {  	[sflag:s0] =	ssyncadd.remote.s32 $0x1  }
0xc1: {  	_ =	sfence.sel $0xFFFF  }
0xc2: {  	[dreg:$0x0] =	wrdreg $0xFFFFFFFF;
	(pc) =	sbr.abs _section_cstart, $3  }
0xc3: {  	[dreg:$0x1] =	wrdreg $0xFFFFFFFF  }
0xc4: {  	_ =	task.clear_ibuf [dreg:s8], $0x2FFFF;
	_ =	strace $0x9FFFFFFF  }
0xc5: {  	(tm) =	ssettm $0x7FFFFFFF  }
tec
execute0_lowered:
.L_overlay_start_1:
0x0: {  	(tag) =	ssettag $0x1  }
0x1: {  	s1 =	rddreg [dreg:$0x0]  }
0x2: {  	s0 =	rddreg [dreg:$0x1]  }
0x3: {  	s2 =	rddreg [dreg:$0x2]  }
0x4: {  	s3 =	rddreg [dreg:$0x3];
	s15 =	simm.s32 $0x0  }
0x5: {  	s10 =	stileid.u32;
	s4 =	srdreg.scid;
	s28 =	simm.s32 $0x11000  }
0x6: {  	s29 =	simm.s32 $0x80;
	s30 =	simm.s32 $0x1000;
	s31 =	simm.s32 $0x1  }
0x7: {  	[smem:$0x7FF] =	sst s15;
	s5 =	sshll.u32 s10, $0x8;
	s6 =	smul.u32 $0x28000, s10  }
0x8: {  	s4 =	sand.u32 $0x1, s4;
	s10 =	smul.u32 $0xA000, s10;
	s8 =	sadd.s32 s5, s0  }
0x9: {  	_ =	strace $0x80000047;
	s7 =	ssub.s32 $0x2, s4;
	s14 =	sadd.s32 $0x2C00, s8  }
0xa: {  	s17 =	sshll.u32 s4, $0xA;
	s16 =	sadd.s32 $0x1C00, s8;
	[dreg:$0x6] =	wrdreg s14  }
0xb: {  	s5 =	sadd.s32 $0x3C00, s0;
	s19 =	sor.u32 $0x880, s17;
	[dreg:$0x7] =	wrdreg s16  }
0xc: {  	s18 =	smul.u32 $0xA0000, s4;
	s20 =	sor.u32 $0x900, s17;
	[dreg:$0x9] =	wrdreg s19  }
0xd: {  	s24 =	smul.u32 $0x7530, s4;
	s21 =	sor.u32 $0x980, s17;
	[dreg:$0xa] =	wrdreg s20  }
0xe: {  	s13 =	sshrl.u32 s7, $0x1;
	s22 =	sor.u32 $0xA00, s17;
	[dreg:$0xb] =	wrdreg s21  }
0xf: {  	s6 =	sshrl.u32 s6, $0x2;
	s23 =	sor.u32 $0xA80, s17;
	[dreg:$0xc] =	wrdreg s22  }
0x10: {  	s25 =	sor.u32 $0xB00, s17;
	s26 =	sor.u32 $0xB80, s17;
	[dreg:$0xd] =	wrdreg s23  }
0x11: {  	s0 =	ssub.s32 s7, s13;
	s7 =	sadd.s32 s6, s3;
	[dreg:$0xf] =	wrdreg s25  }
0x12: {  	s14 =	sor.u32 $0x800, s17;
	s8 =	sadd.s32 s10, s18;
	[dreg:$0x10] =	wrdreg s26  }
0x13: {  	s23 =	smul.u32 $0x6, s4;
	s25 =	simm.s32 $0x5;
	s6 =	simm.s32 $0x9000  }
0x14: {  	s18 =	simm.s32 $0x3;
	s21 =	simm.s32 $0x4;
	s26 =	simm.s32 $0xE80  }
0x15: {  	v0 =	vmov s24;
	s22 =	simm.s32 $0xF00;
	s24 =	simm.s32 $0xF80;
	s9 =	sadd.s32 $0x2000, s7  }
0x16: {  	s11 =	sadd.s32 $0x4000, s7;
	s12 =	sadd.s32 $0x6000, s7;
	s13 =	sadd.s32 $0x8000, s7  }
0x17: {  	[dreg:$0x8] =	wrdreg s14;
	s8 =	sshrl.u32 s8, $0x3;
	s0 =	smax.u32 s0, $0x1  }
0x18: {  	s14 =	simm.s32 $0xD000;
	s2 =	sadd.s32 s2, s8;
	[dreg:$0x11] =	wrdreg s0  }
0x19: {  	v1 =	vimm.f32 $0.0e+00;
	v2 =	vimm.f32 $1.000000000e+00;
	s0 =	simm.s32 $0x2;
	[dreg:$0xe] =	wrdreg s2;
	s2 =	simm.s32 $0x5000  }
.LBB2_1:
0x1a: {  	s4 =	simm.s32 $0x0;
	s8 =	simm.s32 $0x200  }
.LBB2_2:
0x1b: {  	p0 =	sne.s32 s8, $0x7E00;
	[tilespmem:s4+$0x11070] =	vst v1  }
0x1c: {  	[tilespmem:s4+$0x11000] =	vst v1  }
0x1d: {  	[tilespmem:s4+$0x11010] =	vst v1  }
.Ltmp0:
0x1e: {  	[tilespmem:s4+$0x11020] =	vst v1;
	(pc) =	sbr.rel @p0 .LBB2_2-.Ltmp0, $4  }
0x1f: {  	[tilespmem:s4+$0x11030] =	vst v1  }
0x20: {  	[tilespmem:s4+$0x11040] =	vst v1  }
0x21: {  	[tilespmem:s4+$0x11050] =	vst v1  }
0x22: {  	[tilespmem:s4+$0x11060] =	vst v1;
	s4 =	sshra.s32 s8, $0x2;
	s8 =	sadd.s32 $0x200, s8  }
0x23: {  	[tilespmem:s4+$0x11070] =	vst v1  }
0x24: {  	[tilespmem:s4+$0x11000] =	vst v1  }
0x25: {  	[tilespmem:s4+$0x11010] =	vst v1  }
0x26: {  	[tilespmem:s4+$0x11020] =	vst v1  }
0x27: {  	[tilespmem:s4+$0x11030] =	vst v1  }
0x28: {  	[tilespmem:s4+$0x11040] =	vst v1  }
0x29: {  	[dreg:$0x5] =	wrdreg s15;
	[tilespmem:s4+$0x11050] =	vst v1  }
0x2a: {  	[tilespmem:s4+$0x11060] =	vst v1;
	s17 =	simm.s32 $0x0;
	s8 =	rddreg [dreg:$0x6]  }
0x2b: {  	[tilespmem:s17], [sflag:$0x5] =	stream.linear.gather [hbm4b:s8+s17], $0x800, $0x38;
	[tilespmem:$0x1D000] =	vst v63  }
0x2c: {  	_ =	swait.ge [sflag:s25], $0x800  }
0x2d: {  	[sflag:s25] =	ssyncset.done $0x0  }
0x2e: {  	s20 =	simm.s32 $0x800;
	s19 =	rddreg [dreg:$0x7];
	[sflag:s25] =	ssyncadd.s32 $0xFFFFF800  }
0x2f: {  	[tilespmem:s20], [sflag:$0x5] =	stream.linear.gather [hbm4b:s19+s17], $0x800, $0x38;
	[tilespmem:$0x1D000] =	vst v63  }
0x30: {  	_ =	swait.ge [sflag:s25], $0x800  }
0x31: {  	[sflag:s25] =	ssyncset.done $0x0  }
0x32: {  	s4 =	simm.s32 $0x0;
	s8 =	simm.s32 $0x200;
	[sflag:s25] =	ssyncadd.s32 $0xFFFFF800  }
.LBB2_4:
0x33: {  	p0 =	sne.s32 s8, $0xFE00;
	[tilespmem:s4+$0x1070] =	vst v2  }
0x34: {  	[tilespmem:s4+$0x1000] =	vst v2  }
0x35: {  	[tilespmem:s4+$0x1010] =	vst v2  }
.Ltmp1:
0x36: {  	[tilespmem:s4+$0x1020] =	vst v2;
	(pc) =	sbr.rel @p0 .LBB2_4-.Ltmp1, $4  }
0x37: {  	[tilespmem:s4+$0x1030] =	vst v2  }
0x38: {  	[tilespmem:s4+$0x1040] =	vst v2  }
0x39: {  	[tilespmem:s4+$0x1050] =	vst v2  }
0x3a: {  	[tilespmem:s4+$0x1060] =	vst v2;
	s4 =	sshra.s32 s8, $0x2;
	s8 =	sadd.s32 $0x200, s8  }
0x3b: {  	[tilespmem:s4+$0x1070] =	vst v2  }
0x3c: {  	[tilespmem:s4+$0x1000] =	vst v2  }
0x3d: {  	[tilespmem:s4+$0x1010] =	vst v2  }
0x3e: {  	[tilespmem:s4+$0x1020] =	vst v2  }
0x3f: {  	[tilespmem:s4+$0x1030] =	vst v2  }
0x40: {  	[tilespmem:s4+$0x1040] =	vst v2  }
0x41: {  	[tilespmem:s4+$0x1050] =	vst v2  }
0x42: {  	[tilespmem:s4+$0x1060] =	vst v2  }
0x43: {  	[spmem:s7] =	stream.linear.scatter [tilespmem:s28], [sflag:$0x5], $0x2000, $0x38;
	[tilespmem:$0x1D000] =	vst v63  }
0x44: {  	_ =	swait.ge [sflag:s25], $0x2000  }
0x45: {  	[sflag:s25] =	ssyncset.done $0x0  }
0x46: {  	[sflag:s25] =	ssyncadd.s32 $0xFFFFE000  }
0x47: {  	[spmem:s9] =	stream.linear.scatter [tilespmem:s28], [sflag:$0x5], $0x2000, $0x38;
	[tilespmem:$0x1D000] =	vst v63  }
0x48: {  	_ =	swait.ge [sflag:s25], $0x2000  }
0x49: {  	[sflag:s25] =	ssyncset.done $0x0  }
0x4a: {  	[sflag:s25] =	ssyncadd.s32 $0xFFFFE000  }
0x4b: {  	[spmem:s11] =	stream.linear.scatter [tilespmem:s28], [sflag:$0x5], $0x2000, $0x38;
	[tilespmem:$0x1D000] =	vst v63  }
0x4c: {  	_ =	swait.ge [sflag:s25], $0x2000  }
0x4d: {  	[sflag:s25] =	ssyncset.done $0x0  }
0x4e: {  	[sflag:s25] =	ssyncadd.s32 $0xFFFFE000  }
0x4f: {  	[spmem:s12] =	stream.linear.scatter [tilespmem:s28], [sflag:$0x5], $0x2000, $0x38;
	[tilespmem:$0x1D000] =	vst v63  }
0x50: {  	_ =	swait.ge [sflag:s25], $0x2000  }
0x51: {  	[sflag:s25] =	ssyncset.done $0x0  }
0x52: {  	[sflag:s25] =	ssyncadd.s32 $0xFFFFE000  }
0x53: {  	[spmem:s13] =	stream.linear.scatter [tilespmem:s28], [sflag:$0x5], $0x2000, $0x38;
	[tilespmem:$0x1D000] =	vst v63  }
0x54: {  	_ =	swait.ge [sflag:s25], $0x2000  }
0x55: {  	[sflag:s25] =	ssyncset.done $0x0  }
0x56: {  	[sflag:s25] =	ssyncadd.s32 $0xFFFFE000  }
0x57: {  	[bflag:$0x0] =	sbarrier.arrive $0xFFFF  }
0x58: {  	s17 =	rddreg [dreg:$0x8]  }
0x59: {  	[spmem:s3] =	stream.indirect.scatter.add.f32 [tilespmem:s30], [sflag:$0x1], $0x80, s17, s29, $0xb8;
	[tilespmem:$0x1D000] =	vst v63  }
0x5a: {  	s19 =	rddreg [dreg:$0x9]  }
0x5b: {  	[spmem:s3] =	stream.indirect.scatter.add.f32 [tilespmem:s30], [sflag:$0x2], $0x80, s19, s29, $0xb8;
	[tilespmem:$0x1D000] =	vst v63  }
0x5c: {  	_ =	swait.ge [sflag:s31], $0x4000  }
0x5d: {  	[sflag:s31] =	ssyncset.done $0x0  }
0x5e: {  	s20 =	rddreg [dreg:$0xa];
	[sflag:s31] =	ssyncadd.s32 $0xFFFFC000  }
0x5f: {  	[spmem:s3] =	stream.indirect.scatter.add.f32 [tilespmem:s30], [sflag:$0x1], $0x80, s20, s29, $0xb8;
	[tilespmem:$0x1D000] =	vst v63  }
0x60: {  	_ =	swait.ge [sflag:s0], $0x4000  }
0x61: {  	[sflag:s0] =	ssyncset.done $0x0  }
0x62: {  	s8 =	rddreg [dreg:$0xb];
	[sflag:s0] =	ssyncadd.s32 $0xFFFFC000  }
0x63: {  	[spmem:s3] =	stream.indirect.scatter.add.f32 [tilespmem:s30], [sflag:$0x2], $0x80, s8, s29, $0xb8;
	[tilespmem:$0x1D000] =	vst v63  }
0x64: {  	_ =	swait.ge [sflag:s31], $0x4000  }
0x65: {  	[sflag:s31] =	ssyncset.done $0x0  }
0x66: {  	s15 =	rddreg [dreg:$0xc];
	[sflag:s31] =	ssyncadd.s32 $0xFFFFC000  }
0x67: {  	[spmem:s3] =	stream.indirect.scatter.add.f32 [tilespmem:s30], [sflag:$0x1], $0x80, s15, s29, $0xb8;
	[tilespmem:$0x1D000] =	vst v63  }
0x68: {  	_ =	swait.ge [sflag:s0], $0x4000  }
0x69: {  	[sflag:s0] =	ssyncset.done $0x0  }
0x6a: {  	s16 =	rddreg [dreg:$0xd];
	[sflag:s0] =	ssyncadd.s32 $0xFFFFC000  }
0x6b: {  	[spmem:s3] =	stream.indirect.scatter.add.f32 [tilespmem:s30], [sflag:$0x2], $0x80, s16, s29, $0xb8;
	[tilespmem:$0x1D000] =	vst v63  }
0x6c: {  	_ =	swait.ge [sflag:s31], $0x4000  }
0x6d: {  	[sflag:s31] =	ssyncset.done $0x0  }
0x6e: {  	s17 =	rddreg [dreg:$0xf];
	[sflag:s31] =	ssyncadd.s32 $0xFFFFC000  }
0x6f: {  	[spmem:s3] =	stream.indirect.scatter.add.f32 [tilespmem:s30], [sflag:$0x1], $0x80, s17, s29, $0xb8;
	[tilespmem:$0x1D000] =	vst v63  }
0x70: {  	_ =	swait.ge [sflag:s0], $0x4000  }
0x71: {  	[sflag:s0] =	ssyncset.done $0x0  }
0x72: {  	s19 =	rddreg [dreg:$0x10];
	[sflag:s0] =	ssyncadd.s32 $0xFFFFC000  }
0x73: {  	[spmem:s3] =	stream.indirect.scatter.add.f32 [tilespmem:s30], [sflag:$0x2], $0x80, s19, s29, $0xb8;
	[tilespmem:$0x1D000] =	vst v63  }
0x74: {  	_ =	swait.ge [sflag:s31], $0x4000  }
0x75: {  	[sflag:s31] =	ssyncset.done $0x0  }
0x76: {  	[sflag:s31] =	ssyncadd.s32 $0xFFFFC000  }
0x77: {  	_ =	swait.ge [sflag:s0], $0x4000  }
0x78: {  	[sflag:s0] =	ssyncset.done $0x0  }
0x79: {  	s20 =	stileid.u32;
	[sflag:s0] =	ssyncadd.s32 $0xFFFFC000  }
0x7a: {  	s4 =	sshll.u32 s20, $0x6;
	[bflag:$0x0] =	sbarrier.arrive $0xFFFF  }
0x7b: {  	s4 =	sor.u32 $0x1C05, s4;
	s8 =	sshrl.u32 s7, $0x3;
	s15 =	rddreg [dreg:$0xe]  }
0x7c: {  	[hbm:s15], [sflag:s4] =	dma.local [spmem:s8], $0x1400  }
0x7d: {  	_ =	swait.ge [sflag:s25], $0x1400  }
0x7e: {  	[sflag:s25] =	ssyncset.done $0x0  }
0x7f: {  	s15 =	simm.s32 $0x0;
	[sflag:s25] =	ssyncadd.s32 $0xFFFFEC00  }
0x80: {  	v5 =	vld [tilespmem:s15+$0x0]  }
0x81: {  	v7 =	vld [tilespmem:s15+$0x10]  }
0x82: {  	v6 =	vld [tilespmem:s15+$0x20]  }
0x83: {  	v4 =	vld [tilespmem:s15+$0x30]  }
0x84: {  	v3 =	vld [tilespmem:s15+$0x40]  }
0x85: {  	v8 =	vadd.s32 v0, v5;
	v5 =	vld [tilespmem:s15+$0x50]  }
0x86: {  	s16 =	simm.s32 $0x200;
	[tilespmem:s15+$0x0] =	vst v8;
	v8 =	vadd.s32 v0, v7;
	v7 =	vld [tilespmem:s15+$0x60]  }
.LBB2_6:
0x87: {  	s17 =	sshra.s32 s16, $0x2;
	p0 =	sne.s32 s16, $0x1E00;
	[tilespmem:s15+$0x10] =	vst v8;
	v6 =	vadd.s32 v0, v6;
	v8 =	vld [tilespmem:s15+$0x70]  }
0x88: {  	v9 =	vld [tilespmem:s17+$0x0];
	[tilespmem:s15+$0x20] =	vst v6;
	v4 =	vadd.s32 v0, v4  }
0x89: {  	v10 =	vld [tilespmem:s17+$0x10];
	[tilespmem:s15+$0x30] =	vst v4;
	v3 =	vadd.s32 v0, v3  }
.Ltmp2:
0x8a: {  	v6 =	vld [tilespmem:s17+$0x20];
	[tilespmem:s15+$0x40] =	vst v3;
	v3 =	vadd.s32 v0, v5;
	(pc) =	sbr.rel @p0 .LBB2_6-.Ltmp2, $4  }
0x8b: {  	v4 =	vld [tilespmem:s17+$0x30];
	[tilespmem:s15+$0x50] =	vst v3;
	v5 =	vadd.s32 v0, v7  }
0x8c: {  	v3 =	vld [tilespmem:s17+$0x40];
	[tilespmem:s15+$0x60] =	vst v5;
	v7 =	vadd.s32 v0, v8  }
0x8d: {  	v8 =	vadd.s32 v0, v9;
	v5 =	vld [tilespmem:s17+$0x50];
	[tilespmem:s15+$0x70] =	vst v7;
	s15 =	smov.u32 s17  }
0x8e: {  	s16 =	sadd.s32 $0x200, s16;
	[tilespmem:s15+$0x0] =	vst v8;
	v8 =	vadd.s32 v0, v10;
	v7 =	vld [tilespmem:s15+$0x60]  }
0x8f: {  	[tilespmem:s15+$0x10] =	vst v8;
	v6 =	vadd.s32 v0, v6;
	v63 =	vld [tilespmem:s15+$0x70]  }
0x90: {  	[tilespmem:s15+$0x20] =	vst v6;
	v4 =	vadd.s32 v0, v4  }
0x91: {  	[tilespmem:s15+$0x30] =	vst v4;
	v3 =	vadd.s32 v0, v3  }
0x92: {  	[tilespmem:s15+$0x40] =	vst v3;
	v3 =	vadd.s32 v0, v5  }
0x93: {  	[tilespmem:s15+$0x50] =	vst v3;
	v3 =	vadd.s32 v0, v7  }
0x94: {  	[tilespmem:s15+$0x60] =	vst v3;
	v3 =	vadd.s32 v0, v63  }
0x95: {  	[tilespmem:s15+$0x70] =	vst v3  }
0x96: {  	[spmem:s7] =	stream.linear.scatter [tilespmem:s28], [sflag:$0x5], $0x2000, $0x38;
	[tilespmem:$0x1D000] =	vst v63  }
0x97: {  	_ =	swait.ge [sflag:s25], $0x2000  }
0x98: {  	[sflag:s25] =	ssyncset.done $0x0  }
0x99: {  	[sflag:s25] =	ssyncadd.s32 $0xFFFFE000  }
0x9a: {  	[spmem:s9] =	stream.linear.scatter [tilespmem:s28], [sflag:$0x5], $0x2000, $0x38;
	[tilespmem:$0x1D000] =	vst v63  }
0x9b: {  	_ =	swait.ge [sflag:s25], $0x2000  }
0x9c: {  	[sflag:s25] =	ssyncset.done $0x0  }
0x9d: {  	[sflag:s25] =	ssyncadd.s32 $0xFFFFE000  }
0x9e: {  	[spmem:s11] =	stream.linear.scatter [tilespmem:s28], [sflag:$0x5], $0x2000, $0x38;
	[tilespmem:$0x1D000] =	vst v63  }
0x9f: {  	_ =	swait.ge [sflag:s25], $0x2000  }
0xa0: {  	[sflag:s25] =	ssyncset.done $0x0  }
0xa1: {  	[sflag:s25] =	ssyncadd.s32 $0xFFFFE000  }
0xa2: {  	[spmem:s12] =	stream.linear.scatter [tilespmem:s28], [sflag:$0x5], $0x2000, $0x38;
	[tilespmem:$0x1D000] =	vst v63  }
0xa3: {  	_ =	swait.ge [sflag:s25], $0x2000  }
0xa4: {  	[sflag:s25] =	ssyncset.done $0x0  }
0xa5: {  	[sflag:s25] =	ssyncadd.s32 $0xFFFFE000  }
0xa6: {  	[spmem:s13] =	stream.linear.scatter [tilespmem:s28], [sflag:$0x5], $0x2000, $0x38;
	[tilespmem:$0x1D000] =	vst v63  }
0xa7: {  	_ =	swait.ge [sflag:s25], $0x2000  }
0xa8: {  	[sflag:s25] =	ssyncset.done $0x0  }
0xa9: {  	s15 =	simm.s32 $0x0;
	[sflag:s25] =	ssyncadd.s32 $0xFFFFE000  }
0xaa: {  	[tilespmem:s30], [sflag:$0x1] =	stream.indirect.gather [hbm4b:s1+s29], $0x80, s15, s29, $0xb8;
	[tilespmem:$0x1D000] =	vst v63  }
0xab: {  	_ = 	snop  }
0xac: {  	[tilespmem:s2], [sflag:$0x2] =	stream.indirect.gather [hbm4b:s1+s29], $0x80, s29, s29, $0xb8;
	[tilespmem:$0x1D000] =	vst v63  }
0xad: {  	s16 =	simm.s32 $0x100  }
0xae: {  	[tilespmem:s6], [sflag:$0x3] =	stream.indirect.gather [hbm4b:s1+s29], $0x80, s16, s29, $0xb8;
	[tilespmem:$0x1D000] =	vst v63  }
.LBB2_8:
0xaf: {  	[bflag:$0x0] =	sbarrier.arrive $0xFFFF;
	s16 =	simm.s32 $0x180  }
0xb0: {  	[tilespmem:s14], [sflag:$0x4] =	stream.indirect.gather [hbm4b:s1+s29], $0x80, s16, s29, $0xb8;
	[tilespmem:$0x1D000] =	vst v63  }
0xb1: {  	_ =	swait.ge [sflag:s31], $0x4000  }
0xb2: {  	[sflag:s31] =	ssyncset.done $0x0  }
0xb3: {  	s20 =	simm.s32 $0x800;
	[sflag:s31] =	ssyncadd.s32 $0xFFFFC000  }
0xb4: {  	[spmem:s3] =	stream.indirect.scatter.add.f32 [tilespmem:s30], [sflag:$0x1], $0x80, s20, s29, $0xb8;
	[tilespmem:$0x1D000] =	vst v63  }
0xb5: {  	_ =	swait.ge [sflag:s31], $0x4000  }
0xb6: {  	[sflag:s31] =	ssyncset.done $0x0  }
0xb7: {  	s17 =	simm.s32 $0x200;
	[sflag:s31] =	ssyncadd.s32 $0xFFFFC000  }
0xb8: {  	[tilespmem:s30], [sflag:$0x1] =	stream.indirect.gather [hbm4b:s1+s29], $0x80, s17, s29, $0xb8;
	[tilespmem:$0x1D000] =	vst v63  }
0xb9: {  	_ =	swait.ge [sflag:s0], $0x4000  }
0xba: {  	[sflag:s0] =	ssyncset.done $0x0  }
0xbb: {  	s19 =	simm.s32 $0x880;
	[sflag:s0] =	ssyncadd.s32 $0xFFFFC000  }
0xbc: {  	[spmem:s3] =	stream.indirect.scatter.add.f32 [tilespmem:s2], [sflag:$0x2], $0x80, s19, s29, $0xb8;
	[tilespmem:$0x1D000] =	vst v63  }
0xbd: {  	_ =	swait.ge [sflag:s0], $0x4000  }
0xbe: {  	[sflag:s0] =	ssyncset.done $0x0  }
0xbf: {  	s20 =	simm.s32 $0x280;
	[sflag:s0] =	ssyncadd.s32 $0xFFFFC000  }
0xc0: {  	[tilespmem:s2], [sflag:$0x2] =	stream.indirect.gather [hbm4b:s1+s29], $0x80, s20, s29, $0xb8;
	[tilespmem:$0x1D000] =	vst v63  }
0xc1: {  	_ =	swait.ge [sflag:s18], $0x4000  }
0xc2: {  	[sflag:s18] =	ssyncset.done $0x0  }
0xc3: {  	s17 =	simm.s32 $0x900;
	[sflag:s18] =	ssyncadd.s32 $0xFFFFC000  }
0xc4: {  	[spmem:s3] =	stream.indirect.scatter.add.f32 [tilespmem:s6], [sflag:$0x3], $0x80, s17, s29, $0xb8;
	[tilespmem:$0x1D000] =	vst v63  }
0xc5: {  	_ =	swait.ge [sflag:s18], $0x4000  }
0xc6: {  	[sflag:s18] =	ssyncset.done $0x0  }
0xc7: {  	s19 =	simm.s32 $0x300;
	[sflag:s18] =	ssyncadd.s32 $0xFFFFC000  }
0xc8: {  	[tilespmem:s6], [sflag:$0x3] =	stream.indirect.gather [hbm4b:s1+s29], $0x80, s19, s29, $0xb8;
	[tilespmem:$0x1D000] =	vst v63  }
0xc9: {  	_ =	swait.ge [sflag:s21], $0x4000  }
0xca: {  	[sflag:s21] =	ssyncset.done $0x0  }
0xcb: {  	s20 =	simm.s32 $0x980;
	[sflag:s21] =	ssyncadd.s32 $0xFFFFC000  }
0xcc: {  	[spmem:s3] =	stream.indirect.scatter.add.f32 [tilespmem:s14], [sflag:$0x4], $0x80, s20, s29, $0xb8;
	[tilespmem:$0x1D000] =	vst v63  }
0xcd: {  	_ =	swait.ge [sflag:s21], $0x4000  }
0xce: {  	[sflag:s21] =	ssyncset.done $0x0  }
0xcf: {  	s17 =	simm.s32 $0x380;
	[sflag:s21] =	ssyncadd.s32 $0xFFFFC000  }
0xd0: {  	[tilespmem:s14], [sflag:$0x4] =	stream.indirect.gather [hbm4b:s1+s29], $0x80, s17, s29, $0xb8;
	[tilespmem:$0x1D000] =	vst v63  }
0xd1: {  	_ =	swait.ge [sflag:s31], $0x4000  }
0xd2: {  	[sflag:s31] =	ssyncset.done $0x0  }
0xd3: {  	s19 =	simm.s32 $0xA00;
	[sflag:s31] =	ssyncadd.s32 $0xFFFFC000  }
0xd4: {  	[spmem:s3] =	stream.indirect.scatter.add.f32 [tilespmem:s30], [sflag:$0x1], $0x80, s19, s29, $0xb8;
	[tilespmem:$0x1D000] =	vst v63  }
0xd5: {  	_ =	swait.ge [sflag:s31], $0x4000  }
0xd6: {  	[sflag:s31] =	ssyncset.done $0x0  }
0xd7: {  	s20 =	simm.s32 $0x400;
	[sflag:s31] =	ssyncadd.s32 $0xFFFFC000  }
0xd8: {  	[tilespmem:s30], [sflag:$0x1] =	stream.indirect.gather [hbm4b:s1+s29], $0x80, s20, s29, $0xb8;
	[tilespmem:$0x1D000] =	vst v63  }
0xd9: {  	_ =	swait.ge [sflag:s0], $0x4000  }
0xda: {  	[sflag:s0] =	ssyncset.done $0x0  }
0xdb: {  	s17 =	simm.s32 $0xA80;
	[sflag:s0] =	ssyncadd.s32 $0xFFFFC000  }
0xdc: {  	[spmem:s3] =	stream.indirect.scatter.add.f32 [tilespmem:s2], [sflag:$0x2], $0x80, s17, s29, $0xb8;
	[tilespmem:$0x1D000] =	vst v63  }
0xdd: {  	_ =	swait.ge [sflag:s0], $0x4000  }
0xde: {  	[sflag:s0] =	ssyncset.done $0x0  }
0xdf: {  	s19 =	simm.s32 $0x480;
	[sflag:s0] =	ssyncadd.s32 $0xFFFFC000  }
0xe0: {  	[tilespmem:s2], [sflag:$0x2] =	stream.indirect.gather [hbm4b:s1+s29], $0x80, s19, s29, $0xb8;
	[tilespmem:$0x1D000] =	vst v63  }
0xe1: {  	_ =	swait.ge [sflag:s18], $0x4000  }
0xe2: {  	[sflag:s18] =	ssyncset.done $0x0  }
0xe3: {  	s20 =	simm.s32 $0xB00;
	[sflag:s18] =	ssyncadd.s32 $0xFFFFC000  }
0xe4: {  	[spmem:s3] =	stream.indirect.scatter.add.f32 [tilespmem:s6], [sflag:$0x3], $0x80, s20, s29, $0xb8;
	[tilespmem:$0x1D000] =	vst v63  }
0xe5: {  	_ =	swait.ge [sflag:s18], $0x4000  }
0xe6: {  	[sflag:s18] =	ssyncset.done $0x0  }
0xe7: {  	s17 =	simm.s32 $0x500;
	[sflag:s18] =	ssyncadd.s32 $0xFFFFC000  }
0xe8: {  	[tilespmem:s6], [sflag:$0x3] =	stream.indirect.gather [hbm4b:s1+s29], $0x80, s17, s29, $0xb8;
	[tilespmem:$0x1D000] =	vst v63  }
0xe9: {  	_ =	swait.ge [sflag:s21], $0x4000  }
0xea: {  	[sflag:s21] =	ssyncset.done $0x0  }
0xeb: {  	s19 =	simm.s32 $0xB80;
	[sflag:s21] =	ssyncadd.s32 $0xFFFFC000  }
0xec: {  	[spmem:s3] =	stream.indirect.scatter.add.f32 [tilespmem:s14], [sflag:$0x4], $0x80, s19, s29, $0xb8;
	[tilespmem:$0x1D000] =	vst v63  }
0xed: {  	_ =	swait.ge [sflag:s21], $0x4000  }
0xee: {  	[sflag:s21] =	ssyncset.done $0x0  }
0xef: {  	s20 =	simm.s32 $0x580;
	[sflag:s21] =	ssyncadd.s32 $0xFFFFC000  }
0xf0: {  	[tilespmem:s14], [sflag:$0x4] =	stream.indirect.gather [hbm4b:s1+s29], $0x80, s20, s29, $0xb8;
	[tilespmem:$0x1D000] =	vst v63  }
0xf1: {  	_ =	swait.ge [sflag:s31], $0x4000  }
0xf2: {  	[sflag:s31] =	ssyncset.done $0x0  }
0xf3: {  	s17 =	simm.s32 $0xC00;
	[sflag:s31] =	ssyncadd.s32 $0xFFFFC000  }
0xf4: {  	[spmem:s3] =	stream.indirect.scatter.add.f32 [tilespmem:s30], [sflag:$0x1], $0x80, s17, s29, $0xb8;
	[tilespmem:$0x1D000] =	vst v63  }
0xf5: {  	_ =	swait.ge [sflag:s31], $0x4000  }
0xf6: {  	[sflag:s31] =	ssyncset.done $0x0  }
0xf7: {  	s19 =	simm.s32 $0x600;
	[sflag:s31] =	ssyncadd.s32 $0xFFFFC000  }
0xf8: {  	[tilespmem:s30], [sflag:$0x1] =	stream.indirect.gather [hbm4b:s1+s29], $0x80, s19, s29, $0xb8;
	[tilespmem:$0x1D000] =	vst v63  }
0xf9: {  	_ =	swait.ge [sflag:s0], $0x4000  }
0xfa: {  	[sflag:s0] =	ssyncset.done $0x0  }
0xfb: {  	s20 =	simm.s32 $0xC80;
	[sflag:s0] =	ssyncadd.s32 $0xFFFFC000  }
0xfc: {  	[spmem:s3] =	stream.indirect.scatter.add.f32 [tilespmem:s2], [sflag:$0x2], $0x80, s20, s29, $0xb8;
	[tilespmem:$0x1D000] =	vst v63  }
0xfd: {  	_ =	swait.ge [sflag:s0], $0x4000  }
0xfe: {  	[sflag:s0] =	ssyncset.done $0x0  }
0xff: {  	s17 =	simm.s32 $0x680;
	[sflag:s0] =	ssyncadd.s32 $0xFFFFC000  }
0x100: {  	[tilespmem:s2], [sflag:$0x2] =	stream.indirect.gather [hbm4b:s1+s29], $0x80, s17, s29, $0xb8;
	[tilespmem:$0x1D000] =	vst v63  }
0x101: {  	_ =	swait.ge [sflag:s18], $0x4000  }
0x102: {  	[sflag:s18] =	ssyncset.done $0x0  }
0x103: {  	s19 =	simm.s32 $0xD00;
	[sflag:s18] =	ssyncadd.s32 $0xFFFFC000  }
0x104: {  	[spmem:s3] =	stream.indirect.scatter.add.f32 [tilespmem:s6], [sflag:$0x3], $0x80, s19, s29, $0xb8;
	[tilespmem:$0x1D000] =	vst v63  }
0x105: {  	_ =	swait.ge [sflag:s18], $0x4000  }
0x106: {  	[sflag:s18] =	ssyncset.done $0x0  }
0x107: {  	s20 =	simm.s32 $0x700;
	[sflag:s18] =	ssyncadd.s32 $0xFFFFC000  }
0x108: {  	[tilespmem:s6], [sflag:$0x3] =	stream.indirect.gather [hbm4b:s1+s29], $0x80, s20, s29, $0xb8;
	[tilespmem:$0x1D000] =	vst v63  }
0x109: {  	_ =	swait.ge [sflag:s21], $0x4000  }
0x10a: {  	[sflag:s21] =	ssyncset.done $0x0  }
0x10b: {  	s17 =	simm.s32 $0xD80;
	[sflag:s21] =	ssyncadd.s32 $0xFFFFC000  }
0x10c: {  	[spmem:s3] =	stream.indirect.scatter.add.f32 [tilespmem:s14], [sflag:$0x4], $0x80, s17, s29, $0xb8;
	[tilespmem:$0x1D000] =	vst v63  }
0x10d: {  	_ =	swait.ge [sflag:s21], $0x4000  }
0x10e: {  	[sflag:s21] =	ssyncset.done $0x0  }
0x10f: {  	s19 =	simm.s32 $0x780;
	[sflag:s21] =	ssyncadd.s32 $0xFFFFC000  }
0x110: {  	[tilespmem:s14], [sflag:$0x4] =	stream.indirect.gather [hbm4b:s1+s29], $0x80, s19, s29, $0xb8;
	[tilespmem:$0x1D000] =	vst v63  }
0x111: {  	_ =	swait.ge [sflag:s31], $0x4000  }
0x112: {  	[sflag:s31] =	ssyncset.done $0x0  }
0x113: {  	s20 =	simm.s32 $0xE00;
	[sflag:s31] =	ssyncadd.s32 $0xFFFFC000  }
0x114: {  	[spmem:s3] =	stream.indirect.scatter.add.f32 [tilespmem:s30], [sflag:$0x1], $0x80, s20, s29, $0xb8;
	[tilespmem:$0x1D000] =	vst v63  }
0x115: {  	_ =	swait.ge [sflag:s31], $0x4000  }
0x116: {  	[sflag:s31] =	ssyncset.done $0x0  }
0x117: {  	[sflag:s31] =	ssyncadd.s32 $0xFFFFC000  }
0x118: {  	_ =	swait.ge [sflag:s0], $0x4000  }
0x119: {  	[sflag:s0] =	ssyncset.done $0x0  }
0x11a: {  	[sflag:s0] =	ssyncadd.s32 $0xFFFFC000  }
0x11b: {  	[spmem:s3] =	stream.indirect.scatter.add.f32 [tilespmem:s2], [sflag:$0x2], $0x80, s26, s29, $0xb8;
	[tilespmem:$0x1D000] =	vst v63  }
0x11c: {  	_ =	swait.ge [sflag:s0], $0x4000  }
0x11d: {  	[sflag:s0] =	ssyncset.done $0x0  }
0x11e: {  	[sflag:s0] =	ssyncadd.s32 $0xFFFFC000  }
0x11f: {  	_ =	swait.ge [sflag:s18], $0x4000  }
0x120: {  	[sflag:s18] =	ssyncset.done $0x0  }
0x121: {  	[sflag:s18] =	ssyncadd.s32 $0xFFFFC000  }
0x122: {  	[spmem:s3] =	stream.indirect.scatter.add.f32 [tilespmem:s6], [sflag:$0x3], $0x80, s22, s29, $0xb8;
	[tilespmem:$0x1D000] =	vst v63  }
0x123: {  	_ =	swait.ge [sflag:s18], $0x4000  }
0x124: {  	[sflag:s18] =	ssyncset.done $0x0  }
0x125: {  	[sflag:s18] =	ssyncadd.s32 $0xFFFFC000  }
0x126: {  	_ =	swait.ge [sflag:s21], $0x4000  }
0x127: {  	[sflag:s21] =	ssyncset.done $0x0  }
0x128: {  	[sflag:s21] =	ssyncadd.s32 $0xFFFFC000  }
0x129: {  	[spmem:s3] =	stream.indirect.scatter.add.f32 [tilespmem:s14], [sflag:$0x4], $0x80, s24, s29, $0xb8;
	[tilespmem:$0x1D000] =	vst v63  }
0x12a: {  	_ =	swait.ge [sflag:s21], $0x4000  }
0x12b: {  	[sflag:s21] =	ssyncset.done $0x0  }
0x12c: {  	[sflag:s21] =	ssyncadd.s32 $0xFFFFC000  }
0x12d: {  	s16 =	simm.s32 $0x0;
	[bflag:$0x0] =	sbarrier.arrive $0xFFFF  }
0x12e: {  	v5 =	vld [tilespmem:s16+$0x0]  }
0x12f: {  	v7 =	vld [tilespmem:s16+$0x10]  }
0x130: {  	v6 =	vld [tilespmem:s16+$0x20]  }
0x131: {  	v4 =	vld [tilespmem:s16+$0x30]  }
0x132: {  	v3 =	vld [tilespmem:s16+$0x40]  }
0x133: {  	v8 =	vadd.s32 $0x1388, v5;
	v5 =	vld [tilespmem:s16+$0x50]  }
0x134: {  	s17 =	simm.s32 $0x200;
	[tilespmem:s16+$0x0] =	vst v8;
	v8 =	vadd.s32 $0x1388, v7;
	v7 =	vld [tilespmem:s16+$0x60]  }
.LBB2_9:
0x135: {  	s19 =	sshra.s32 s17, $0x2;
	p0 =	sne.s32 s17, $0x1E00;
	[tilespmem:s16+$0x10] =	vst v8;
	v6 =	vadd.s32 $0x1388, v6;
	v8 =	vld [tilespmem:s16+$0x70]  }
0x136: {  	v9 =	vld [tilespmem:s19+$0x0];
	[tilespmem:s16+$0x20] =	vst v6;
	v4 =	vadd.s32 $0x1388, v4  }
0x137: {  	v10 =	vld [tilespmem:s19+$0x10];
	[tilespmem:s16+$0x30] =	vst v4;
	v3 =	vadd.s32 $0x1388, v3  }
.Ltmp3:
0x138: {  	v6 =	vld [tilespmem:s19+$0x20];
	[tilespmem:s16+$0x40] =	vst v3;
	v3 =	vadd.s32 $0x1388, v5;
	(pc) =	sbr.rel @p0 .LBB2_9-.Ltmp3, $4  }
0x139: {  	v4 =	vld [tilespmem:s19+$0x30];
	[tilespmem:s16+$0x50] =	vst v3;
	v5 =	vadd.s32 $0x1388, v7  }
0x13a: {  	v3 =	vld [tilespmem:s19+$0x40];
	[tilespmem:s16+$0x60] =	vst v5;
	v7 =	vadd.s32 $0x1388, v8  }
0x13b: {  	v8 =	vadd.s32 $0x1388, v9;
	v5 =	vld [tilespmem:s19+$0x50];
	[tilespmem:s16+$0x70] =	vst v7;
	s16 =	smov.u32 s19  }
0x13c: {  	s17 =	sadd.s32 $0x200, s17;
	[tilespmem:s16+$0x0] =	vst v8;
	v8 =	vadd.s32 $0x1388, v10;
	v7 =	vld [tilespmem:s16+$0x60]  }
0x13d: {  	[tilespmem:s16+$0x10] =	vst v8;
	v6 =	vadd.s32 $0x1388, v6;
	v63 =	vld [tilespmem:s16+$0x70]  }
0x13e: {  	[tilespmem:s16+$0x20] =	vst v6;
	v4 =	vadd.s32 $0x1388, v4  }
0x13f: {  	[tilespmem:s16+$0x30] =	vst v4;
	v3 =	vadd.s32 $0x1388, v3  }
0x140: {  	[tilespmem:s16+$0x40] =	vst v3;
	v3 =	vadd.s32 $0x1388, v5  }
0x141: {  	[tilespmem:s16+$0x50] =	vst v3;
	v3 =	vadd.s32 $0x1388, v7  }
0x142: {  	p0 =	seq.s32 s15, $0x5;
	[tilespmem:s16+$0x60] =	vst v3;
	v3 =	vadd.s32 $0x1388, v63  }
0x143: {  	s17 =	simm.s32 @!p0 $0x0;
	s19 =	simm.s32 @!p0 $0x1000;
	[tilespmem:s16+$0x70] =	vst v3;
	s16 =	simm.s32 @!p0 $0x80  }
0x144: {  	[tilespmem:s19], [sflag:$0x1] =	stream.indirect.gather @!p0 [hbm4b:s1+s16], $0x80, s17, s16, $0xb8;
	[tilespmem:$0x1D000] =	vst v63  }
0x145: {  	s17 =	simm.s32 @!p0 $0x5000  }
0x146: {  	[tilespmem:s17], [sflag:$0x2] =	stream.indirect.gather @!p0 [hbm4b:s1+s16], $0x80, s16, s16, $0xb8;
	[tilespmem:$0x1D000] =	vst v63  }
0x147: {  	s17 =	sadd.s32 s23, s15  }
0x148: {  	s20 =	simm.s32 @!p0 $0x9000;
	s19 =	simm.s32 @!p0 $0x100;
	s17 =	smul.u32 $0xA0000, s17  }
0x149: {  	[tilespmem:s20], [sflag:$0x3] =	stream.indirect.gather @!p0 [hbm4b:s1+s16], $0x80, s19, s16, $0xb8;
	[tilespmem:$0x1D000] =	vst v63  }
0x14a: {  	s20 =	sadd.s32 s10, s17  }
0x14b: {  	s16 =	sshrl.u32 s20, $0x3  }
0x14c: {  	s16 =	sadd.s32 s5, s16  }
0x14d: {  	[hbm:s16], [sflag:s4] =	dma.local [spmem:s8], $0x1400  }
0x14e: {  	_ =	swait.ge [sflag:s25], $0x1400  }
0x14f: {  	[sflag:s25] =	ssyncset.done $0x0  }
0x150: {  	[sflag:s25] =	ssyncadd.s32 $0xFFFFEC00  }
0x151: {  	[spmem:s7] =	stream.linear.scatter [tilespmem:s28], [sflag:$0x5], $0x2000, $0x38;
	[tilespmem:$0x1D000] =	vst v63  }
0x152: {  	_ =	swait.ge [sflag:s25], $0x2000  }
0x153: {  	[sflag:s25] =	ssyncset.done $0x0  }
0x154: {  	[sflag:s25] =	ssyncadd.s32 $0xFFFFE000  }
0x155: {  	[spmem:s9] =	stream.linear.scatter [tilespmem:s28], [sflag:$0x5], $0x2000, $0x38;
	[tilespmem:$0x1D000] =	vst v63  }
0x156: {  	_ =	swait.ge [sflag:s25], $0x2000  }
0x157: {  	[sflag:s25] =	ssyncset.done $0x0  }
0x158: {  	[sflag:s25] =	ssyncadd.s32 $0xFFFFE000  }
0x159: {  	[spmem:s11] =	stream.linear.scatter [tilespmem:s28], [sflag:$0x5], $0x2000, $0x38;
	[tilespmem:$0x1D000] =	vst v63  }
0x15a: {  	_ =	swait.ge [sflag:s25], $0x2000  }
0x15b: {  	[sflag:s25] =	ssyncset.done $0x0  }
0x15c: {  	[sflag:s25] =	ssyncadd.s32 $0xFFFFE000  }
0x15d: {  	[spmem:s12] =	stream.linear.scatter [tilespmem:s28], [sflag:$0x5], $0x2000, $0x38;
	[tilespmem:$0x1D000] =	vst v63  }
0x15e: {  	s15 =	sadd.s32 $0x1, s15;
	_ =	swait.ge [sflag:s25], $0x2000  }
0x15f: {  	p0 =	sne.s32 s15, $0x6;
	[sflag:s25] =	ssyncset.done $0x0  }
.Ltmp4:
0x160: {  	[sflag:s25] =	ssyncadd.s32 $0xFFFFE000;
	(pc) =	sbr.rel @p0 .LBB2_8-.Ltmp4, $4  }
0x161: {  	[spmem:s13] =	stream.linear.scatter [tilespmem:s28], [sflag:$0x5], $0x2000, $0x38;
	[tilespmem:$0x1D000] =	vst v63  }
0x162: {  	_ =	swait.ge [sflag:s25], $0x2000  }
0x163: {  	[sflag:s25] =	ssyncset.done $0x0  }
0x164: {  	[sflag:s25] =	ssyncadd.s32 $0xFFFFE000  }
0x165: {  	s15 =	rddreg [dreg:$0x5]  }
0x166: {  	s4 =	rddreg [dreg:$0x11];
	s15 =	sadd.s32 $0x1, s15  }
0x167: {  	p0 =	sne.s32 s15, s4  }
.Ltmp5:
0x168: {  	_ = 	snop;
	(pc) =	sbr.rel @p0 .LBB2_1-.Ltmp5, $1  }
0x169: {  	_ =	sdelay $0x3  }
0x16a: {  	_ =	sfence.sel $0x180000  }
0x16b: {  	[bflag:$0x0] =	sbarrier.arrive $0xFFFF  }
0x16c: {  	_ =	strace $0x90000047  }
0x16d: {  	s0 =	stileid.u32;
	[bflag:$0x2] =	sbarrier.arrive $0xFFFF  }
0x16e: {  	p0 =	sne.s32 s0, $0x0;
	s0 =	rddreg [dreg:$0x4]  }
0x16f: {  	s0 =	sadd.s32 @!p0 $0x100000, s0  }
0x170: {  	[sflag:s0] =	ssyncadd.tile.s32 @!p0 $0x1;
	_ =	shalt  }
.Lfunc_end2:
_tile_overlayer_lowered:
.L_overlay_start_2:
0x171: {  	(tag) =	ssettag $0x2  }
0x172: {  	s0 =	rddreg [dreg:$0x0];
	s2 =	stileid.u32  }
0x173: {  	s1 =	rddreg [dreg:$0x1];
	p0 =	sne.s32 s2, $0x0  }
0x174: {  	s3 =	rddreg [dreg:$0x2];
	[bflag:$0x3] =	sbarrier.arrive $0xFFFF;
	s2 =	simm.s32 @!p0 $0x1C05  }
0x175: {  	[timem:s3], [sflag:s2] =	dma.local @!p0 [hbm:s0], s1  }
0x176: {  	s0 =	simm.s32 @!p0 $0x5  }
0x177: {  	_ =	swait.ge @!p0 [sflag:s0], s1  }
0x178: {  	s1 =	ssub.s32 @!p0 $0x0, s1;
	[sflag:s0] =	ssyncset.done @!p0 $0x0  }
0x179: {  	[sflag:s0] =	ssyncadd.s32 @!p0 s1  }
0x17a: {  	[bflag:$0x3] =	sbarrier.arrive $0xFFFF  }
0x17b: {  	_ =	shalt  }

// kernel: kernel.9.cloned.1.call-start
scs
__scs_entry_jumppad:
0x0: {  	(pc) =	sbr.rel $0x88, $3  }
0x1: {  	(tag) =	ssettag $0x0;
	lr =	simm.s32 $0x1  }
0x2: {  	[smem:$0x3F9A] =	sst lr;
	_ =	strace $0xD0000000  }
0x3: {  	_ = 	snop  }
0x4: {  	_ = 	snop  }
0x5: {  	_ = 	snop  }
0x6: {  	_ = 	snop  }
0x7: {  	_ = 	snop  }
__scs_overlays_trampoline_lowered:
0x8: {  	[smem:$0x3FA9] =	sst s0  }
0x9: {  	[smem:$0x3FAA] =	sst s1  }
0xa: {  	[smem:$0x3FAB] =	sst s2  }
0xb: {  	[smem:$0x3FAC] =	sst s3  }
0xc: {  	[smem:$0x3FAD] =	sst s4  }
0xd: {  	[smem:$0x3FAE] =	sst s5  }
0xe: {  	[smem:$0x3FAF] =	sst s6  }
0xf: {  	[smem:$0x3FB0] =	sst s7  }
0x10: {  	[smem:$0x3FB1] =	sst s8  }
0x11: {  	[smem:$0x3FB2] =	sst s9;
	s0 =	simm.s32 @!p0 $0x0  }
0x12: {  	s1 =	sld [smem:$0x3F98];
	s0 =	simm.s32 @p0 $0x1  }
0x13: {  	[smem:$0x3FB3] =	sst s0;
	s0 =	simm.s32 @!p1 $0x0  }
0x14: {  	s2 =	sld [smem:$0x3F97];
	s0 =	simm.s32 @p1 $0x1  }
0x15: {  	[smem:$0x3FB4] =	sst s0;
	s0 =	simm.s32 @!p2 $0x0  }
0x16: {  	s3 =	sld [smem:$0x3FDB];
	s0 =	simm.s32 @p2 $0x1  }
0x17: {  	s4 =	simm.s32 $0x1BF5;
	[smem:$0x3FB6] =	sst s0  }
0x18: {  	s0 =	sld [smem:$0x3F99];
	_ =	swait.ge [sflag:s4], $0x0  }
0x19: {  	s7 =	sld [smem:$0x3F9A]  }
0x1a: {  	s8 =	sadd.s32 $0xFFFFE003, lr  }
0x1b: {  	s9 =	sadd.s32 $0xFFFFFEF7, lr;
	s5 =	simm.s32 $0xFFFFFFFF;
	p2 =	slt.u32 s8, $0xFFFFF086  }
0x1c: {  	p1 =	slt.u32 s9, $0xF7A;
	s5 =	simm.s32 @!p2 $0x0  }
0x1d: {  	s5 =	simm.s32 @p1 $0x1;
	p0 =	seq.s32 s7, s2  }
0x1e: {  	s7 =	smul.u32 @!p0 $0xF7A, s2;
	p2 =	seq.s32 @!p0 s5, $0x0  }
0x1f: {  	s9 =	smul.u32 $0xF7A, s1;
	s8 =	simm.s32 @!p0 $0x1BF5;
	p2 =	por !p2, p0  }
0x20: {  	[sflag:s8] =	ssyncset.s32 @!p0 $0xFFFFF086;
	s6 =	sadd.s32 @!p0 s3, s7;
	s7 =	simm.s32 @!p0 $0x108  }
0x21: {  	s3 =	sadd.s32 s3, s9;
	s6 =	sadd.s32 @!p0 $0x88, s6;
	s7 =	simm.s32 @p2 $0x1082  }
0x22: {  	[simem:s7], [sflag:s8] =	dma.local @!p0 [hbm:s6], $0xF7A  }
0x23: {  	s9 =	sor.u32 $0xD0000000, s2;
	s6 =	simm.s32 $0x108;
	_ =	swait.ge @!p0 [sflag:s8], $0x0  }
0x24: {  	s3 =	sadd.s32 $0x88, s3;
	s6 =	simm.s32 @!p1 $0x1082;
	[sflag:s4] =	ssyncset.s32 $0xFFFFF086  }
0x25: {  	[simem:s6], [sflag:s4] =	dma.local [hbm:s3], $0xF7A  }
0x26: {  	[smem:$0x3F9A] =	sst s1;
	(tag) =	ssettag s2;
	_ =	strace s9  }
0x27: {  	s1 =	sld [smem:$0x3FAA]  }
0x28: {  	s2 =	sld [smem:$0x3FAB]  }
0x29: {  	s4 =	sld [smem:$0x3FAD]  }
0x2a: {  	p0 =	seq.s32 s5, $0x0;
	s5 =	sld [smem:$0x3FAE]  }
0x2b: {  	s6 =	sld [smem:$0x3FAF]  }
0x2c: {  	s7 =	sld [smem:$0x3FB0]  }
0x2d: {  	s3 =	simm.s32 $0x108;
	s8 =	sld [smem:$0x3FB1]  }
0x2e: {  	s3 =	simm.s32 @!p0 $0x1082;
	s9 =	sld [smem:$0x3FB2]  }
0x2f: {  	lr =	sadd.s32 s0, s3;
	s0 =	sld [smem:$0x3FA9]  }
0x30: {  	s3 =	sld [smem:$0x3FAC]  }
0x31: {  	[smem:$0x3FB5] =	sst s10  }
0x32: {  	s10 =	sld [smem:$0x3FB3];
	_ =	sdelay $0x3  }
0x33: {  	p0 =	seq.s32 s10, $0x1;
	s10 =	sld [smem:$0x3FB5];
	_ =	sdelay $0x3  }
0x34: {  	[smem:$0x3FB5] =	sst s10  }
0x35: {  	s10 =	sld [smem:$0x3FB4];
	_ =	sdelay $0x3  }
0x36: {  	p1 =	seq.s32 s10, $0x1;
	s10 =	sld [smem:$0x3FB5];
	_ =	sdelay $0x3  }
0x37: {  	[smem:$0x3FB5] =	sst s10  }
0x38: {  	s10 =	sld [smem:$0x3FB6]  }
0x39: {  	_ = 	snop;
	(pc) =	sbr.ind lr, $3  }
0x3a: {  	_ = 	snop  }
0x3b: {  	_ = 	snop  }
0x3c: {  	p2 =	seq.s32 s10, $0x1;
	s10 =	sld [smem:$0x3FB5]  }
0x3d: {  	_ =	shalt  }
0x3e: {  	_ =	shalt  }
0x3f: {  	_ =	shalt  }
0x40: {  	_ =	shalt  }
0x41: {  	_ =	shalt  }
0x42: {  	_ =	shalt  }
0x43: {  	_ =	shalt  }
0x44: {  	_ =	shalt  }
0x45: {  	_ =	shalt  }
0x46: {  	_ =	shalt  }
0x47: {  	_ =	shalt  }
0x48: {  	_ =	shalt  }
0x49: {  	_ =	shalt  }
0x4a: {  	_ =	shalt  }
0x4b: {  	_ =	shalt  }
0x4c: {  	_ =	shalt  }
0x4d: {  	_ =	shalt  }
0x4e: {  	_ =	shalt  }
0x4f: {  	_ =	shalt  }
0x50: {  	_ =	shalt  }
0x51: {  	_ =	shalt  }
0x52: {  	_ =	shalt  }
0x53: {  	_ =	shalt  }
0x54: {  	_ =	shalt  }
0x55: {  	_ =	shalt  }
0x56: {  	_ =	shalt  }
0x57: {  	_ =	shalt  }
0x58: {  	_ =	shalt  }
0x59: {  	_ =	shalt  }
0x5a: {  	_ =	shalt  }
0x5b: {  	_ =	shalt  }
0x5c: {  	_ =	shalt  }
0x5d: {  	_ =	shalt  }
0x5e: {  	_ =	shalt  }
0x5f: {  	_ =	shalt  }
0x60: {  	_ =	shalt  }
0x61: {  	_ =	shalt  }
0x62: {  	_ =	shalt  }
0x63: {  	_ =	shalt  }
0x64: {  	_ =	shalt  }
0x65: {  	_ =	shalt  }
0x66: {  	_ =	shalt  }
0x67: {  	_ =	shalt  }
0x68: {  	_ =	shalt  }
0x69: {  	_ =	shalt  }
0x6a: {  	_ =	shalt  }
0x6b: {  	_ =	shalt  }
0x6c: {  	_ =	shalt  }
0x6d: {  	_ =	shalt  }
0x6e: {  	_ =	shalt  }
0x6f: {  	_ =	shalt  }
0x70: {  	_ =	shalt  }
0x71: {  	_ =	shalt  }
0x72: {  	_ =	shalt  }
0x73: {  	_ =	shalt  }
0x74: {  	_ =	shalt  }
0x75: {  	_ =	shalt  }
0x76: {  	_ =	shalt  }
0x77: {  	_ =	shalt  }
0x78: {  	_ =	shalt  }
0x79: {  	_ =	shalt  }
0x7a: {  	_ =	shalt  }
0x7b: {  	_ =	shalt  }
0x7c: {  	_ =	shalt  }
0x7d: {  	_ =	shalt  }
0x7e: {  	_ =	shalt  }
0x7f: {  	_ =	shalt  }
0x80: {  	_ =	shalt  }
0x81: {  	_ =	shalt  }
0x82: {  	_ =	shalt  }
0x83: {  	_ =	shalt  }
0x84: {  	_ =	shalt  }
0x85: {  	_ =	shalt  }
0x86: {  	_ =	shalt  }
0x87: {  	_ =	shalt  }
.Lfunc_end0:
.L_simem_size_0:
called_computation.1_lowered:
.L_overlay_start_0:
0x88: {  	s2 =	sld [smem:$0x3FD9]  }
0x89: {  	s3 =	sld [smem:$0x3FFE];
	_ =	sdelay $0x1  }
0x8a: {  	s1 =	srdreg.scid  }
0x8b: {  	s0 =	sand.u32 $0x1, s1  }
0x8c: {  	s17 =	sshll.u32 s0, $0xA;
	s2 =	sadd.s32 s3, s2  }
0x8d: {  	s2 =	sadd.s32 s2, s17  }
0x8e: {  	[smem:$0x3FC1] =	sst s2  }
0x8f: {  	_ = 	snop  }
0x90: {  	s18 =	sld [smem:$0x3FC9];
	(tm) =	ssettm $0x1  }
0x91: {  	s19 =	sld [smem:$0x3FFB];
	_ =	sdelay $0x3  }
0x92: {  	_ =	strace s19  }
0x93: {  	s2 =	sld [smem:$0x3FFC];
	_ =	sdelay $0x3  }
0x94: {  	_ =	strace s2  }
0x95: {  	s2 =	sld [smem:$0x3FFD];
	_ =	sdelay $0x3  }
0x96: {  	_ =	strace s2  }
0x97: {  	_ =	strace $0x8FFFFFFF  }
0x98: {  	s20 =	sld [smem:$0x3FDB];
	_ =	sdelay $0x1  }
0x99: {  	s4 =	simm.s32 $_scs_section_size  }
0x9a: {  	s5 =	simm.s32 $_size__tile_overlayer_lowered;
	s6 =	simm.s32 $_tile_overlayer_lowered  }
0x9b: {  	s7 =	simm.s32 $0x1BFF;
	s21 =	sshll.u32 s6, $0x1;
	s4 =	sadd.s32 s4, s20  }
0x9c: {  	s22 =	simm.s32 $0x0;
	s5 =	sshll.u32 s5, $0x1;
	s6 =	sadd.s32 s21, s4  }
0x9d: {  	[timem:s22], [sflag:s7] =	dma.local [hbm:s6], s5  }
0x9e: {  	_ =	swait.ge [sflag:s7], s5  }
0x9f: {  	s5 =	ssub.s32 $0x0, s5;
	[sflag:s7] =	ssyncset.done $0x0  }
0xa0: {  	[sflag:s7] =	ssyncadd.s32 s5;
	_ =	sdelay $0x1  }
0xa1: {  	s23 =	simm.s32 $0x1B8B  }
0xa2: {  	_ =	swait.ge [sflag:s23], $0x1  }
0xa3: {  	[sflag:s23] =	ssyncset.done $0x0  }
0xa4: {  	[sflag:s23] =	ssyncadd.s32 $0xFFFFFFFF  }
0xa5: {  	s5 =	sld [smem:$0x0]  }
0xa6: {  	s6 =	sand.u32 $0xFFFFFFFE, s1  }
0xa7: {  	p0 =	sne.s32 s1, s6  }
0xa8: {  	s6 =	sshll.u32 @p0 s6, $0xE  }
0xa9: {  	s6 =	sadd.s32 @p0 $0x11B8D, s6;
	s7 =	sshll.u32 @p0 s5, $0x11  }
0xaa: {  	s6 =	sor.u32 @p0 s7, s6  }
0xab: {  	[sflag:s6] =	ssyncadd.remote.s32 @p0 $0x1;
	_ =	sdelay $0x1  }
0xac: {  	s6 =	simm.s32 @p0 $0x1B8D  }
0xad: {  	_ =	swait.eq @p0 [sflag:s6], $0x1  }
0xae: {  	[sflag:s6] =	ssyncadd.s32 @p0 $0xFFFFFFFF  }
0xaf: {  	s7 =	sshll.u32 @!p0 s1, $0xE  }
0xb0: {  	s7 =	sor.u32 @!p0 $0x4000, s7;
	s6 =	simm.s32 @!p0 $0x1B8D  }
0xb1: {  	s5 =	sshll.u32 @!p0 s5, $0x11;
	s7 =	sadd.s32 @!p0 $0x11B8D, s7;
	_ =	swait.eq @!p0 [sflag:s6], $0x1  }
0xb2: {  	s5 =	sor.u32 @!p0 s5, s7;
	[sflag:s6] =	ssyncadd.s32 @!p0 $0xFFFFFFFF  }
0xb3: {  	s25 =	simm.s32 $0x1B8E;
	s24 =	sld [smem:$0x3FFE];
	[sflag:s5] =	ssyncadd.remote.s32 @!p0 $0x1  }
0xb4: {  	s26 =	simm.s32 $execute0_lowered;
	[smem:$0x3FD2] =	sst s25  }
0xb5: {  	s6 =	sshll.u32 s26, $0x1;
	_ =	strace $0x80000049;
	[dreg:$0x1] =	wrdreg $0xFFFFFFFF  }
0xb6: {  	s28 =	simm.s32 $_size_execute0_lowered;
	s4 =	sadd.s32 s4, s6;
	[dreg:$0x0] =	wrdreg $0x0  }
0xb7: {  	s6 =	sshll.u32 s28, $0x1;
	[dreg:$0x2] =	wrdreg s4  }
0xb8: {  	[dreg:$0x3] =	wrdreg s6  }
0xb9: {  	[dreg:$0x4] =	wrdreg $0xC0  }
0xba: {  	_ =	task [dreg:s22], $0x5FFFF  }
0xbb: {  	[dreg:$0x1] =	wrdreg $0xFFFFFFFF  }
0xbc: {  	[dreg:$0x0] =	wrdreg $0x60  }
0xbd: {  	[dreg:$0x2] =	wrdreg s18  }
0xbe: {  	[dreg:$0x3] =	wrdreg s24  }
0xbf: {  	[dreg:$0x4] =	wrdreg $0x130000  }
0xc0: {  	[dreg:$0x5] =	wrdreg $0xA  }
0xc1: {  	_ =	task.clear_ibuf [dreg:s22], $0x6FFFF;
	_ =	strace $0x90000049  }
0xc2: {  	s29 =	simm.s32 $0xA;
	_ =	strace $0x8000004B  }
0xc3: {  	_ =	swait.ge [sflag:s29], $0x1  }
0xc4: {  	[sflag:s29] =	ssyncadd.s32 $0xFFFFFFFF  }
0xc5: {  	_ =	strace $0x9000004B  }
0xc6: {  	_ =	sfence  }
0xc7: {  	s30 =	sld [smem:$0x0];
	_ =	sdelay $0x2  }
0xc8: {  	s31 =	sshll.u32 s1, $0xD;
	s1 =	sshrl.u32 s1, $0x2  }
0xc9: {  	s4 =	sand.u32 $0x4000, s31;
	s1 =	sadd.s32 s1, s30  }
0xca: {  	s0 =	sor.u32 s4, s0;
	s1 =	sshll.u32 s1, $0x11  }
0xcb: {  	s0 =	sor.u32 s1, s0  }
0xcc: {  	s0 =	sadd.s32 $0x8F2B, s0  }
0xcd: {  	[sflag:s0] =	ssyncadd.remote.s32 $0x1  }
0xce: {  	_ =	sfence.sel $0xFFFF  }
0xcf: {  	[dreg:$0x0] =	wrdreg $0xFFFFFFFF;
	(pc) =	sbr.abs _section_cstart, $3  }
0xd0: {  	[dreg:$0x1] =	wrdreg $0xFFFFFFFF  }
0xd1: {  	_ =	task.clear_ibuf [dreg:s22], $0x2FFFF;
	_ =	strace $0x9FFFFFFF  }
0xd2: {  	(tm) =	ssettm $0x7FFFFFFF  }
0xd3: {  	_ =	shalt  }
tec
execute0_lowered:
.L_overlay_start_1:
0x0: {  	(tag) =	ssettag $0x1  }
0x1: {  	s1 =	rddreg [dreg:$0x0]  }
0x2: {  	s0 =	rddreg [dreg:$0x1]  }
0x3: {  	s2 =	rddreg [dreg:$0x2];
	s24 =	simm.s32 $0x0  }
0x4: {  	s3 =	srdreg.scid;
	s14 =	stileid.u32;
	s16 =	simm.s32 $0x5  }
0x5: {  	s18 =	simm.s32 $0x11000;
	s19 =	simm.s32 $0x80;
	s20 =	simm.s32 $0x1000  }
0x6: {  	s21 =	simm.s32 $0x5000;
	s29 =	simm.s32 $0x2;
	s31 =	simm.s32 $0xD80  }
0x7: {  	s17 =	simm.s32 $0x780;
	s15 =	simm.s32 $0xF00;
	[smem:$0x7FF] =	sst s24  }
0x8: {  	s3 =	sand.u32 $0x1, s3;
	s5 =	sshll.u32 s14, $0x8;
	s7 =	smul.u32 $0x28000, s14  }
0x9: {  	s14 =	smul.u32 $0xA000, s14;
	_ =	strace $0x8000004A;
	s4 =	ssub.s32 $0x2, s3  }
0xa: {  	s8 =	sadd.s32 s5, s0;
	s5 =	sadd.s32 $0xF3C00, s0;
	s25 =	smul.u32 $0x2710, s3  }
0xb: {  	s6 =	sshrl.u32 s4, $0x1;
	s23 =	sadd.s32 $0x2C00, s8;
	s26 =	sshrl.u32 s7, $0x2  }
0xc: {  	s28 =	sadd.s32 $0x1C00, s8;
	s8 =	sshll.u32 s3, $0x1;
	s7 =	simm.s32 $0x4  }
0xd: {  	s3 =	simm.s32 $0xF80;
	s22 =	ssub.s32 s4, s6;
	[dreg:$0x5] =	wrdreg s23  }
0xe: {  	[dreg:$0x6] =	wrdreg s28;
	s9 =	sadd.s32 s26, s2;
	s30 =	sadd.s32 $0xEA60, s25  }
0xf: {  	s23 =	simm.s32 $0x9000;
	s25 =	simm.s32 $0xD000;
	s26 =	simm.s32 $0x1  }
0x10: {  	s6 =	simm.s32 $0xE80;
	s10 =	sadd.s32 $0x2000, s9;
	s11 =	sadd.s32 $0x4000, s9  }
0x11: {  	s12 =	sadd.s32 $0x6000, s9;
	s13 =	sadd.s32 $0x8000, s9;
	s0 =	smax.u32 s22, $0x1  }
0x12: {  	v1 =	vimm.f32 $0.0e+00;
	s22 =	simm.s32 $0xE00;
	v0 =	vmov s30;
	[dreg:$0x7] =	wrdreg s0;
	s0 =	simm.s32 $0x3  }
.LBB2_1:
0x13: {  	[dreg:$0x4] =	wrdreg s24;
	s4 =	simm.s32 $0x0;
	s24 =	simm.s32 $0x200  }
.LBB2_2:
0x14: {  	p0 =	sne.s32 s24, $0x7E00;
	[tilespmem:s4+$0x11070] =	vst v1  }
0x15: {  	[tilespmem:s4+$0x11000] =	vst v1  }
0x16: {  	[tilespmem:s4+$0x11010] =	vst v1  }
.Ltmp0:
0x17: {  	[tilespmem:s4+$0x11020] =	vst v1;
	(pc) =	sbr.rel @p0 .LBB2_2-.Ltmp0, $4  }
0x18: {  	[tilespmem:s4+$0x11030] =	vst v1  }
0x19: {  	[tilespmem:s4+$0x11040] =	vst v1  }
0x1a: {  	[tilespmem:s4+$0x11050] =	vst v1  }
0x1b: {  	[tilespmem:s4+$0x11060] =	vst v1;
	s4 =	sshra.s32 s24, $0x2;
	s24 =	sadd.s32 $0x200, s24  }
0x1c: {  	[tilespmem:s4+$0x11070] =	vst v1  }
0x1d: {  	[tilespmem:s4+$0x11000] =	vst v1  }
0x1e: {  	[tilespmem:s4+$0x11010] =	vst v1  }
0x1f: {  	[tilespmem:s4+$0x11020] =	vst v1  }
0x20: {  	[tilespmem:s4+$0x11030] =	vst v1  }
0x21: {  	[tilespmem:s4+$0x11040] =	vst v1  }
0x22: {  	[tilespmem:s4+$0x11050] =	vst v1  }
0x23: {  	[tilespmem:s4+$0x11060] =	vst v1;
	s4 =	simm.s32 $0x0;
	s24 =	rddreg [dreg:$0x5]  }
0x24: {  	[tilespmem:s4], [sflag:$0x5] =	stream.linear.gather [hbm4b:s24+s4], $0x800, $0x38;
	[tilespmem:$0x1D000] =	vst v63  }
0x25: {  	_ =	swait.ge [sflag:s16], $0x800  }
0x26: {  	[sflag:s16] =	ssyncset.done $0x0  }
0x27: {  	s28 =	simm.s32 $0x800;
	s30 =	rddreg [dreg:$0x6];
	[sflag:s16] =	ssyncadd.s32 $0xFFFFF800  }
0x28: {  	[tilespmem:s28], [sflag:$0x5] =	stream.linear.gather [hbm4b:s30+s4], $0x800, $0x38;
	[tilespmem:$0x1D000] =	vst v63  }
0x29: {  	_ =	swait.ge [sflag:s16], $0x800  }
0x2a: {  	[sflag:s16] =	ssyncset.done $0x0  }
0x2b: {  	s4 =	simm.s32 $0x0;
	[sflag:s16] =	ssyncadd.s32 $0xFFFFF800  }
0x2c: {  	v4 =	vld [tilespmem:s4+$0x0]  }
0x2d: {  	v6 =	vld [tilespmem:s4+$0x10]  }
0x2e: {  	v5 =	vld [tilespmem:s4+$0x20]  }
0x2f: {  	v3 =	vld [tilespmem:s4+$0x30]  }
0x30: {  	v2 =	vld [tilespmem:s4+$0x40]  }
0x31: {  	v7 =	vadd.s32 v0, v4;
	v4 =	vld [tilespmem:s4+$0x50]  }
0x32: {  	s24 =	simm.s32 $0x200;
	[tilespmem:s4+$0x0] =	vst v7;
	v7 =	vadd.s32 v0, v6;
	v6 =	vld [tilespmem:s4+$0x60]  }
.LBB2_4:
0x33: {  	s28 =	sshra.s32 s24, $0x2;
	p0 =	sne.s32 s24, $0x1E00;
	[tilespmem:s4+$0x10] =	vst v7;
	v5 =	vadd.s32 v0, v5;
	v7 =	vld [tilespmem:s4+$0x70]  }
0x34: {  	v8 =	vld [tilespmem:s28+$0x0];
	[tilespmem:s4+$0x20] =	vst v5;
	v3 =	vadd.s32 v0, v3  }
0x35: {  	v9 =	vld [tilespmem:s28+$0x10];
	[tilespmem:s4+$0x30] =	vst v3;
	v2 =	vadd.s32 v0, v2  }
.Ltmp1:
0x36: {  	v5 =	vld [tilespmem:s28+$0x20];
	[tilespmem:s4+$0x40] =	vst v2;
	v2 =	vadd.s32 v0, v4;
	(pc) =	sbr.rel @p0 .LBB2_4-.Ltmp1, $4  }
0x37: {  	v3 =	vld [tilespmem:s28+$0x30];
	[tilespmem:s4+$0x50] =	vst v2;
	v4 =	vadd.s32 v0, v6  }
0x38: {  	v2 =	vld [tilespmem:s28+$0x40];
	[tilespmem:s4+$0x60] =	vst v4;
	v6 =	vadd.s32 v0, v7  }
0x39: {  	v7 =	vadd.s32 v0, v8;
	v4 =	vld [tilespmem:s28+$0x50];
	[tilespmem:s4+$0x70] =	vst v6;
	s4 =	smov.u32 s28  }
0x3a: {  	s24 =	sadd.s32 $0x200, s24;
	[tilespmem:s4+$0x0] =	vst v7;
	v7 =	vadd.s32 v0, v9;
	v6 =	vld [tilespmem:s4+$0x60]  }
0x3b: {  	[tilespmem:s4+$0x10] =	vst v7;
	v5 =	vadd.s32 v0, v5;
	v63 =	vld [tilespmem:s4+$0x70]  }
0x3c: {  	[tilespmem:s4+$0x20] =	vst v5;
	v3 =	vadd.s32 v0, v3  }
0x3d: {  	[tilespmem:s4+$0x30] =	vst v3;
	v2 =	vadd.s32 v0, v2  }
0x3e: {  	[tilespmem:s4+$0x40] =	vst v2;
	v2 =	vadd.s32 v0, v4  }
0x3f: {  	[tilespmem:s4+$0x50] =	vst v2;
	v2 =	vadd.s32 v0, v6  }
0x40: {  	[tilespmem:s4+$0x60] =	vst v2;
	v2 =	vadd.s32 v0, v63  }
0x41: {  	[tilespmem:s4+$0x70] =	vst v2  }
0x42: {  	[spmem:s9] =	stream.linear.scatter [tilespmem:s18], [sflag:$0x5], $0x2000, $0x38;
	[tilespmem:$0x1D000] =	vst v63  }
0x43: {  	_ =	swait.ge [sflag:s16], $0x2000  }
0x44: {  	[sflag:s16] =	ssyncset.done $0x0  }
0x45: {  	[sflag:s16] =	ssyncadd.s32 $0xFFFFE000  }
0x46: {  	[spmem:s10] =	stream.linear.scatter [tilespmem:s18], [sflag:$0x5], $0x2000, $0x38;
	[tilespmem:$0x1D000] =	vst v63  }
0x47: {  	_ =	swait.ge [sflag:s16], $0x2000  }
0x48: {  	[sflag:s16] =	ssyncset.done $0x0  }
0x49: {  	[sflag:s16] =	ssyncadd.s32 $0xFFFFE000  }
0x4a: {  	[spmem:s11] =	stream.linear.scatter [tilespmem:s18], [sflag:$0x5], $0x2000, $0x38;
	[tilespmem:$0x1D000] =	vst v63  }
0x4b: {  	_ =	swait.ge [sflag:s16], $0x2000  }
0x4c: {  	[sflag:s16] =	ssyncset.done $0x0  }
0x4d: {  	[sflag:s16] =	ssyncadd.s32 $0xFFFFE000  }
0x4e: {  	[spmem:s12] =	stream.linear.scatter [tilespmem:s18], [sflag:$0x5], $0x2000, $0x38;
	[tilespmem:$0x1D000] =	vst v63  }
0x4f: {  	_ =	swait.ge [sflag:s16], $0x2000  }
0x50: {  	[sflag:s16] =	ssyncset.done $0x0  }
0x51: {  	[sflag:s16] =	ssyncadd.s32 $0xFFFFE000  }
0x52: {  	[spmem:s13] =	stream.linear.scatter [tilespmem:s18], [sflag:$0x5], $0x2000, $0x38;
	[tilespmem:$0x1D000] =	vst v63  }
0x53: {  	_ =	swait.ge [sflag:s16], $0x2000  }
0x54: {  	[sflag:s16] =	ssyncset.done $0x0  }
0x55: {  	s4 =	simm.s32 $0x0;
	[sflag:s16] =	ssyncadd.s32 $0xFFFFE000  }
0x56: {  	[tilespmem:s20], [sflag:$0x1] =	stream.indirect.gather [hbm4b:s1+s19], $0x80, s4, s19, $0xb8;
	[tilespmem:$0x1D000] =	vst v63  }
0x57: {  	_ = 	snop  }
0x58: {  	[tilespmem:s21], [sflag:$0x2] =	stream.indirect.gather [hbm4b:s1+s19], $0x80, s19, s19, $0xb8;
	[tilespmem:$0x1D000] =	vst v63  }
0x59: {  	s24 =	simm.s32 $0x100;
	p0 =	por $0x1, $0x1  }
0x5a: {  	[tilespmem:s23], [sflag:$0x3] =	stream.indirect.gather [hbm4b:s1+s19], $0x80, s24, s19, $0xb8;
	[tilespmem:$0x1D000] =	vst v63  }
.LBB2_6:
0x5b: {  	[bflag:$0x0] =	sbarrier.arrive $0xFFFF;
	s24 =	simm.s32 $0x180  }
0x5c: {  	[tilespmem:s25], [sflag:$0x4] =	stream.indirect.gather [hbm4b:s1+s19], $0x80, s24, s19, $0xb8;
	[tilespmem:$0x1D000] =	vst v63  }
0x5d: {  	_ =	swait.ge [sflag:s26], $0x4000  }
0x5e: {  	[sflag:s26] =	ssyncset.done $0x0  }
0x5f: {  	s30 =	simm.s32 $0x800;
	[sflag:s26] =	ssyncadd.s32 $0xFFFFC000  }
0x60: {  	[spmem:s2] =	stream.indirect.scatter.add.f32 [tilespmem:s20], [sflag:$0x1], $0x80, s30, s19, $0xb8;
	[tilespmem:$0x1D000] =	vst v63  }
0x61: {  	_ =	swait.ge [sflag:s26], $0x4000  }
0x62: {  	[sflag:s26] =	ssyncset.done $0x0  }
0x63: {  	s30 =	simm.s32 $0x200;
	[sflag:s26] =	ssyncadd.s32 $0xFFFFC000  }
0x64: {  	[tilespmem:s20], [sflag:$0x1] =	stream.indirect.gather [hbm4b:s1+s19], $0x80, s30, s19, $0xb8;
	[tilespmem:$0x1D000] =	vst v63  }
0x65: {  	_ =	swait.ge [sflag:s29], $0x4000  }
0x66: {  	[sflag:s29] =	ssyncset.done $0x0  }
0x67: {  	s30 =	simm.s32 $0x880;
	[sflag:s29] =	ssyncadd.s32 $0xFFFFC000  }
0x68: {  	[spmem:s2] =	stream.indirect.scatter.add.f32 [tilespmem:s21], [sflag:$0x2], $0x80, s30, s19, $0xb8;
	[tilespmem:$0x1D000] =	vst v63  }
0x69: {  	_ =	swait.ge [sflag:s29], $0x4000  }
0x6a: {  	[sflag:s29] =	ssyncset.done $0x0  }
0x6b: {  	s30 =	simm.s32 $0x280;
	[sflag:s29] =	ssyncadd.s32 $0xFFFFC000  }
0x6c: {  	[tilespmem:s21], [sflag:$0x2] =	stream.indirect.gather [hbm4b:s1+s19], $0x80, s30, s19, $0xb8;
	[tilespmem:$0x1D000] =	vst v63  }
0x6d: {  	_ =	swait.ge [sflag:s0], $0x4000  }
0x6e: {  	[sflag:s0] =	ssyncset.done $0x0  }
0x6f: {  	s30 =	simm.s32 $0x900;
	[sflag:s0] =	ssyncadd.s32 $0xFFFFC000  }
0x70: {  	[spmem:s2] =	stream.indirect.scatter.add.f32 [tilespmem:s23], [sflag:$0x3], $0x80, s30, s19, $0xb8;
	[tilespmem:$0x1D000] =	vst v63  }
0x71: {  	_ =	swait.ge [sflag:s0], $0x4000  }
0x72: {  	[sflag:s0] =	ssyncset.done $0x0  }
0x73: {  	s30 =	simm.s32 $0x300;
	[sflag:s0] =	ssyncadd.s32 $0xFFFFC000  }
0x74: {  	[tilespmem:s23], [sflag:$0x3] =	stream.indirect.gather [hbm4b:s1+s19], $0x80, s30, s19, $0xb8;
	[tilespmem:$0x1D000] =	vst v63  }
0x75: {  	_ =	swait.ge [sflag:s7], $0x4000  }
0x76: {  	[sflag:s7] =	ssyncset.done $0x0  }
0x77: {  	s30 =	simm.s32 $0x980;
	[sflag:s7] =	ssyncadd.s32 $0xFFFFC000  }
0x78: {  	[spmem:s2] =	stream.indirect.scatter.add.f32 [tilespmem:s25], [sflag:$0x4], $0x80, s30, s19, $0xb8;
	[tilespmem:$0x1D000] =	vst v63  }
0x79: {  	_ =	swait.ge [sflag:s7], $0x4000  }
0x7a: {  	[sflag:s7] =	ssyncset.done $0x0  }
0x7b: {  	s30 =	simm.s32 $0x380;
	[sflag:s7] =	ssyncadd.s32 $0xFFFFC000  }
0x7c: {  	[tilespmem:s25], [sflag:$0x4] =	stream.indirect.gather [hbm4b:s1+s19], $0x80, s30, s19, $0xb8;
	[tilespmem:$0x1D000] =	vst v63  }
0x7d: {  	_ =	swait.ge [sflag:s26], $0x4000  }
0x7e: {  	[sflag:s26] =	ssyncset.done $0x0  }
0x7f: {  	s30 =	simm.s32 $0xA00;
	[sflag:s26] =	ssyncadd.s32 $0xFFFFC000  }
0x80: {  	[spmem:s2] =	stream.indirect.scatter.add.f32 [tilespmem:s20], [sflag:$0x1], $0x80, s30, s19, $0xb8;
	[tilespmem:$0x1D000] =	vst v63  }
0x81: {  	_ =	swait.ge [sflag:s26], $0x4000  }
0x82: {  	[sflag:s26] =	ssyncset.done $0x0  }
0x83: {  	s30 =	simm.s32 $0x400;
	[sflag:s26] =	ssyncadd.s32 $0xFFFFC000  }
0x84: {  	[tilespmem:s20], [sflag:$0x1] =	stream.indirect.gather [hbm4b:s1+s19], $0x80, s30, s19, $0xb8;
	[tilespmem:$0x1D000] =	vst v63  }
0x85: {  	_ =	swait.ge [sflag:s29], $0x4000  }
0x86: {  	[sflag:s29] =	ssyncset.done $0x0  }
0x87: {  	s30 =	simm.s32 $0xA80;
	[sflag:s29] =	ssyncadd.s32 $0xFFFFC000  }
0x88: {  	[spmem:s2] =	stream.indirect.scatter.add.f32 [tilespmem:s21], [sflag:$0x2], $0x80, s30, s19, $0xb8;
	[tilespmem:$0x1D000] =	vst v63  }
0x89: {  	_ =	swait.ge [sflag:s29], $0x4000  }
0x8a: {  	[sflag:s29] =	ssyncset.done $0x0  }
0x8b: {  	s30 =	simm.s32 $0x480;
	[sflag:s29] =	ssyncadd.s32 $0xFFFFC000  }
0x8c: {  	[tilespmem:s21], [sflag:$0x2] =	stream.indirect.gather [hbm4b:s1+s19], $0x80, s30, s19, $0xb8;
	[tilespmem:$0x1D000] =	vst v63  }
0x8d: {  	_ =	swait.ge [sflag:s0], $0x4000  }
0x8e: {  	[sflag:s0] =	ssyncset.done $0x0  }
0x8f: {  	s30 =	simm.s32 $0xB00;
	[sflag:s0] =	ssyncadd.s32 $0xFFFFC000  }
0x90: {  	[spmem:s2] =	stream.indirect.scatter.add.f32 [tilespmem:s23], [sflag:$0x3], $0x80, s30, s19, $0xb8;
	[tilespmem:$0x1D000] =	vst v63  }
0x91: {  	_ =	swait.ge [sflag:s0], $0x4000  }
0x92: {  	[sflag:s0] =	ssyncset.done $0x0  }
0x93: {  	s30 =	simm.s32 $0x500;
	[sflag:s0] =	ssyncadd.s32 $0xFFFFC000  }
0x94: {  	[tilespmem:s23], [sflag:$0x3] =	stream.indirect.gather [hbm4b:s1+s19], $0x80, s30, s19, $0xb8;
	[tilespmem:$0x1D000] =	vst v63  }
0x95: {  	_ =	swait.ge [sflag:s7], $0x4000  }
0x96: {  	[sflag:s7] =	ssyncset.done $0x0  }
0x97: {  	s30 =	simm.s32 $0xB80;
	[sflag:s7] =	ssyncadd.s32 $0xFFFFC000  }
0x98: {  	[spmem:s2] =	stream.indirect.scatter.add.f32 [tilespmem:s25], [sflag:$0x4], $0x80, s30, s19, $0xb8;
	[tilespmem:$0x1D000] =	vst v63  }
0x99: {  	_ =	swait.ge [sflag:s7], $0x4000  }
0x9a: {  	[sflag:s7] =	ssyncset.done $0x0  }
0x9b: {  	s30 =	simm.s32 $0x580;
	[sflag:s7] =	ssyncadd.s32 $0xFFFFC000  }
0x9c: {  	[tilespmem:s25], [sflag:$0x4] =	stream.indirect.gather [hbm4b:s1+s19], $0x80, s30, s19, $0xb8;
	[tilespmem:$0x1D000] =	vst v63  }
0x9d: {  	_ =	swait.ge [sflag:s26], $0x4000  }
0x9e: {  	[sflag:s26] =	ssyncset.done $0x0  }
0x9f: {  	s30 =	simm.s32 $0xC00;
	[sflag:s26] =	ssyncadd.s32 $0xFFFFC000  }
0xa0: {  	[spmem:s2] =	stream.indirect.scatter.add.f32 [tilespmem:s20], [sflag:$0x1], $0x80, s30, s19, $0xb8;
	[tilespmem:$0x1D000] =	vst v63  }
0xa1: {  	_ =	swait.ge [sflag:s26], $0x4000  }
0xa2: {  	[sflag:s26] =	ssyncset.done $0x0  }
0xa3: {  	s30 =	simm.s32 $0x600;
	[sflag:s26] =	ssyncadd.s32 $0xFFFFC000  }
0xa4: {  	[tilespmem:s20], [sflag:$0x1] =	stream.indirect.gather [hbm4b:s1+s19], $0x80, s30, s19, $0xb8;
	[tilespmem:$0x1D000] =	vst v63  }
0xa5: {  	_ =	swait.ge [sflag:s29], $0x4000  }
0xa6: {  	[sflag:s29] =	ssyncset.done $0x0  }
0xa7: {  	s30 =	simm.s32 $0xC80;
	[sflag:s29] =	ssyncadd.s32 $0xFFFFC000  }
0xa8: {  	[spmem:s2] =	stream.indirect.scatter.add.f32 [tilespmem:s21], [sflag:$0x2], $0x80, s30, s19, $0xb8;
	[tilespmem:$0x1D000] =	vst v63  }
0xa9: {  	_ =	swait.ge [sflag:s29], $0x4000  }
0xaa: {  	[sflag:s29] =	ssyncset.done $0x0  }
0xab: {  	s30 =	simm.s32 $0x680;
	[sflag:s29] =	ssyncadd.s32 $0xFFFFC000  }
0xac: {  	[tilespmem:s21], [sflag:$0x2] =	stream.indirect.gather [hbm4b:s1+s19], $0x80, s30, s19, $0xb8;
	[tilespmem:$0x1D000] =	vst v63  }
0xad: {  	_ =	swait.ge [sflag:s0], $0x4000  }
0xae: {  	[sflag:s0] =	ssyncset.done $0x0  }
0xaf: {  	s30 =	simm.s32 $0xD00;
	[sflag:s0] =	ssyncadd.s32 $0xFFFFC000  }
0xb0: {  	[spmem:s2] =	stream.indirect.scatter.add.f32 [tilespmem:s23], [sflag:$0x3], $0x80, s30, s19, $0xb8;
	[tilespmem:$0x1D000] =	vst v63  }
0xb1: {  	_ =	swait.ge [sflag:s0], $0x4000  }
0xb2: {  	[sflag:s0] =	ssyncset.done $0x0  }
0xb3: {  	s30 =	simm.s32 $0x700;
	[sflag:s0] =	ssyncadd.s32 $0xFFFFC000  }
0xb4: {  	[tilespmem:s23], [sflag:$0x3] =	stream.indirect.gather [hbm4b:s1+s19], $0x80, s30, s19, $0xb8;
	[tilespmem:$0x1D000] =	vst v63  }
0xb5: {  	_ =	swait.ge [sflag:s7], $0x4000  }
0xb6: {  	[sflag:s7] =	ssyncset.done $0x0  }
0xb7: {  	[sflag:s7] =	ssyncadd.s32 $0xFFFFC000  }
0xb8: {  	[spmem:s2] =	stream.indirect.scatter.add.f32 [tilespmem:s25], [sflag:$0x4], $0x80, s31, s19, $0xb8;
	[tilespmem:$0x1D000] =	vst v63  }
0xb9: {  	_ =	swait.ge [sflag:s7], $0x4000  }
0xba: {  	[sflag:s7] =	ssyncset.done $0x0  }
0xbb: {  	[sflag:s7] =	ssyncadd.s32 $0xFFFFC000  }
0xbc: {  	[tilespmem:s25], [sflag:$0x4] =	stream.indirect.gather [hbm4b:s1+s19], $0x80, s17, s19, $0xb8;
	[tilespmem:$0x1D000] =	vst v63  }
0xbd: {  	_ =	swait.ge [sflag:s26], $0x4000  }
0xbe: {  	[sflag:s26] =	ssyncset.done $0x0  }
0xbf: {  	[sflag:s26] =	ssyncadd.s32 $0xFFFFC000  }
0xc0: {  	[spmem:s2] =	stream.indirect.scatter.add.f32 [tilespmem:s20], [sflag:$0x1], $0x80, s22, s19, $0xb8;
	[tilespmem:$0x1D000] =	vst v63  }
0xc1: {  	_ =	swait.ge [sflag:s26], $0x4000  }
0xc2: {  	[sflag:s26] =	ssyncset.done $0x0  }
0xc3: {  	[sflag:s26] =	ssyncadd.s32 $0xFFFFC000  }
0xc4: {  	_ =	swait.ge [sflag:s29], $0x4000  }
0xc5: {  	[sflag:s29] =	ssyncset.done $0x0  }
0xc6: {  	[sflag:s29] =	ssyncadd.s32 $0xFFFFC000  }
0xc7: {  	[spmem:s2] =	stream.indirect.scatter.add.f32 [tilespmem:s21], [sflag:$0x2], $0x80, s6, s19, $0xb8;
	[tilespmem:$0x1D000] =	vst v63  }
0xc8: {  	_ =	swait.ge [sflag:s29], $0x4000  }
0xc9: {  	[sflag:s29] =	ssyncset.done $0x0  }
0xca: {  	[sflag:s29] =	ssyncadd.s32 $0xFFFFC000  }
0xcb: {  	_ =	swait.ge [sflag:s0], $0x4000  }
0xcc: {  	[sflag:s0] =	ssyncset.done $0x0  }
0xcd: {  	[sflag:s0] =	ssyncadd.s32 $0xFFFFC000  }
0xce: {  	[spmem:s2] =	stream.indirect.scatter.add.f32 [tilespmem:s23], [sflag:$0x3], $0x80, s15, s19, $0xb8;
	[tilespmem:$0x1D000] =	vst v63  }
0xcf: {  	_ =	swait.ge [sflag:s0], $0x4000  }
0xd0: {  	[sflag:s0] =	ssyncset.done $0x0  }
0xd1: {  	[sflag:s0] =	ssyncadd.s32 $0xFFFFC000  }
0xd2: {  	_ =	swait.ge [sflag:s7], $0x4000  }
0xd3: {  	[sflag:s7] =	ssyncset.done $0x0  }
0xd4: {  	[sflag:s7] =	ssyncadd.s32 $0xFFFFC000  }
0xd5: {  	[spmem:s2] =	stream.indirect.scatter.add.f32 [tilespmem:s25], [sflag:$0x4], $0x80, s3, s19, $0xb8;
	[tilespmem:$0x1D000] =	vst v63  }
0xd6: {  	_ =	swait.ge [sflag:s7], $0x4000  }
0xd7: {  	[sflag:s7] =	ssyncset.done $0x0  }
0xd8: {  	[sflag:s7] =	ssyncadd.s32 $0xFFFFC000  }
0xd9: {  	s24 =	simm.s32 $0x0;
	[bflag:$0x0] =	sbarrier.arrive $0xFFFF  }
0xda: {  	v4 =	vld [tilespmem:s24+$0x0]  }
0xdb: {  	v6 =	vld [tilespmem:s24+$0x10]  }
0xdc: {  	v5 =	vld [tilespmem:s24+$0x20]  }
0xdd: {  	v3 =	vld [tilespmem:s24+$0x30]  }
0xde: {  	v2 =	vld [tilespmem:s24+$0x40]  }
0xdf: {  	v7 =	vadd.s32 $0x1388, v4;
	v4 =	vld [tilespmem:s24+$0x50]  }
0xe0: {  	p1 =	por p0, p0;
	s28 =	simm.s32 $0x200;
	[tilespmem:s24+$0x0] =	vst v7;
	v7 =	vadd.s32 $0x1388, v6;
	v6 =	vld [tilespmem:s24+$0x60]  }
.LBB2_7:
0xe1: {  	s30 =	sshra.s32 s28, $0x2;
	p0 =	sne.s32 s28, $0x1E00;
	[tilespmem:s24+$0x10] =	vst v7;
	v5 =	vadd.s32 $0x1388, v5;
	v7 =	vld [tilespmem:s24+$0x70]  }
0xe2: {  	v8 =	vld [tilespmem:s30+$0x0];
	[tilespmem:s24+$0x20] =	vst v5;
	v3 =	vadd.s32 $0x1388, v3  }
0xe3: {  	v9 =	vld [tilespmem:s30+$0x10];
	[tilespmem:s24+$0x30] =	vst v3;
	v2 =	vadd.s32 $0x1388, v2  }
.Ltmp2:
0xe4: {  	v5 =	vld [tilespmem:s30+$0x20];
	[tilespmem:s24+$0x40] =	vst v2;
	v2 =	vadd.s32 $0x1388, v4;
	(pc) =	sbr.rel @p0 .LBB2_7-.Ltmp2, $4  }
0xe5: {  	v3 =	vld [tilespmem:s30+$0x30];
	[tilespmem:s24+$0x50] =	vst v2;
	v4 =	vadd.s32 $0x1388, v6  }
0xe6: {  	v2 =	vld [tilespmem:s30+$0x40];
	[tilespmem:s24+$0x60] =	vst v4;
	v6 =	vadd.s32 $0x1388, v7  }
0xe7: {  	v7 =	vadd.s32 $0x1388, v8;
	v4 =	vld [tilespmem:s30+$0x50];
	[tilespmem:s24+$0x70] =	vst v6;
	s24 =	smov.u32 s30  }
0xe8: {  	s28 =	sadd.s32 $0x200, s28;
	[tilespmem:s24+$0x0] =	vst v7;
	v7 =	vadd.s32 $0x1388, v9;
	v6 =	vld [tilespmem:s24+$0x60]  }
0xe9: {  	[tilespmem:s24+$0x10] =	vst v7;
	v5 =	vadd.s32 $0x1388, v5;
	v63 =	vld [tilespmem:s24+$0x70]  }
0xea: {  	[tilespmem:s24+$0x20] =	vst v5;
	v3 =	vadd.s32 $0x1388, v3  }
0xeb: {  	[tilespmem:s24+$0x30] =	vst v3;
	v2 =	vadd.s32 $0x1388, v2  }
0xec: {  	[tilespmem:s24+$0x40] =	vst v2;
	v2 =	vadd.s32 $0x1388, v4  }
0xed: {  	[tilespmem:s24+$0x50] =	vst v2;
	v2 =	vadd.s32 $0x1388, v6  }
0xee: {  	[tilespmem:s24+$0x60] =	vst v2;
	v2 =	vadd.s32 $0x1388, v63  }
0xef: {  	s28 =	simm.s32 @p1 $0x0;
	s30 =	simm.s32 @p1 $0x1000;
	[tilespmem:s24+$0x70] =	vst v2;
	s24 =	simm.s32 @p1 $0x80  }
0xf0: {  	[tilespmem:s30], [sflag:$0x1] =	stream.indirect.gather @p1 [hbm4b:s1+s24], $0x80, s28, s24, $0xb8;
	[tilespmem:$0x1D000] =	vst v63  }
0xf1: {  	s4 =	sor.u32 s8, s4;
	s28 =	simm.s32 @p1 $0x5000  }
0xf2: {  	[tilespmem:s28], [sflag:$0x2] =	stream.indirect.gather @p1 [hbm4b:s1+s24], $0x80, s24, s24, $0xb8;
	[tilespmem:$0x1D000] =	vst v63  }
0xf3: {  	s4 =	smul.u32 $0xA0000, s4;
	s30 =	simm.s32 @p1 $0x9000;
	s28 =	simm.s32 @p1 $0x100  }
0xf4: {  	[tilespmem:s30], [sflag:$0x3] =	stream.indirect.gather @p1 [hbm4b:s1+s24], $0x80, s28, s24, $0xb8;
	[tilespmem:$0x1D000] =	vst v63  }
0xf5: {  	s4 =	sadd.s32 s14, s4;
	s28 =	stileid.u32  }
0xf6: {  	s4 =	sshrl.u32 s4, $0x3;
	s24 =	sshll.u32 s28, $0x6  }
0xf7: {  	s4 =	sadd.s32 s5, s4;
	s30 =	sshrl.u32 s9, $0x3;
	s24 =	sor.u32 $0x1C05, s24  }
0xf8: {  	[hbm:s4], [sflag:s24] =	dma.local [spmem:s30], $0x1400  }
0xf9: {  	_ =	swait.ge [sflag:s16], $0x1400  }
0xfa: {  	[sflag:s16] =	ssyncset.done $0x0  }
0xfb: {  	[sflag:s16] =	ssyncadd.s32 $0xFFFFEC00  }
0xfc: {  	[spmem:s9] =	stream.linear.scatter [tilespmem:s18], [sflag:$0x5], $0x2000, $0x38;
	[tilespmem:$0x1D000] =	vst v63  }
0xfd: {  	_ =	swait.ge [sflag:s16], $0x2000  }
0xfe: {  	[sflag:s16] =	ssyncset.done $0x0  }
0xff: {  	[sflag:s16] =	ssyncadd.s32 $0xFFFFE000  }
0x100: {  	[spmem:s10] =	stream.linear.scatter [tilespmem:s18], [sflag:$0x5], $0x2000, $0x38;
	[tilespmem:$0x1D000] =	vst v63  }
0x101: {  	_ =	swait.ge [sflag:s16], $0x2000  }
0x102: {  	[sflag:s16] =	ssyncset.done $0x0  }
0x103: {  	[sflag:s16] =	ssyncadd.s32 $0xFFFFE000  }
0x104: {  	[spmem:s11] =	stream.linear.scatter [tilespmem:s18], [sflag:$0x5], $0x2000, $0x38;
	[tilespmem:$0x1D000] =	vst v63  }
0x105: {  	_ =	swait.ge [sflag:s16], $0x2000  }
0x106: {  	[sflag:s16] =	ssyncset.done $0x0  }
0x107: {  	[sflag:s16] =	ssyncadd.s32 $0xFFFFE000  }
0x108: {  	[spmem:s12] =	stream.linear.scatter [tilespmem:s18], [sflag:$0x5], $0x2000, $0x38;
	[tilespmem:$0x1D000] =	vst v63  }
0x109: {  	_ =	swait.ge [sflag:s16], $0x2000  }
0x10a: {  	[sflag:s16] =	ssyncset.done $0x0  }
.Ltmp3:
0x10b: {  	[sflag:s16] =	ssyncadd.s32 $0xFFFFE000;
	(pc) =	sbr.rel @p1 .LBB2_6-.Ltmp3, $4  }
0x10c: {  	[spmem:s13] =	stream.linear.scatter [tilespmem:s18], [sflag:$0x5], $0x2000, $0x38;
	[tilespmem:$0x1D000] =	vst v63  }
0x10d: {  	_ =	swait.ge [sflag:s16], $0x2000  }
0x10e: {  	[sflag:s16] =	ssyncset.done $0x0  }
0x10f: {  	p0 =	por $0x0, $0x0;
	s4 =	simm.s32 $0x1;
	[sflag:s16] =	ssyncadd.s32 $0xFFFFE000  }
0x110: {  	s24 =	rddreg [dreg:$0x4]  }
0x111: {  	s4 =	rddreg [dreg:$0x7];
	s24 =	sadd.s32 $0x1, s24  }
0x112: {  	p0 =	sne.s32 s24, s4  }
.Ltmp4:
0x113: {  	_ = 	snop;
	(pc) =	sbr.rel @p0 .LBB2_1-.Ltmp4, $1  }
0x114: {  	_ =	sdelay $0x3  }
0x115: {  	_ =	sfence.sel $0x180000  }
0x116: {  	[bflag:$0x0] =	sbarrier.arrive $0xFFFF  }
0x117: {  	_ =	strace $0x9000004A  }
0x118: {  	s0 =	stileid.u32;
	[bflag:$0x2] =	sbarrier.arrive $0xFFFF  }
0x119: {  	p0 =	sne.s32 s0, $0x0;
	s0 =	rddreg [dreg:$0x3]  }
0x11a: {  	s0 =	sadd.s32 @!p0 $0x100000, s0  }
0x11b: {  	[sflag:s0] =	ssyncadd.tile.s32 @!p0 $0x1;
	_ =	shalt  }
.Lfunc_end2:
_tile_overlayer_lowered:
.L_overlay_start_2:
0x11c: {  	(tag) =	ssettag $0x2  }
0x11d: {  	s0 =	rddreg [dreg:$0x0];
	s2 =	stileid.u32  }
0x11e: {  	s1 =	rddreg [dreg:$0x1];
	p0 =	sne.s32 s2, $0x0  }
0x11f: {  	s3 =	rddreg [dreg:$0x2];
	[bflag:$0x3] =	sbarrier.arrive $0xFFFF;
	s2 =	simm.s32 @!p0 $0x1C05  }
0x120: {  	[timem:s3], [sflag:s2] =	dma.local @!p0 [hbm:s0], s1  }
0x121: {  	s0 =	simm.s32 @!p0 $0x5  }
0x122: {  	_ =	swait.ge @!p0 [sflag:s0], s1  }
0x123: {  	s1 =	ssub.s32 @!p0 $0x0, s1;
	[sflag:s0] =	ssyncset.done @!p0 $0x0  }
0x124: {  	[sflag:s0] =	ssyncadd.s32 @!p0 s1  }
0x125: {  	[bflag:$0x3] =	sbarrier.arrive $0xFFFF  }
0x126: {  	_ =	shalt  }

</sc_bundles>
